<compile_context>
chip_gen: v7x
topology: tpu7x:2x2x1
jax: 0.10.2.dev20260603
libtpu: 0.0.44.dev20260713+nightly
codegen_flags: <defaults>
</compile_context>

<pallas_src>
import functools

import jax
import jax.numpy as jnp
from jax import lax
from jax.experimental import pallas as pl
from jax.experimental.pallas import tpu as pltpu
from jax.experimental.pallas import tpu_sc as plsc

NA = 10000
NCO = 5000
E = 320000
B = 64
NMAX = 450
K1 = 75
D = 256
DIMS = [96, 96, 128, 256]

NROW = 512
TRASH = B * NROW
DENSE_ROWS = B * NROW + 512
NA_PAD = 10240
NCO_PAD = 5120

SC_CORES = 2
SC_SUBCORES = 16
SC_WORKERS = SC_CORES * SC_SUBCORES
EDGE_CHUNK = 128
E_PAD = 327680


def _sc_mesh():
  return plsc.VectorSubcoreMesh(core_axis_name="c", subcore_axis_name="s")



def _sc_segsum(table, src, dst, n_pad, zeros, dep):
  nchunk = E // EDGE_CHUNK
  per_w = -(-nchunk // SC_WORKERS)
  rows_sub = n_pad // SC_SUBCORES

  @functools.partial(
      pl.kernel,
      out_type=jax.ShapeDtypeStruct((SC_CORES, n_pad, 128), jnp.float32),
      mesh=_sc_mesh(),
      scratch_types=[
          pltpu.VMEM((EDGE_CHUNK,), jnp.int32),
          pltpu.VMEM((EDGE_CHUNK,), jnp.int32),
          pltpu.VMEM((EDGE_CHUNK, 128), jnp.float32),
          pltpu.VMEM_SHARED((n_pad, 128), jnp.float32),
          pltpu.SemaphoreType.DMA,
      ],
  )
  def k(table_h, src_h, dst_h, zeros_h, dep_h, out_h,
        src_v, dst_v, rows_v, acc, sem):
    del dep_h
    c = lax.axis_index("c")
    s = lax.axis_index("s")
    wid = c * SC_SUBCORES + s
    pltpu.sync_copy(zeros_h.at[pl.ds(s * rows_sub, rows_sub)],
                    acc.at[pl.ds(s * rows_sub, rows_sub)])
    plsc.subcore_barrier()

    def body(g, carry):
      ch = wid + SC_WORKERS * g

      @pl.when(ch < nchunk)
      def _():
        off = ch * EDGE_CHUNK
        pltpu.sync_copy(src_h.at[pl.ds(off, EDGE_CHUNK)], src_v)
        pltpu.sync_copy(dst_h.at[pl.ds(off, EDGE_CHUNK)], dst_v)
        pltpu.async_copy(table_h.at[src_v], rows_v, sem).wait()
        pltpu.sync_copy(rows_v, acc.at[dst_v], add=True)

      return carry

    lax.fori_loop(0, per_w, body, 0)
    plsc.subcore_barrier()
    pltpu.sync_copy(acc.at[pl.ds(s * rows_sub, rows_sub)],
                    out_h.at[c, pl.ds(s * rows_sub, rows_sub)])

  return k(table, src, dst, zeros, dep)



def _sc_pack(xa, xc, idx_a, idx_c):
  CH = 128
  a_full = NA // CH
  a_tail = NA - a_full * CH
  c_full = NCO // CH
  c_tail = NCO - c_full * CH
  a_per_w = -(-a_full // SC_WORKERS)
  c_per_w = -(-c_full // SC_WORKERS)

  @functools.partial(
      pl.kernel,
      out_type=jax.ShapeDtypeStruct((DENSE_ROWS, D), jnp.float32),
      mesh=_sc_mesh(),
      scratch_types=[
          pltpu.VMEM((CH,), jnp.int32),
          pltpu.VMEM((CH, D), jnp.float32),
          pltpu.VMEM((a_tail,), jnp.int32),
          pltpu.VMEM((a_tail, D), jnp.float32),
          pltpu.VMEM((c_tail,), jnp.int32),
          pltpu.VMEM((c_tail, D), jnp.float32),
      ],
  )
  def k(xa_h, xc_h, ia_h, ic_h, out_h,
        idx_v, rows_v, iat_v, rat_v, ict_v, rct_v):
    c = lax.axis_index("c")
    s = lax.axis_index("s")
    wid = c * SC_SUBCORES + s

    def body_a(j, carry):
      ch = wid + SC_WORKERS * j

      @pl.when(ch < a_full)
      def _():
        off = ch * CH
        pltpu.sync_copy(ia_h.at[pl.ds(off, CH)], idx_v)
        pltpu.sync_copy(xa_h.at[pl.ds(off, CH)], rows_v)
        pltpu.sync_copy(rows_v, out_h.at[idx_v])

      return carry

    def body_c(j, carry):
      ch = wid + SC_WORKERS * j

      @pl.when(ch < c_full)
      def _():
        off = ch * CH
        pltpu.sync_copy(ic_h.at[pl.ds(off, CH)], idx_v)
        pltpu.sync_copy(xc_h.at[pl.ds(off, CH)], rows_v)
        pltpu.sync_copy(rows_v, out_h.at[idx_v])

      return carry

    lax.fori_loop(0, a_per_w, body_a, 0)
    lax.fori_loop(0, c_per_w, body_c, 0)

    @pl.when(wid == SC_WORKERS - 1)
    def _():
      pltpu.sync_copy(ia_h.at[pl.ds(a_full * CH, a_tail)], iat_v)
      pltpu.sync_copy(xa_h.at[pl.ds(a_full * CH, a_tail)], rat_v)
      pltpu.sync_copy(rat_v, out_h.at[iat_v])

    @pl.when(wid == SC_WORKERS - 2)
    def _():
      pltpu.sync_copy(ic_h.at[pl.ds(c_full * CH, c_tail)], ict_v)
      pltpu.sync_copy(xc_h.at[pl.ds(c_full * CH, c_tail)], rct_v)
      pltpu.sync_copy(rct_v, out_h.at[ict_v])

  return k(xa, xc, idx_a, idx_c)



def _tc_proj(x, W, b, ones_col=None):
  n, di = x.shape
  do = W.shape[1]
  BR = 1000
  grid = n // BR

  def body(x_ref, w_ref, b_ref, o_ref):
    y = jax.lax.dot_general(x_ref[...], w_ref[...], (((1,), (0,)), ((), ())),
                            preferred_element_type=jnp.float32)
    y = jnp.maximum(y + b_ref[...], 0.0)
    if ones_col is not None:
      cols = lax.broadcasted_iota(jnp.int32, y.shape, 1)
      y = jnp.where(cols == ones_col, 1.0, y)
    o_ref[...] = y

  return pl.pallas_call(
      body,
      grid=(grid,),
      in_specs=[
          pl.BlockSpec((BR, di), lambda i: (i, 0)),
          pl.BlockSpec((di, do), lambda i: (0, 0)),
          pl.BlockSpec((1, do), lambda i: (0, 0)),
      ],
      out_specs=pl.BlockSpec((BR, do), lambda i: (i, 0)),
      out_shape=jax.ShapeDtypeStruct((n, do), jnp.float32),
  )(x, W, b.reshape(1, do))


def _tc_node_update(x, P, degp, W_self, b_self, W_msg):
  n, di = x.shape
  do = W_self.shape[1]
  BR = 1000
  grid = n // BR

  def body(x_ref, p_ref, d_ref, ws_ref, b_ref, wm_ref, o_ref):
    deg = jnp.maximum(d_ref[0, :, 0:1] + d_ref[1, :, 0:1], 1.0)
    msg = (p_ref[0] + p_ref[1]) / deg
    y = jax.lax.dot_general(x_ref[...], ws_ref[...], (((1,), (0,)), ((), ())),
                            preferred_element_type=jnp.float32)
    y = y + jax.lax.dot_general(msg, wm_ref[...], (((1,), (0,)), ((), ())),
                                preferred_element_type=jnp.float32)
    o_ref[...] = jnp.maximum(y + b_ref[...], 0.0)

  return pl.pallas_call(
      body,
      grid=(grid,),
      in_specs=[
          pl.BlockSpec((BR, di), lambda i: (i, 0)),
          pl.BlockSpec((2, BR, di), lambda i: (0, i, 0)),
          pl.BlockSpec((2, BR, 16), lambda i: (0, i, 0)),
          pl.BlockSpec((di, do), lambda i: (0, 0)),
          pl.BlockSpec((1, do), lambda i: (0, 0)),
          pl.BlockSpec((di, do), lambda i: (0, 0)),
      ],
      out_specs=pl.BlockSpec((BR, do), lambda i: (i, 0)),
      out_shape=jax.ShapeDtypeStruct((n, do), jnp.float32),
  )(x, P, degp, W_self, b_self.reshape(1, do), W_msg)



def _tc_pack_index(batch_atoms, batch_cohps):

  def body(ba_ref, bc_ref, ia_ref, ic_ref, t_ref):
    cols = lax.broadcasted_iota(jnp.int32, (1, B), 1)
    ltmask = (lax.broadcasted_iota(jnp.int32, (B, B), 0)
              < lax.broadcasted_iota(jnp.int32, (B, B), 1))

    def starts_of(cnt):
      return jnp.sum(jnp.where(ltmask, jnp.broadcast_to(cnt.reshape(B, 1),
                                                        (B, B)), 0),
                     axis=0, keepdims=True)

    def pick(eq, vec):
      return jnp.sum(jnp.where(eq, vec, 0), axis=1, keepdims=True)

    ba = ba_ref[...]
    eq_a = ba == cols
    cnt_a = jnp.sum(eq_a.astype(jnp.int32), axis=0, keepdims=True)
    starts_a = starts_of(cnt_a)
    pos_a = (lax.broadcasted_iota(jnp.int32, (NA, 1), 0)
             - pick(eq_a, starts_a))
    ia_ref[...] = jnp.where(pos_a < NMAX, ba * NROW + pos_a, TRASH)

    bc = bc_ref[...]
    eq_c = bc == cols
    cnt_c = jnp.sum(eq_c.astype(jnp.int32), axis=0, keepdims=True)
    starts_c = starts_of(cnt_c)
    pos_c = (lax.broadcasted_iota(jnp.int32, (NCO, 1), 0)
             - pick(eq_c, starts_c - cnt_a))
    ic_ref[...] = jnp.where(pos_c < NMAX, bc * NROW + pos_c, TRASH)

    t_ref[...] = cnt_a + cnt_c

  return pl.pallas_call(
      body,
      out_shape=[
          jax.ShapeDtypeStruct((NA, 1), jnp.int32),
          jax.ShapeDtypeStruct((NCO, 1), jnp.int32),
          jax.ShapeDtypeStruct((1, B), jnp.int32),
      ],
  )(batch_atoms.reshape(NA, 1), batch_cohps.reshape(NCO, 1))



def _mha_block(q_in, kv, Wq, Wk, Wv, Wo, klen, nheads=4):
  dh = D // nheads
  q = jax.lax.dot_general(q_in, Wq, (((1,), (0,)), ((), ())),
                          preferred_element_type=jnp.float32)
  k = jax.lax.dot_general(kv, Wk, (((1,), (0,)), ((), ())),
                          preferred_element_type=jnp.float32)
  v = jax.lax.dot_general(kv, Wv, (((1,), (0,)), ((), ())),
                          preferred_element_type=jnp.float32)
  outs = []
  for h in range(nheads):
    qh = q[:, h * dh:(h + 1) * dh]
    kh = k[:, h * dh:(h + 1) * dh]
    vh = v[:, h * dh:(h + 1) * dh]
    lg = jax.lax.dot_general(qh, kh, (((1,), (1,)), ((), ())),
                             preferred_element_type=jnp.float32)
    lg = lg * (1.0 / (dh ** 0.5))
    if klen is not None:
      colmask = lax.broadcasted_iota(jnp.int32, lg.shape, 1) < klen
      lg = jnp.where(colmask, lg, jnp.float32(-1e9))
    mx = jnp.max(lg, axis=1, keepdims=True)
    ex = jnp.exp(lg - mx)
    a = ex / jnp.sum(ex, axis=1, keepdims=True)
    outs.append(jax.lax.dot_general(a, vh, (((1,), (0,)), ((), ())),
                                    preferred_element_type=jnp.float32))
  o = jnp.concatenate(outs, axis=1)
  return jax.lax.dot_general(o, Wo, (((1,), (0,)), ((), ())),
                             preferred_element_type=jnp.float32)


def _tc_gmt(dense, tcnt, S1, S2, Ws, W3, b3):
  def body(t_ref, x_ref, s1_ref, s2_ref,
           q1w, k1w, v1w, o1w, q2w, k2w, v2w, o2w, q3w, k3w, v3w, o3w,
           w3_ref, b3_ref, out_ref):
    b = pl.program_id(0)
    m = jnp.minimum(t_ref[0, b], NMAX)
    rows = lax.broadcasted_iota(jnp.int32, (NROW, 1), 0)
    x = jnp.where(rows < m, x_ref[...], 0.0)
    h1 = jnp.maximum(
        _mha_block(s1_ref[...], x, q1w[...], k1w[...], v1w[...], o1w[...], m),
        0.0)
    h2 = jnp.maximum(
        _mha_block(h1, h1, q2w[...], k2w[...], v2w[...], o2w[...], None), 0.0)
    h3 = _mha_block(s2_ref[...], h2, q3w[...], k3w[...], v3w[...], o3w[...],
                    None)
    y = jax.lax.dot_general(h3, w3_ref[...], (((1,), (0,)), ((), ())),
                            preferred_element_type=jnp.float32) + b3_ref[...]
    out_ref[...] = jnp.broadcast_to(y.reshape(1, 1, 1), (1, 8, 128))

  wspec = pl.BlockSpec((D, D), lambda b: (0, 0))
  return pl.pallas_call(
      body,
      grid=(B,),
      in_specs=[
          pl.BlockSpec(memory_space=pltpu.SMEM),
          pl.BlockSpec((NROW, D), lambda b: (b, 0)),
          pl.BlockSpec((K1, D), lambda b: (0, 0)),
          pl.BlockSpec((1, D), lambda b: (0, 0)),
      ] + [wspec] * 12 + [
          pl.BlockSpec((D, 1), lambda b: (0, 0)),
          pl.BlockSpec((1, 1), lambda b: (0, 0)),
      ],
      out_specs=pl.BlockSpec((1, 8, 128), lambda b: (b, 0, 0)),
      out_shape=jax.ShapeDtypeStruct((B, 8, 128), jnp.float32),
  )(tcnt, dense, S1, S2, *Ws, W3, b3.reshape(1, 1))[:, 0, :1]



def kernel(x_atoms, x_cohps, src_a2c, dst_a2c, src_c2a, dst_c2a,
           batch_atoms, batch_cohps, W_node, b_node, W_edge, b_edge,
           Wsa0, bsa0, Wse0, bse0, Wca0, Wac0,
           Wsa1, bsa1, Wse1, bse1, Wca1, Wac1,
           Wsa2, bsa2, Wse2, bse2, Wca2, Wac2,
           S1, S2,
           Wq1, Wk1, Wv1, Wo1,
           Wq2, Wk2, Wv2, Wo2,
           Wq3, Wk3, Wv3, Wo3,
           W3, b3):
  def padw(W, po):
    pi = 128 if W.shape[0] in (96,) else W.shape[0]
    out = jnp.zeros((pi, po), jnp.float32)
    return out.at[:W.shape[0], :W.shape[1]].set(W)

  def padb(b, po):
    out = jnp.zeros((po,), jnp.float32)
    return out.at[:b.shape[0]].set(b)

  Wsa0, bsa0, Wse0, bse0 = padw(Wsa0, 128), padb(bsa0, 128), padw(Wse0, 128), padb(bse0, 128)
  Wca0, Wac0 = padw(Wca0, 128), padw(Wac0, 128)
  Wsa1, Wse1, Wca1, Wac1 = padw(Wsa1, 128), padw(Wse1, 128), padw(Wca1, 128), padw(Wac1, 128)

  xa = _tc_proj(x_atoms, padw(W_node, 128), padb(b_node, 128), ones_col=96)
  xc = _tc_proj(x_cohps, padw(W_edge, 128), padb(b_edge, 128), ones_col=96)

  layer_w = [
      (Wsa0, bsa0, Wse0, bse0, Wca0, Wac0),
      (Wsa1, bsa1, Wse1, bse1, Wca1, Wac1),
      (Wsa2, bsa2, Wse2, bse2, Wca2, Wac2),
  ]
  zeros_ad = jnp.zeros((NA_PAD, 128), jnp.float32)
  zeros_cd = jnp.zeros((NCO_PAD, 128), jnp.float32)
  deg_a = deg_c = None
  dep = x_atoms
  for l in range(3):
    Wsa, bsa, Wse, bse, Wca, Wac = layer_w[l]
    P_a = _sc_segsum(xc, src_c2a, dst_c2a, NA_PAD, zeros_ad, dep)
    P_c = _sc_segsum(xa, src_a2c, dst_a2c, NCO_PAD, zeros_cd, P_a)
    dep = P_c
    if l == 0:
      deg_a = P_a[:, :NA, 96:112]
      deg_c = P_c[:, :NCO, 96:112]
    xa_new = _tc_node_update(xa, P_a, deg_a, Wsa, bsa, Wca)
    xc_new = _tc_node_update(xc, P_c, deg_c, Wse, bse, Wac)
    xa, xc = xa_new, xc_new

  idx_a, idx_c, tcnt = _tc_pack_index(batch_atoms, batch_cohps)
  dense = _sc_pack(xa, xc, idx_a.reshape(NA), idx_c.reshape(NCO))

  Ws = (Wq1, Wk1, Wv1, Wo1, Wq2, Wk2, Wv2, Wo2, Wq3, Wk3, Wv3, Wo3)
  return _tc_gmt(dense, tcnt, S1, S2, Ws, W3, b3)

# --- scband reference (transcript-rebuilt; emitter-appended) ---
"""Pipeline reference for scband-hetero-cont2-e-net-66374424592810 (READ-ONLY COPY).

The authoritative reference and input builder live on the scoring server;
editing this copy changes nothing except your own understanding.
"""

import jax, jax.numpy as jnp
import numpy as np

NA = 10000; NC = 5000; E = 320000; B = 64; NMAX = 450; K1 = 75; D = 256
DIMS = [96, 96, 128, 256]


def setup_inputs(seed: int = 0) -> dict:
    key = jax.random.key(seed)
    ks = iter(jax.random.split(key, 64))
    def nrm(shape, scale=1.0):
        return jax.random.normal(next(ks), shape, dtype=jnp.float32) * scale
    inp = {}
    inp['x_atoms'] = nrm((NA, 128))
    inp['x_cohps'] = nrm((NC, 64))
    inp['src_a2c'] = jax.random.randint(next(ks), (E,), 0, NA)
    inp['dst_a2c'] = jax.random.randint(next(ks), (E,), 0, NC)
    inp['src_c2a'] = jax.random.randint(next(ks), (E,), 0, NC)
    inp['dst_c2a'] = jax.random.randint(next(ks), (E,), 0, NA)
    inp['batch_atoms'] = jnp.sort(jax.random.randint(next(ks), (NA,), 0, B))
    inp['batch_cohps'] = jnp.sort(jax.random.randint(next(ks), (NC,), 0, B))
    inp['W_node'] = nrm((128, 96), 128 ** -0.5)
    inp['b_node'] = jnp.zeros((96,), jnp.float32)
    inp['W_edge'] = nrm((64, 96), 64 ** -0.5)
    inp['b_edge'] = jnp.zeros((96,), jnp.float32)
    for l in range(3):
        di, do = DIMS[l], DIMS[l + 1]
        s = di ** -0.5
        inp['Wsa%d' % l] = nrm((di, do), s)
        inp['bsa%d' % l] = jnp.zeros((do,), jnp.float32)
        inp['Wse%d' % l] = nrm((di, do), s)
        inp['bse%d' % l] = jnp.zeros((do,), jnp.float32)
        inp['Wca%d' % l] = nrm((di, do), s)
        inp['Wac%d' % l] = nrm((di, do), s)
    s = D ** -0.5
    inp['S1'] = nrm((K1, D), s)
    inp['S2'] = nrm((1, D), s)
    for blk in ('1', '2', '3'):
        for nm in ('Wq', 'Wk', 'Wv', 'Wo'):
            inp[nm + blk] = nrm((D, D), s)
    inp['W3'] = nrm((D, 1), s)
    inp['b3'] = jnp.zeros((1,), jnp.float32)
    return inp


def _seg_mean(vals, idx, num):
    ssum = jax.ops.segment_sum(vals, idx, num_segments=num)
    deg = jax.ops.segment_sum(jnp.ones((vals.shape[0], 1), vals.dtype), idx, num_segments=num)
    return ssum / jnp.maximum(deg, 1.0)


def _to_dense(x, batch, nb, nmax):
    n = x.shape[0]
    order = jnp.argsort(batch)
    xb = x[order]
    bb = batch[order]
    counts = jnp.bincount(bb, length=nb)
    starts = jnp.concatenate([jnp.zeros((1,), counts.dtype), jnp.cumsum(counts)[:-1]])
    pos = jnp.arange(n) - starts[bb]
    dense = jnp.zeros((nb, nmax, x.shape[1]), x.dtype).at[bb, pos].set(xb)
    mask = jnp.zeros((nb, nmax), dtype=bool).at[bb, pos].set(True)
    return dense, mask


def _mha(q_in, k_in, mask, Wq, Wk, Wv, Wo, h=4):
    bq, lq, d = q_in.shape
    lk = k_in.shape[1]
    dh = d // h
    q = (q_in @ Wq).reshape(bq, lq, h, dh).transpose(0, 2, 1, 3)
    k = (k_in @ Wk).reshape(bq, lk, h, dh).transpose(0, 2, 1, 3)
    v = (k_in @ Wv).reshape(bq, lk, h, dh).transpose(0, 2, 1, 3)
    logits = (q @ k.transpose(0, 1, 3, 2)) / jnp.sqrt(jnp.float32(dh))
    if mask is not None:
        logits = jnp.where(mask[:, None, None, :], logits, jnp.float32(-1e9))
    a = jax.nn.softmax(logits, axis=-1)
    o = (a @ v).transpose(0, 2, 1, 3).reshape(bq, lq, d)
    return o @ Wo


def _forward(fd, ints):
    xa = jax.nn.relu(fd['x_atoms'] @ fd['W_node'] + fd['b_node'])
    xc = jax.nn.relu(fd['x_cohps'] @ fd['W_edge'] + fd['b_edge'])
    for l in range(3):
        msg_a = _seg_mean(jnp.take(xc, ints['src_c2a'], axis=0) @ fd['Wca%d' % l], ints['dst_c2a'], NA)
        msg_c = _seg_mean(jnp.take(xa, ints['src_a2c'], axis=0) @ fd['Wac%d' % l], ints['dst_a2c'], NC)
        xa_new = jax.nn.relu(xa @ fd['Wsa%d' % l] + fd['bsa%d' % l] + msg_a)
        xc_new = jax.nn.relu(xc @ fd['Wse%d' % l] + fd['bse%d' % l] + msg_c)
        xa, xc = xa_new, xc_new
    x_all = jnp.concatenate([xa, xc], axis=0)
    batch_all = jnp.concatenate([ints['batch_atoms'], ints['batch_cohps']], axis=0)
    dense, mask = _to_dense(x_all, batch_all, B, NMAX)
    s1 = jnp.broadcast_to(fd['S1'][None], (B, K1, D))
    h1 = jax.nn.relu(_mha(s1, dense, mask, fd['Wq1'], fd['Wk1'], fd['Wv1'], fd['Wo1']))
    h2 = jax.nn.relu(_mha(h1, h1, None, fd['Wq2'], fd['Wk2'], fd['Wv2'], fd['Wo2']))
    s2 = jnp.broadcast_to(fd['S2'][None], (B, 1, D))
    h3 = _mha(s2, h2, None, fd['Wq3'], fd['Wk3'], fd['Wv3'], fd['Wo3'])
    g = h3[:, 0, :]
    return g @ fd['W3'] + fd['b3']


INT_KEYS = ['src_a2c', 'dst_a2c', 'src_c2a', 'dst_c2a', 'batch_atoms', 'batch_cohps']


def reference(x_atoms, x_cohps, src_a2c, dst_a2c, src_c2a, dst_c2a,
              batch_atoms, batch_cohps, W_node, b_node, W_edge, b_edge,
              Wsa0, bsa0, Wse0, bse0, Wca0, Wac0,
              Wsa1, bsa1, Wse1, bse1, Wca1, Wac1,
              Wsa2, bsa2, Wse2, bse2, Wca2, Wac2,
              S1, S2,
              Wq1, Wk1, Wv1, Wo1,
              Wq2, Wk2, Wv2, Wo2,
              Wq3, Wk3, Wv3, Wo3,
              W3, b3):
    inp = dict(locals())
    ints = {k: inp.pop(k) for k in INT_KEYS}
    return _forward(inp, ints)

if __name__ == "__main__":
    import jax
    _d = setup_inputs()
    print(jax.jit(kernel)(*tuple(_d.values())))

</pallas_src>

<mosaic_0001>
#map = affine_map<(d0, d1) -> (0, 0)>
#map1 = affine_map<(d0, d1) -> (0)>
#map2 = affine_map<(d0, d1) -> (0, 0, 0)>
module attributes {stable_mosaic.version = 14 : i64} {
  func.func @k(%arg0: i32, %arg1: i32, %arg2: memref<10000x128xf32, #tpu.memory_space<hbm>>, %arg3: memref<320000xi32, #tpu.memory_space<hbm>>, %arg4: memref<320000xi32, #tpu.memory_space<hbm>>, %arg5: memref<5120x128xf32, #tpu.memory_space<hbm>>, %arg6: memref<2x10240x128xf32, #tpu.memory_space<hbm>>, %arg7: memref<2x5120x128xf32, #tpu.memory_space<hbm>>, %arg8: memref<128xi32, #tpu.memory_space<vmem>>, %arg9: memref<128xi32, #tpu.memory_space<vmem>>, %arg10: memref<128x128xf32, #tpu.memory_space<vmem>>, %arg11: memref<5120x128xf32, #tpu.memory_space<vmem_shared>>, %arg12: memref<!tpu.dma_semaphore, #tpu.memory_space<semaphore_mem>>) attributes {dimension_semantics = [#tpu.dimension_semantics<core_parallel>, #tpu.dimension_semantics<subcore_parallel>], iteration_bounds = array<i64: 2, 16>, scalar_prefetch = 0 : i64, scratch_operands = 5 : i64, tpu.core_type = #tpu.core_type<sc_vector_subcore>, window_params = [{transform_indices = #map}, {transform_indices = #map1}, {transform_indices = #map1}, {transform_indices = #map}, {transform_indices = #map2}, {transform_indices = #map2}]} {
    %mul3A = arith.constant 16 : i32
    %mul3A_0 = arith.muli %arg0, %mul3A : i32
    %add3A = arith.addi %mul3A_0, %arg1 : i32
    %mul3A_1 = arith.constant 320 : i32
    %mul3A_2 = arith.muli %arg1, %mul3A_1 : i32
    %mul3A_3 = arith.constant 320 : i32
    %mul3A_4 = arith.muli %arg1, %mul3A_3 : i32
    "tpu.region"() ({
      %run_scoped3A = tpu.sem_alloc : memref<!tpu.dma_semaphore, #tpu.memory_space<semaphore_mem>>
      %dma_start3A = arith.constant 0 : i32
      %dma_start3A_15 = tpu.memref_slice %arg11[%mul3A_4, %dma_start3A] : memref<5120x128xf32, #tpu.memory_space<vmem_shared>> -> memref<320x128xf32, #tpu.memory_space<vmem_shared>>
      %dma_start3A_16 = arith.constant 0 : i32
      %dma_start3A_17 = tpu.memref_slice %arg5[%mul3A_2, %dma_start3A_16] : memref<5120x128xf32, #tpu.memory_space<hbm>> -> memref<320x128xf32, #tpu.memory_space<hbm>>
      tpu.enqueue_dma source(%dma_start3A_17 : memref<320x128xf32, #tpu.memory_space<hbm>>) target(%dma_start3A_15 : memref<320x128xf32, #tpu.memory_space<vmem_shared>>) target_semaphore(%run_scoped3A : memref<!tpu.dma_semaphore, #tpu.memory_space<semaphore_mem>>)
      %dma_wait3A = arith.constant 0 : i32
      %dma_wait3A_18 = tpu.memref_slice %arg11[%mul3A_4, %dma_wait3A] : memref<5120x128xf32, #tpu.memory_space<vmem_shared>> -> memref<320x128xf32, #tpu.memory_space<vmem_shared>>
      %dma_wait3A_19 = arith.constant 0 : i32
      %dma_wait3A_20 = tpu.memref_slice %arg5[%mul3A_2, %dma_wait3A_19] : memref<5120x128xf32, #tpu.memory_space<hbm>> -> memref<320x128xf32, #tpu.memory_space<hbm>>
      tpu.wait_dma2 semaphore(%run_scoped3A : memref<!tpu.dma_semaphore, #tpu.memory_space<semaphore_mem>>) src(%dma_wait3A_20 : memref<320x128xf32, #tpu.memory_space<hbm>>) dst(%dma_wait3A_18 : memref<320x128xf32, #tpu.memory_space<vmem_shared>>)
      tpu.yield
    }) : () -> ()
    %barrier3A = arith.constant 0 : index
    tpu.barrier barrier_id(%barrier3A)
    %scan3A = arith.constant 0 : i32
    %scan3A_5 = arith.constant 0 : i32
    %scan3A_6 = arith.constant 79 : i32
    %scan3A_7 = arith.addi %scan3A_5, %scan3A_6 : i32
    %scan3A_8 = arith.constant 1 : i32
    scf.for %scan3A_15 = %scan3A_5 to %scan3A_7 step %scan3A_8  : i32 {
      %mul3A_16 = arith.constant 32 : i32
      %mul3A_17 = arith.muli %mul3A_16, %scan3A_15 : i32
      %add3A_18 = arith.addi %add3A, %mul3A_17 : i32
      %lt3A = arith.constant 2500 : i32
      %lt3A_19 = arith.cmpi slt, %add3A_18, %lt3A : i32
      %convert_element_type3A = arith.extui %lt3A_19 : i1 to i32
      %cond3A = arith.constant 0 : i32
      %cond3A_20 = arith.cmpi ne, %convert_element_type3A, %cond3A : i32
      scf.if %cond3A_20 {
        %mul3A_21 = arith.constant 128 : i32
        %mul3A_22 = arith.muli %add3A_18, %mul3A_21 : i32
        "tpu.region"() ({
          %run_scoped3A = tpu.sem_alloc : memref<!tpu.dma_semaphore, #tpu.memory_space<semaphore_mem>>
          %dma_start3A_27 = tpu.memref_slice %arg3[%mul3A_22] : memref<320000xi32, #tpu.memory_space<hbm>> -> memref<128xi32, #tpu.memory_space<hbm>>
          %dma_start3A_28 = tpu.memref_slice %arg3[%mul3A_22] : memref<320000xi32, #tpu.memory_space<hbm>> -> memref<128xi32, #tpu.memory_space<hbm>>
          tpu.enqueue_dma source(%dma_start3A_28 : memref<128xi32, #tpu.memory_space<hbm>>) target(%arg8 : memref<128xi32, #tpu.memory_space<vmem>>) target_semaphore(%run_scoped3A : memref<!tpu.dma_semaphore, #tpu.memory_space<semaphore_mem>>)
          %dma_wait3A_29 = tpu.memref_slice %arg3[%mul3A_22] : memref<320000xi32, #tpu.memory_space<hbm>> -> memref<128xi32, #tpu.memory_space<hbm>>
          %dma_wait3A_30 = tpu.memref_slice %arg3[%mul3A_22] : memref<320000xi32, #tpu.memory_space<hbm>> -> memref<128xi32, #tpu.memory_space<hbm>>
          tpu.wait_dma2 semaphore(%run_scoped3A : memref<!tpu.dma_semaphore, #tpu.memory_space<semaphore_mem>>) src(%dma_wait3A_30 : memref<128xi32, #tpu.memory_space<hbm>>) dst(%arg8 : memref<128xi32, #tpu.memory_space<vmem>>)
          tpu.yield
        }) : () -> ()
        "tpu.region"() ({
          %run_scoped3A = tpu.sem_alloc : memref<!tpu.dma_semaphore, #tpu.memory_space<semaphore_mem>>
          %dma_start3A_27 = tpu.memref_slice %arg4[%mul3A_22] : memref<320000xi32, #tpu.memory_space<hbm>> -> memref<128xi32, #tpu.memory_space<hbm>>
          %dma_start3A_28 = tpu.memref_slice %arg4[%mul3A_22] : memref<320000xi32, #tpu.memory_space<hbm>> -> memref<128xi32, #tpu.memory_space<hbm>>
          tpu.enqueue_dma source(%dma_start3A_28 : memref<128xi32, #tpu.memory_space<hbm>>) target(%arg9 : memref<128xi32, #tpu.memory_space<vmem>>) target_semaphore(%run_scoped3A : memref<!tpu.dma_semaphore, #tpu.memory_space<semaphore_mem>>)
          %dma_wait3A_29 = tpu.memref_slice %arg4[%mul3A_22] : memref<320000xi32, #tpu.memory_space<hbm>> -> memref<128xi32, #tpu.memory_space<hbm>>
          %dma_wait3A_30 = tpu.memref_slice %arg4[%mul3A_22] : memref<320000xi32, #tpu.memory_space<hbm>> -> memref<128xi32, #tpu.memory_space<hbm>>
          tpu.wait_dma2 semaphore(%run_scoped3A : memref<!tpu.dma_semaphore, #tpu.memory_space<semaphore_mem>>) src(%dma_wait3A_30 : memref<128xi32, #tpu.memory_space<hbm>>) dst(%arg9 : memref<128xi32, #tpu.memory_space<vmem>>)
          tpu.yield
        }) : () -> ()
        %dma_start3A = arith.constant 0 : i32
        %dma_start3A_23 = arith.constant 0 : i32
        %dma_start3A_24 = tpu.memref_slice %arg2[%dma_start3A, %dma_start3A_23] : memref<10000x128xf32, #tpu.memory_space<hbm>> -> memref<10000x128xf32, #tpu.memory_space<hbm>>
        tpu.enqueue_indirect_dma source(%dma_start3A_24 : memref<10000x128xf32, #tpu.memory_space<hbm>>) target(%arg10 : memref<128x128xf32, #tpu.memory_space<vmem>>) offsets(%arg8 : memref<128xi32, #tpu.memory_space<vmem>>) semaphore(%arg12 : memref<!tpu.dma_semaphore, #tpu.memory_space<semaphore_mem>>)
        %dma_wait3A = arith.constant 0 : i32
        %dma_wait3A_25 = arith.constant 0 : i32
        %dma_wait3A_26 = tpu.memref_slice %arg2[%dma_wait3A, %dma_wait3A_25] : memref<10000x128xf32, #tpu.memory_space<hbm>> -> memref<10000x128xf32, #tpu.memory_space<hbm>>
        tpu.wait_indirect_dma semaphore(%arg12 : memref<!tpu.dma_semaphore, #tpu.memory_space<semaphore_mem>>) src(%dma_wait3A_26 : memref<10000x128xf32, #tpu.memory_space<hbm>>) dst(%arg10 : memref<128x128xf32, #tpu.memory_space<vmem>>)
        "tpu.region"() ({
          %run_scoped3A = tpu.sem_alloc : memref<!tpu.dma_semaphore, #tpu.memory_space<semaphore_mem>>
          %dma_start3A_27 = arith.constant 0 : i32
          %dma_start3A_28 = arith.constant 0 : i32
          %dma_start3A_29 = tpu.memref_slice %arg11[%dma_start3A_27, %dma_start3A_28] : memref<5120x128xf32, #tpu.memory_space<vmem_shared>> -> memref<5120x128xf32, #tpu.memory_space<vmem_shared>>
          tpu.enqueue_indirect_dma source(%arg10 : memref<128x128xf32, #tpu.memory_space<vmem>>) target(%dma_start3A_29 : memref<5120x128xf32, #tpu.memory_space<vmem_shared>>) offsets(%arg9 : memref<128xi32, #tpu.memory_space<vmem>>) semaphore(%run_scoped3A : memref<!tpu.dma_semaphore, #tpu.memory_space<semaphore_mem>>) {add = true}
          %dma_wait3A_30 = arith.constant 0 : i32
          %dma_wait3A_31 = arith.constant 0 : i32
          %dma_wait3A_32 = tpu.memref_slice %arg11[%dma_wait3A_30, %dma_wait3A_31] : memref<5120x128xf32, #tpu.memory_space<vmem_shared>> -> memref<5120x128xf32, #tpu.memory_space<vmem_shared>>
          tpu.wait_indirect_dma semaphore(%run_scoped3A : memref<!tpu.dma_semaphore, #tpu.memory_space<semaphore_mem>>) src(%arg10 : memref<128x128xf32, #tpu.memory_space<vmem>>) dst(%dma_wait3A_32 : memref<5120x128xf32, #tpu.memory_space<vmem_shared>>)
          tpu.yield
        }) : () -> ()
      } else {
      }
    }
    %scan3A_9 = arith.constant 79 : i32
    %barrier3A_10 = arith.constant 0 : index
    tpu.barrier barrier_id(%barrier3A_10)
    %mul3A_11 = arith.constant 320 : i32
    %mul3A_12 = arith.muli %arg1, %mul3A_11 : i32
    %mul3A_13 = arith.constant 320 : i32
    %mul3A_14 = arith.muli %arg1, %mul3A_13 : i32
    "tpu.region"() ({
      %run_scoped3A = tpu.sem_alloc : memref<!tpu.dma_semaphore, #tpu.memory_space<semaphore_mem>>
      %dma_start3A = arith.constant 0 : i32
      %dma_start3A_15 = tpu.memref_slice %arg7[%arg0, %mul3A_14, %dma_start3A] : memref<2x5120x128xf32, #tpu.memory_space<hbm>> -> memref<1x320x128xf32, #tpu.memory_space<hbm>>
      %dma_start3A_16 = tpu.memref_squeeze %dma_start3A_15 : memref<1x320x128xf32, #tpu.memory_space<hbm>> -> memref<320x128xf32, #tpu.memory_space<hbm>>
      %dma_start3A_17 = arith.constant 0 : i32
      %dma_start3A_18 = tpu.memref_slice %arg11[%mul3A_12, %dma_start3A_17] : memref<5120x128xf32, #tpu.memory_space<vmem_shared>> -> memref<320x128xf32, #tpu.memory_space<vmem_shared>>
      tpu.enqueue_dma source(%dma_start3A_18 : memref<320x128xf32, #tpu.memory_space<vmem_shared>>) target(%dma_start3A_16 : memref<320x128xf32, #tpu.memory_space<hbm>>) target_semaphore(%run_scoped3A : memref<!tpu.dma_semaphore, #tpu.memory_space<semaphore_mem>>)
      %dma_wait3A = arith.constant 0 : i32
      %dma_wait3A_19 = tpu.memref_slice %arg7[%arg0, %mul3A_14, %dma_wait3A] : memref<2x5120x128xf32, #tpu.memory_space<hbm>> -> memref<1x320x128xf32, #tpu.memory_space<hbm>>
      %dma_wait3A_20 = tpu.memref_squeeze %dma_wait3A_19 : memref<1x320x128xf32, #tpu.memory_space<hbm>> -> memref<320x128xf32, #tpu.memory_space<hbm>>
      %dma_wait3A_21 = arith.constant 0 : i32
      %dma_wait3A_22 = tpu.memref_slice %arg11[%mul3A_12, %dma_wait3A_21] : memref<5120x128xf32, #tpu.memory_space<vmem_shared>> -> memref<320x128xf32, #tpu.memory_space<vmem_shared>>
      tpu.wait_dma2 semaphore(%run_scoped3A : memref<!tpu.dma_semaphore, #tpu.memory_space<semaphore_mem>>) src(%dma_wait3A_22 : memref<320x128xf32, #tpu.memory_space<vmem_shared>>) dst(%dma_wait3A_20 : memref<320x128xf32, #tpu.memory_space<hbm>>)
      tpu.yield
    }) : () -> ()
    return
  }
}

#map = affine_map<(d0, d1) -> (0, 0)>
#map1 = affine_map<(d0, d1) -> (0)>
#map2 = affine_map<(d0, d1) -> (0, 0, 0)>
module attributes {stable_mosaic.version = 14 : i64} {
  func.func @k(%arg0: i32, %arg1: i32, %arg2: memref<5000x128xf32, #tpu.memory_space<hbm>>, %arg3: memref<320000xi32, #tpu.memory_space<hbm>>, %arg4: memref<320000xi32, #tpu.memory_space<hbm>>, %arg5: memref<10240x128xf32, #tpu.memory_space<hbm>>, %arg6: memref<10000x128xf32, #tpu.memory_space<hbm>>, %arg7: memref<2x10240x128xf32, #tpu.memory_space<hbm>>, %arg8: memref<128xi32, #tpu.memory_space<vmem>>, %arg9: memref<128xi32, #tpu.memory_space<vmem>>, %arg10: memref<128x128xf32, #tpu.memory_space<vmem>>, %arg11: memref<10240x128xf32, #tpu.memory_space<vmem_shared>>, %arg12: memref<!tpu.dma_semaphore, #tpu.memory_space<semaphore_mem>>) attributes {dimension_semantics = [#tpu.dimension_semantics<core_parallel>, #tpu.dimension_semantics<subcore_parallel>], iteration_bounds = array<i64: 2, 16>, scalar_prefetch = 0 : i64, scratch_operands = 5 : i64, tpu.core_type = #tpu.core_type<sc_vector_subcore>, window_params = [{transform_indices = #map}, {transform_indices = #map1}, {transform_indices = #map1}, {transform_indices = #map}, {transform_indices = #map}, {transform_indices = #map2}]} {
    %mul3A = arith.constant 16 : i32
    %mul3A_0 = arith.muli %arg0, %mul3A : i32
    %add3A = arith.addi %mul3A_0, %arg1 : i32
    %mul3A_1 = arith.constant 640 : i32
    %mul3A_2 = arith.muli %arg1, %mul3A_1 : i32
    %mul3A_3 = arith.constant 640 : i32
    %mul3A_4 = arith.muli %arg1, %mul3A_3 : i32
    "tpu.region"() ({
      %run_scoped3A = tpu.sem_alloc : memref<!tpu.dma_semaphore, #tpu.memory_space<semaphore_mem>>
      %dma_start3A = arith.constant 0 : i32
      %dma_start3A_15 = tpu.memref_slice %arg11[%mul3A_4, %dma_start3A] : memref<10240x128xf32, #tpu.memory_space<vmem_shared>> -> memref<640x128xf32, #tpu.memory_space<vmem_shared>>
      %dma_start3A_16 = arith.constant 0 : i32
      %dma_start3A_17 = tpu.memref_slice %arg5[%mul3A_2, %dma_start3A_16] : memref<10240x128xf32, #tpu.memory_space<hbm>> -> memref<640x128xf32, #tpu.memory_space<hbm>>
      tpu.enqueue_dma source(%dma_start3A_17 : memref<640x128xf32, #tpu.memory_space<hbm>>) target(%dma_start3A_15 : memref<640x128xf32, #tpu.memory_space<vmem_shared>>) target_semaphore(%run_scoped3A : memref<!tpu.dma_semaphore, #tpu.memory_space<semaphore_mem>>)
      %dma_wait3A = arith.constant 0 : i32
      %dma_wait3A_18 = tpu.memref_slice %arg11[%mul3A_4, %dma_wait3A] : memref<10240x128xf32, #tpu.memory_space<vmem_shared>> -> memref<640x128xf32, #tpu.memory_space<vmem_shared>>
      %dma_wait3A_19 = arith.constant 0 : i32
      %dma_wait3A_20 = tpu.memref_slice %arg5[%mul3A_2, %dma_wait3A_19] : memref<10240x128xf32, #tpu.memory_space<hbm>> -> memref<640x128xf32, #tpu.memory_space<hbm>>
      tpu.wait_dma2 semaphore(%run_scoped3A : memref<!tpu.dma_semaphore, #tpu.memory_space<semaphore_mem>>) src(%dma_wait3A_20 : memref<640x128xf32, #tpu.memory_space<hbm>>) dst(%dma_wait3A_18 : memref<640x128xf32, #tpu.memory_space<vmem_shared>>)
      tpu.yield
    }) : () -> ()
    %barrier3A = arith.constant 0 : index
    tpu.barrier barrier_id(%barrier3A)
    %scan3A = arith.constant 0 : i32
    %scan3A_5 = arith.constant 0 : i32
    %scan3A_6 = arith.constant 79 : i32
    %scan3A_7 = arith.addi %scan3A_5, %scan3A_6 : i32
    %scan3A_8 = arith.constant 1 : i32
    scf.for %scan3A_15 = %scan3A_5 to %scan3A_7 step %scan3A_8  : i32 {
      %mul3A_16 = arith.constant 32 : i32
      %mul3A_17 = arith.muli %mul3A_16, %scan3A_15 : i32
      %add3A_18 = arith.addi %add3A, %mul3A_17 : i32
      %lt3A = arith.constant 2500 : i32
      %lt3A_19 = arith.cmpi slt, %add3A_18, %lt3A : i32
      %convert_element_type3A = arith.extui %lt3A_19 : i1 to i32
      %cond3A = arith.constant 0 : i32
      %cond3A_20 = arith.cmpi ne, %convert_element_type3A, %cond3A : i32
      scf.if %cond3A_20 {
        %mul3A_21 = arith.constant 128 : i32
        %mul3A_22 = arith.muli %add3A_18, %mul3A_21 : i32
        "tpu.region"() ({
          %run_scoped3A = tpu.sem_alloc : memref<!tpu.dma_semaphore, #tpu.memory_space<semaphore_mem>>
          %dma_start3A_27 = tpu.memref_slice %arg3[%mul3A_22] : memref<320000xi32, #tpu.memory_space<hbm>> -> memref<128xi32, #tpu.memory_space<hbm>>
          %dma_start3A_28 = tpu.memref_slice %arg3[%mul3A_22] : memref<320000xi32, #tpu.memory_space<hbm>> -> memref<128xi32, #tpu.memory_space<hbm>>
          tpu.enqueue_dma source(%dma_start3A_28 : memref<128xi32, #tpu.memory_space<hbm>>) target(%arg8 : memref<128xi32, #tpu.memory_space<vmem>>) target_semaphore(%run_scoped3A : memref<!tpu.dma_semaphore, #tpu.memory_space<semaphore_mem>>)
          %dma_wait3A_29 = tpu.memref_slice %arg3[%mul3A_22] : memref<320000xi32, #tpu.memory_space<hbm>> -> memref<128xi32, #tpu.memory_space<hbm>>
          %dma_wait3A_30 = tpu.memref_slice %arg3[%mul3A_22] : memref<320000xi32, #tpu.memory_space<hbm>> -> memref<128xi32, #tpu.memory_space<hbm>>
          tpu.wait_dma2 semaphore(%run_scoped3A : memref<!tpu.dma_semaphore, #tpu.memory_space<semaphore_mem>>) src(%dma_wait3A_30 : memref<128xi32, #tpu.memory_space<hbm>>) dst(%arg8 : memref<128xi32, #tpu.memory_space<vmem>>)
          tpu.yield
        }) : () -> ()
        "tpu.region"() ({
          %run_scoped3A = tpu.sem_alloc : memref<!tpu.dma_semaphore, #tpu.memory_space<semaphore_mem>>
          %dma_start3A_27 = tpu.memref_slice %arg4[%mul3A_22] : memref<320000xi32, #tpu.memory_space<hbm>> -> memref<128xi32, #tpu.memory_space<hbm>>
          %dma_start3A_28 = tpu.memref_slice %arg4[%mul3A_22] : memref<320000xi32, #tpu.memory_space<hbm>> -> memref<128xi32, #tpu.memory_space<hbm>>
          tpu.enqueue_dma source(%dma_start3A_28 : memref<128xi32, #tpu.memory_space<hbm>>) target(%arg9 : memref<128xi32, #tpu.memory_space<vmem>>) target_semaphore(%run_scoped3A : memref<!tpu.dma_semaphore, #tpu.memory_space<semaphore_mem>>)
          %dma_wait3A_29 = tpu.memref_slice %arg4[%mul3A_22] : memref<320000xi32, #tpu.memory_space<hbm>> -> memref<128xi32, #tpu.memory_space<hbm>>
          %dma_wait3A_30 = tpu.memref_slice %arg4[%mul3A_22] : memref<320000xi32, #tpu.memory_space<hbm>> -> memref<128xi32, #tpu.memory_space<hbm>>
          tpu.wait_dma2 semaphore(%run_scoped3A : memref<!tpu.dma_semaphore, #tpu.memory_space<semaphore_mem>>) src(%dma_wait3A_30 : memref<128xi32, #tpu.memory_space<hbm>>) dst(%arg9 : memref<128xi32, #tpu.memory_space<vmem>>)
          tpu.yield
        }) : () -> ()
        %dma_start3A = arith.constant 0 : i32
        %dma_start3A_23 = arith.constant 0 : i32
        %dma_start3A_24 = tpu.memref_slice %arg2[%dma_start3A, %dma_start3A_23] : memref<5000x128xf32, #tpu.memory_space<hbm>> -> memref<5000x128xf32, #tpu.memory_space<hbm>>
        tpu.enqueue_indirect_dma source(%dma_start3A_24 : memref<5000x128xf32, #tpu.memory_space<hbm>>) target(%arg10 : memref<128x128xf32, #tpu.memory_space<vmem>>) offsets(%arg8 : memref<128xi32, #tpu.memory_space<vmem>>) semaphore(%arg12 : memref<!tpu.dma_semaphore, #tpu.memory_space<semaphore_mem>>)
        %dma_wait3A = arith.constant 0 : i32
        %dma_wait3A_25 = arith.constant 0 : i32
        %dma_wait3A_26 = tpu.memref_slice %arg2[%dma_wait3A, %dma_wait3A_25] : memref<5000x128xf32, #tpu.memory_space<hbm>> -> memref<5000x128xf32, #tpu.memory_space<hbm>>
        tpu.wait_indirect_dma semaphore(%arg12 : memref<!tpu.dma_semaphore, #tpu.memory_space<semaphore_mem>>) src(%dma_wait3A_26 : memref<5000x128xf32, #tpu.memory_space<hbm>>) dst(%arg10 : memref<128x128xf32, #tpu.memory_space<vmem>>)
        "tpu.region"() ({
          %run_scoped3A = tpu.sem_alloc : memref<!tpu.dma_semaphore, #tpu.memory_space<semaphore_mem>>
          %dma_start3A_27 = arith.constant 0 : i32
          %dma_start3A_28 = arith.constant 0 : i32
          %dma_start3A_29 = tpu.memref_slice %arg11[%dma_start3A_27, %dma_start3A_28] : memref<10240x128xf32, #tpu.memory_space<vmem_shared>> -> memref<10240x128xf32, #tpu.memory_space<vmem_shared>>
          tpu.enqueue_indirect_dma source(%arg10 : memref<128x128xf32, #tpu.memory_space<vmem>>) target(%dma_start3A_29 : memref<10240x128xf32, #tpu.memory_space<vmem_shared>>) offsets(%arg9 : memref<128xi32, #tpu.memory_space<vmem>>) semaphore(%run_scoped3A : memref<!tpu.dma_semaphore, #tpu.memory_space<semaphore_mem>>) {add = true}
          %dma_wait3A_30 = arith.constant 0 : i32
          %dma_wait3A_31 = arith.constant 0 : i32
          %dma_wait3A_32 = tpu.memref_slice %arg11[%dma_wait3A_30, %dma_wait3A_31] : memref<10240x128xf32, #tpu.memory_space<vmem_shared>> -> memref<10240x128xf32, #tpu.memory_space<vmem_shared>>
          tpu.wait_indirect_dma semaphore(%run_scoped3A : memref<!tpu.dma_semaphore, #tpu.memory_space<semaphore_mem>>) src(%arg10 : memref<128x128xf32, #tpu.memory_space<vmem>>) dst(%dma_wait3A_32 : memref<10240x128xf32, #tpu.memory_space<vmem_shared>>)
          tpu.yield
        }) : () -> ()
      } else {
      }
    }
    %scan3A_9 = arith.constant 79 : i32
    %barrier3A_10 = arith.constant 0 : index
    tpu.barrier barrier_id(%barrier3A_10)
    %mul3A_11 = arith.constant 640 : i32
    %mul3A_12 = arith.muli %arg1, %mul3A_11 : i32
    %mul3A_13 = arith.constant 640 : i32
    %mul3A_14 = arith.muli %arg1, %mul3A_13 : i32
    "tpu.region"() ({
      %run_scoped3A = tpu.sem_alloc : memref<!tpu.dma_semaphore, #tpu.memory_space<semaphore_mem>>
      %dma_start3A = arith.constant 0 : i32
      %dma_start3A_15 = tpu.memref_slice %arg7[%arg0, %mul3A_14, %dma_start3A] : memref<2x10240x128xf32, #tpu.memory_space<hbm>> -> memref<1x640x128xf32, #tpu.memory_space<hbm>>
      %dma_start3A_16 = tpu.memref_squeeze %dma_start3A_15 : memref<1x640x128xf32, #tpu.memory_space<hbm>> -> memref<640x128xf32, #tpu.memory_space<hbm>>
      %dma_start3A_17 = arith.constant 0 : i32
      %dma_start3A_18 = tpu.memref_slice %arg11[%mul3A_12, %dma_start3A_17] : memref<10240x128xf32, #tpu.memory_space<vmem_shared>> -> memref<640x128xf32, #tpu.memory_space<vmem_shared>>
      tpu.enqueue_dma source(%dma_start3A_18 : memref<640x128xf32, #tpu.memory_space<vmem_shared>>) target(%dma_start3A_16 : memref<640x128xf32, #tpu.memory_space<hbm>>) target_semaphore(%run_scoped3A : memref<!tpu.dma_semaphore, #tpu.memory_space<semaphore_mem>>)
      %dma_wait3A = arith.constant 0 : i32
      %dma_wait3A_19 = tpu.memref_slice %arg7[%arg0, %mul3A_14, %dma_wait3A] : memref<2x10240x128xf32, #tpu.memory_space<hbm>> -> memref<1x640x128xf32, #tpu.memory_space<hbm>>
      %dma_wait3A_20 = tpu.memref_squeeze %dma_wait3A_19 : memref<1x640x128xf32, #tpu.memory_space<hbm>> -> memref<640x128xf32, #tpu.memory_space<hbm>>
      %dma_wait3A_21 = arith.constant 0 : i32
      %dma_wait3A_22 = tpu.memref_slice %arg11[%mul3A_12, %dma_wait3A_21] : memref<10240x128xf32, #tpu.memory_space<vmem_shared>> -> memref<640x128xf32, #tpu.memory_space<vmem_shared>>
      tpu.wait_dma2 semaphore(%run_scoped3A : memref<!tpu.dma_semaphore, #tpu.memory_space<semaphore_mem>>) src(%dma_wait3A_22 : memref<640x128xf32, #tpu.memory_space<vmem_shared>>) dst(%dma_wait3A_20 : memref<640x128xf32, #tpu.memory_space<hbm>>)
      tpu.yield
    }) : () -> ()
    return
  }
}

#map = affine_map<(d0, d1) -> (0, 0)>
#map1 = affine_map<(d0, d1) -> (0)>
#map2 = affine_map<(d0, d1) -> (0, 0, 0)>
module attributes {stable_mosaic.version = 14 : i64} {
  func.func @k(%arg0: i32, %arg1: i32, %arg2: memref<5000x128xf32, #tpu.memory_space<hbm>>, %arg3: memref<320000xi32, #tpu.memory_space<hbm>>, %arg4: memref<320000xi32, #tpu.memory_space<hbm>>, %arg5: memref<10240x128xf32, #tpu.memory_space<hbm>>, %arg6: memref<2x5120x128xf32, #tpu.memory_space<hbm>>, %arg7: memref<2x10240x128xf32, #tpu.memory_space<hbm>>, %arg8: memref<128xi32, #tpu.memory_space<vmem>>, %arg9: memref<128xi32, #tpu.memory_space<vmem>>, %arg10: memref<128x128xf32, #tpu.memory_space<vmem>>, %arg11: memref<10240x128xf32, #tpu.memory_space<vmem_shared>>, %arg12: memref<!tpu.dma_semaphore, #tpu.memory_space<semaphore_mem>>) attributes {dimension_semantics = [#tpu.dimension_semantics<core_parallel>, #tpu.dimension_semantics<subcore_parallel>], iteration_bounds = array<i64: 2, 16>, scalar_prefetch = 0 : i64, scratch_operands = 5 : i64, tpu.core_type = #tpu.core_type<sc_vector_subcore>, window_params = [{transform_indices = #map}, {transform_indices = #map1}, {transform_indices = #map1}, {transform_indices = #map}, {transform_indices = #map2}, {transform_indices = #map2}]} {
    %mul3A = arith.constant 16 : i32
    %mul3A_0 = arith.muli %arg0, %mul3A : i32
    %add3A = arith.addi %mul3A_0, %arg1 : i32
    %mul3A_1 = arith.constant 640 : i32
    %mul3A_2 = arith.muli %arg1, %mul3A_1 : i32
    %mul3A_3 = arith.constant 640 : i32
    %mul3A_4 = arith.muli %arg1, %mul3A_3 : i32
    "tpu.region"() ({
      %run_scoped3A = tpu.sem_alloc : memref<!tpu.dma_semaphore, #tpu.memory_space<semaphore_mem>>
      %dma_start3A = arith.constant 0 : i32
      %dma_start3A_15 = tpu.memref_slice %arg11[%mul3A_4, %dma_start3A] : memref<10240x128xf32, #tpu.memory_space<vmem_shared>> -> memref<640x128xf32, #tpu.memory_space<vmem_shared>>
      %dma_start3A_16 = arith.constant 0 : i32
      %dma_start3A_17 = tpu.memref_slice %arg5[%mul3A_2, %dma_start3A_16] : memref<10240x128xf32, #tpu.memory_space<hbm>> -> memref<640x128xf32, #tpu.memory_space<hbm>>
      tpu.enqueue_dma source(%dma_start3A_17 : memref<640x128xf32, #tpu.memory_space<hbm>>) target(%dma_start3A_15 : memref<640x128xf32, #tpu.memory_space<vmem_shared>>) target_semaphore(%run_scoped3A : memref<!tpu.dma_semaphore, #tpu.memory_space<semaphore_mem>>)
      %dma_wait3A = arith.constant 0 : i32
      %dma_wait3A_18 = tpu.memref_slice %arg11[%mul3A_4, %dma_wait3A] : memref<10240x128xf32, #tpu.memory_space<vmem_shared>> -> memref<640x128xf32, #tpu.memory_space<vmem_shared>>
      %dma_wait3A_19 = arith.constant 0 : i32
      %dma_wait3A_20 = tpu.memref_slice %arg5[%mul3A_2, %dma_wait3A_19] : memref<10240x128xf32, #tpu.memory_space<hbm>> -> memref<640x128xf32, #tpu.memory_space<hbm>>
      tpu.wait_dma2 semaphore(%run_scoped3A : memref<!tpu.dma_semaphore, #tpu.memory_space<semaphore_mem>>) src(%dma_wait3A_20 : memref<640x128xf32, #tpu.memory_space<hbm>>) dst(%dma_wait3A_18 : memref<640x128xf32, #tpu.memory_space<vmem_shared>>)
      tpu.yield
    }) : () -> ()
    %barrier3A = arith.constant 0 : index
    tpu.barrier barrier_id(%barrier3A)
    %scan3A = arith.constant 0 : i32
    %scan3A_5 = arith.constant 0 : i32
    %scan3A_6 = arith.constant 79 : i32
    %scan3A_7 = arith.addi %scan3A_5, %scan3A_6 : i32
    %scan3A_8 = arith.constant 1 : i32
    scf.for %scan3A_15 = %scan3A_5 to %scan3A_7 step %scan3A_8  : i32 {
      %mul3A_16 = arith.constant 32 : i32
      %mul3A_17 = arith.muli %mul3A_16, %scan3A_15 : i32
      %add3A_18 = arith.addi %add3A, %mul3A_17 : i32
      %lt3A = arith.constant 2500 : i32
      %lt3A_19 = arith.cmpi slt, %add3A_18, %lt3A : i32
      %convert_element_type3A = arith.extui %lt3A_19 : i1 to i32
      %cond3A = arith.constant 0 : i32
      %cond3A_20 = arith.cmpi ne, %convert_element_type3A, %cond3A : i32
      scf.if %cond3A_20 {
        %mul3A_21 = arith.constant 128 : i32
        %mul3A_22 = arith.muli %add3A_18, %mul3A_21 : i32
        "tpu.region"() ({
          %run_scoped3A = tpu.sem_alloc : memref<!tpu.dma_semaphore, #tpu.memory_space<semaphore_mem>>
          %dma_start3A_27 = tpu.memref_slice %arg3[%mul3A_22] : memref<320000xi32, #tpu.memory_space<hbm>> -> memref<128xi32, #tpu.memory_space<hbm>>
          %dma_start3A_28 = tpu.memref_slice %arg3[%mul3A_22] : memref<320000xi32, #tpu.memory_space<hbm>> -> memref<128xi32, #tpu.memory_space<hbm>>
          tpu.enqueue_dma source(%dma_start3A_28 : memref<128xi32, #tpu.memory_space<hbm>>) target(%arg8 : memref<128xi32, #tpu.memory_space<vmem>>) target_semaphore(%run_scoped3A : memref<!tpu.dma_semaphore, #tpu.memory_space<semaphore_mem>>)
          %dma_wait3A_29 = tpu.memref_slice %arg3[%mul3A_22] : memref<320000xi32, #tpu.memory_space<hbm>> -> memref<128xi32, #tpu.memory_space<hbm>>
          %dma_wait3A_30 = tpu.memref_slice %arg3[%mul3A_22] : memref<320000xi32, #tpu.memory_space<hbm>> -> memref<128xi32, #tpu.memory_space<hbm>>
          tpu.wait_dma2 semaphore(%run_scoped3A : memref<!tpu.dma_semaphore, #tpu.memory_space<semaphore_mem>>) src(%dma_wait3A_30 : memref<128xi32, #tpu.memory_space<hbm>>) dst(%arg8 : memref<128xi32, #tpu.memory_space<vmem>>)
          tpu.yield
        }) : () -> ()
        "tpu.region"() ({
          %run_scoped3A = tpu.sem_alloc : memref<!tpu.dma_semaphore, #tpu.memory_space<semaphore_mem>>
          %dma_start3A_27 = tpu.memref_slice %arg4[%mul3A_22] : memref<320000xi32, #tpu.memory_space<hbm>> -> memref<128xi32, #tpu.memory_space<hbm>>
          %dma_start3A_28 = tpu.memref_slice %arg4[%mul3A_22] : memref<320000xi32, #tpu.memory_space<hbm>> -> memref<128xi32, #tpu.memory_space<hbm>>
          tpu.enqueue_dma source(%dma_start3A_28 : memref<128xi32, #tpu.memory_space<hbm>>) target(%arg9 : memref<128xi32, #tpu.memory_space<vmem>>) target_semaphore(%run_scoped3A : memref<!tpu.dma_semaphore, #tpu.memory_space<semaphore_mem>>)
          %dma_wait3A_29 = tpu.memref_slice %arg4[%mul3A_22] : memref<320000xi32, #tpu.memory_space<hbm>> -> memref<128xi32, #tpu.memory_space<hbm>>
          %dma_wait3A_30 = tpu.memref_slice %arg4[%mul3A_22] : memref<320000xi32, #tpu.memory_space<hbm>> -> memref<128xi32, #tpu.memory_space<hbm>>
          tpu.wait_dma2 semaphore(%run_scoped3A : memref<!tpu.dma_semaphore, #tpu.memory_space<semaphore_mem>>) src(%dma_wait3A_30 : memref<128xi32, #tpu.memory_space<hbm>>) dst(%arg9 : memref<128xi32, #tpu.memory_space<vmem>>)
          tpu.yield
        }) : () -> ()
        %dma_start3A = arith.constant 0 : i32
        %dma_start3A_23 = arith.constant 0 : i32
        %dma_start3A_24 = tpu.memref_slice %arg2[%dma_start3A, %dma_start3A_23] : memref<5000x128xf32, #tpu.memory_space<hbm>> -> memref<5000x128xf32, #tpu.memory_space<hbm>>
        tpu.enqueue_indirect_dma source(%dma_start3A_24 : memref<5000x128xf32, #tpu.memory_space<hbm>>) target(%arg10 : memref<128x128xf32, #tpu.memory_space<vmem>>) offsets(%arg8 : memref<128xi32, #tpu.memory_space<vmem>>) semaphore(%arg12 : memref<!tpu.dma_semaphore, #tpu.memory_space<semaphore_mem>>)
        %dma_wait3A = arith.constant 0 : i32
        %dma_wait3A_25 = arith.constant 0 : i32
        %dma_wait3A_26 = tpu.memref_slice %arg2[%dma_wait3A, %dma_wait3A_25] : memref<5000x128xf32, #tpu.memory_space<hbm>> -> memref<5000x128xf32, #tpu.memory_space<hbm>>
        tpu.wait_indirect_dma semaphore(%arg12 : memref<!tpu.dma_semaphore, #tpu.memory_space<semaphore_mem>>) src(%dma_wait3A_26 : memref<5000x128xf32, #tpu.memory_space<hbm>>) dst(%arg10 : memref<128x128xf32, #tpu.memory_space<vmem>>)
        "tpu.region"() ({
          %run_scoped3A = tpu.sem_alloc : memref<!tpu.dma_semaphore, #tpu.memory_space<semaphore_mem>>
          %dma_start3A_27 = arith.constant 0 : i32
          %dma_start3A_28 = arith.constant 0 : i32
          %dma_start3A_29 = tpu.memref_slice %arg11[%dma_start3A_27, %dma_start3A_28] : memref<10240x128xf32, #tpu.memory_space<vmem_shared>> -> memref<10240x128xf32, #tpu.memory_space<vmem_shared>>
          tpu.enqueue_indirect_dma source(%arg10 : memref<128x128xf32, #tpu.memory_space<vmem>>) target(%dma_start3A_29 : memref<10240x128xf32, #tpu.memory_space<vmem_shared>>) offsets(%arg9 : memref<128xi32, #tpu.memory_space<vmem>>) semaphore(%run_scoped3A : memref<!tpu.dma_semaphore, #tpu.memory_space<semaphore_mem>>) {add = true}
          %dma_wait3A_30 = arith.constant 0 : i32
          %dma_wait3A_31 = arith.constant 0 : i32
          %dma_wait3A_32 = tpu.memref_slice %arg11[%dma_wait3A_30, %dma_wait3A_31] : memref<10240x128xf32, #tpu.memory_space<vmem_shared>> -> memref<10240x128xf32, #tpu.memory_space<vmem_shared>>
          tpu.wait_indirect_dma semaphore(%run_scoped3A : memref<!tpu.dma_semaphore, #tpu.memory_space<semaphore_mem>>) src(%arg10 : memref<128x128xf32, #tpu.memory_space<vmem>>) dst(%dma_wait3A_32 : memref<10240x128xf32, #tpu.memory_space<vmem_shared>>)
          tpu.yield
        }) : () -> ()
      } else {
      }
    }
    %scan3A_9 = arith.constant 79 : i32
    %barrier3A_10 = arith.constant 0 : index
    tpu.barrier barrier_id(%barrier3A_10)
    %mul3A_11 = arith.constant 640 : i32
    %mul3A_12 = arith.muli %arg1, %mul3A_11 : i32
    %mul3A_13 = arith.constant 640 : i32
    %mul3A_14 = arith.muli %arg1, %mul3A_13 : i32
    "tpu.region"() ({
      %run_scoped3A = tpu.sem_alloc : memref<!tpu.dma_semaphore, #tpu.memory_space<semaphore_mem>>
      %dma_start3A = arith.constant 0 : i32
      %dma_start3A_15 = tpu.memref_slice %arg7[%arg0, %mul3A_14, %dma_start3A] : memref<2x10240x128xf32, #tpu.memory_space<hbm>> -> memref<1x640x128xf32, #tpu.memory_space<hbm>>
      %dma_start3A_16 = tpu.memref_squeeze %dma_start3A_15 : memref<1x640x128xf32, #tpu.memory_space<hbm>> -> memref<640x128xf32, #tpu.memory_space<hbm>>
      %dma_start3A_17 = arith.constant 0 : i32
      %dma_start3A_18 = tpu.memref_slice %arg11[%mul3A_12, %dma_start3A_17] : memref<10240x128xf32, #tpu.memory_space<vmem_shared>> -> memref<640x128xf32, #tpu.memory_space<vmem_shared>>
      tpu.enqueue_dma source(%dma_start3A_18 : memref<640x128xf32, #tpu.memory_space<vmem_shared>>) target(%dma_start3A_16 : memref<640x128xf32, #tpu.memory_space<hbm>>) target_semaphore(%run_scoped3A : memref<!tpu.dma_semaphore, #tpu.memory_space<semaphore_mem>>)
      %dma_wait3A = arith.constant 0 : i32
      %dma_wait3A_19 = tpu.memref_slice %arg7[%arg0, %mul3A_14, %dma_wait3A] : memref<2x10240x128xf32, #tpu.memory_space<hbm>> -> memref<1x640x128xf32, #tpu.memory_space<hbm>>
      %dma_wait3A_20 = tpu.memref_squeeze %dma_wait3A_19 : memref<1x640x128xf32, #tpu.memory_space<hbm>> -> memref<640x128xf32, #tpu.memory_space<hbm>>
      %dma_wait3A_21 = arith.constant 0 : i32
      %dma_wait3A_22 = tpu.memref_slice %arg11[%mul3A_12, %dma_wait3A_21] : memref<10240x128xf32, #tpu.memory_space<vmem_shared>> -> memref<640x128xf32, #tpu.memory_space<vmem_shared>>
      tpu.wait_dma2 semaphore(%run_scoped3A : memref<!tpu.dma_semaphore, #tpu.memory_space<semaphore_mem>>) src(%dma_wait3A_22 : memref<640x128xf32, #tpu.memory_space<vmem_shared>>) dst(%dma_wait3A_20 : memref<640x128xf32, #tpu.memory_space<hbm>>)
      tpu.yield
    }) : () -> ()
    return
  }
}

#map = affine_map<(d0, d1) -> (0, 0)>
#map1 = affine_map<(d0, d1) -> (0)>
#map2 = affine_map<(d0, d1) -> (0, 0, 0)>
module attributes {stable_mosaic.version = 14 : i64} {
  func.func @k(%arg0: i32, %arg1: i32, %arg2: memref<10000x128xf32, #tpu.memory_space<hbm>>, %arg3: memref<320000xi32, #tpu.memory_space<hbm>>, %arg4: memref<320000xi32, #tpu.memory_space<hbm>>, %arg5: memref<5120x128xf32, #tpu.memory_space<hbm>>, %arg6: memref<2x10240x128xf32, #tpu.memory_space<hbm>>, %arg7: memref<2x5120x128xf32, #tpu.memory_space<hbm>>, %arg8: memref<128xi32, #tpu.memory_space<vmem>>, %arg9: memref<128xi32, #tpu.memory_space<vmem>>, %arg10: memref<128x128xf32, #tpu.memory_space<vmem>>, %arg11: memref<5120x128xf32, #tpu.memory_space<vmem_shared>>, %arg12: memref<!tpu.dma_semaphore, #tpu.memory_space<semaphore_mem>>) attributes {dimension_semantics = [#tpu.dimension_semantics<core_parallel>, #tpu.dimension_semantics<subcore_parallel>], iteration_bounds = array<i64: 2, 16>, scalar_prefetch = 0 : i64, scratch_operands = 5 : i64, tpu.core_type = #tpu.core_type<sc_vector_subcore>, window_params = [{transform_indices = #map}, {transform_indices = #map1}, {transform_indices = #map1}, {transform_indices = #map}, {transform_indices = #map2}, {transform_indices = #map2}]} {
    %mul3A = arith.constant 16 : i32
    %mul3A_0 = arith.muli %arg0, %mul3A : i32
    %add3A = arith.addi %mul3A_0, %arg1 : i32
    %mul3A_1 = arith.constant 320 : i32
    %mul3A_2 = arith.muli %arg1, %mul3A_1 : i32
    %mul3A_3 = arith.constant 320 : i32
    %mul3A_4 = arith.muli %arg1, %mul3A_3 : i32
    "tpu.region"() ({
      %run_scoped3A = tpu.sem_alloc : memref<!tpu.dma_semaphore, #tpu.memory_space<semaphore_mem>>
      %dma_start3A = arith.constant 0 : i32
      %dma_start3A_15 = tpu.memref_slice %arg11[%mul3A_4, %dma_start3A] : memref<5120x128xf32, #tpu.memory_space<vmem_shared>> -> memref<320x128xf32, #tpu.memory_space<vmem_shared>>
      %dma_start3A_16 = arith.constant 0 : i32
      %dma_start3A_17 = tpu.memref_slice %arg5[%mul3A_2, %dma_start3A_16] : memref<5120x128xf32, #tpu.memory_space<hbm>> -> memref<320x128xf32, #tpu.memory_space<hbm>>
      tpu.enqueue_dma source(%dma_start3A_17 : memref<320x128xf32, #tpu.memory_space<hbm>>) target(%dma_start3A_15 : memref<320x128xf32, #tpu.memory_space<vmem_shared>>) target_semaphore(%run_scoped3A : memref<!tpu.dma_semaphore, #tpu.memory_space<semaphore_mem>>)
      %dma_wait3A = arith.constant 0 : i32
      %dma_wait3A_18 = tpu.memref_slice %arg11[%mul3A_4, %dma_wait3A] : memref<5120x128xf32, #tpu.memory_space<vmem_shared>> -> memref<320x128xf32, #tpu.memory_space<vmem_shared>>
      %dma_wait3A_19 = arith.constant 0 : i32
      %dma_wait3A_20 = tpu.memref_slice %arg5[%mul3A_2, %dma_wait3A_19] : memref<5120x128xf32, #tpu.memory_space<hbm>> -> memref<320x128xf32, #tpu.memory_space<hbm>>
      tpu.wait_dma2 semaphore(%run_scoped3A : memref<!tpu.dma_semaphore, #tpu.memory_space<semaphore_mem>>) src(%dma_wait3A_20 : memref<320x128xf32, #tpu.memory_space<hbm>>) dst(%dma_wait3A_18 : memref<320x128xf32, #tpu.memory_space<vmem_shared>>)
      tpu.yield
    }) : () -> ()
    %barrier3A = arith.constant 0 : index
    tpu.barrier barrier_id(%barrier3A)
    %scan3A = arith.constant 0 : i32
    %scan3A_5 = arith.constant 0 : i32
    %scan3A_6 = arith.constant 79 : i32
    %scan3A_7 = arith.addi %scan3A_5, %scan3A_6 : i32
    %scan3A_8 = arith.constant 1 : i32
    scf.for %scan3A_15 = %scan3A_5 to %scan3A_7 step %scan3A_8  : i32 {
      %mul3A_16 = arith.constant 32 : i32
      %mul3A_17 = arith.muli %mul3A_16, %scan3A_15 : i32
      %add3A_18 = arith.addi %add3A, %mul3A_17 : i32
      %lt3A = arith.constant 2500 : i32
      %lt3A_19 = arith.cmpi slt, %add3A_18, %lt3A : i32
      %convert_element_type3A = arith.extui %lt3A_19 : i1 to i32
      %cond3A = arith.constant 0 : i32
      %cond3A_20 = arith.cmpi ne, %convert_element_type3A, %cond3A : i32
      scf.if %cond3A_20 {
        %mul3A_21 = arith.constant 128 : i32
        %mul3A_22 = arith.muli %add3A_18, %mul3A_21 : i32
        "tpu.region"() ({
          %run_scoped3A = tpu.sem_alloc : memref<!tpu.dma_semaphore, #tpu.memory_space<semaphore_mem>>
          %dma_start3A_27 = tpu.memref_slice %arg3[%mul3A_22] : memref<320000xi32, #tpu.memory_space<hbm>> -> memref<128xi32, #tpu.memory_space<hbm>>
          %dma_start3A_28 = tpu.memref_slice %arg3[%mul3A_22] : memref<320000xi32, #tpu.memory_space<hbm>> -> memref<128xi32, #tpu.memory_space<hbm>>
          tpu.enqueue_dma source(%dma_start3A_28 : memref<128xi32, #tpu.memory_space<hbm>>) target(%arg8 : memref<128xi32, #tpu.memory_space<vmem>>) target_semaphore(%run_scoped3A : memref<!tpu.dma_semaphore, #tpu.memory_space<semaphore_mem>>)
          %dma_wait3A_29 = tpu.memref_slice %arg3[%mul3A_22] : memref<320000xi32, #tpu.memory_space<hbm>> -> memref<128xi32, #tpu.memory_space<hbm>>
          %dma_wait3A_30 = tpu.memref_slice %arg3[%mul3A_22] : memref<320000xi32, #tpu.memory_space<hbm>> -> memref<128xi32, #tpu.memory_space<hbm>>
          tpu.wait_dma2 semaphore(%run_scoped3A : memref<!tpu.dma_semaphore, #tpu.memory_space<semaphore_mem>>) src(%dma_wait3A_30 : memref<128xi32, #tpu.memory_space<hbm>>) dst(%arg8 : memref<128xi32, #tpu.memory_space<vmem>>)
          tpu.yield
        }) : () -> ()
        "tpu.region"() ({
          %run_scoped3A = tpu.sem_alloc : memref<!tpu.dma_semaphore, #tpu.memory_space<semaphore_mem>>
          %dma_start3A_27 = tpu.memref_slice %arg4[%mul3A_22] : memref<320000xi32, #tpu.memory_space<hbm>> -> memref<128xi32, #tpu.memory_space<hbm>>
          %dma_start3A_28 = tpu.memref_slice %arg4[%mul3A_22] : memref<320000xi32, #tpu.memory_space<hbm>> -> memref<128xi32, #tpu.memory_space<hbm>>
          tpu.enqueue_dma source(%dma_start3A_28 : memref<128xi32, #tpu.memory_space<hbm>>) target(%arg9 : memref<128xi32, #tpu.memory_space<vmem>>) target_semaphore(%run_scoped3A : memref<!tpu.dma_semaphore, #tpu.memory_space<semaphore_mem>>)
          %dma_wait3A_29 = tpu.memref_slice %arg4[%mul3A_22] : memref<320000xi32, #tpu.memory_space<hbm>> -> memref<128xi32, #tpu.memory_space<hbm>>
          %dma_wait3A_30 = tpu.memref_slice %arg4[%mul3A_22] : memref<320000xi32, #tpu.memory_space<hbm>> -> memref<128xi32, #tpu.memory_space<hbm>>
          tpu.wait_dma2 semaphore(%run_scoped3A : memref<!tpu.dma_semaphore, #tpu.memory_space<semaphore_mem>>) src(%dma_wait3A_30 : memref<128xi32, #tpu.memory_space<hbm>>) dst(%arg9 : memref<128xi32, #tpu.memory_space<vmem>>)
          tpu.yield
        }) : () -> ()
        %dma_start3A = arith.constant 0 : i32
        %dma_start3A_23 = arith.constant 0 : i32
        %dma_start3A_24 = tpu.memref_slice %arg2[%dma_start3A, %dma_start3A_23] : memref<10000x128xf32, #tpu.memory_space<hbm>> -> memref<10000x128xf32, #tpu.memory_space<hbm>>
        tpu.enqueue_indirect_dma source(%dma_start3A_24 : memref<10000x128xf32, #tpu.memory_space<hbm>>) target(%arg10 : memref<128x128xf32, #tpu.memory_space<vmem>>) offsets(%arg8 : memref<128xi32, #tpu.memory_space<vmem>>) semaphore(%arg12 : memref<!tpu.dma_semaphore, #tpu.memory_space<semaphore_mem>>)
        %dma_wait3A = arith.constant 0 : i32
        %dma_wait3A_25 = arith.constant 0 : i32
        %dma_wait3A_26 = tpu.memref_slice %arg2[%dma_wait3A, %dma_wait3A_25] : memref<10000x128xf32, #tpu.memory_space<hbm>> -> memref<10000x128xf32, #tpu.memory_space<hbm>>
        tpu.wait_indirect_dma semaphore(%arg12 : memref<!tpu.dma_semaphore, #tpu.memory_space<semaphore_mem>>) src(%dma_wait3A_26 : memref<10000x128xf32, #tpu.memory_space<hbm>>) dst(%arg10 : memref<128x128xf32, #tpu.memory_space<vmem>>)
        "tpu.region"() ({
          %run_scoped3A = tpu.sem_alloc : memref<!tpu.dma_semaphore, #tpu.memory_space<semaphore_mem>>
          %dma_start3A_27 = arith.constant 0 : i32
          %dma_start3A_28 = arith.constant 0 : i32
          %dma_start3A_29 = tpu.memref_slice %arg11[%dma_start3A_27, %dma_start3A_28] : memref<5120x128xf32, #tpu.memory_space<vmem_shared>> -> memref<5120x128xf32, #tpu.memory_space<vmem_shared>>
          tpu.enqueue_indirect_dma source(%arg10 : memref<128x128xf32, #tpu.memory_space<vmem>>) target(%dma_start3A_29 : memref<5120x128xf32, #tpu.memory_space<vmem_shared>>) offsets(%arg9 : memref<128xi32, #tpu.memory_space<vmem>>) semaphore(%run_scoped3A : memref<!tpu.dma_semaphore, #tpu.memory_space<semaphore_mem>>) {add = true}
          %dma_wait3A_30 = arith.constant 0 : i32
          %dma_wait3A_31 = arith.constant 0 : i32
          %dma_wait3A_32 = tpu.memref_slice %arg11[%dma_wait3A_30, %dma_wait3A_31] : memref<5120x128xf32, #tpu.memory_space<vmem_shared>> -> memref<5120x128xf32, #tpu.memory_space<vmem_shared>>
          tpu.wait_indirect_dma semaphore(%run_scoped3A : memref<!tpu.dma_semaphore, #tpu.memory_space<semaphore_mem>>) src(%arg10 : memref<128x128xf32, #tpu.memory_space<vmem>>) dst(%dma_wait3A_32 : memref<5120x128xf32, #tpu.memory_space<vmem_shared>>)
          tpu.yield
        }) : () -> ()
      } else {
      }
    }
    %scan3A_9 = arith.constant 79 : i32
    %barrier3A_10 = arith.constant 0 : index
    tpu.barrier barrier_id(%barrier3A_10)
    %mul3A_11 = arith.constant 320 : i32
    %mul3A_12 = arith.muli %arg1, %mul3A_11 : i32
    %mul3A_13 = arith.constant 320 : i32
    %mul3A_14 = arith.muli %arg1, %mul3A_13 : i32
    "tpu.region"() ({
      %run_scoped3A = tpu.sem_alloc : memref<!tpu.dma_semaphore, #tpu.memory_space<semaphore_mem>>
      %dma_start3A = arith.constant 0 : i32
      %dma_start3A_15 = tpu.memref_slice %arg7[%arg0, %mul3A_14, %dma_start3A] : memref<2x5120x128xf32, #tpu.memory_space<hbm>> -> memref<1x320x128xf32, #tpu.memory_space<hbm>>
      %dma_start3A_16 = tpu.memref_squeeze %dma_start3A_15 : memref<1x320x128xf32, #tpu.memory_space<hbm>> -> memref<320x128xf32, #tpu.memory_space<hbm>>
      %dma_start3A_17 = arith.constant 0 : i32
      %dma_start3A_18 = tpu.memref_slice %arg11[%mul3A_12, %dma_start3A_17] : memref<5120x128xf32, #tpu.memory_space<vmem_shared>> -> memref<320x128xf32, #tpu.memory_space<vmem_shared>>
      tpu.enqueue_dma source(%dma_start3A_18 : memref<320x128xf32, #tpu.memory_space<vmem_shared>>) target(%dma_start3A_16 : memref<320x128xf32, #tpu.memory_space<hbm>>) target_semaphore(%run_scoped3A : memref<!tpu.dma_semaphore, #tpu.memory_space<semaphore_mem>>)
      %dma_wait3A = arith.constant 0 : i32
      %dma_wait3A_19 = tpu.memref_slice %arg7[%arg0, %mul3A_14, %dma_wait3A] : memref<2x5120x128xf32, #tpu.memory_space<hbm>> -> memref<1x320x128xf32, #tpu.memory_space<hbm>>
      %dma_wait3A_20 = tpu.memref_squeeze %dma_wait3A_19 : memref<1x320x128xf32, #tpu.memory_space<hbm>> -> memref<320x128xf32, #tpu.memory_space<hbm>>
      %dma_wait3A_21 = arith.constant 0 : i32
      %dma_wait3A_22 = tpu.memref_slice %arg11[%mul3A_12, %dma_wait3A_21] : memref<5120x128xf32, #tpu.memory_space<vmem_shared>> -> memref<320x128xf32, #tpu.memory_space<vmem_shared>>
      tpu.wait_dma2 semaphore(%run_scoped3A : memref<!tpu.dma_semaphore, #tpu.memory_space<semaphore_mem>>) src(%dma_wait3A_22 : memref<320x128xf32, #tpu.memory_space<vmem_shared>>) dst(%dma_wait3A_20 : memref<320x128xf32, #tpu.memory_space<hbm>>)
      tpu.yield
    }) : () -> ()
    return
  }
}

#map = affine_map<(d0, d1) -> (0, 0)>
#map1 = affine_map<(d0, d1) -> (0)>
#map2 = affine_map<(d0, d1) -> (0, 0, 0)>
module attributes {stable_mosaic.version = 14 : i64} {
  func.func @k(%arg0: i32, %arg1: i32, %arg2: memref<10000x128xf32, #tpu.memory_space<hbm>>, %arg3: memref<320000xi32, #tpu.memory_space<hbm>>, %arg4: memref<320000xi32, #tpu.memory_space<hbm>>, %arg5: memref<5120x128xf32, #tpu.memory_space<hbm>>, %arg6: memref<2x10240x128xf32, #tpu.memory_space<hbm>>, %arg7: memref<2x5120x128xf32, #tpu.memory_space<hbm>>, %arg8: memref<128xi32, #tpu.memory_space<vmem>>, %arg9: memref<128xi32, #tpu.memory_space<vmem>>, %arg10: memref<128x128xf32, #tpu.memory_space<vmem>>, %arg11: memref<5120x128xf32, #tpu.memory_space<vmem_shared>>, %arg12: memref<!tpu.dma_semaphore, #tpu.memory_space<semaphore_mem>>) attributes {dimension_semantics = [#tpu.dimension_semantics<core_parallel>, #tpu.dimension_semantics<subcore_parallel>], iteration_bounds = array<i64: 2, 16>, scalar_prefetch = 0 : i64, scratch_operands = 5 : i64, tpu.core_type = #tpu.core_type<sc_vector_subcore>, window_params = [{transform_indices = #map}, {transform_indices = #map1}, {transform_indices = #map1}, {transform_indices = #map}, {transform_indices = #map2}, {transform_indices = #map2}]} {
    %mul3A = arith.constant 16 : i32
    %mul3A_0 = arith.muli %arg0, %mul3A : i32
    %add3A = arith.addi %mul3A_0, %arg1 : i32
    %mul3A_1 = arith.constant 320 : i32
    %mul3A_2 = arith.muli %arg1, %mul3A_1 : i32
    %mul3A_3 = arith.constant 320 : i32
    %mul3A_4 = arith.muli %arg1, %mul3A_3 : i32
    "tpu.region"() ({
      %run_scoped3A = tpu.sem_alloc : memref<!tpu.dma_semaphore, #tpu.memory_space<semaphore_mem>>
      %dma_start3A = arith.constant 0 : i32
      %dma_start3A_15 = tpu.memref_slice %arg11[%mul3A_4, %dma_start3A] : memref<5120x128xf32, #tpu.memory_space<vmem_shared>> -> memref<320x128xf32, #tpu.memory_space<vmem_shared>>
      %dma_start3A_16 = arith.constant 0 : i32
      %dma_start3A_17 = tpu.memref_slice %arg5[%mul3A_2, %dma_start3A_16] : memref<5120x128xf32, #tpu.memory_space<hbm>> -> memref<320x128xf32, #tpu.memory_space<hbm>>
      tpu.enqueue_dma source(%dma_start3A_17 : memref<320x128xf32, #tpu.memory_space<hbm>>) target(%dma_start3A_15 : memref<320x128xf32, #tpu.memory_space<vmem_shared>>) target_semaphore(%run_scoped3A : memref<!tpu.dma_semaphore, #tpu.memory_space<semaphore_mem>>)
      %dma_wait3A = arith.constant 0 : i32
      %dma_wait3A_18 = tpu.memref_slice %arg11[%mul3A_4, %dma_wait3A] : memref<5120x128xf32, #tpu.memory_space<vmem_shared>> -> memref<320x128xf32, #tpu.memory_space<vmem_shared>>
      %dma_wait3A_19 = arith.constant 0 : i32
      %dma_wait3A_20 = tpu.memref_slice %arg5[%mul3A_2, %dma_wait3A_19] : memref<5120x128xf32, #tpu.memory_space<hbm>> -> memref<320x128xf32, #tpu.memory_space<hbm>>
      tpu.wait_dma2 semaphore(%run_scoped3A : memref<!tpu.dma_semaphore, #tpu.memory_space<semaphore_mem>>) src(%dma_wait3A_20 : memref<320x128xf32, #tpu.memory_space<hbm>>) dst(%dma_wait3A_18 : memref<320x128xf32, #tpu.memory_space<vmem_shared>>)
      tpu.yield
    }) : () -> ()
    %barrier3A = arith.constant 0 : index
    tpu.barrier barrier_id(%barrier3A)
    %scan3A = arith.constant 0 : i32
    %scan3A_5 = arith.constant 0 : i32
    %scan3A_6 = arith.constant 79 : i32
    %scan3A_7 = arith.addi %scan3A_5, %scan3A_6 : i32
    %scan3A_8 = arith.constant 1 : i32
    scf.for %scan3A_15 = %scan3A_5 to %scan3A_7 step %scan3A_8  : i32 {
      %mul3A_16 = arith.constant 32 : i32
      %mul3A_17 = arith.muli %mul3A_16, %scan3A_15 : i32
      %add3A_18 = arith.addi %add3A, %mul3A_17 : i32
      %lt3A = arith.constant 2500 : i32
      %lt3A_19 = arith.cmpi slt, %add3A_18, %lt3A : i32
      %convert_element_type3A = arith.extui %lt3A_19 : i1 to i32
      %cond3A = arith.constant 0 : i32
      %cond3A_20 = arith.cmpi ne, %convert_element_type3A, %cond3A : i32
      scf.if %cond3A_20 {
        %mul3A_21 = arith.constant 128 : i32
        %mul3A_22 = arith.muli %add3A_18, %mul3A_21 : i32
        "tpu.region"() ({
          %run_scoped3A = tpu.sem_alloc : memref<!tpu.dma_semaphore, #tpu.memory_space<semaphore_mem>>
          %dma_start3A_27 = tpu.memref_slice %arg3[%mul3A_22] : memref<320000xi32, #tpu.memory_space<hbm>> -> memref<128xi32, #tpu.memory_space<hbm>>
          %dma_start3A_28 = tpu.memref_slice %arg3[%mul3A_22] : memref<320000xi32, #tpu.memory_space<hbm>> -> memref<128xi32, #tpu.memory_space<hbm>>
          tpu.enqueue_dma source(%dma_start3A_28 : memref<128xi32, #tpu.memory_space<hbm>>) target(%arg8 : memref<128xi32, #tpu.memory_space<vmem>>) target_semaphore(%run_scoped3A : memref<!tpu.dma_semaphore, #tpu.memory_space<semaphore_mem>>)
          %dma_wait3A_29 = tpu.memref_slice %arg3[%mul3A_22] : memref<320000xi32, #tpu.memory_space<hbm>> -> memref<128xi32, #tpu.memory_space<hbm>>
          %dma_wait3A_30 = tpu.memref_slice %arg3[%mul3A_22] : memref<320000xi32, #tpu.memory_space<hbm>> -> memref<128xi32, #tpu.memory_space<hbm>>
          tpu.wait_dma2 semaphore(%run_scoped3A : memref<!tpu.dma_semaphore, #tpu.memory_space<semaphore_mem>>) src(%dma_wait3A_30 : memref<128xi32, #tpu.memory_space<hbm>>) dst(%arg8 : memref<128xi32, #tpu.memory_space<vmem>>)
          tpu.yield
        }) : () -> ()
        "tpu.region"() ({
          %run_scoped3A = tpu.sem_alloc : memref<!tpu.dma_semaphore, #tpu.memory_space<semaphore_mem>>
          %dma_start3A_27 = tpu.memref_slice %arg4[%mul3A_22] : memref<320000xi32, #tpu.memory_space<hbm>> -> memref<128xi32, #tpu.memory_space<hbm>>
          %dma_start3A_28 = tpu.memref_slice %arg4[%mul3A_22] : memref<320000xi32, #tpu.memory_space<hbm>> -> memref<128xi32, #tpu.memory_space<hbm>>
          tpu.enqueue_dma source(%dma_start3A_28 : memref<128xi32, #tpu.memory_space<hbm>>) target(%arg9 : memref<128xi32, #tpu.memory_space<vmem>>) target_semaphore(%run_scoped3A : memref<!tpu.dma_semaphore, #tpu.memory_space<semaphore_mem>>)
          %dma_wait3A_29 = tpu.memref_slice %arg4[%mul3A_22] : memref<320000xi32, #tpu.memory_space<hbm>> -> memref<128xi32, #tpu.memory_space<hbm>>
          %dma_wait3A_30 = tpu.memref_slice %arg4[%mul3A_22] : memref<320000xi32, #tpu.memory_space<hbm>> -> memref<128xi32, #tpu.memory_space<hbm>>
          tpu.wait_dma2 semaphore(%run_scoped3A : memref<!tpu.dma_semaphore, #tpu.memory_space<semaphore_mem>>) src(%dma_wait3A_30 : memref<128xi32, #tpu.memory_space<hbm>>) dst(%arg9 : memref<128xi32, #tpu.memory_space<vmem>>)
          tpu.yield
        }) : () -> ()
        %dma_start3A = arith.constant 0 : i32
        %dma_start3A_23 = arith.constant 0 : i32
        %dma_start3A_24 = tpu.memref_slice %arg2[%dma_start3A, %dma_start3A_23] : memref<10000x128xf32, #tpu.memory_space<hbm>> -> memref<10000x128xf32, #tpu.memory_space<hbm>>
        tpu.enqueue_indirect_dma source(%dma_start3A_24 : memref<10000x128xf32, #tpu.memory_space<hbm>>) target(%arg10 : memref<128x128xf32, #tpu.memory_space<vmem>>) offsets(%arg8 : memref<128xi32, #tpu.memory_space<vmem>>) semaphore(%arg12 : memref<!tpu.dma_semaphore, #tpu.memory_space<semaphore_mem>>)
        %dma_wait3A = arith.constant 0 : i32
        %dma_wait3A_25 = arith.constant 0 : i32
        %dma_wait3A_26 = tpu.memref_slice %arg2[%dma_wait3A, %dma_wait3A_25] : memref<10000x128xf32, #tpu.memory_space<hbm>> -> memref<10000x128xf32, #tpu.memory_space<hbm>>
        tpu.wait_indirect_dma semaphore(%arg12 : memref<!tpu.dma_semaphore, #tpu.memory_space<semaphore_mem>>) src(%dma_wait3A_26 : memref<10000x128xf32, #tpu.memory_space<hbm>>) dst(%arg10 : memref<128x128xf32, #tpu.memory_space<vmem>>)
        "tpu.region"() ({
          %run_scoped3A = tpu.sem_alloc : memref<!tpu.dma_semaphore, #tpu.memory_space<semaphore_mem>>
          %dma_start3A_27 = arith.constant 0 : i32
          %dma_start3A_28 = arith.constant 0 : i32
          %dma_start3A_29 = tpu.memref_slice %arg11[%dma_start3A_27, %dma_start3A_28] : memref<5120x128xf32, #tpu.memory_space<vmem_shared>> -> memref<5120x128xf32, #tpu.memory_space<vmem_shared>>
          tpu.enqueue_indirect_dma source(%arg10 : memref<128x128xf32, #tpu.memory_space<vmem>>) target(%dma_start3A_29 : memref<5120x128xf32, #tpu.memory_space<vmem_shared>>) offsets(%arg9 : memref<128xi32, #tpu.memory_space<vmem>>) semaphore(%run_scoped3A : memref<!tpu.dma_semaphore, #tpu.memory_space<semaphore_mem>>) {add = true}
          %dma_wait3A_30 = arith.constant 0 : i32
          %dma_wait3A_31 = arith.constant 0 : i32
          %dma_wait3A_32 = tpu.memref_slice %arg11[%dma_wait3A_30, %dma_wait3A_31] : memref<5120x128xf32, #tpu.memory_space<vmem_shared>> -> memref<5120x128xf32, #tpu.memory_space<vmem_shared>>
          tpu.wait_indirect_dma semaphore(%run_scoped3A : memref<!tpu.dma_semaphore, #tpu.memory_space<semaphore_mem>>) src(%arg10 : memref<128x128xf32, #tpu.memory_space<vmem>>) dst(%dma_wait3A_32 : memref<5120x128xf32, #tpu.memory_space<vmem_shared>>)
          tpu.yield
        }) : () -> ()
      } else {
      }
    }
    %scan3A_9 = arith.constant 79 : i32
    %barrier3A_10 = arith.constant 0 : index
    tpu.barrier barrier_id(%barrier3A_10)
    %mul3A_11 = arith.constant 320 : i32
    %mul3A_12 = arith.muli %arg1, %mul3A_11 : i32
    %mul3A_13 = arith.constant 320 : i32
    %mul3A_14 = arith.muli %arg1, %mul3A_13 : i32
    "tpu.region"() ({
      %run_scoped3A = tpu.sem_alloc : memref<!tpu.dma_semaphore, #tpu.memory_space<semaphore_mem>>
      %dma_start3A = arith.constant 0 : i32
      %dma_start3A_15 = tpu.memref_slice %arg7[%arg0, %mul3A_14, %dma_start3A] : memref<2x5120x128xf32, #tpu.memory_space<hbm>> -> memref<1x320x128xf32, #tpu.memory_space<hbm>>
      %dma_start3A_16 = tpu.memref_squeeze %dma_start3A_15 : memref<1x320x128xf32, #tpu.memory_space<hbm>> -> memref<320x128xf32, #tpu.memory_space<hbm>>
      %dma_start3A_17 = arith.constant 0 : i32
      %dma_start3A_18 = tpu.memref_slice %arg11[%mul3A_12, %dma_start3A_17] : memref<5120x128xf32, #tpu.memory_space<vmem_shared>> -> memref<320x128xf32, #tpu.memory_space<vmem_shared>>
      tpu.enqueue_dma source(%dma_start3A_18 : memref<320x128xf32, #tpu.memory_space<vmem_shared>>) target(%dma_start3A_16 : memref<320x128xf32, #tpu.memory_space<hbm>>) target_semaphore(%run_scoped3A : memref<!tpu.dma_semaphore, #tpu.memory_space<semaphore_mem>>)
      %dma_wait3A = arith.constant 0 : i32
      %dma_wait3A_19 = tpu.memref_slice %arg7[%arg0, %mul3A_14, %dma_wait3A] : memref<2x5120x128xf32, #tpu.memory_space<hbm>> -> memref<1x320x128xf32, #tpu.memory_space<hbm>>
      %dma_wait3A_20 = tpu.memref_squeeze %dma_wait3A_19 : memref<1x320x128xf32, #tpu.memory_space<hbm>> -> memref<320x128xf32, #tpu.memory_space<hbm>>
      %dma_wait3A_21 = arith.constant 0 : i32
      %dma_wait3A_22 = tpu.memref_slice %arg11[%mul3A_12, %dma_wait3A_21] : memref<5120x128xf32, #tpu.memory_space<vmem_shared>> -> memref<320x128xf32, #tpu.memory_space<vmem_shared>>
      tpu.wait_dma2 semaphore(%run_scoped3A : memref<!tpu.dma_semaphore, #tpu.memory_space<semaphore_mem>>) src(%dma_wait3A_22 : memref<320x128xf32, #tpu.memory_space<vmem_shared>>) dst(%dma_wait3A_20 : memref<320x128xf32, #tpu.memory_space<hbm>>)
      tpu.yield
    }) : () -> ()
    return
  }
}

#map = affine_map<(d0, d1) -> (0, 0)>
#map1 = affine_map<(d0, d1) -> (0)>
#map2 = affine_map<(d0, d1) -> (0, 0, 0)>
module attributes {stable_mosaic.version = 14 : i64} {
  func.func @k(%arg0: i32, %arg1: i32, %arg2: memref<5000x128xf32, #tpu.memory_space<hbm>>, %arg3: memref<320000xi32, #tpu.memory_space<hbm>>, %arg4: memref<320000xi32, #tpu.memory_space<hbm>>, %arg5: memref<10240x128xf32, #tpu.memory_space<hbm>>, %arg6: memref<2x5120x128xf32, #tpu.memory_space<hbm>>, %arg7: memref<2x10240x128xf32, #tpu.memory_space<hbm>>, %arg8: memref<128xi32, #tpu.memory_space<vmem>>, %arg9: memref<128xi32, #tpu.memory_space<vmem>>, %arg10: memref<128x128xf32, #tpu.memory_space<vmem>>, %arg11: memref<10240x128xf32, #tpu.memory_space<vmem_shared>>, %arg12: memref<!tpu.dma_semaphore, #tpu.memory_space<semaphore_mem>>) attributes {dimension_semantics = [#tpu.dimension_semantics<core_parallel>, #tpu.dimension_semantics<subcore_parallel>], iteration_bounds = array<i64: 2, 16>, scalar_prefetch = 0 : i64, scratch_operands = 5 : i64, tpu.core_type = #tpu.core_type<sc_vector_subcore>, window_params = [{transform_indices = #map}, {transform_indices = #map1}, {transform_indices = #map1}, {transform_indices = #map}, {transform_indices = #map2}, {transform_indices = #map2}]} {
    %mul3A = arith.constant 16 : i32
    %mul3A_0 = arith.muli %arg0, %mul3A : i32
    %add3A = arith.addi %mul3A_0, %arg1 : i32
    %mul3A_1 = arith.constant 640 : i32
    %mul3A_2 = arith.muli %arg1, %mul3A_1 : i32
    %mul3A_3 = arith.constant 640 : i32
    %mul3A_4 = arith.muli %arg1, %mul3A_3 : i32
    "tpu.region"() ({
      %run_scoped3A = tpu.sem_alloc : memref<!tpu.dma_semaphore, #tpu.memory_space<semaphore_mem>>
      %dma_start3A = arith.constant 0 : i32
      %dma_start3A_15 = tpu.memref_slice %arg11[%mul3A_4, %dma_start3A] : memref<10240x128xf32, #tpu.memory_space<vmem_shared>> -> memref<640x128xf32, #tpu.memory_space<vmem_shared>>
      %dma_start3A_16 = arith.constant 0 : i32
      %dma_start3A_17 = tpu.memref_slice %arg5[%mul3A_2, %dma_start3A_16] : memref<10240x128xf32, #tpu.memory_space<hbm>> -> memref<640x128xf32, #tpu.memory_space<hbm>>
      tpu.enqueue_dma source(%dma_start3A_17 : memref<640x128xf32, #tpu.memory_space<hbm>>) target(%dma_start3A_15 : memref<640x128xf32, #tpu.memory_space<vmem_shared>>) target_semaphore(%run_scoped3A : memref<!tpu.dma_semaphore, #tpu.memory_space<semaphore_mem>>)
      %dma_wait3A = arith.constant 0 : i32
      %dma_wait3A_18 = tpu.memref_slice %arg11[%mul3A_4, %dma_wait3A] : memref<10240x128xf32, #tpu.memory_space<vmem_shared>> -> memref<640x128xf32, #tpu.memory_space<vmem_shared>>
      %dma_wait3A_19 = arith.constant 0 : i32
      %dma_wait3A_20 = tpu.memref_slice %arg5[%mul3A_2, %dma_wait3A_19] : memref<10240x128xf32, #tpu.memory_space<hbm>> -> memref<640x128xf32, #tpu.memory_space<hbm>>
      tpu.wait_dma2 semaphore(%run_scoped3A : memref<!tpu.dma_semaphore, #tpu.memory_space<semaphore_mem>>) src(%dma_wait3A_20 : memref<640x128xf32, #tpu.memory_space<hbm>>) dst(%dma_wait3A_18 : memref<640x128xf32, #tpu.memory_space<vmem_shared>>)
      tpu.yield
    }) : () -> ()
    %barrier3A = arith.constant 0 : index
    tpu.barrier barrier_id(%barrier3A)
    %scan3A = arith.constant 0 : i32
    %scan3A_5 = arith.constant 0 : i32
    %scan3A_6 = arith.constant 79 : i32
    %scan3A_7 = arith.addi %scan3A_5, %scan3A_6 : i32
    %scan3A_8 = arith.constant 1 : i32
    scf.for %scan3A_15 = %scan3A_5 to %scan3A_7 step %scan3A_8  : i32 {
      %mul3A_16 = arith.constant 32 : i32
      %mul3A_17 = arith.muli %mul3A_16, %scan3A_15 : i32
      %add3A_18 = arith.addi %add3A, %mul3A_17 : i32
      %lt3A = arith.constant 2500 : i32
      %lt3A_19 = arith.cmpi slt, %add3A_18, %lt3A : i32
      %convert_element_type3A = arith.extui %lt3A_19 : i1 to i32
      %cond3A = arith.constant 0 : i32
      %cond3A_20 = arith.cmpi ne, %convert_element_type3A, %cond3A : i32
      scf.if %cond3A_20 {
        %mul3A_21 = arith.constant 128 : i32
        %mul3A_22 = arith.muli %add3A_18, %mul3A_21 : i32
        "tpu.region"() ({
          %run_scoped3A = tpu.sem_alloc : memref<!tpu.dma_semaphore, #tpu.memory_space<semaphore_mem>>
          %dma_start3A_27 = tpu.memref_slice %arg3[%mul3A_22] : memref<320000xi32, #tpu.memory_space<hbm>> -> memref<128xi32, #tpu.memory_space<hbm>>
          %dma_start3A_28 = tpu.memref_slice %arg3[%mul3A_22] : memref<320000xi32, #tpu.memory_space<hbm>> -> memref<128xi32, #tpu.memory_space<hbm>>
          tpu.enqueue_dma source(%dma_start3A_28 : memref<128xi32, #tpu.memory_space<hbm>>) target(%arg8 : memref<128xi32, #tpu.memory_space<vmem>>) target_semaphore(%run_scoped3A : memref<!tpu.dma_semaphore, #tpu.memory_space<semaphore_mem>>)
          %dma_wait3A_29 = tpu.memref_slice %arg3[%mul3A_22] : memref<320000xi32, #tpu.memory_space<hbm>> -> memref<128xi32, #tpu.memory_space<hbm>>
          %dma_wait3A_30 = tpu.memref_slice %arg3[%mul3A_22] : memref<320000xi32, #tpu.memory_space<hbm>> -> memref<128xi32, #tpu.memory_space<hbm>>
          tpu.wait_dma2 semaphore(%run_scoped3A : memref<!tpu.dma_semaphore, #tpu.memory_space<semaphore_mem>>) src(%dma_wait3A_30 : memref<128xi32, #tpu.memory_space<hbm>>) dst(%arg8 : memref<128xi32, #tpu.memory_space<vmem>>)
          tpu.yield
        }) : () -> ()
        "tpu.region"() ({
          %run_scoped3A = tpu.sem_alloc : memref<!tpu.dma_semaphore, #tpu.memory_space<semaphore_mem>>
          %dma_start3A_27 = tpu.memref_slice %arg4[%mul3A_22] : memref<320000xi32, #tpu.memory_space<hbm>> -> memref<128xi32, #tpu.memory_space<hbm>>
          %dma_start3A_28 = tpu.memref_slice %arg4[%mul3A_22] : memref<320000xi32, #tpu.memory_space<hbm>> -> memref<128xi32, #tpu.memory_space<hbm>>
          tpu.enqueue_dma source(%dma_start3A_28 : memref<128xi32, #tpu.memory_space<hbm>>) target(%arg9 : memref<128xi32, #tpu.memory_space<vmem>>) target_semaphore(%run_scoped3A : memref<!tpu.dma_semaphore, #tpu.memory_space<semaphore_mem>>)
          %dma_wait3A_29 = tpu.memref_slice %arg4[%mul3A_22] : memref<320000xi32, #tpu.memory_space<hbm>> -> memref<128xi32, #tpu.memory_space<hbm>>
          %dma_wait3A_30 = tpu.memref_slice %arg4[%mul3A_22] : memref<320000xi32, #tpu.memory_space<hbm>> -> memref<128xi32, #tpu.memory_space<hbm>>
          tpu.wait_dma2 semaphore(%run_scoped3A : memref<!tpu.dma_semaphore, #tpu.memory_space<semaphore_mem>>) src(%dma_wait3A_30 : memref<128xi32, #tpu.memory_space<hbm>>) dst(%arg9 : memref<128xi32, #tpu.memory_space<vmem>>)
          tpu.yield
        }) : () -> ()
        %dma_start3A = arith.constant 0 : i32
        %dma_start3A_23 = arith.constant 0 : i32
        %dma_start3A_24 = tpu.memref_slice %arg2[%dma_start3A, %dma_start3A_23] : memref<5000x128xf32, #tpu.memory_space<hbm>> -> memref<5000x128xf32, #tpu.memory_space<hbm>>
        tpu.enqueue_indirect_dma source(%dma_start3A_24 : memref<5000x128xf32, #tpu.memory_space<hbm>>) target(%arg10 : memref<128x128xf32, #tpu.memory_space<vmem>>) offsets(%arg8 : memref<128xi32, #tpu.memory_space<vmem>>) semaphore(%arg12 : memref<!tpu.dma_semaphore, #tpu.memory_space<semaphore_mem>>)
        %dma_wait3A = arith.constant 0 : i32
        %dma_wait3A_25 = arith.constant 0 : i32
        %dma_wait3A_26 = tpu.memref_slice %arg2[%dma_wait3A, %dma_wait3A_25] : memref<5000x128xf32, #tpu.memory_space<hbm>> -> memref<5000x128xf32, #tpu.memory_space<hbm>>
        tpu.wait_indirect_dma semaphore(%arg12 : memref<!tpu.dma_semaphore, #tpu.memory_space<semaphore_mem>>) src(%dma_wait3A_26 : memref<5000x128xf32, #tpu.memory_space<hbm>>) dst(%arg10 : memref<128x128xf32, #tpu.memory_space<vmem>>)
        "tpu.region"() ({
          %run_scoped3A = tpu.sem_alloc : memref<!tpu.dma_semaphore, #tpu.memory_space<semaphore_mem>>
          %dma_start3A_27 = arith.constant 0 : i32
          %dma_start3A_28 = arith.constant 0 : i32
          %dma_start3A_29 = tpu.memref_slice %arg11[%dma_start3A_27, %dma_start3A_28] : memref<10240x128xf32, #tpu.memory_space<vmem_shared>> -> memref<10240x128xf32, #tpu.memory_space<vmem_shared>>
          tpu.enqueue_indirect_dma source(%arg10 : memref<128x128xf32, #tpu.memory_space<vmem>>) target(%dma_start3A_29 : memref<10240x128xf32, #tpu.memory_space<vmem_shared>>) offsets(%arg9 : memref<128xi32, #tpu.memory_space<vmem>>) semaphore(%run_scoped3A : memref<!tpu.dma_semaphore, #tpu.memory_space<semaphore_mem>>) {add = true}
          %dma_wait3A_30 = arith.constant 0 : i32
          %dma_wait3A_31 = arith.constant 0 : i32
          %dma_wait3A_32 = tpu.memref_slice %arg11[%dma_wait3A_30, %dma_wait3A_31] : memref<10240x128xf32, #tpu.memory_space<vmem_shared>> -> memref<10240x128xf32, #tpu.memory_space<vmem_shared>>
          tpu.wait_indirect_dma semaphore(%run_scoped3A : memref<!tpu.dma_semaphore, #tpu.memory_space<semaphore_mem>>) src(%arg10 : memref<128x128xf32, #tpu.memory_space<vmem>>) dst(%dma_wait3A_32 : memref<10240x128xf32, #tpu.memory_space<vmem_shared>>)
          tpu.yield
        }) : () -> ()
      } else {
      }
    }
    %scan3A_9 = arith.constant 79 : i32
    %barrier3A_10 = arith.constant 0 : index
    tpu.barrier barrier_id(%barrier3A_10)
    %mul3A_11 = arith.constant 640 : i32
    %mul3A_12 = arith.muli %arg1, %mul3A_11 : i32
    %mul3A_13 = arith.constant 640 : i32
    %mul3A_14 = arith.muli %arg1, %mul3A_13 : i32
    "tpu.region"() ({
      %run_scoped3A = tpu.sem_alloc : memref<!tpu.dma_semaphore, #tpu.memory_space<semaphore_mem>>
      %dma_start3A = arith.constant 0 : i32
      %dma_start3A_15 = tpu.memref_slice %arg7[%arg0, %mul3A_14, %dma_start3A] : memref<2x10240x128xf32, #tpu.memory_space<hbm>> -> memref<1x640x128xf32, #tpu.memory_space<hbm>>
      %dma_start3A_16 = tpu.memref_squeeze %dma_start3A_15 : memref<1x640x128xf32, #tpu.memory_space<hbm>> -> memref<640x128xf32, #tpu.memory_space<hbm>>
      %dma_start3A_17 = arith.constant 0 : i32
      %dma_start3A_18 = tpu.memref_slice %arg11[%mul3A_12, %dma_start3A_17] : memref<10240x128xf32, #tpu.memory_space<vmem_shared>> -> memref<640x128xf32, #tpu.memory_space<vmem_shared>>
      tpu.enqueue_dma source(%dma_start3A_18 : memref<640x128xf32, #tpu.memory_space<vmem_shared>>) target(%dma_start3A_16 : memref<640x128xf32, #tpu.memory_space<hbm>>) target_semaphore(%run_scoped3A : memref<!tpu.dma_semaphore, #tpu.memory_space<semaphore_mem>>)
      %dma_wait3A = arith.constant 0 : i32
      %dma_wait3A_19 = tpu.memref_slice %arg7[%arg0, %mul3A_14, %dma_wait3A] : memref<2x10240x128xf32, #tpu.memory_space<hbm>> -> memref<1x640x128xf32, #tpu.memory_space<hbm>>
      %dma_wait3A_20 = tpu.memref_squeeze %dma_wait3A_19 : memref<1x640x128xf32, #tpu.memory_space<hbm>> -> memref<640x128xf32, #tpu.memory_space<hbm>>
      %dma_wait3A_21 = arith.constant 0 : i32
      %dma_wait3A_22 = tpu.memref_slice %arg11[%mul3A_12, %dma_wait3A_21] : memref<10240x128xf32, #tpu.memory_space<vmem_shared>> -> memref<640x128xf32, #tpu.memory_space<vmem_shared>>
      tpu.wait_dma2 semaphore(%run_scoped3A : memref<!tpu.dma_semaphore, #tpu.memory_space<semaphore_mem>>) src(%dma_wait3A_22 : memref<640x128xf32, #tpu.memory_space<vmem_shared>>) dst(%dma_wait3A_20 : memref<640x128xf32, #tpu.memory_space<hbm>>)
      tpu.yield
    }) : () -> ()
    return
  }
}

#map = affine_map<(d0, d1) -> (0, 0)>
#map1 = affine_map<(d0, d1) -> (0)>
module attributes {stable_mosaic.version = 14 : i64} {
  func.func @k(%arg0: i32, %arg1: i32, %arg2: memref<10000x256xf32, #tpu.memory_space<hbm>>, %arg3: memref<5000x256xf32, #tpu.memory_space<hbm>>, %arg4: memref<10000xi32, #tpu.memory_space<hbm>>, %arg5: memref<5000xi32, #tpu.memory_space<hbm>>, %arg6: memref<33280x256xf32, #tpu.memory_space<hbm>>, %arg7: memref<128xi32, #tpu.memory_space<vmem>>, %arg8: memref<128x256xf32, #tpu.memory_space<vmem>>, %arg9: memref<16xi32, #tpu.memory_space<vmem>>, %arg10: memref<16x256xf32, #tpu.memory_space<vmem>>, %arg11: memref<8xi32, #tpu.memory_space<vmem>>, %arg12: memref<8x256xf32, #tpu.memory_space<vmem>>) attributes {dimension_semantics = [#tpu.dimension_semantics<core_parallel>, #tpu.dimension_semantics<subcore_parallel>], iteration_bounds = array<i64: 2, 16>, scalar_prefetch = 0 : i64, scratch_operands = 6 : i64, tpu.core_type = #tpu.core_type<sc_vector_subcore>, window_params = [{transform_indices = #map}, {transform_indices = #map}, {transform_indices = #map1}, {transform_indices = #map1}, {transform_indices = #map}]} {
    %mul3A = arith.constant 16 : i32
    %mul3A_0 = arith.muli %arg0, %mul3A : i32
    %add3A = arith.addi %mul3A_0, %arg1 : i32
    %scan3A = arith.constant 0 : i32
    %scan3A_1 = arith.constant 0 : i32
    %scan3A_2 = arith.constant 3 : i32
    %scan3A_3 = arith.addi %scan3A_1, %scan3A_2 : i32
    %scan3A_4 = arith.constant 1 : i32
    scf.for %scan3A_19 = %scan3A_1 to %scan3A_3 step %scan3A_4  : i32 {
      %mul3A_20 = arith.constant 32 : i32
      %mul3A_21 = arith.muli %mul3A_20, %scan3A_19 : i32
      %add3A_22 = arith.addi %add3A, %mul3A_21 : i32
      %lt3A = arith.constant 78 : i32
      %lt3A_23 = arith.cmpi slt, %add3A_22, %lt3A : i32
      %convert_element_type3A_24 = arith.extui %lt3A_23 : i1 to i32
      %cond3A_25 = arith.constant 0 : i32
      %cond3A_26 = arith.cmpi ne, %convert_element_type3A_24, %cond3A_25 : i32
      scf.if %cond3A_26 {
        %mul3A_27 = arith.constant 128 : i32
        %mul3A_28 = arith.muli %add3A_22, %mul3A_27 : i32
        "tpu.region"() ({
          %run_scoped3A = tpu.sem_alloc : memref<!tpu.dma_semaphore, #tpu.memory_space<semaphore_mem>>
          %dma_start3A = tpu.memref_slice %arg4[%mul3A_28] : memref<10000xi32, #tpu.memory_space<hbm>> -> memref<128xi32, #tpu.memory_space<hbm>>
          %dma_start3A_29 = tpu.memref_slice %arg4[%mul3A_28] : memref<10000xi32, #tpu.memory_space<hbm>> -> memref<128xi32, #tpu.memory_space<hbm>>
          tpu.enqueue_dma source(%dma_start3A_29 : memref<128xi32, #tpu.memory_space<hbm>>) target(%arg7 : memref<128xi32, #tpu.memory_space<vmem>>) target_semaphore(%run_scoped3A : memref<!tpu.dma_semaphore, #tpu.memory_space<semaphore_mem>>)
          %dma_wait3A = tpu.memref_slice %arg4[%mul3A_28] : memref<10000xi32, #tpu.memory_space<hbm>> -> memref<128xi32, #tpu.memory_space<hbm>>
          %dma_wait3A_30 = tpu.memref_slice %arg4[%mul3A_28] : memref<10000xi32, #tpu.memory_space<hbm>> -> memref<128xi32, #tpu.memory_space<hbm>>
          tpu.wait_dma2 semaphore(%run_scoped3A : memref<!tpu.dma_semaphore, #tpu.memory_space<semaphore_mem>>) src(%dma_wait3A_30 : memref<128xi32, #tpu.memory_space<hbm>>) dst(%arg7 : memref<128xi32, #tpu.memory_space<vmem>>)
          tpu.yield
        }) : () -> ()
        "tpu.region"() ({
          %run_scoped3A = tpu.sem_alloc : memref<!tpu.dma_semaphore, #tpu.memory_space<semaphore_mem>>
          %dma_start3A = arith.constant 0 : i32
          %dma_start3A_29 = tpu.memref_slice %arg2[%mul3A_28, %dma_start3A] : memref<10000x256xf32, #tpu.memory_space<hbm>> -> memref<128x256xf32, #tpu.memory_space<hbm>>
          %dma_start3A_30 = arith.constant 0 : i32
          %dma_start3A_31 = tpu.memref_slice %arg2[%mul3A_28, %dma_start3A_30] : memref<10000x256xf32, #tpu.memory_space<hbm>> -> memref<128x256xf32, #tpu.memory_space<hbm>>
          tpu.enqueue_dma source(%dma_start3A_31 : memref<128x256xf32, #tpu.memory_space<hbm>>) target(%arg8 : memref<128x256xf32, #tpu.memory_space<vmem>>) target_semaphore(%run_scoped3A : memref<!tpu.dma_semaphore, #tpu.memory_space<semaphore_mem>>)
          %dma_wait3A = arith.constant 0 : i32
          %dma_wait3A_32 = tpu.memref_slice %arg2[%mul3A_28, %dma_wait3A] : memref<10000x256xf32, #tpu.memory_space<hbm>> -> memref<128x256xf32, #tpu.memory_space<hbm>>
          %dma_wait3A_33 = arith.constant 0 : i32
          %dma_wait3A_34 = tpu.memref_slice %arg2[%mul3A_28, %dma_wait3A_33] : memref<10000x256xf32, #tpu.memory_space<hbm>> -> memref<128x256xf32, #tpu.memory_space<hbm>>
          tpu.wait_dma2 semaphore(%run_scoped3A : memref<!tpu.dma_semaphore, #tpu.memory_space<semaphore_mem>>) src(%dma_wait3A_34 : memref<128x256xf32, #tpu.memory_space<hbm>>) dst(%arg8 : memref<128x256xf32, #tpu.memory_space<vmem>>)
          tpu.yield
        }) : () -> ()
        "tpu.region"() ({
          %run_scoped3A = tpu.sem_alloc : memref<!tpu.dma_semaphore, #tpu.memory_space<semaphore_mem>>
          %dma_start3A = arith.constant 0 : i32
          %dma_start3A_29 = arith.constant 0 : i32
          %dma_start3A_30 = tpu.memref_slice %arg6[%dma_start3A, %dma_start3A_29] : memref<33280x256xf32, #tpu.memory_space<hbm>> -> memref<33280x256xf32, #tpu.memory_space<hbm>>
          tpu.enqueue_indirect_dma source(%arg8 : memref<128x256xf32, #tpu.memory_space<vmem>>) target(%dma_start3A_30 : memref<33280x256xf32, #tpu.memory_space<hbm>>) offsets(%arg7 : memref<128xi32, #tpu.memory_space<vmem>>) semaphore(%run_scoped3A : memref<!tpu.dma_semaphore, #tpu.memory_space<semaphore_mem>>)
          %dma_wait3A = arith.constant 0 : i32
          %dma_wait3A_31 = arith.constant 0 : i32
          %dma_wait3A_32 = tpu.memref_slice %arg6[%dma_wait3A, %dma_wait3A_31] : memref<33280x256xf32, #tpu.memory_space<hbm>> -> memref<33280x256xf32, #tpu.memory_space<hbm>>
          tpu.wait_indirect_dma semaphore(%run_scoped3A : memref<!tpu.dma_semaphore, #tpu.memory_space<semaphore_mem>>) src(%arg8 : memref<128x256xf32, #tpu.memory_space<vmem>>) dst(%dma_wait3A_32 : memref<33280x256xf32, #tpu.memory_space<hbm>>)
          tpu.yield
        }) : () -> ()
      } else {
      }
    }
    %scan3A_5 = arith.constant 3 : i32
    %scan3A_6 = arith.constant 0 : i32
    %scan3A_7 = arith.constant 0 : i32
    %scan3A_8 = arith.constant 2 : i32
    %scan3A_9 = arith.addi %scan3A_7, %scan3A_8 : i32
    %scan3A_10 = arith.constant 1 : i32
    scf.for %scan3A_19 = %scan3A_7 to %scan3A_9 step %scan3A_10  : i32 {
      %mul3A_20 = arith.constant 32 : i32
      %mul3A_21 = arith.muli %mul3A_20, %scan3A_19 : i32
      %add3A_22 = arith.addi %add3A, %mul3A_21 : i32
      %lt3A = arith.constant 39 : i32
      %lt3A_23 = arith.cmpi slt, %add3A_22, %lt3A : i32
      %convert_element_type3A_24 = arith.extui %lt3A_23 : i1 to i32
      %cond3A_25 = arith.constant 0 : i32
      %cond3A_26 = arith.cmpi ne, %convert_element_type3A_24, %cond3A_25 : i32
      scf.if %cond3A_26 {
        %mul3A_27 = arith.constant 128 : i32
        %mul3A_28 = arith.muli %add3A_22, %mul3A_27 : i32
        "tpu.region"() ({
          %run_scoped3A = tpu.sem_alloc : memref<!tpu.dma_semaphore, #tpu.memory_space<semaphore_mem>>
          %dma_start3A = tpu.memref_slice %arg5[%mul3A_28] : memref<5000xi32, #tpu.memory_space<hbm>> -> memref<128xi32, #tpu.memory_space<hbm>>
          %dma_start3A_29 = tpu.memref_slice %arg5[%mul3A_28] : memref<5000xi32, #tpu.memory_space<hbm>> -> memref<128xi32, #tpu.memory_space<hbm>>
          tpu.enqueue_dma source(%dma_start3A_29 : memref<128xi32, #tpu.memory_space<hbm>>) target(%arg7 : memref<128xi32, #tpu.memory_space<vmem>>) target_semaphore(%run_scoped3A : memref<!tpu.dma_semaphore, #tpu.memory_space<semaphore_mem>>)
          %dma_wait3A = tpu.memref_slice %arg5[%mul3A_28] : memref<5000xi32, #tpu.memory_space<hbm>> -> memref<128xi32, #tpu.memory_space<hbm>>
          %dma_wait3A_30 = tpu.memref_slice %arg5[%mul3A_28] : memref<5000xi32, #tpu.memory_space<hbm>> -> memref<128xi32, #tpu.memory_space<hbm>>
          tpu.wait_dma2 semaphore(%run_scoped3A : memref<!tpu.dma_semaphore, #tpu.memory_space<semaphore_mem>>) src(%dma_wait3A_30 : memref<128xi32, #tpu.memory_space<hbm>>) dst(%arg7 : memref<128xi32, #tpu.memory_space<vmem>>)
          tpu.yield
        }) : () -> ()
        "tpu.region"() ({
          %run_scoped3A = tpu.sem_alloc : memref<!tpu.dma_semaphore, #tpu.memory_space<semaphore_mem>>
          %dma_start3A = arith.constant 0 : i32
          %dma_start3A_29 = tpu.memref_slice %arg3[%mul3A_28, %dma_start3A] : memref<5000x256xf32, #tpu.memory_space<hbm>> -> memref<128x256xf32, #tpu.memory_space<hbm>>
          %dma_start3A_30 = arith.constant 0 : i32
          %dma_start3A_31 = tpu.memref_slice %arg3[%mul3A_28, %dma_start3A_30] : memref<5000x256xf32, #tpu.memory_space<hbm>> -> memref<128x256xf32, #tpu.memory_space<hbm>>
          tpu.enqueue_dma source(%dma_start3A_31 : memref<128x256xf32, #tpu.memory_space<hbm>>) target(%arg8 : memref<128x256xf32, #tpu.memory_space<vmem>>) target_semaphore(%run_scoped3A : memref<!tpu.dma_semaphore, #tpu.memory_space<semaphore_mem>>)
          %dma_wait3A = arith.constant 0 : i32
          %dma_wait3A_32 = tpu.memref_slice %arg3[%mul3A_28, %dma_wait3A] : memref<5000x256xf32, #tpu.memory_space<hbm>> -> memref<128x256xf32, #tpu.memory_space<hbm>>
          %dma_wait3A_33 = arith.constant 0 : i32
          %dma_wait3A_34 = tpu.memref_slice %arg3[%mul3A_28, %dma_wait3A_33] : memref<5000x256xf32, #tpu.memory_space<hbm>> -> memref<128x256xf32, #tpu.memory_space<hbm>>
          tpu.wait_dma2 semaphore(%run_scoped3A : memref<!tpu.dma_semaphore, #tpu.memory_space<semaphore_mem>>) src(%dma_wait3A_34 : memref<128x256xf32, #tpu.memory_space<hbm>>) dst(%arg8 : memref<128x256xf32, #tpu.memory_space<vmem>>)
          tpu.yield
        }) : () -> ()
        "tpu.region"() ({
          %run_scoped3A = tpu.sem_alloc : memref<!tpu.dma_semaphore, #tpu.memory_space<semaphore_mem>>
          %dma_start3A = arith.constant 0 : i32
          %dma_start3A_29 = arith.constant 0 : i32
          %dma_start3A_30 = tpu.memref_slice %arg6[%dma_start3A, %dma_start3A_29] : memref<33280x256xf32, #tpu.memory_space<hbm>> -> memref<33280x256xf32, #tpu.memory_space<hbm>>
          tpu.enqueue_indirect_dma source(%arg8 : memref<128x256xf32, #tpu.memory_space<vmem>>) target(%dma_start3A_30 : memref<33280x256xf32, #tpu.memory_space<hbm>>) offsets(%arg7 : memref<128xi32, #tpu.memory_space<vmem>>) semaphore(%run_scoped3A : memref<!tpu.dma_semaphore, #tpu.memory_space<semaphore_mem>>)
          %dma_wait3A = arith.constant 0 : i32
          %dma_wait3A_31 = arith.constant 0 : i32
          %dma_wait3A_32 = tpu.memref_slice %arg6[%dma_wait3A, %dma_wait3A_31] : memref<33280x256xf32, #tpu.memory_space<hbm>> -> memref<33280x256xf32, #tpu.memory_space<hbm>>
          tpu.wait_indirect_dma semaphore(%run_scoped3A : memref<!tpu.dma_semaphore, #tpu.memory_space<semaphore_mem>>) src(%arg8 : memref<128x256xf32, #tpu.memory_space<vmem>>) dst(%dma_wait3A_32 : memref<33280x256xf32, #tpu.memory_space<hbm>>)
          tpu.yield
        }) : () -> ()
      } else {
      }
    }
    %scan3A_11 = arith.constant 2 : i32
    %eq3A = arith.constant 31 : i32
    %eq3A_12 = arith.cmpi eq, %add3A, %eq3A : i32
    %convert_element_type3A = arith.extui %eq3A_12 : i1 to i32
    %cond3A = arith.constant 0 : i32
    %cond3A_13 = arith.cmpi ne, %convert_element_type3A, %cond3A : i32
    scf.if %cond3A_13 {
      "tpu.region"() ({
        %run_scoped3A = tpu.sem_alloc : memref<!tpu.dma_semaphore, #tpu.memory_space<semaphore_mem>>
        %dma_start3A = arith.constant 9984 : i32
        %dma_start3A_19 = tpu.memref_slice %arg4[%dma_start3A] : memref<10000xi32, #tpu.memory_space<hbm>> -> memref<16xi32, #tpu.memory_space<hbm>>
        %dma_start3A_20 = arith.constant 9984 : i32
        %dma_start3A_21 = tpu.memref_slice %arg4[%dma_start3A_20] : memref<10000xi32, #tpu.memory_space<hbm>> -> memref<16xi32, #tpu.memory_space<hbm>>
        tpu.enqueue_dma source(%dma_start3A_21 : memref<16xi32, #tpu.memory_space<hbm>>) target(%arg9 : memref<16xi32, #tpu.memory_space<vmem>>) target_semaphore(%run_scoped3A : memref<!tpu.dma_semaphore, #tpu.memory_space<semaphore_mem>>)
        %dma_wait3A = arith.constant 9984 : i32
        %dma_wait3A_22 = tpu.memref_slice %arg4[%dma_wait3A] : memref<10000xi32, #tpu.memory_space<hbm>> -> memref<16xi32, #tpu.memory_space<hbm>>
        %dma_wait3A_23 = arith.constant 9984 : i32
        %dma_wait3A_24 = tpu.memref_slice %arg4[%dma_wait3A_23] : memref<10000xi32, #tpu.memory_space<hbm>> -> memref<16xi32, #tpu.memory_space<hbm>>
        tpu.wait_dma2 semaphore(%run_scoped3A : memref<!tpu.dma_semaphore, #tpu.memory_space<semaphore_mem>>) src(%dma_wait3A_24 : memref<16xi32, #tpu.memory_space<hbm>>) dst(%arg9 : memref<16xi32, #tpu.memory_space<vmem>>)
        tpu.yield
      }) : () -> ()
      "tpu.region"() ({
        %run_scoped3A = tpu.sem_alloc : memref<!tpu.dma_semaphore, #tpu.memory_space<semaphore_mem>>
        %dma_start3A = arith.constant 9984 : i32
        %dma_start3A_19 = arith.constant 0 : i32
        %dma_start3A_20 = tpu.memref_slice %arg2[%dma_start3A, %dma_start3A_19] : memref<10000x256xf32, #tpu.memory_space<hbm>> -> memref<16x256xf32, #tpu.memory_space<hbm>>
        %dma_start3A_21 = arith.constant 9984 : i32
        %dma_start3A_22 = arith.constant 0 : i32
        %dma_start3A_23 = tpu.memref_slice %arg2[%dma_start3A_21, %dma_start3A_22] : memref<10000x256xf32, #tpu.memory_space<hbm>> -> memref<16x256xf32, #tpu.memory_space<hbm>>
        tpu.enqueue_dma source(%dma_start3A_23 : memref<16x256xf32, #tpu.memory_space<hbm>>) target(%arg10 : memref<16x256xf32, #tpu.memory_space<vmem>>) target_semaphore(%run_scoped3A : memref<!tpu.dma_semaphore, #tpu.memory_space<semaphore_mem>>)
        %dma_wait3A = arith.constant 9984 : i32
        %dma_wait3A_24 = arith.constant 0 : i32
        %dma_wait3A_25 = tpu.memref_slice %arg2[%dma_wait3A, %dma_wait3A_24] : memref<10000x256xf32, #tpu.memory_space<hbm>> -> memref<16x256xf32, #tpu.memory_space<hbm>>
        %dma_wait3A_26 = arith.constant 9984 : i32
        %dma_wait3A_27 = arith.constant 0 : i32
        %dma_wait3A_28 = tpu.memref_slice %arg2[%dma_wait3A_26, %dma_wait3A_27] : memref<10000x256xf32, #tpu.memory_space<hbm>> -> memref<16x256xf32, #tpu.memory_space<hbm>>
        tpu.wait_dma2 semaphore(%run_scoped3A : memref<!tpu.dma_semaphore, #tpu.memory_space<semaphore_mem>>) src(%dma_wait3A_28 : memref<16x256xf32, #tpu.memory_space<hbm>>) dst(%arg10 : memref<16x256xf32, #tpu.memory_space<vmem>>)
        tpu.yield
      }) : () -> ()
      "tpu.region"() ({
        %run_scoped3A = tpu.sem_alloc : memref<!tpu.dma_semaphore, #tpu.memory_space<semaphore_mem>>
        %dma_start3A = arith.constant 0 : i32
        %dma_start3A_19 = arith.constant 0 : i32
        %dma_start3A_20 = tpu.memref_slice %arg6[%dma_start3A, %dma_start3A_19] : memref<33280x256xf32, #tpu.memory_space<hbm>> -> memref<33280x256xf32, #tpu.memory_space<hbm>>
        tpu.enqueue_indirect_dma source(%arg10 : memref<16x256xf32, #tpu.memory_space<vmem>>) target(%dma_start3A_20 : memref<33280x256xf32, #tpu.memory_space<hbm>>) offsets(%arg9 : memref<16xi32, #tpu.memory_space<vmem>>) semaphore(%run_scoped3A : memref<!tpu.dma_semaphore, #tpu.memory_space<semaphore_mem>>)
        %dma_wait3A = arith.constant 0 : i32
        %dma_wait3A_21 = arith.constant 0 : i32
        %dma_wait3A_22 = tpu.memref_slice %arg6[%dma_wait3A, %dma_wait3A_21] : memref<33280x256xf32, #tpu.memory_space<hbm>> -> memref<33280x256xf32, #tpu.memory_space<hbm>>
        tpu.wait_indirect_dma semaphore(%run_scoped3A : memref<!tpu.dma_semaphore, #tpu.memory_space<semaphore_mem>>) src(%arg10 : memref<16x256xf32, #tpu.memory_space<vmem>>) dst(%dma_wait3A_22 : memref<33280x256xf32, #tpu.memory_space<hbm>>)
        tpu.yield
      }) : () -> ()
    } else {
    }
    %eq3A_14 = arith.constant 30 : i32
    %eq3A_15 = arith.cmpi eq, %add3A, %eq3A_14 : i32
    %convert_element_type3A_16 = arith.extui %eq3A_15 : i1 to i32
    %cond3A_17 = arith.constant 0 : i32
    %cond3A_18 = arith.cmpi ne, %convert_element_type3A_16, %cond3A_17 : i32
    scf.if %cond3A_18 {
      "tpu.region"() ({
        %run_scoped3A = tpu.sem_alloc : memref<!tpu.dma_semaphore, #tpu.memory_space<semaphore_mem>>
        %dma_start3A = arith.constant 4992 : i32
        %dma_start3A_19 = tpu.memref_slice %arg5[%dma_start3A] : memref<5000xi32, #tpu.memory_space<hbm>> -> memref<8xi32, #tpu.memory_space<hbm>>
        %dma_start3A_20 = arith.constant 4992 : i32
        %dma_start3A_21 = tpu.memref_slice %arg5[%dma_start3A_20] : memref<5000xi32, #tpu.memory_space<hbm>> -> memref<8xi32, #tpu.memory_space<hbm>>
        tpu.enqueue_dma source(%dma_start3A_21 : memref<8xi32, #tpu.memory_space<hbm>>) target(%arg11 : memref<8xi32, #tpu.memory_space<vmem>>) target_semaphore(%run_scoped3A : memref<!tpu.dma_semaphore, #tpu.memory_space<semaphore_mem>>)
        %dma_wait3A = arith.constant 4992 : i32
        %dma_wait3A_22 = tpu.memref_slice %arg5[%dma_wait3A] : memref<5000xi32, #tpu.memory_space<hbm>> -> memref<8xi32, #tpu.memory_space<hbm>>
        %dma_wait3A_23 = arith.constant 4992 : i32
        %dma_wait3A_24 = tpu.memref_slice %arg5[%dma_wait3A_23] : memref<5000xi32, #tpu.memory_space<hbm>> -> memref<8xi32, #tpu.memory_space<hbm>>
        tpu.wait_dma2 semaphore(%run_scoped3A : memref<!tpu.dma_semaphore, #tpu.memory_space<semaphore_mem>>) src(%dma_wait3A_24 : memref<8xi32, #tpu.memory_space<hbm>>) dst(%arg11 : memref<8xi32, #tpu.memory_space<vmem>>)
        tpu.yield
      }) : () -> ()
      "tpu.region"() ({
        %run_scoped3A = tpu.sem_alloc : memref<!tpu.dma_semaphore, #tpu.memory_space<semaphore_mem>>
        %dma_start3A = arith.constant 4992 : i32
        %dma_start3A_19 = arith.constant 0 : i32
        %dma_start3A_20 = tpu.memref_slice %arg3[%dma_start3A, %dma_start3A_19] : memref<5000x256xf32, #tpu.memory_space<hbm>> -> memref<8x256xf32, #tpu.memory_space<hbm>>
        %dma_start3A_21 = arith.constant 4992 : i32
        %dma_start3A_22 = arith.constant 0 : i32
        %dma_start3A_23 = tpu.memref_slice %arg3[%dma_start3A_21, %dma_start3A_22] : memref<5000x256xf32, #tpu.memory_space<hbm>> -> memref<8x256xf32, #tpu.memory_space<hbm>>
        tpu.enqueue_dma source(%dma_start3A_23 : memref<8x256xf32, #tpu.memory_space<hbm>>) target(%arg12 : memref<8x256xf32, #tpu.memory_space<vmem>>) target_semaphore(%run_scoped3A : memref<!tpu.dma_semaphore, #tpu.memory_space<semaphore_mem>>)
        %dma_wait3A = arith.constant 4992 : i32
        %dma_wait3A_24 = arith.constant 0 : i32
        %dma_wait3A_25 = tpu.memref_slice %arg3[%dma_wait3A, %dma_wait3A_24] : memref<5000x256xf32, #tpu.memory_space<hbm>> -> memref<8x256xf32, #tpu.memory_space<hbm>>
        %dma_wait3A_26 = arith.constant 4992 : i32
        %dma_wait3A_27 = arith.constant 0 : i32
        %dma_wait3A_28 = tpu.memref_slice %arg3[%dma_wait3A_26, %dma_wait3A_27] : memref<5000x256xf32, #tpu.memory_space<hbm>> -> memref<8x256xf32, #tpu.memory_space<hbm>>
        tpu.wait_dma2 semaphore(%run_scoped3A : memref<!tpu.dma_semaphore, #tpu.memory_space<semaphore_mem>>) src(%dma_wait3A_28 : memref<8x256xf32, #tpu.memory_space<hbm>>) dst(%arg12 : memref<8x256xf32, #tpu.memory_space<vmem>>)
        tpu.yield
      }) : () -> ()
      "tpu.region"() ({
        %run_scoped3A = tpu.sem_alloc : memref<!tpu.dma_semaphore, #tpu.memory_space<semaphore_mem>>
        %dma_start3A = arith.constant 0 : i32
        %dma_start3A_19 = arith.constant 0 : i32
        %dma_start3A_20 = tpu.memref_slice %arg6[%dma_start3A, %dma_start3A_19] : memref<33280x256xf32, #tpu.memory_space<hbm>> -> memref<33280x256xf32, #tpu.memory_space<hbm>>
        tpu.enqueue_indirect_dma source(%arg12 : memref<8x256xf32, #tpu.memory_space<vmem>>) target(%dma_start3A_20 : memref<33280x256xf32, #tpu.memory_space<hbm>>) offsets(%arg11 : memref<8xi32, #tpu.memory_space<vmem>>) semaphore(%run_scoped3A : memref<!tpu.dma_semaphore, #tpu.memory_space<semaphore_mem>>)
        %dma_wait3A = arith.constant 0 : i32
        %dma_wait3A_21 = arith.constant 0 : i32
        %dma_wait3A_22 = tpu.memref_slice %arg6[%dma_wait3A, %dma_wait3A_21] : memref<33280x256xf32, #tpu.memory_space<hbm>> -> memref<33280x256xf32, #tpu.memory_space<hbm>>
        tpu.wait_indirect_dma semaphore(%run_scoped3A : memref<!tpu.dma_semaphore, #tpu.memory_space<semaphore_mem>>) src(%arg12 : memref<8x256xf32, #tpu.memory_space<vmem>>) dst(%dma_wait3A_22 : memref<33280x256xf32, #tpu.memory_space<hbm>>)
        tpu.yield
      }) : () -> ()
    } else {
    }
    return
  }
}

module attributes {stable_mosaic.version = 14 : i64} {
  func.func @body(%arg0: i32, %arg1: memref<1000x64xf32, #tpu.memory_space<vmem>>, %arg2: memref<64x128xf32, #tpu.memory_space<vmem>>, %arg3: memref<1x128xf32, #tpu.memory_space<vmem>>, %arg4: memref<1000x128xf32, #tpu.memory_space<vmem>>) attributes {dimension_semantics = [#tpu.dimension_semantics<arbitrary>], iteration_bounds = array<i64: 5>, scalar_prefetch = 0 : i64, scratch_operands = 0 : i64, tpu.core_type = #tpu.core_type<tc>, window_params = [{transform_indices = @transform_0, window_bounds = array<i64: 1000, 64>}, {pipeline_mode = #tpu.pipeline_mode<synchronous>, transform_indices = @transform_1, window_bounds = array<i64: 64, 128>}, {pipeline_mode = #tpu.pipeline_mode<synchronous>, transform_indices = @transform_2, window_bounds = array<i64: 1, 128>}, {transform_indices = @transform_3, window_bounds = array<i64: 1000, 128>}]} {
    %get3A = arith.constant 0 : index
    %get3A_0 = arith.constant 0 : index
    %get3A_1 = vector.load %arg1[%get3A, %get3A_0] : memref<1000x64xf32, #tpu.memory_space<vmem>>, vector<1000x64xf32>
    %get3A_2 = arith.constant 0 : index
    %get3A_3 = arith.constant 0 : index
    %get3A_4 = vector.load %arg2[%get3A_2, %get3A_3] : memref<64x128xf32, #tpu.memory_space<vmem>>, vector<64x128xf32>
    %dot_general3A = arith.constant dense<0.000000e+00> : vector<1000x128xf32>
    %dot_general3A_5 = tpu.matmul %get3A_1, %get3A_4, %dot_general3A {dimension_numbers = #tpu.dot_dimension_numbers<[1], [0], [0], [1], [0, 0, 1, 1], [], []>, transpose_lhs_hint = false} : vector<1000x64xf32>, vector<64x128xf32>, vector<1000x128xf32> -> vector<1000x128xf32>
    %get3A_6 = arith.constant 0 : index
    %get3A_7 = arith.constant 0 : index
    %get3A_8 = vector.load %arg3[%get3A_6, %get3A_7] : memref<1x128xf32, #tpu.memory_space<vmem>>, vector<1x128xf32>
    %add3A = vector.broadcast %get3A_8 : vector<1x128xf32> to vector<1000x128xf32>
    %add3A_9 = arith.addf %dot_general3A_5, %add3A : vector<1000x128xf32>
    %max3A = arith.constant 0.000000e+00 : f32
    %max3A_10 = vector.broadcast %max3A : f32 to vector<1000x128xf32>
    %max3A_11 = arith.maximumf %add3A_9, %max3A_10 : vector<1000x128xf32>
    %iota3A = tpu.iota {dimensions = array<i32: 1>} : vector<1000x128xi32>
    %eq3A = arith.constant 96 : i32
    %eq3A_12 = vector.broadcast %eq3A : i32 to vector<1000x128xi32>
    %eq3A_13 = arith.cmpi eq, %iota3A, %eq3A_12 : vector<1000x128xi32>
    %jit3A = arith.constant 1.000000e+00 : f32
    %broadcast_in_dim3A = vector.broadcast %jit3A : f32 to vector<1000x128xf32>
    %select_n3A = arith.select %eq3A_13, %broadcast_in_dim3A, %max3A_11 : vector<1000x128xi1>, vector<1000x128xf32>
    %swap3A = arith.constant 0 : index
    %swap3A_14 = arith.constant 0 : index
    %swap3A_15 = vector.load %arg4[%swap3A, %swap3A_14] : memref<1000x128xf32, #tpu.memory_space<vmem>>, vector<1000x128xf32>
    tpu.vector_store %arg4[%swap3A, %swap3A_14], %select_n3A {strides = array<i32>} : memref<1000x128xf32, #tpu.memory_space<vmem>>, vector<1000x128xf32>,
    return
  }
  func.func @transform_0(%arg0: i32) -> (i32, i32) {
    %c0_i32 = arith.constant 0 : i32
    %c0_i32_0 = arith.constant 0 : i32
    return %arg0, %c0_i32 : i32, i32
  }
  func.func @transform_1(%arg0: i32) -> (i32, i32) {
    %c0_i32 = arith.constant 0 : i32
    %c0_i32_0 = arith.constant 0 : i32
    %c0_i32_1 = arith.constant 0 : i32
    return %c0_i32, %c0_i32_0 : i32, i32
  }
  func.func @transform_2(%arg0: i32) -> (i32, i32) {
    %c0_i32 = arith.constant 0 : i32
    %c0_i32_0 = arith.constant 0 : i32
    %c0_i32_1 = arith.constant 0 : i32
    return %c0_i32, %c0_i32_0 : i32, i32
  }
  func.func @transform_3(%arg0: i32) -> (i32, i32) {
    %c0_i32 = arith.constant 0 : i32
    %c0_i32_0 = arith.constant 0 : i32
    return %arg0, %c0_i32 : i32, i32
  }
}

module attributes {stable_mosaic.version = 14 : i64} {
  func.func @body(%arg0: i32, %arg1: memref<1000x128xf32, #tpu.memory_space<vmem>>, %arg2: memref<128x128xf32, #tpu.memory_space<vmem>>, %arg3: memref<1x128xf32, #tpu.memory_space<vmem>>, %arg4: memref<1000x128xf32, #tpu.memory_space<vmem>>) attributes {dimension_semantics = [#tpu.dimension_semantics<arbitrary>], iteration_bounds = array<i64: 10>, scalar_prefetch = 0 : i64, scratch_operands = 0 : i64, tpu.core_type = #tpu.core_type<tc>, window_params = [{transform_indices = @transform_0, window_bounds = array<i64: 1000, 128>}, {pipeline_mode = #tpu.pipeline_mode<synchronous>, transform_indices = @transform_1, window_bounds = array<i64: 128, 128>}, {pipeline_mode = #tpu.pipeline_mode<synchronous>, transform_indices = @transform_2, window_bounds = array<i64: 1, 128>}, {transform_indices = @transform_3, window_bounds = array<i64: 1000, 128>}]} {
    %get3A = arith.constant 0 : index
    %get3A_0 = arith.constant 0 : index
    %get3A_1 = vector.load %arg1[%get3A, %get3A_0] : memref<1000x128xf32, #tpu.memory_space<vmem>>, vector<1000x128xf32>
    %get3A_2 = arith.constant 0 : index
    %get3A_3 = arith.constant 0 : index
    %get3A_4 = vector.load %arg2[%get3A_2, %get3A_3] : memref<128x128xf32, #tpu.memory_space<vmem>>, vector<128x128xf32>
    %dot_general3A = arith.constant dense<0.000000e+00> : vector<1000x128xf32>
    %dot_general3A_5 = tpu.matmul %get3A_1, %get3A_4, %dot_general3A {dimension_numbers = #tpu.dot_dimension_numbers<[1], [0], [0], [1], [0, 0, 1, 1], [], []>, transpose_lhs_hint = false} : vector<1000x128xf32>, vector<128x128xf32>, vector<1000x128xf32> -> vector<1000x128xf32>
    %get3A_6 = arith.constant 0 : index
    %get3A_7 = arith.constant 0 : index
    %get3A_8 = vector.load %arg3[%get3A_6, %get3A_7] : memref<1x128xf32, #tpu.memory_space<vmem>>, vector<1x128xf32>
    %add3A = vector.broadcast %get3A_8 : vector<1x128xf32> to vector<1000x128xf32>
    %add3A_9 = arith.addf %dot_general3A_5, %add3A : vector<1000x128xf32>
    %max3A = arith.constant 0.000000e+00 : f32
    %max3A_10 = vector.broadcast %max3A : f32 to vector<1000x128xf32>
    %max3A_11 = arith.maximumf %add3A_9, %max3A_10 : vector<1000x128xf32>
    %iota3A = tpu.iota {dimensions = array<i32: 1>} : vector<1000x128xi32>
    %eq3A = arith.constant 96 : i32
    %eq3A_12 = vector.broadcast %eq3A : i32 to vector<1000x128xi32>
    %eq3A_13 = arith.cmpi eq, %iota3A, %eq3A_12 : vector<1000x128xi32>
    %jit3A = arith.constant 1.000000e+00 : f32
    %broadcast_in_dim3A = vector.broadcast %jit3A : f32 to vector<1000x128xf32>
    %select_n3A = arith.select %eq3A_13, %broadcast_in_dim3A, %max3A_11 : vector<1000x128xi1>, vector<1000x128xf32>
    %swap3A = arith.constant 0 : index
    %swap3A_14 = arith.constant 0 : index
    %swap3A_15 = vector.load %arg4[%swap3A, %swap3A_14] : memref<1000x128xf32, #tpu.memory_space<vmem>>, vector<1000x128xf32>
    tpu.vector_store %arg4[%swap3A, %swap3A_14], %select_n3A {strides = array<i32>} : memref<1000x128xf32, #tpu.memory_space<vmem>>, vector<1000x128xf32>,
    return
  }
  func.func @transform_0(%arg0: i32) -> (i32, i32) {
    %c0_i32 = arith.constant 0 : i32
    %c0_i32_0 = arith.constant 0 : i32
    return %arg0, %c0_i32 : i32, i32
  }
  func.func @transform_1(%arg0: i32) -> (i32, i32) {
    %c0_i32 = arith.constant 0 : i32
    %c0_i32_0 = arith.constant 0 : i32
    %c0_i32_1 = arith.constant 0 : i32
    return %c0_i32, %c0_i32_0 : i32, i32
  }
  func.func @transform_2(%arg0: i32) -> (i32, i32) {
    %c0_i32 = arith.constant 0 : i32
    %c0_i32_0 = arith.constant 0 : i32
    %c0_i32_1 = arith.constant 0 : i32
    return %c0_i32, %c0_i32_0 : i32, i32
  }
  func.func @transform_3(%arg0: i32) -> (i32, i32) {
    %c0_i32 = arith.constant 0 : i32
    %c0_i32_0 = arith.constant 0 : i32
    return %arg0, %c0_i32 : i32, i32
  }
}

module attributes {stable_mosaic.version = 14 : i64} {
  func.func @body(%arg0: i32, %arg1: memref<1000x128xf32, #tpu.memory_space<vmem>>, %arg2: memref<2x1000x128xf32, #tpu.memory_space<vmem>>, %arg3: memref<2x1000x16xf32, #tpu.memory_space<vmem>>, %arg4: memref<128x128xf32, #tpu.memory_space<vmem>>, %arg5: memref<1x128xf32, #tpu.memory_space<vmem>>, %arg6: memref<128x128xf32, #tpu.memory_space<vmem>>, %arg7: memref<1000x128xf32, #tpu.memory_space<vmem>>) attributes {dimension_semantics = [#tpu.dimension_semantics<arbitrary>], iteration_bounds = array<i64: 5>, scalar_prefetch = 0 : i64, scratch_operands = 0 : i64, tpu.core_type = #tpu.core_type<tc>, window_params = [{transform_indices = @transform_0, window_bounds = array<i64: 1000, 128>}, {transform_indices = @transform_1, window_bounds = array<i64: 2, 1000, 128>}, {transform_indices = @transform_2, window_bounds = array<i64: 2, 1000, 16>}, {pipeline_mode = #tpu.pipeline_mode<synchronous>, transform_indices = @transform_3, window_bounds = array<i64: 128, 128>}, {pipeline_mode = #tpu.pipeline_mode<synchronous>, transform_indices = @transform_4, window_bounds = array<i64: 1, 128>}, {pipeline_mode = #tpu.pipeline_mode<synchronous>, transform_indices = @transform_5, window_bounds = array<i64: 128, 128>}, {transform_indices = @transform_6, window_bounds = array<i64: 1000, 128>}]} {
    %get3A = arith.constant 0 : index
    %get3A_0 = arith.constant 0 : index
    %get3A_1 = arith.constant 0 : index
    %get3A_2 = vector.load %arg3[%get3A, %get3A_0, %get3A_1] : memref<2x1000x16xf32, #tpu.memory_space<vmem>>, vector<1x1000x1xf32>
    %get3A_3 = vector.shape_cast %get3A_2 : vector<1x1000x1xf32> to vector<1000x1xf32>
    %get3A_4 = arith.constant 1 : index
    %get3A_5 = arith.constant 0 : index
    %get3A_6 = arith.constant 0 : index
    %get3A_7 = vector.load %arg3[%get3A_4, %get3A_5, %get3A_6] : memref<2x1000x16xf32, #tpu.memory_space<vmem>>, vector<1x1000x1xf32>
    %get3A_8 = vector.shape_cast %get3A_7 : vector<1x1000x1xf32> to vector<1000x1xf32>
    %add3A = arith.addf %get3A_3, %get3A_8 : vector<1000x1xf32>
    %max3A = arith.constant 1.000000e+00 : f32
    %max3A_9 = vector.broadcast %max3A : f32 to vector<1000x1xf32>
    %max3A_10 = arith.maximumf %add3A, %max3A_9 : vector<1000x1xf32>
    %get3A_11 = arith.constant 0 : index
    %get3A_12 = arith.constant 0 : index
    %get3A_13 = arith.constant 0 : index
    %get3A_14 = vector.load %arg2[%get3A_11, %get3A_12, %get3A_13] : memref<2x1000x128xf32, #tpu.memory_space<vmem>>, vector<1x1000x128xf32>
    %get3A_15 = vector.shape_cast %get3A_14 : vector<1x1000x128xf32> to vector<1000x128xf32>
    %get3A_16 = arith.constant 1 : index
    %get3A_17 = arith.constant 0 : index
    %get3A_18 = arith.constant 0 : index
    %get3A_19 = vector.load %arg2[%get3A_16, %get3A_17, %get3A_18] : memref<2x1000x128xf32, #tpu.memory_space<vmem>>, vector<1x1000x128xf32>
    %get3A_20 = vector.shape_cast %get3A_19 : vector<1x1000x128xf32> to vector<1000x128xf32>
    %add3A_21 = arith.addf %get3A_15, %get3A_20 : vector<1000x128xf32>
    %div3A = vector.broadcast %max3A_10 : vector<1000x1xf32> to vector<1000x128xf32>
    %div3A_22 = arith.divf %add3A_21, %div3A : vector<1000x128xf32>
    %get3A_23 = arith.constant 0 : index
    %get3A_24 = arith.constant 0 : index
    %get3A_25 = vector.load %arg1[%get3A_23, %get3A_24] : memref<1000x128xf32, #tpu.memory_space<vmem>>, vector<1000x128xf32>
    %get3A_26 = arith.constant 0 : index
    %get3A_27 = arith.constant 0 : index
    %get3A_28 = vector.load %arg4[%get3A_26, %get3A_27] : memref<128x128xf32, #tpu.memory_space<vmem>>, vector<128x128xf32>
    %dot_general3A = arith.constant dense<0.000000e+00> : vector<1000x128xf32>
    %dot_general3A_29 = tpu.matmul %get3A_25, %get3A_28, %dot_general3A {dimension_numbers = #tpu.dot_dimension_numbers<[1], [0], [0], [1], [0, 0, 1, 1], [], []>, transpose_lhs_hint = false} : vector<1000x128xf32>, vector<128x128xf32>, vector<1000x128xf32> -> vector<1000x128xf32>
    %get3A_30 = arith.constant 0 : index
    %get3A_31 = arith.constant 0 : index
    %get3A_32 = vector.load %arg6[%get3A_30, %get3A_31] : memref<128x128xf32, #tpu.memory_space<vmem>>, vector<128x128xf32>
    %dot_general3A_33 = arith.constant dense<0.000000e+00> : vector<1000x128xf32>
    %dot_general3A_34 = tpu.matmul %div3A_22, %get3A_32, %dot_general3A_33 {dimension_numbers = #tpu.dot_dimension_numbers<[1], [0], [0], [1], [0, 0, 1, 1], [], []>, transpose_lhs_hint = false} : vector<1000x128xf32>, vector<128x128xf32>, vector<1000x128xf32> -> vector<1000x128xf32>
    %add3A_35 = arith.addf %dot_general3A_29, %dot_general3A_34 : vector<1000x128xf32>
    %get3A_36 = arith.constant 0 : index
    %get3A_37 = arith.constant 0 : index
    %get3A_38 = vector.load %arg5[%get3A_36, %get3A_37] : memref<1x128xf32, #tpu.memory_space<vmem>>, vector<1x128xf32>
    %add3A_39 = vector.broadcast %get3A_38 : vector<1x128xf32> to vector<1000x128xf32>
    %add3A_40 = arith.addf %add3A_35, %add3A_39 : vector<1000x128xf32>
    %max3A_41 = arith.constant 0.000000e+00 : f32
    %max3A_42 = vector.broadcast %max3A_41 : f32 to vector<1000x128xf32>
    %max3A_43 = arith.maximumf %add3A_40, %max3A_42 : vector<1000x128xf32>
    %swap3A = arith.constant 0 : index
    %swap3A_44 = arith.constant 0 : index
    %swap3A_45 = vector.load %arg7[%swap3A, %swap3A_44] : memref<1000x128xf32, #tpu.memory_space<vmem>>, vector<1000x128xf32>
    tpu.vector_store %arg7[%swap3A, %swap3A_44], %max3A_43 {strides = array<i32>} : memref<1000x128xf32, #tpu.memory_space<vmem>>, vector<1000x128xf32>,
    return
  }
  func.func @transform_0(%arg0: i32) -> (i32, i32) {
    %c0_i32 = arith.constant 0 : i32
    %c0_i32_0 = arith.constant 0 : i32
    return %arg0, %c0_i32 : i32, i32
  }
  func.func @transform_1(%arg0: i32) -> (i32, i32, i32) {
    %c0_i32 = arith.constant 0 : i32
    %c0_i32_0 = arith.constant 0 : i32
    %c0_i32_1 = arith.constant 0 : i32
    return %c0_i32, %arg0, %c0_i32_0 : i32, i32, i32
  }
  func.func @transform_2(%arg0: i32) -> (i32, i32, i32) {
    %c0_i32 = arith.constant 0 : i32
    %c0_i32_0 = arith.constant 0 : i32
    %c0_i32_1 = arith.constant 0 : i32
    return %c0_i32, %arg0, %c0_i32_0 : i32, i32, i32
  }
  func.func @transform_3(%arg0: i32) -> (i32, i32) {
    %c0_i32 = arith.constant 0 : i32
    %c0_i32_0 = arith.constant 0 : i32
    %c0_i32_1 = arith.constant 0 : i32
    return %c0_i32, %c0_i32_0 : i32, i32
  }
  func.func @transform_4(%arg0: i32) -> (i32, i32) {
    %c0_i32 = arith.constant 0 : i32
    %c0_i32_0 = arith.constant 0 : i32
    %c0_i32_1 = arith.constant 0 : i32
    return %c0_i32, %c0_i32_0 : i32, i32
  }
  func.func @transform_5(%arg0: i32) -> (i32, i32) {
    %c0_i32 = arith.constant 0 : i32
    %c0_i32_0 = arith.constant 0 : i32
    %c0_i32_1 = arith.constant 0 : i32
    return %c0_i32, %c0_i32_0 : i32, i32
  }
  func.func @transform_6(%arg0: i32) -> (i32, i32) {
    %c0_i32 = arith.constant 0 : i32
    %c0_i32_0 = arith.constant 0 : i32
    return %arg0, %c0_i32 : i32, i32
  }
}

module attributes {stable_mosaic.version = 14 : i64} {
  func.func @body(%arg0: i32, %arg1: memref<1000x128xf32, #tpu.memory_space<vmem>>, %arg2: memref<2x1000x128xf32, #tpu.memory_space<vmem>>, %arg3: memref<2x1000x16xf32, #tpu.memory_space<vmem>>, %arg4: memref<128x128xf32, #tpu.memory_space<vmem>>, %arg5: memref<1x128xf32, #tpu.memory_space<vmem>>, %arg6: memref<128x128xf32, #tpu.memory_space<vmem>>, %arg7: memref<1000x128xf32, #tpu.memory_space<vmem>>) attributes {dimension_semantics = [#tpu.dimension_semantics<arbitrary>], iteration_bounds = array<i64: 10>, scalar_prefetch = 0 : i64, scratch_operands = 0 : i64, tpu.core_type = #tpu.core_type<tc>, window_params = [{transform_indices = @transform_0, window_bounds = array<i64: 1000, 128>}, {transform_indices = @transform_1, window_bounds = array<i64: 2, 1000, 128>}, {transform_indices = @transform_2, window_bounds = array<i64: 2, 1000, 16>}, {pipeline_mode = #tpu.pipeline_mode<synchronous>, transform_indices = @transform_3, window_bounds = array<i64: 128, 128>}, {pipeline_mode = #tpu.pipeline_mode<synchronous>, transform_indices = @transform_4, window_bounds = array<i64: 1, 128>}, {pipeline_mode = #tpu.pipeline_mode<synchronous>, transform_indices = @transform_5, window_bounds = array<i64: 128, 128>}, {transform_indices = @transform_6, window_bounds = array<i64: 1000, 128>}]} {
    %get3A = arith.constant 0 : index
    %get3A_0 = arith.constant 0 : index
    %get3A_1 = arith.constant 0 : index
    %get3A_2 = vector.load %arg3[%get3A, %get3A_0, %get3A_1] : memref<2x1000x16xf32, #tpu.memory_space<vmem>>, vector<1x1000x1xf32>
    %get3A_3 = vector.shape_cast %get3A_2 : vector<1x1000x1xf32> to vector<1000x1xf32>
    %get3A_4 = arith.constant 1 : index
    %get3A_5 = arith.constant 0 : index
    %get3A_6 = arith.constant 0 : index
    %get3A_7 = vector.load %arg3[%get3A_4, %get3A_5, %get3A_6] : memref<2x1000x16xf32, #tpu.memory_space<vmem>>, vector<1x1000x1xf32>
    %get3A_8 = vector.shape_cast %get3A_7 : vector<1x1000x1xf32> to vector<1000x1xf32>
    %add3A = arith.addf %get3A_3, %get3A_8 : vector<1000x1xf32>
    %max3A = arith.constant 1.000000e+00 : f32
    %max3A_9 = vector.broadcast %max3A : f32 to vector<1000x1xf32>
    %max3A_10 = arith.maximumf %add3A, %max3A_9 : vector<1000x1xf32>
    %get3A_11 = arith.constant 0 : index
    %get3A_12 = arith.constant 0 : index
    %get3A_13 = arith.constant 0 : index
    %get3A_14 = vector.load %arg2[%get3A_11, %get3A_12, %get3A_13] : memref<2x1000x128xf32, #tpu.memory_space<vmem>>, vector<1x1000x128xf32>
    %get3A_15 = vector.shape_cast %get3A_14 : vector<1x1000x128xf32> to vector<1000x128xf32>
    %get3A_16 = arith.constant 1 : index
    %get3A_17 = arith.constant 0 : index
    %get3A_18 = arith.constant 0 : index
    %get3A_19 = vector.load %arg2[%get3A_16, %get3A_17, %get3A_18] : memref<2x1000x128xf32, #tpu.memory_space<vmem>>, vector<1x1000x128xf32>
    %get3A_20 = vector.shape_cast %get3A_19 : vector<1x1000x128xf32> to vector<1000x128xf32>
    %add3A_21 = arith.addf %get3A_15, %get3A_20 : vector<1000x128xf32>
    %div3A = vector.broadcast %max3A_10 : vector<1000x1xf32> to vector<1000x128xf32>
    %div3A_22 = arith.divf %add3A_21, %div3A : vector<1000x128xf32>
    %get3A_23 = arith.constant 0 : index
    %get3A_24 = arith.constant 0 : index
    %get3A_25 = vector.load %arg1[%get3A_23, %get3A_24] : memref<1000x128xf32, #tpu.memory_space<vmem>>, vector<1000x128xf32>
    %get3A_26 = arith.constant 0 : index
    %get3A_27 = arith.constant 0 : index
    %get3A_28 = vector.load %arg4[%get3A_26, %get3A_27] : memref<128x128xf32, #tpu.memory_space<vmem>>, vector<128x128xf32>
    %dot_general3A = arith.constant dense<0.000000e+00> : vector<1000x128xf32>
    %dot_general3A_29 = tpu.matmul %get3A_25, %get3A_28, %dot_general3A {dimension_numbers = #tpu.dot_dimension_numbers<[1], [0], [0], [1], [0, 0, 1, 1], [], []>, transpose_lhs_hint = false} : vector<1000x128xf32>, vector<128x128xf32>, vector<1000x128xf32> -> vector<1000x128xf32>
    %get3A_30 = arith.constant 0 : index
    %get3A_31 = arith.constant 0 : index
    %get3A_32 = vector.load %arg6[%get3A_30, %get3A_31] : memref<128x128xf32, #tpu.memory_space<vmem>>, vector<128x128xf32>
    %dot_general3A_33 = arith.constant dense<0.000000e+00> : vector<1000x128xf32>
    %dot_general3A_34 = tpu.matmul %div3A_22, %get3A_32, %dot_general3A_33 {dimension_numbers = #tpu.dot_dimension_numbers<[1], [0], [0], [1], [0, 0, 1, 1], [], []>, transpose_lhs_hint = false} : vector<1000x128xf32>, vector<128x128xf32>, vector<1000x128xf32> -> vector<1000x128xf32>
    %add3A_35 = arith.addf %dot_general3A_29, %dot_general3A_34 : vector<1000x128xf32>
    %get3A_36 = arith.constant 0 : index
    %get3A_37 = arith.constant 0 : index
    %get3A_38 = vector.load %arg5[%get3A_36, %get3A_37] : memref<1x128xf32, #tpu.memory_space<vmem>>, vector<1x128xf32>
    %add3A_39 = vector.broadcast %get3A_38 : vector<1x128xf32> to vector<1000x128xf32>
    %add3A_40 = arith.addf %add3A_35, %add3A_39 : vector<1000x128xf32>
    %max3A_41 = arith.constant 0.000000e+00 : f32
    %max3A_42 = vector.broadcast %max3A_41 : f32 to vector<1000x128xf32>
    %max3A_43 = arith.maximumf %add3A_40, %max3A_42 : vector<1000x128xf32>
    %swap3A = arith.constant 0 : index
    %swap3A_44 = arith.constant 0 : index
    %swap3A_45 = vector.load %arg7[%swap3A, %swap3A_44] : memref<1000x128xf32, #tpu.memory_space<vmem>>, vector<1000x128xf32>
    tpu.vector_store %arg7[%swap3A, %swap3A_44], %max3A_43 {strides = array<i32>} : memref<1000x128xf32, #tpu.memory_space<vmem>>, vector<1000x128xf32>,
    return
  }
  func.func @transform_0(%arg0: i32) -> (i32, i32) {
    %c0_i32 = arith.constant 0 : i32
    %c0_i32_0 = arith.constant 0 : i32
    return %arg0, %c0_i32 : i32, i32
  }
  func.func @transform_1(%arg0: i32) -> (i32, i32, i32) {
    %c0_i32 = arith.constant 0 : i32
    %c0_i32_0 = arith.constant 0 : i32
    %c0_i32_1 = arith.constant 0 : i32
    return %c0_i32, %arg0, %c0_i32_0 : i32, i32, i32
  }
  func.func @transform_2(%arg0: i32) -> (i32, i32, i32) {
    %c0_i32 = arith.constant 0 : i32
    %c0_i32_0 = arith.constant 0 : i32
    %c0_i32_1 = arith.constant 0 : i32
    return %c0_i32, %arg0, %c0_i32_0 : i32, i32, i32
  }
  func.func @transform_3(%arg0: i32) -> (i32, i32) {
    %c0_i32 = arith.constant 0 : i32
    %c0_i32_0 = arith.constant 0 : i32
    %c0_i32_1 = arith.constant 0 : i32
    return %c0_i32, %c0_i32_0 : i32, i32
  }
  func.func @transform_4(%arg0: i32) -> (i32, i32) {
    %c0_i32 = arith.constant 0 : i32
    %c0_i32_0 = arith.constant 0 : i32
    %c0_i32_1 = arith.constant 0 : i32
    return %c0_i32, %c0_i32_0 : i32, i32
  }
  func.func @transform_5(%arg0: i32) -> (i32, i32) {
    %c0_i32 = arith.constant 0 : i32
    %c0_i32_0 = arith.constant 0 : i32
    %c0_i32_1 = arith.constant 0 : i32
    return %c0_i32, %c0_i32_0 : i32, i32
  }
  func.func @transform_6(%arg0: i32) -> (i32, i32) {
    %c0_i32 = arith.constant 0 : i32
    %c0_i32_0 = arith.constant 0 : i32
    return %arg0, %c0_i32 : i32, i32
  }
}

module attributes {stable_mosaic.version = 14 : i64} {
  func.func @body(%arg0: memref<10000x1xi32, #tpu.memory_space<vmem>>, %arg1: memref<5000x1xi32, #tpu.memory_space<vmem>>, %arg2: memref<10000x1xi32, #tpu.memory_space<vmem>>, %arg3: memref<5000x1xi32, #tpu.memory_space<vmem>>, %arg4: memref<1x64xi32, #tpu.memory_space<vmem>>) attributes {dimension_semantics = [], scalar_prefetch = 0 : i64, scratch_operands = 0 : i64, tpu.core_type = #tpu.core_type<tc>} {
    %iota3A = tpu.iota {dimensions = array<i32: 1>} : vector<1x64xi32>
    %iota3A_0 = tpu.iota {dimensions = array<i32: 0>} : vector<64x64xi32>
    %iota3A_1 = tpu.iota {dimensions = array<i32: 1>} : vector<64x64xi32>
    %lt3A = arith.cmpi slt, %iota3A_0, %iota3A_1 : vector<64x64xi32>
    %get3A = arith.constant 0 : index
    %get3A_2 = arith.constant 0 : index
    %get3A_3 = vector.load %arg0[%get3A, %get3A_2] : memref<10000x1xi32, #tpu.memory_space<vmem>>, vector<10000x1xi32>
    %eq3A = vector.broadcast %get3A_3 : vector<10000x1xi32> to vector<10000x64xi32>
    %eq3A_4 = vector.broadcast %iota3A : vector<1x64xi32> to vector<10000x64xi32>
    %eq3A_5 = arith.cmpi eq, %eq3A, %eq3A_4 : vector<10000x64xi32>
    %convert_element_type3A = arith.extui %eq3A_5 : vector<10000x64xi1> to vector<10000x64xi32>
    %reduce_sum3A = arith.constant dense<0> : vector<64xi32>
    %reduce_sum3A_6 = vector.multi_reduction <add>, %convert_element_type3A, %reduce_sum3A [0] : vector<10000x64xi32> to vector<64xi32>
    %broadcast_in_dim3A = vector.shape_cast %reduce_sum3A_6 : vector<64xi32> to vector<1x64xi32>
    %reshape3A = vector.shape_cast %broadcast_in_dim3A : vector<1x64xi32> to vector<64x1xi32>
    %broadcast_in_dim3A_7 = vector.shape_cast %reshape3A : vector<64x1xi32> to vector<64x1xi32>
    %broadcast_in_dim3A_8 = vector.broadcast %broadcast_in_dim3A_7 : vector<64x1xi32> to vector<64x64xi32>
    %jit3A = arith.constant 0 : i32
    %broadcast_in_dim3A_9 = vector.broadcast %jit3A : i32 to vector<64x64xi32>
    %select_n3A = arith.select %lt3A, %broadcast_in_dim3A_8, %broadcast_in_dim3A_9 : vector<64x64xi1>, vector<64x64xi32>
    %reduce_sum3A_10 = arith.constant dense<0> : vector<64xi32>
    %reduce_sum3A_11 = vector.multi_reduction <add>, %select_n3A, %reduce_sum3A_10 [0] : vector<64x64xi32> to vector<64xi32>
    %broadcast_in_dim3A_12 = vector.shape_cast %reduce_sum3A_11 : vector<64xi32> to vector<1x64xi32>
    %iota3A_13 = tpu.iota {dimensions = array<i32: 0>} : vector<10000x1xi32>
    %jit3A_14 = arith.constant 0 : i32
    %broadcast_in_dim3A_15 = vector.shape_cast %broadcast_in_dim3A_12 : vector<1x64xi32> to vector<1x64xi32>
    %broadcast_in_dim3A_16 = vector.broadcast %broadcast_in_dim3A_15 : vector<1x64xi32> to vector<10000x64xi32>
    %broadcast_in_dim3A_17 = vector.broadcast %jit3A_14 : i32 to vector<10000x64xi32>
    %select_n3A_18 = arith.select %eq3A_5, %broadcast_in_dim3A_16, %broadcast_in_dim3A_17 : vector<10000x64xi1>, vector<10000x64xi32>
    %reduce_sum3A_19 = arith.constant dense<0> : vector<10000xi32>
    %reduce_sum3A_20 = vector.multi_reduction <add>, %select_n3A_18, %reduce_sum3A_19 [1] : vector<10000x64xi32> to vector<10000xi32>
    %broadcast_in_dim3A_21 = vector.shape_cast %reduce_sum3A_20 : vector<10000xi32> to vector<10000x1xi32>
    %sub3A = arith.subi %iota3A_13, %broadcast_in_dim3A_21 : vector<10000x1xi32>
    %lt3A_22 = arith.constant 450 : i32
    %lt3A_23 = vector.broadcast %lt3A_22 : i32 to vector<10000x1xi32>
    %lt3A_24 = arith.cmpi slt, %sub3A, %lt3A_23 : vector<10000x1xi32>
    %mul3A = arith.constant 512 : i32
    %mul3A_25 = vector.broadcast %mul3A : i32 to vector<10000x1xi32>
    %mul3A_26 = arith.muli %get3A_3, %mul3A_25 : vector<10000x1xi32>
    %add3A = arith.addi %mul3A_26, %sub3A : vector<10000x1xi32>
    %jit3A_27 = arith.constant 32768 : i32
    %broadcast_in_dim3A_28 = vector.broadcast %jit3A_27 : i32 to vector<10000x1xi32>
    %select_n3A_29 = arith.select %lt3A_24, %add3A, %broadcast_in_dim3A_28 : vector<10000x1xi1>, vector<10000x1xi32>
    %swap3A = arith.constant 0 : index
    %swap3A_30 = arith.constant 0 : index
    %swap3A_31 = vector.load %arg2[%swap3A, %swap3A_30] : memref<10000x1xi32, #tpu.memory_space<vmem>>, vector<10000x1xi32>
    tpu.vector_store %arg2[%swap3A, %swap3A_30], %select_n3A_29 {strides = array<i32>} : memref<10000x1xi32, #tpu.memory_space<vmem>>, vector<10000x1xi32>,
    %get3A_32 = arith.constant 0 : index
    %get3A_33 = arith.constant 0 : index
    %get3A_34 = vector.load %arg1[%get3A_32, %get3A_33] : memref<5000x1xi32, #tpu.memory_space<vmem>>, vector<5000x1xi32>
    %eq3A_35 = vector.broadcast %get3A_34 : vector<5000x1xi32> to vector<5000x64xi32>
    %eq3A_36 = vector.broadcast %iota3A : vector<1x64xi32> to vector<5000x64xi32>
    %eq3A_37 = arith.cmpi eq, %eq3A_35, %eq3A_36 : vector<5000x64xi32>
    %convert_element_type3A_38 = arith.extui %eq3A_37 : vector<5000x64xi1> to vector<5000x64xi32>
    %reduce_sum3A_39 = arith.constant dense<0> : vector<64xi32>
    %reduce_sum3A_40 = vector.multi_reduction <add>, %convert_element_type3A_38, %reduce_sum3A_39 [0] : vector<5000x64xi32> to vector<64xi32>
    %broadcast_in_dim3A_41 = vector.shape_cast %reduce_sum3A_40 : vector<64xi32> to vector<1x64xi32>
    %reshape3A_42 = vector.shape_cast %broadcast_in_dim3A_41 : vector<1x64xi32> to vector<64x1xi32>
    %broadcast_in_dim3A_43 = vector.shape_cast %reshape3A_42 : vector<64x1xi32> to vector<64x1xi32>
    %broadcast_in_dim3A_44 = vector.broadcast %broadcast_in_dim3A_43 : vector<64x1xi32> to vector<64x64xi32>
    %jit3A_45 = arith.constant 0 : i32
    %broadcast_in_dim3A_46 = vector.broadcast %jit3A_45 : i32 to vector<64x64xi32>
    %select_n3A_47 = arith.select %lt3A, %broadcast_in_dim3A_44, %broadcast_in_dim3A_46 : vector<64x64xi1>, vector<64x64xi32>
    %reduce_sum3A_48 = arith.constant dense<0> : vector<64xi32>
    %reduce_sum3A_49 = vector.multi_reduction <add>, %select_n3A_47, %reduce_sum3A_48 [0] : vector<64x64xi32> to vector<64xi32>
    %broadcast_in_dim3A_50 = vector.shape_cast %reduce_sum3A_49 : vector<64xi32> to vector<1x64xi32>
    %iota3A_51 = tpu.iota {dimensions = array<i32: 0>} : vector<5000x1xi32>
    %sub3A_52 = arith.subi %broadcast_in_dim3A_50, %broadcast_in_dim3A : vector<1x64xi32>
    %jit3A_53 = arith.constant 0 : i32
    %broadcast_in_dim3A_54 = vector.shape_cast %sub3A_52 : vector<1x64xi32> to vector<1x64xi32>
    %broadcast_in_dim3A_55 = vector.broadcast %broadcast_in_dim3A_54 : vector<1x64xi32> to vector<5000x64xi32>
    %broadcast_in_dim3A_56 = vector.broadcast %jit3A_53 : i32 to vector<5000x64xi32>
    %select_n3A_57 = arith.select %eq3A_37, %broadcast_in_dim3A_55, %broadcast_in_dim3A_56 : vector<5000x64xi1>, vector<5000x64xi32>
    %reduce_sum3A_58 = arith.constant dense<0> : vector<5000xi32>
    %reduce_sum3A_59 = vector.multi_reduction <add>, %select_n3A_57, %reduce_sum3A_58 [1] : vector<5000x64xi32> to vector<5000xi32>
    %broadcast_in_dim3A_60 = vector.shape_cast %reduce_sum3A_59 : vector<5000xi32> to vector<5000x1xi32>
    %sub3A_61 = arith.subi %iota3A_51, %broadcast_in_dim3A_60 : vector<5000x1xi32>
    %lt3A_62 = arith.constant 450 : i32
    %lt3A_63 = vector.broadcast %lt3A_62 : i32 to vector<5000x1xi32>
    %lt3A_64 = arith.cmpi slt, %sub3A_61, %lt3A_63 : vector<5000x1xi32>
    %mul3A_65 = arith.constant 512 : i32
    %mul3A_66 = vector.broadcast %mul3A_65 : i32 to vector<5000x1xi32>
    %mul3A_67 = arith.muli %get3A_34, %mul3A_66 : vector<5000x1xi32>
    %add3A_68 = arith.addi %mul3A_67, %sub3A_61 : vector<5000x1xi32>
    %jit3A_69 = arith.constant 32768 : i32
    %broadcast_in_dim3A_70 = vector.broadcast %jit3A_69 : i32 to vector<5000x1xi32>
    %select_n3A_71 = arith.select %lt3A_64, %add3A_68, %broadcast_in_dim3A_70 : vector<5000x1xi1>, vector<5000x1xi32>
    %swap3A_72 = arith.constant 0 : index
    %swap3A_73 = arith.constant 0 : index
    %swap3A_74 = vector.load %arg3[%swap3A_72, %swap3A_73] : memref<5000x1xi32, #tpu.memory_space<vmem>>, vector<5000x1xi32>
    tpu.vector_store %arg3[%swap3A_72, %swap3A_73], %select_n3A_71 {strides = array<i32>} : memref<5000x1xi32, #tpu.memory_space<vmem>>, vector<5000x1xi32>,
    %add3A_75 = arith.addi %broadcast_in_dim3A, %broadcast_in_dim3A_41 : vector<1x64xi32>
    %swap3A_76 = arith.constant 0 : index
    %swap3A_77 = arith.constant 0 : index
    %swap3A_78 = vector.load %arg4[%swap3A_76, %swap3A_77] : memref<1x64xi32, #tpu.memory_space<vmem>>, vector<1x64xi32>
    tpu.vector_store %arg4[%swap3A_76, %swap3A_77], %add3A_75 {strides = array<i32>} : memref<1x64xi32, #tpu.memory_space<vmem>>, vector<1x64xi32>,
    return
  }
}

module attributes {stable_mosaic.version = 14 : i64} {
  func.func @body(%arg0: i32, %arg1: memref<1000x128xf32, #tpu.memory_space<vmem>>, %arg2: memref<2x1000x128xf32, #tpu.memory_space<vmem>>, %arg3: memref<2x1000x16xf32, #tpu.memory_space<vmem>>, %arg4: memref<128x256xf32, #tpu.memory_space<vmem>>, %arg5: memref<1x256xf32, #tpu.memory_space<vmem>>, %arg6: memref<128x256xf32, #tpu.memory_space<vmem>>, %arg7: memref<1000x256xf32, #tpu.memory_space<vmem>>) attributes {dimension_semantics = [#tpu.dimension_semantics<arbitrary>], iteration_bounds = array<i64: 10>, scalar_prefetch = 0 : i64, scratch_operands = 0 : i64, tpu.core_type = #tpu.core_type<tc>, window_params = [{transform_indices = @transform_0, window_bounds = array<i64: 1000, 128>}, {transform_indices = @transform_1, window_bounds = array<i64: 2, 1000, 128>}, {transform_indices = @transform_2, window_bounds = array<i64: 2, 1000, 16>}, {pipeline_mode = #tpu.pipeline_mode<synchronous>, transform_indices = @transform_3, window_bounds = array<i64: 128, 256>}, {pipeline_mode = #tpu.pipeline_mode<synchronous>, transform_indices = @transform_4, window_bounds = array<i64: 1, 256>}, {pipeline_mode = #tpu.pipeline_mode<synchronous>, transform_indices = @transform_5, window_bounds = array<i64: 128, 256>}, {transform_indices = @transform_6, window_bounds = array<i64: 1000, 256>}]} {
    %get3A = arith.constant 0 : index
    %get3A_0 = arith.constant 0 : index
    %get3A_1 = arith.constant 0 : index
    %get3A_2 = vector.load %arg3[%get3A, %get3A_0, %get3A_1] : memref<2x1000x16xf32, #tpu.memory_space<vmem>>, vector<1x1000x1xf32>
    %get3A_3 = vector.shape_cast %get3A_2 : vector<1x1000x1xf32> to vector<1000x1xf32>
    %get3A_4 = arith.constant 1 : index
    %get3A_5 = arith.constant 0 : index
    %get3A_6 = arith.constant 0 : index
    %get3A_7 = vector.load %arg3[%get3A_4, %get3A_5, %get3A_6] : memref<2x1000x16xf32, #tpu.memory_space<vmem>>, vector<1x1000x1xf32>
    %get3A_8 = vector.shape_cast %get3A_7 : vector<1x1000x1xf32> to vector<1000x1xf32>
    %add3A = arith.addf %get3A_3, %get3A_8 : vector<1000x1xf32>
    %max3A = arith.constant 1.000000e+00 : f32
    %max3A_9 = vector.broadcast %max3A : f32 to vector<1000x1xf32>
    %max3A_10 = arith.maximumf %add3A, %max3A_9 : vector<1000x1xf32>
    %get3A_11 = arith.constant 0 : index
    %get3A_12 = arith.constant 0 : index
    %get3A_13 = arith.constant 0 : index
    %get3A_14 = vector.load %arg2[%get3A_11, %get3A_12, %get3A_13] : memref<2x1000x128xf32, #tpu.memory_space<vmem>>, vector<1x1000x128xf32>
    %get3A_15 = vector.shape_cast %get3A_14 : vector<1x1000x128xf32> to vector<1000x128xf32>
    %get3A_16 = arith.constant 1 : index
    %get3A_17 = arith.constant 0 : index
    %get3A_18 = arith.constant 0 : index
    %get3A_19 = vector.load %arg2[%get3A_16, %get3A_17, %get3A_18] : memref<2x1000x128xf32, #tpu.memory_space<vmem>>, vector<1x1000x128xf32>
    %get3A_20 = vector.shape_cast %get3A_19 : vector<1x1000x128xf32> to vector<1000x128xf32>
    %add3A_21 = arith.addf %get3A_15, %get3A_20 : vector<1000x128xf32>
    %div3A = vector.broadcast %max3A_10 : vector<1000x1xf32> to vector<1000x128xf32>
    %div3A_22 = arith.divf %add3A_21, %div3A : vector<1000x128xf32>
    %get3A_23 = arith.constant 0 : index
    %get3A_24 = arith.constant 0 : index
    %get3A_25 = vector.load %arg1[%get3A_23, %get3A_24] : memref<1000x128xf32, #tpu.memory_space<vmem>>, vector<1000x128xf32>
    %get3A_26 = arith.constant 0 : index
    %get3A_27 = arith.constant 0 : index
    %get3A_28 = vector.load %arg4[%get3A_26, %get3A_27] : memref<128x256xf32, #tpu.memory_space<vmem>>, vector<128x256xf32>
    %dot_general3A = arith.constant dense<0.000000e+00> : vector<1000x256xf32>
    %dot_general3A_29 = tpu.matmul %get3A_25, %get3A_28, %dot_general3A {dimension_numbers = #tpu.dot_dimension_numbers<[1], [0], [0], [1], [0, 0, 1, 1], [], []>, transpose_lhs_hint = false} : vector<1000x128xf32>, vector<128x256xf32>, vector<1000x256xf32> -> vector<1000x256xf32>
    %get3A_30 = arith.constant 0 : index
    %get3A_31 = arith.constant 0 : index
    %get3A_32 = vector.load %arg6[%get3A_30, %get3A_31] : memref<128x256xf32, #tpu.memory_space<vmem>>, vector<128x256xf32>
    %dot_general3A_33 = arith.constant dense<0.000000e+00> : vector<1000x256xf32>
    %dot_general3A_34 = tpu.matmul %div3A_22, %get3A_32, %dot_general3A_33 {dimension_numbers = #tpu.dot_dimension_numbers<[1], [0], [0], [1], [0, 0, 1, 1], [], []>, transpose_lhs_hint = false} : vector<1000x128xf32>, vector<128x256xf32>, vector<1000x256xf32> -> vector<1000x256xf32>
    %add3A_35 = arith.addf %dot_general3A_29, %dot_general3A_34 : vector<1000x256xf32>
    %get3A_36 = arith.constant 0 : index
    %get3A_37 = arith.constant 0 : index
    %get3A_38 = vector.load %arg5[%get3A_36, %get3A_37] : memref<1x256xf32, #tpu.memory_space<vmem>>, vector<1x256xf32>
    %add3A_39 = vector.broadcast %get3A_38 : vector<1x256xf32> to vector<1000x256xf32>
    %add3A_40 = arith.addf %add3A_35, %add3A_39 : vector<1000x256xf32>
    %max3A_41 = arith.constant 0.000000e+00 : f32
    %max3A_42 = vector.broadcast %max3A_41 : f32 to vector<1000x256xf32>
    %max3A_43 = arith.maximumf %add3A_40, %max3A_42 : vector<1000x256xf32>
    %swap3A = arith.constant 0 : index
    %swap3A_44 = arith.constant 0 : index
    %swap3A_45 = vector.load %arg7[%swap3A, %swap3A_44] : memref<1000x256xf32, #tpu.memory_space<vmem>>, vector<1000x256xf32>
    tpu.vector_store %arg7[%swap3A, %swap3A_44], %max3A_43 {strides = array<i32>} : memref<1000x256xf32, #tpu.memory_space<vmem>>, vector<1000x256xf32>,
    return
  }
  func.func @transform_0(%arg0: i32) -> (i32, i32) {
    %c0_i32 = arith.constant 0 : i32
    %c0_i32_0 = arith.constant 0 : i32
    return %arg0, %c0_i32 : i32, i32
  }
  func.func @transform_1(%arg0: i32) -> (i32, i32, i32) {
    %c0_i32 = arith.constant 0 : i32
    %c0_i32_0 = arith.constant 0 : i32
    %c0_i32_1 = arith.constant 0 : i32
    return %c0_i32, %arg0, %c0_i32_0 : i32, i32, i32
  }
  func.func @transform_2(%arg0: i32) -> (i32, i32, i32) {
    %c0_i32 = arith.constant 0 : i32
    %c0_i32_0 = arith.constant 0 : i32
    %c0_i32_1 = arith.constant 0 : i32
    return %c0_i32, %arg0, %c0_i32_0 : i32, i32, i32
  }
  func.func @transform_3(%arg0: i32) -> (i32, i32) {
    %c0_i32 = arith.constant 0 : i32
    %c0_i32_0 = arith.constant 0 : i32
    %c0_i32_1 = arith.constant 0 : i32
    return %c0_i32, %c0_i32_0 : i32, i32
  }
  func.func @transform_4(%arg0: i32) -> (i32, i32) {
    %c0_i32 = arith.constant 0 : i32
    %c0_i32_0 = arith.constant 0 : i32
    %c0_i32_1 = arith.constant 0 : i32
    return %c0_i32, %c0_i32_0 : i32, i32
  }
  func.func @transform_5(%arg0: i32) -> (i32, i32) {
    %c0_i32 = arith.constant 0 : i32
    %c0_i32_0 = arith.constant 0 : i32
    %c0_i32_1 = arith.constant 0 : i32
    return %c0_i32, %c0_i32_0 : i32, i32
  }
  func.func @transform_6(%arg0: i32) -> (i32, i32) {
    %c0_i32 = arith.constant 0 : i32
    %c0_i32_0 = arith.constant 0 : i32
    return %arg0, %c0_i32 : i32, i32
  }
}

module attributes {stable_mosaic.version = 14 : i64} {
  func.func @body(%arg0: i32, %arg1: memref<1000x128xf32, #tpu.memory_space<vmem>>, %arg2: memref<2x1000x128xf32, #tpu.memory_space<vmem>>, %arg3: memref<2x1000x16xf32, #tpu.memory_space<vmem>>, %arg4: memref<128x256xf32, #tpu.memory_space<vmem>>, %arg5: memref<1x256xf32, #tpu.memory_space<vmem>>, %arg6: memref<128x256xf32, #tpu.memory_space<vmem>>, %arg7: memref<1000x256xf32, #tpu.memory_space<vmem>>) attributes {dimension_semantics = [#tpu.dimension_semantics<arbitrary>], iteration_bounds = array<i64: 5>, scalar_prefetch = 0 : i64, scratch_operands = 0 : i64, tpu.core_type = #tpu.core_type<tc>, window_params = [{transform_indices = @transform_0, window_bounds = array<i64: 1000, 128>}, {transform_indices = @transform_1, window_bounds = array<i64: 2, 1000, 128>}, {transform_indices = @transform_2, window_bounds = array<i64: 2, 1000, 16>}, {pipeline_mode = #tpu.pipeline_mode<synchronous>, transform_indices = @transform_3, window_bounds = array<i64: 128, 256>}, {pipeline_mode = #tpu.pipeline_mode<synchronous>, transform_indices = @transform_4, window_bounds = array<i64: 1, 256>}, {pipeline_mode = #tpu.pipeline_mode<synchronous>, transform_indices = @transform_5, window_bounds = array<i64: 128, 256>}, {transform_indices = @transform_6, window_bounds = array<i64: 1000, 256>}]} {
    %get3A = arith.constant 0 : index
    %get3A_0 = arith.constant 0 : index
    %get3A_1 = arith.constant 0 : index
    %get3A_2 = vector.load %arg3[%get3A, %get3A_0, %get3A_1] : memref<2x1000x16xf32, #tpu.memory_space<vmem>>, vector<1x1000x1xf32>
    %get3A_3 = vector.shape_cast %get3A_2 : vector<1x1000x1xf32> to vector<1000x1xf32>
    %get3A_4 = arith.constant 1 : index
    %get3A_5 = arith.constant 0 : index
    %get3A_6 = arith.constant 0 : index
    %get3A_7 = vector.load %arg3[%get3A_4, %get3A_5, %get3A_6] : memref<2x1000x16xf32, #tpu.memory_space<vmem>>, vector<1x1000x1xf32>
    %get3A_8 = vector.shape_cast %get3A_7 : vector<1x1000x1xf32> to vector<1000x1xf32>
    %add3A = arith.addf %get3A_3, %get3A_8 : vector<1000x1xf32>
    %max3A = arith.constant 1.000000e+00 : f32
    %max3A_9 = vector.broadcast %max3A : f32 to vector<1000x1xf32>
    %max3A_10 = arith.maximumf %add3A, %max3A_9 : vector<1000x1xf32>
    %get3A_11 = arith.constant 0 : index
    %get3A_12 = arith.constant 0 : index
    %get3A_13 = arith.constant 0 : index
    %get3A_14 = vector.load %arg2[%get3A_11, %get3A_12, %get3A_13] : memref<2x1000x128xf32, #tpu.memory_space<vmem>>, vector<1x1000x128xf32>
    %get3A_15 = vector.shape_cast %get3A_14 : vector<1x1000x128xf32> to vector<1000x128xf32>
    %get3A_16 = arith.constant 1 : index
    %get3A_17 = arith.constant 0 : index
    %get3A_18 = arith.constant 0 : index
    %get3A_19 = vector.load %arg2[%get3A_16, %get3A_17, %get3A_18] : memref<2x1000x128xf32, #tpu.memory_space<vmem>>, vector<1x1000x128xf32>
    %get3A_20 = vector.shape_cast %get3A_19 : vector<1x1000x128xf32> to vector<1000x128xf32>
    %add3A_21 = arith.addf %get3A_15, %get3A_20 : vector<1000x128xf32>
    %div3A = vector.broadcast %max3A_10 : vector<1000x1xf32> to vector<1000x128xf32>
    %div3A_22 = arith.divf %add3A_21, %div3A : vector<1000x128xf32>
    %get3A_23 = arith.constant 0 : index
    %get3A_24 = arith.constant 0 : index
    %get3A_25 = vector.load %arg1[%get3A_23, %get3A_24] : memref<1000x128xf32, #tpu.memory_space<vmem>>, vector<1000x128xf32>
    %get3A_26 = arith.constant 0 : index
    %get3A_27 = arith.constant 0 : index
    %get3A_28 = vector.load %arg4[%get3A_26, %get3A_27] : memref<128x256xf32, #tpu.memory_space<vmem>>, vector<128x256xf32>
    %dot_general3A = arith.constant dense<0.000000e+00> : vector<1000x256xf32>
    %dot_general3A_29 = tpu.matmul %get3A_25, %get3A_28, %dot_general3A {dimension_numbers = #tpu.dot_dimension_numbers<[1], [0], [0], [1], [0, 0, 1, 1], [], []>, transpose_lhs_hint = false} : vector<1000x128xf32>, vector<128x256xf32>, vector<1000x256xf32> -> vector<1000x256xf32>
    %get3A_30 = arith.constant 0 : index
    %get3A_31 = arith.constant 0 : index
    %get3A_32 = vector.load %arg6[%get3A_30, %get3A_31] : memref<128x256xf32, #tpu.memory_space<vmem>>, vector<128x256xf32>
    %dot_general3A_33 = arith.constant dense<0.000000e+00> : vector<1000x256xf32>
    %dot_general3A_34 = tpu.matmul %div3A_22, %get3A_32, %dot_general3A_33 {dimension_numbers = #tpu.dot_dimension_numbers<[1], [0], [0], [1], [0, 0, 1, 1], [], []>, transpose_lhs_hint = false} : vector<1000x128xf32>, vector<128x256xf32>, vector<1000x256xf32> -> vector<1000x256xf32>
    %add3A_35 = arith.addf %dot_general3A_29, %dot_general3A_34 : vector<1000x256xf32>
    %get3A_36 = arith.constant 0 : index
    %get3A_37 = arith.constant 0 : index
    %get3A_38 = vector.load %arg5[%get3A_36, %get3A_37] : memref<1x256xf32, #tpu.memory_space<vmem>>, vector<1x256xf32>
    %add3A_39 = vector.broadcast %get3A_38 : vector<1x256xf32> to vector<1000x256xf32>
    %add3A_40 = arith.addf %add3A_35, %add3A_39 : vector<1000x256xf32>
    %max3A_41 = arith.constant 0.000000e+00 : f32
    %max3A_42 = vector.broadcast %max3A_41 : f32 to vector<1000x256xf32>
    %max3A_43 = arith.maximumf %add3A_40, %max3A_42 : vector<1000x256xf32>
    %swap3A = arith.constant 0 : index
    %swap3A_44 = arith.constant 0 : index
    %swap3A_45 = vector.load %arg7[%swap3A, %swap3A_44] : memref<1000x256xf32, #tpu.memory_space<vmem>>, vector<1000x256xf32>
    tpu.vector_store %arg7[%swap3A, %swap3A_44], %max3A_43 {strides = array<i32>} : memref<1000x256xf32, #tpu.memory_space<vmem>>, vector<1000x256xf32>,
    return
  }
  func.func @transform_0(%arg0: i32) -> (i32, i32) {
    %c0_i32 = arith.constant 0 : i32
    %c0_i32_0 = arith.constant 0 : i32
    return %arg0, %c0_i32 : i32, i32
  }
  func.func @transform_1(%arg0: i32) -> (i32, i32, i32) {
    %c0_i32 = arith.constant 0 : i32
    %c0_i32_0 = arith.constant 0 : i32
    %c0_i32_1 = arith.constant 0 : i32
    return %c0_i32, %arg0, %c0_i32_0 : i32, i32, i32
  }
  func.func @transform_2(%arg0: i32) -> (i32, i32, i32) {
    %c0_i32 = arith.constant 0 : i32
    %c0_i32_0 = arith.constant 0 : i32
    %c0_i32_1 = arith.constant 0 : i32
    return %c0_i32, %arg0, %c0_i32_0 : i32, i32, i32
  }
  func.func @transform_3(%arg0: i32) -> (i32, i32) {
    %c0_i32 = arith.constant 0 : i32
    %c0_i32_0 = arith.constant 0 : i32
    %c0_i32_1 = arith.constant 0 : i32
    return %c0_i32, %c0_i32_0 : i32, i32
  }
  func.func @transform_4(%arg0: i32) -> (i32, i32) {
    %c0_i32 = arith.constant 0 : i32
    %c0_i32_0 = arith.constant 0 : i32
    %c0_i32_1 = arith.constant 0 : i32
    return %c0_i32, %c0_i32_0 : i32, i32
  }
  func.func @transform_5(%arg0: i32) -> (i32, i32) {
    %c0_i32 = arith.constant 0 : i32
    %c0_i32_0 = arith.constant 0 : i32
    %c0_i32_1 = arith.constant 0 : i32
    return %c0_i32, %c0_i32_0 : i32, i32
  }
  func.func @transform_6(%arg0: i32) -> (i32, i32) {
    %c0_i32 = arith.constant 0 : i32
    %c0_i32_0 = arith.constant 0 : i32
    return %arg0, %c0_i32 : i32, i32
  }
}

module attributes {stable_mosaic.version = 14 : i64} {
  func.func @body(%arg0: i32, %arg1: memref<1x64xi32, #tpu.memory_space<smem>>, %arg2: memref<512x256xf32, #tpu.memory_space<vmem>>, %arg3: memref<75x256xf32, #tpu.memory_space<vmem>>, %arg4: memref<1x256xf32, #tpu.memory_space<vmem>>, %arg5: memref<256x256xf32, #tpu.memory_space<vmem>>, %arg6: memref<256x256xf32, #tpu.memory_space<vmem>>, %arg7: memref<256x256xf32, #tpu.memory_space<vmem>>, %arg8: memref<256x256xf32, #tpu.memory_space<vmem>>, %arg9: memref<256x256xf32, #tpu.memory_space<vmem>>, %arg10: memref<256x256xf32, #tpu.memory_space<vmem>>, %arg11: memref<256x256xf32, #tpu.memory_space<vmem>>, %arg12: memref<256x256xf32, #tpu.memory_space<vmem>>, %arg13: memref<256x256xf32, #tpu.memory_space<vmem>>, %arg14: memref<256x256xf32, #tpu.memory_space<vmem>>, %arg15: memref<256x256xf32, #tpu.memory_space<vmem>>, %arg16: memref<256x256xf32, #tpu.memory_space<vmem>>, %arg17: memref<256x1xf32, #tpu.memory_space<vmem>>, %arg18: memref<1x1xf32, #tpu.memory_space<vmem>>, %arg19: memref<1x8x128xf32, #tpu.memory_space<vmem>>) attributes {dimension_semantics = [#tpu.dimension_semantics<arbitrary>], iteration_bounds = array<i64: 64>, scalar_prefetch = 0 : i64, scratch_operands = 0 : i64, tpu.core_type = #tpu.core_type<tc>, window_params = [{transform_indices = @transform_0, window_bounds = array<i64: 1, 64>}, {transform_indices = @transform_1, window_bounds = array<i64: 512, 256>}, {pipeline_mode = #tpu.pipeline_mode<synchronous>, transform_indices = @transform_2, window_bounds = array<i64: 75, 256>}, {pipeline_mode = #tpu.pipeline_mode<synchronous>, transform_indices = @transform_3, window_bounds = array<i64: 1, 256>}, {pipeline_mode = #tpu.pipeline_mode<synchronous>, transform_indices = @transform_4, window_bounds = array<i64: 256, 256>}, {pipeline_mode = #tpu.pipeline_mode<synchronous>, transform_indices = @transform_5, window_bounds = array<i64: 256, 256>}, {pipeline_mode = #tpu.pipeline_mode<synchronous>, transform_indices = @transform_6, window_bounds = array<i64: 256, 256>}, {pipeline_mode = #tpu.pipeline_mode<synchronous>, transform_indices = @transform_7, window_bounds = array<i64: 256, 256>}, {pipeline_mode = #tpu.pipeline_mode<synchronous>, transform_indices = @transform_8, window_bounds = array<i64: 256, 256>}, {pipeline_mode = #tpu.pipeline_mode<synchronous>, transform_indices = @transform_9, window_bounds = array<i64: 256, 256>}, {pipeline_mode = #tpu.pipeline_mode<synchronous>, transform_indices = @transform_10, window_bounds = array<i64: 256, 256>}, {pipeline_mode = #tpu.pipeline_mode<synchronous>, transform_indices = @transform_11, window_bounds = array<i64: 256, 256>}, {pipeline_mode = #tpu.pipeline_mode<synchronous>, transform_indices = @transform_12, window_bounds = array<i64: 256, 256>}, {pipeline_mode = #tpu.pipeline_mode<synchronous>, transform_indices = @transform_13, window_bounds = array<i64: 256, 256>}, {pipeline_mode = #tpu.pipeline_mode<synchronous>, transform_indices = @transform_14, window_bounds = array<i64: 256, 256>}, {pipeline_mode = #tpu.pipeline_mode<synchronous>, transform_indices = @transform_15, window_bounds = array<i64: 256, 256>}, {pipeline_mode = #tpu.pipeline_mode<synchronous>, transform_indices = @transform_16, window_bounds = array<i64: 256, 1>}, {pipeline_mode = #tpu.pipeline_mode<synchronous>, transform_indices = @transform_17, window_bounds = array<i64: 1, 1>}, {transform_indices = @transform_18, window_bounds = array<i64: 1, 8, 128>}]} {
    %get3A = arith.constant 0 : index
    %get3A_0 = arith.index_cast %arg0 : i32 to index
    %get3A_1 = memref.load %arg1[%get3A, %get3A_0] : memref<1x64xi32, #tpu.memory_space<smem>>
    %min3A = arith.constant 450 : i32
    %min3A_2 = arith.minsi %get3A_1, %min3A : i32
    %iota3A = tpu.iota {dimensions = array<i32: 0>} : vector<512x1xi32>
    %lt3A = vector.broadcast %min3A_2 : i32 to vector<512x1xi32>
    %lt3A_3 = arith.cmpi slt, %iota3A, %lt3A : vector<512x1xi32>
    %get3A_4 = arith.constant 0 : index
    %get3A_5 = arith.constant 0 : index
    %get3A_6 = vector.load %arg2[%get3A_4, %get3A_5] : memref<512x256xf32, #tpu.memory_space<vmem>>, vector<512x256xf32>
    %jit3A = arith.constant 0.000000e+00 : f32
    %broadcast_in_dim3A = vector.shape_cast %lt3A_3 : vector<512x1xi1> to vector<512x1xi1>
    %broadcast_in_dim3A_7 = vector.broadcast %broadcast_in_dim3A : vector<512x1xi1> to vector<512x256xi1>
    %broadcast_in_dim3A_8 = vector.broadcast %jit3A : f32 to vector<512x256xf32>
    %select_n3A = arith.select %broadcast_in_dim3A_7, %get3A_6, %broadcast_in_dim3A_8 : vector<512x256xi1>, vector<512x256xf32>
    %get3A_9 = arith.constant 0 : index
    %get3A_10 = arith.constant 0 : index
    %get3A_11 = vector.load %arg3[%get3A_9, %get3A_10] : memref<75x256xf32, #tpu.memory_space<vmem>>, vector<75x256xf32>
    %get3A_12 = arith.constant 0 : index
    %get3A_13 = arith.constant 0 : index
    %get3A_14 = vector.load %arg5[%get3A_12, %get3A_13] : memref<256x256xf32, #tpu.memory_space<vmem>>, vector<256x256xf32>
    %get3A_15 = arith.constant 0 : index
    %get3A_16 = arith.constant 0 : index
    %get3A_17 = vector.load %arg6[%get3A_15, %get3A_16] : memref<256x256xf32, #tpu.memory_space<vmem>>, vector<256x256xf32>
    %get3A_18 = arith.constant 0 : index
    %get3A_19 = arith.constant 0 : index
    %get3A_20 = vector.load %arg7[%get3A_18, %get3A_19] : memref<256x256xf32, #tpu.memory_space<vmem>>, vector<256x256xf32>
    %get3A_21 = arith.constant 0 : index
    %get3A_22 = arith.constant 0 : index
    %get3A_23 = vector.load %arg8[%get3A_21, %get3A_22] : memref<256x256xf32, #tpu.memory_space<vmem>>, vector<256x256xf32>
    %dot_general3A = arith.constant dense<0.000000e+00> : vector<75x256xf32>
    %dot_general3A_24 = tpu.matmul %get3A_11, %get3A_14, %dot_general3A {dimension_numbers = #tpu.dot_dimension_numbers<[1], [0], [0], [1], [0, 0, 1, 1], [], []>, transpose_lhs_hint = false} : vector<75x256xf32>, vector<256x256xf32>, vector<75x256xf32> -> vector<75x256xf32>
    %dot_general3A_25 = arith.constant dense<0.000000e+00> : vector<512x256xf32>
    %dot_general3A_26 = tpu.matmul %select_n3A, %get3A_17, %dot_general3A_25 {dimension_numbers = #tpu.dot_dimension_numbers<[1], [0], [0], [1], [0, 0, 1, 1], [], []>, transpose_lhs_hint = false} : vector<512x256xf32>, vector<256x256xf32>, vector<512x256xf32> -> vector<512x256xf32>
    %dot_general3A_27 = arith.constant dense<0.000000e+00> : vector<512x256xf32>
    %dot_general3A_28 = tpu.matmul %select_n3A, %get3A_20, %dot_general3A_27 {dimension_numbers = #tpu.dot_dimension_numbers<[1], [0], [0], [1], [0, 0, 1, 1], [], []>, transpose_lhs_hint = false} : vector<512x256xf32>, vector<256x256xf32>, vector<512x256xf32> -> vector<512x256xf32>
    %slice3A = vector.extract_strided_slice %dot_general3A_24 {offsets = [0, 0], sizes = [75, 64], strides = [1, 1]} : vector<75x256xf32> to vector<75x64xf32>
    %slice3A_29 = vector.extract_strided_slice %dot_general3A_26 {offsets = [0, 0], sizes = [512, 64], strides = [1, 1]} : vector<512x256xf32> to vector<512x64xf32>
    %slice3A_30 = vector.extract_strided_slice %dot_general3A_28 {offsets = [0, 0], sizes = [512, 64], strides = [1, 1]} : vector<512x256xf32> to vector<512x64xf32>
    %dot_general3A_31 = arith.constant dense<0.000000e+00> : vector<75x512xf32>
    %dot_general3A_32 = tpu.matmul %slice3A, %slice3A_29, %dot_general3A_31 {dimension_numbers = #tpu.dot_dimension_numbers<[1], [1], [0], [0], [0, 0, 1, 0], [], []>, transpose_lhs_hint = false} : vector<75x64xf32>, vector<512x64xf32>, vector<75x512xf32> -> vector<75x512xf32>
    %mul3A = arith.constant 1.250000e-01 : f32
    %mul3A_33 = vector.broadcast %mul3A : f32 to vector<75x512xf32>
    %mul3A_34 = arith.mulf %dot_general3A_32, %mul3A_33 : vector<75x512xf32>
    %iota3A_35 = tpu.iota {dimensions = array<i32: 1>} : vector<75x512xi32>
    %lt3A_36 = vector.broadcast %min3A_2 : i32 to vector<75x512xi32>
    %lt3A_37 = arith.cmpi slt, %iota3A_35, %lt3A_36 : vector<75x512xi32>
    %jit3A_38 = arith.constant -1.000000e+09 : f32
    %broadcast_in_dim3A_39 = vector.broadcast %jit3A_38 : f32 to vector<75x512xf32>
    %select_n3A_40 = arith.select %lt3A_37, %mul3A_34, %broadcast_in_dim3A_39 : vector<75x512xi1>, vector<75x512xf32>
    %reduce_max3A = arith.constant dense<0xFF800000> : vector<75xf32>
    %reduce_max3A_41 = vector.multi_reduction <maximumf>, %select_n3A_40, %reduce_max3A [1] : vector<75x512xf32> to vector<75xf32>
    %broadcast_in_dim3A_42 = vector.shape_cast %reduce_max3A_41 : vector<75xf32> to vector<75x1xf32>
    %sub3A = vector.broadcast %broadcast_in_dim3A_42 : vector<75x1xf32> to vector<75x512xf32>
    %sub3A_43 = arith.subf %select_n3A_40, %sub3A : vector<75x512xf32>
    %exp3A = math.exp %sub3A_43 : vector<75x512xf32>
    %reduce_sum3A = arith.constant dense<0.000000e+00> : vector<75xf32>
    %reduce_sum3A_44 = vector.multi_reduction <add>, %exp3A, %reduce_sum3A [1] : vector<75x512xf32> to vector<75xf32>
    %broadcast_in_dim3A_45 = vector.shape_cast %reduce_sum3A_44 : vector<75xf32> to vector<75x1xf32>
    %div3A = vector.broadcast %broadcast_in_dim3A_45 : vector<75x1xf32> to vector<75x512xf32>
    %div3A_46 = arith.divf %exp3A, %div3A : vector<75x512xf32>
    %dot_general3A_47 = arith.constant dense<0.000000e+00> : vector<75x64xf32>
    %dot_general3A_48 = tpu.matmul %div3A_46, %slice3A_30, %dot_general3A_47 {dimension_numbers = #tpu.dot_dimension_numbers<[1], [0], [0], [1], [0, 0, 1, 1], [], []>, transpose_lhs_hint = false} : vector<75x512xf32>, vector<512x64xf32>, vector<75x64xf32> -> vector<75x64xf32>
    %slice3A_49 = vector.extract_strided_slice %dot_general3A_24 {offsets = [0, 64], sizes = [75, 64], strides = [1, 1]} : vector<75x256xf32> to vector<75x64xf32>
    %slice3A_50 = vector.extract_strided_slice %dot_general3A_26 {offsets = [0, 64], sizes = [512, 64], strides = [1, 1]} : vector<512x256xf32> to vector<512x64xf32>
    %slice3A_51 = vector.extract_strided_slice %dot_general3A_28 {offsets = [0, 64], sizes = [512, 64], strides = [1, 1]} : vector<512x256xf32> to vector<512x64xf32>
    %dot_general3A_52 = arith.constant dense<0.000000e+00> : vector<75x512xf32>
    %dot_general3A_53 = tpu.matmul %slice3A_49, %slice3A_50, %dot_general3A_52 {dimension_numbers = #tpu.dot_dimension_numbers<[1], [1], [0], [0], [0, 0, 1, 0], [], []>, transpose_lhs_hint = false} : vector<75x64xf32>, vector<512x64xf32>, vector<75x512xf32> -> vector<75x512xf32>
    %mul3A_54 = arith.constant 1.250000e-01 : f32
    %mul3A_55 = vector.broadcast %mul3A_54 : f32 to vector<75x512xf32>
    %mul3A_56 = arith.mulf %dot_general3A_53, %mul3A_55 : vector<75x512xf32>
    %iota3A_57 = tpu.iota {dimensions = array<i32: 1>} : vector<75x512xi32>
    %lt3A_58 = vector.broadcast %min3A_2 : i32 to vector<75x512xi32>
    %lt3A_59 = arith.cmpi slt, %iota3A_57, %lt3A_58 : vector<75x512xi32>
    %jit3A_60 = arith.constant -1.000000e+09 : f32
    %broadcast_in_dim3A_61 = vector.broadcast %jit3A_60 : f32 to vector<75x512xf32>
    %select_n3A_62 = arith.select %lt3A_59, %mul3A_56, %broadcast_in_dim3A_61 : vector<75x512xi1>, vector<75x512xf32>
    %reduce_max3A_63 = arith.constant dense<0xFF800000> : vector<75xf32>
    %reduce_max3A_64 = vector.multi_reduction <maximumf>, %select_n3A_62, %reduce_max3A_63 [1] : vector<75x512xf32> to vector<75xf32>
    %broadcast_in_dim3A_65 = vector.shape_cast %reduce_max3A_64 : vector<75xf32> to vector<75x1xf32>
    %sub3A_66 = vector.broadcast %broadcast_in_dim3A_65 : vector<75x1xf32> to vector<75x512xf32>
    %sub3A_67 = arith.subf %select_n3A_62, %sub3A_66 : vector<75x512xf32>
    %exp3A_68 = math.exp %sub3A_67 : vector<75x512xf32>
    %reduce_sum3A_69 = arith.constant dense<0.000000e+00> : vector<75xf32>
    %reduce_sum3A_70 = vector.multi_reduction <add>, %exp3A_68, %reduce_sum3A_69 [1] : vector<75x512xf32> to vector<75xf32>
    %broadcast_in_dim3A_71 = vector.shape_cast %reduce_sum3A_70 : vector<75xf32> to vector<75x1xf32>
    %div3A_72 = vector.broadcast %broadcast_in_dim3A_71 : vector<75x1xf32> to vector<75x512xf32>
    %div3A_73 = arith.divf %exp3A_68, %div3A_72 : vector<75x512xf32>
    %dot_general3A_74 = arith.constant dense<0.000000e+00> : vector<75x64xf32>
    %dot_general3A_75 = tpu.matmul %div3A_73, %slice3A_51, %dot_general3A_74 {dimension_numbers = #tpu.dot_dimension_numbers<[1], [0], [0], [1], [0, 0, 1, 1], [], []>, transpose_lhs_hint = false} : vector<75x512xf32>, vector<512x64xf32>, vector<75x64xf32> -> vector<75x64xf32>
    %slice3A_76 = vector.extract_strided_slice %dot_general3A_24 {offsets = [0, 128], sizes = [75, 64], strides = [1, 1]} : vector<75x256xf32> to vector<75x64xf32>
    %slice3A_77 = vector.extract_strided_slice %dot_general3A_26 {offsets = [0, 128], sizes = [512, 64], strides = [1, 1]} : vector<512x256xf32> to vector<512x64xf32>
    %slice3A_78 = vector.extract_strided_slice %dot_general3A_28 {offsets = [0, 128], sizes = [512, 64], strides = [1, 1]} : vector<512x256xf32> to vector<512x64xf32>
    %dot_general3A_79 = arith.constant dense<0.000000e+00> : vector<75x512xf32>
    %dot_general3A_80 = tpu.matmul %slice3A_76, %slice3A_77, %dot_general3A_79 {dimension_numbers = #tpu.dot_dimension_numbers<[1], [1], [0], [0], [0, 0, 1, 0], [], []>, transpose_lhs_hint = false} : vector<75x64xf32>, vector<512x64xf32>, vector<75x512xf32> -> vector<75x512xf32>
    %mul3A_81 = arith.constant 1.250000e-01 : f32
    %mul3A_82 = vector.broadcast %mul3A_81 : f32 to vector<75x512xf32>
    %mul3A_83 = arith.mulf %dot_general3A_80, %mul3A_82 : vector<75x512xf32>
    %iota3A_84 = tpu.iota {dimensions = array<i32: 1>} : vector<75x512xi32>
    %lt3A_85 = vector.broadcast %min3A_2 : i32 to vector<75x512xi32>
    %lt3A_86 = arith.cmpi slt, %iota3A_84, %lt3A_85 : vector<75x512xi32>
    %jit3A_87 = arith.constant -1.000000e+09 : f32
    %broadcast_in_dim3A_88 = vector.broadcast %jit3A_87 : f32 to vector<75x512xf32>
    %select_n3A_89 = arith.select %lt3A_86, %mul3A_83, %broadcast_in_dim3A_88 : vector<75x512xi1>, vector<75x512xf32>
    %reduce_max3A_90 = arith.constant dense<0xFF800000> : vector<75xf32>
    %reduce_max3A_91 = vector.multi_reduction <maximumf>, %select_n3A_89, %reduce_max3A_90 [1] : vector<75x512xf32> to vector<75xf32>
    %broadcast_in_dim3A_92 = vector.shape_cast %reduce_max3A_91 : vector<75xf32> to vector<75x1xf32>
    %sub3A_93 = vector.broadcast %broadcast_in_dim3A_92 : vector<75x1xf32> to vector<75x512xf32>
    %sub3A_94 = arith.subf %select_n3A_89, %sub3A_93 : vector<75x512xf32>
    %exp3A_95 = math.exp %sub3A_94 : vector<75x512xf32>
    %reduce_sum3A_96 = arith.constant dense<0.000000e+00> : vector<75xf32>
    %reduce_sum3A_97 = vector.multi_reduction <add>, %exp3A_95, %reduce_sum3A_96 [1] : vector<75x512xf32> to vector<75xf32>
    %broadcast_in_dim3A_98 = vector.shape_cast %reduce_sum3A_97 : vector<75xf32> to vector<75x1xf32>
    %div3A_99 = vector.broadcast %broadcast_in_dim3A_98 : vector<75x1xf32> to vector<75x512xf32>
    %div3A_100 = arith.divf %exp3A_95, %div3A_99 : vector<75x512xf32>
    %dot_general3A_101 = arith.constant dense<0.000000e+00> : vector<75x64xf32>
    %dot_general3A_102 = tpu.matmul %div3A_100, %slice3A_78, %dot_general3A_101 {dimension_numbers = #tpu.dot_dimension_numbers<[1], [0], [0], [1], [0, 0, 1, 1], [], []>, transpose_lhs_hint = false} : vector<75x512xf32>, vector<512x64xf32>, vector<75x64xf32> -> vector<75x64xf32>
    %slice3A_103 = vector.extract_strided_slice %dot_general3A_24 {offsets = [0, 192], sizes = [75, 64], strides = [1, 1]} : vector<75x256xf32> to vector<75x64xf32>
    %slice3A_104 = vector.extract_strided_slice %dot_general3A_26 {offsets = [0, 192], sizes = [512, 64], strides = [1, 1]} : vector<512x256xf32> to vector<512x64xf32>
    %slice3A_105 = vector.extract_strided_slice %dot_general3A_28 {offsets = [0, 192], sizes = [512, 64], strides = [1, 1]} : vector<512x256xf32> to vector<512x64xf32>
    %dot_general3A_106 = arith.constant dense<0.000000e+00> : vector<75x512xf32>
    %dot_general3A_107 = tpu.matmul %slice3A_103, %slice3A_104, %dot_general3A_106 {dimension_numbers = #tpu.dot_dimension_numbers<[1], [1], [0], [0], [0, 0, 1, 0], [], []>, transpose_lhs_hint = false} : vector<75x64xf32>, vector<512x64xf32>, vector<75x512xf32> -> vector<75x512xf32>
    %mul3A_108 = arith.constant 1.250000e-01 : f32
    %mul3A_109 = vector.broadcast %mul3A_108 : f32 to vector<75x512xf32>
    %mul3A_110 = arith.mulf %dot_general3A_107, %mul3A_109 : vector<75x512xf32>
    %iota3A_111 = tpu.iota {dimensions = array<i32: 1>} : vector<75x512xi32>
    %lt3A_112 = vector.broadcast %min3A_2 : i32 to vector<75x512xi32>
    %lt3A_113 = arith.cmpi slt, %iota3A_111, %lt3A_112 : vector<75x512xi32>
    %jit3A_114 = arith.constant -1.000000e+09 : f32
    %broadcast_in_dim3A_115 = vector.broadcast %jit3A_114 : f32 to vector<75x512xf32>
    %select_n3A_116 = arith.select %lt3A_113, %mul3A_110, %broadcast_in_dim3A_115 : vector<75x512xi1>, vector<75x512xf32>
    %reduce_max3A_117 = arith.constant dense<0xFF800000> : vector<75xf32>
    %reduce_max3A_118 = vector.multi_reduction <maximumf>, %select_n3A_116, %reduce_max3A_117 [1] : vector<75x512xf32> to vector<75xf32>
    %broadcast_in_dim3A_119 = vector.shape_cast %reduce_max3A_118 : vector<75xf32> to vector<75x1xf32>
    %sub3A_120 = vector.broadcast %broadcast_in_dim3A_119 : vector<75x1xf32> to vector<75x512xf32>
    %sub3A_121 = arith.subf %select_n3A_116, %sub3A_120 : vector<75x512xf32>
    %exp3A_122 = math.exp %sub3A_121 : vector<75x512xf32>
    %reduce_sum3A_123 = arith.constant dense<0.000000e+00> : vector<75xf32>
    %reduce_sum3A_124 = vector.multi_reduction <add>, %exp3A_122, %reduce_sum3A_123 [1] : vector<75x512xf32> to vector<75xf32>
    %broadcast_in_dim3A_125 = vector.shape_cast %reduce_sum3A_124 : vector<75xf32> to vector<75x1xf32>
    %div3A_126 = vector.broadcast %broadcast_in_dim3A_125 : vector<75x1xf32> to vector<75x512xf32>
    %div3A_127 = arith.divf %exp3A_122, %div3A_126 : vector<75x512xf32>
    %dot_general3A_128 = arith.constant dense<0.000000e+00> : vector<75x64xf32>
    %dot_general3A_129 = tpu.matmul %div3A_127, %slice3A_105, %dot_general3A_128 {dimension_numbers = #tpu.dot_dimension_numbers<[1], [0], [0], [1], [0, 0, 1, 1], [], []>, transpose_lhs_hint = false} : vector<75x512xf32>, vector<512x64xf32>, vector<75x64xf32> -> vector<75x64xf32>
    %concatenate3A = tpu.concatenate %dot_general3A_48, %dot_general3A_75, %dot_general3A_102, %dot_general3A_129 in 1 : vector<75x64xf32>, vector<75x64xf32>, vector<75x64xf32>, vector<75x64xf32> -> vector<75x256xf32>
    %dot_general3A_130 = arith.constant dense<0.000000e+00> : vector<75x256xf32>
    %dot_general3A_131 = tpu.matmul %concatenate3A, %get3A_23, %dot_general3A_130 {dimension_numbers = #tpu.dot_dimension_numbers<[1], [0], [0], [1], [0, 0, 1, 1], [], []>, transpose_lhs_hint = false} : vector<75x256xf32>, vector<256x256xf32>, vector<75x256xf32> -> vector<75x256xf32>
    %max3A = arith.constant 0.000000e+00 : f32
    %max3A_132 = vector.broadcast %max3A : f32 to vector<75x256xf32>
    %max3A_133 = arith.maximumf %dot_general3A_131, %max3A_132 : vector<75x256xf32>
    %get3A_134 = arith.constant 0 : index
    %get3A_135 = arith.constant 0 : index
    %get3A_136 = vector.load %arg9[%get3A_134, %get3A_135] : memref<256x256xf32, #tpu.memory_space<vmem>>, vector<256x256xf32>
    %get3A_137 = arith.constant 0 : index
    %get3A_138 = arith.constant 0 : index
    %get3A_139 = vector.load %arg10[%get3A_137, %get3A_138] : memref<256x256xf32, #tpu.memory_space<vmem>>, vector<256x256xf32>
    %get3A_140 = arith.constant 0 : index
    %get3A_141 = arith.constant 0 : index
    %get3A_142 = vector.load %arg11[%get3A_140, %get3A_141] : memref<256x256xf32, #tpu.memory_space<vmem>>, vector<256x256xf32>
    %get3A_143 = arith.constant 0 : index
    %get3A_144 = arith.constant 0 : index
    %get3A_145 = vector.load %arg12[%get3A_143, %get3A_144] : memref<256x256xf32, #tpu.memory_space<vmem>>, vector<256x256xf32>
    %dot_general3A_146 = arith.constant dense<0.000000e+00> : vector<75x256xf32>
    %dot_general3A_147 = tpu.matmul %max3A_133, %get3A_136, %dot_general3A_146 {dimension_numbers = #tpu.dot_dimension_numbers<[1], [0], [0], [1], [0, 0, 1, 1], [], []>, transpose_lhs_hint = false} : vector<75x256xf32>, vector<256x256xf32>, vector<75x256xf32> -> vector<75x256xf32>
    %dot_general3A_148 = arith.constant dense<0.000000e+00> : vector<75x256xf32>
    %dot_general3A_149 = tpu.matmul %max3A_133, %get3A_139, %dot_general3A_148 {dimension_numbers = #tpu.dot_dimension_numbers<[1], [0], [0], [1], [0, 0, 1, 1], [], []>, transpose_lhs_hint = false} : vector<75x256xf32>, vector<256x256xf32>, vector<75x256xf32> -> vector<75x256xf32>
    %dot_general3A_150 = arith.constant dense<0.000000e+00> : vector<75x256xf32>
    %dot_general3A_151 = tpu.matmul %max3A_133, %get3A_142, %dot_general3A_150 {dimension_numbers = #tpu.dot_dimension_numbers<[1], [0], [0], [1], [0, 0, 1, 1], [], []>, transpose_lhs_hint = false} : vector<75x256xf32>, vector<256x256xf32>, vector<75x256xf32> -> vector<75x256xf32>
    %slice3A_152 = vector.extract_strided_slice %dot_general3A_147 {offsets = [0, 0], sizes = [75, 64], strides = [1, 1]} : vector<75x256xf32> to vector<75x64xf32>
    %slice3A_153 = vector.extract_strided_slice %dot_general3A_149 {offsets = [0, 0], sizes = [75, 64], strides = [1, 1]} : vector<75x256xf32> to vector<75x64xf32>
    %slice3A_154 = vector.extract_strided_slice %dot_general3A_151 {offsets = [0, 0], sizes = [75, 64], strides = [1, 1]} : vector<75x256xf32> to vector<75x64xf32>
    %dot_general3A_155 = arith.constant dense<0.000000e+00> : vector<75x75xf32>
    %dot_general3A_156 = tpu.matmul %slice3A_152, %slice3A_153, %dot_general3A_155 {dimension_numbers = #tpu.dot_dimension_numbers<[1], [1], [0], [0], [0, 0, 1, 0], [], []>, transpose_lhs_hint = false} : vector<75x64xf32>, vector<75x64xf32>, vector<75x75xf32> -> vector<75x75xf32>
    %mul3A_157 = arith.constant 1.250000e-01 : f32
    %mul3A_158 = vector.broadcast %mul3A_157 : f32 to vector<75x75xf32>
    %mul3A_159 = arith.mulf %dot_general3A_156, %mul3A_158 : vector<75x75xf32>
    %reduce_max3A_160 = arith.constant dense<0xFF800000> : vector<75xf32>
    %reduce_max3A_161 = vector.multi_reduction <maximumf>, %mul3A_159, %reduce_max3A_160 [1] : vector<75x75xf32> to vector<75xf32>
    %broadcast_in_dim3A_162 = vector.shape_cast %reduce_max3A_161 : vector<75xf32> to vector<75x1xf32>
    %sub3A_163 = vector.broadcast %broadcast_in_dim3A_162 : vector<75x1xf32> to vector<75x75xf32>
    %sub3A_164 = arith.subf %mul3A_159, %sub3A_163 : vector<75x75xf32>
    %exp3A_165 = math.exp %sub3A_164 : vector<75x75xf32>
    %reduce_sum3A_166 = arith.constant dense<0.000000e+00> : vector<75xf32>
    %reduce_sum3A_167 = vector.multi_reduction <add>, %exp3A_165, %reduce_sum3A_166 [1] : vector<75x75xf32> to vector<75xf32>
    %broadcast_in_dim3A_168 = vector.shape_cast %reduce_sum3A_167 : vector<75xf32> to vector<75x1xf32>
    %div3A_169 = vector.broadcast %broadcast_in_dim3A_168 : vector<75x1xf32> to vector<75x75xf32>
    %div3A_170 = arith.divf %exp3A_165, %div3A_169 : vector<75x75xf32>
    %dot_general3A_171 = arith.constant dense<0.000000e+00> : vector<75x64xf32>
    %dot_general3A_172 = tpu.matmul %div3A_170, %slice3A_154, %dot_general3A_171 {dimension_numbers = #tpu.dot_dimension_numbers<[1], [0], [0], [1], [0, 0, 1, 1], [], []>, transpose_lhs_hint = false} : vector<75x75xf32>, vector<75x64xf32>, vector<75x64xf32> -> vector<75x64xf32>
    %slice3A_173 = vector.extract_strided_slice %dot_general3A_147 {offsets = [0, 64], sizes = [75, 64], strides = [1, 1]} : vector<75x256xf32> to vector<75x64xf32>
    %slice3A_174 = vector.extract_strided_slice %dot_general3A_149 {offsets = [0, 64], sizes = [75, 64], strides = [1, 1]} : vector<75x256xf32> to vector<75x64xf32>
    %slice3A_175 = vector.extract_strided_slice %dot_general3A_151 {offsets = [0, 64], sizes = [75, 64], strides = [1, 1]} : vector<75x256xf32> to vector<75x64xf32>
    %dot_general3A_176 = arith.constant dense<0.000000e+00> : vector<75x75xf32>
    %dot_general3A_177 = tpu.matmul %slice3A_173, %slice3A_174, %dot_general3A_176 {dimension_numbers = #tpu.dot_dimension_numbers<[1], [1], [0], [0], [0, 0, 1, 0], [], []>, transpose_lhs_hint = false} : vector<75x64xf32>, vector<75x64xf32>, vector<75x75xf32> -> vector<75x75xf32>
    %mul3A_178 = arith.constant 1.250000e-01 : f32
    %mul3A_179 = vector.broadcast %mul3A_178 : f32 to vector<75x75xf32>
    %mul3A_180 = arith.mulf %dot_general3A_177, %mul3A_179 : vector<75x75xf32>
    %reduce_max3A_181 = arith.constant dense<0xFF800000> : vector<75xf32>
    %reduce_max3A_182 = vector.multi_reduction <maximumf>, %mul3A_180, %reduce_max3A_181 [1] : vector<75x75xf32> to vector<75xf32>
    %broadcast_in_dim3A_183 = vector.shape_cast %reduce_max3A_182 : vector<75xf32> to vector<75x1xf32>
    %sub3A_184 = vector.broadcast %broadcast_in_dim3A_183 : vector<75x1xf32> to vector<75x75xf32>
    %sub3A_185 = arith.subf %mul3A_180, %sub3A_184 : vector<75x75xf32>
    %exp3A_186 = math.exp %sub3A_185 : vector<75x75xf32>
    %reduce_sum3A_187 = arith.constant dense<0.000000e+00> : vector<75xf32>
    %reduce_sum3A_188 = vector.multi_reduction <add>, %exp3A_186, %reduce_sum3A_187 [1] : vector<75x75xf32> to vector<75xf32>
    %broadcast_in_dim3A_189 = vector.shape_cast %reduce_sum3A_188 : vector<75xf32> to vector<75x1xf32>
    %div3A_190 = vector.broadcast %broadcast_in_dim3A_189 : vector<75x1xf32> to vector<75x75xf32>
    %div3A_191 = arith.divf %exp3A_186, %div3A_190 : vector<75x75xf32>
    %dot_general3A_192 = arith.constant dense<0.000000e+00> : vector<75x64xf32>
    %dot_general3A_193 = tpu.matmul %div3A_191, %slice3A_175, %dot_general3A_192 {dimension_numbers = #tpu.dot_dimension_numbers<[1], [0], [0], [1], [0, 0, 1, 1], [], []>, transpose_lhs_hint = false} : vector<75x75xf32>, vector<75x64xf32>, vector<75x64xf32> -> vector<75x64xf32>
    %slice3A_194 = vector.extract_strided_slice %dot_general3A_147 {offsets = [0, 128], sizes = [75, 64], strides = [1, 1]} : vector<75x256xf32> to vector<75x64xf32>
    %slice3A_195 = vector.extract_strided_slice %dot_general3A_149 {offsets = [0, 128], sizes = [75, 64], strides = [1, 1]} : vector<75x256xf32> to vector<75x64xf32>
    %slice3A_196 = vector.extract_strided_slice %dot_general3A_151 {offsets = [0, 128], sizes = [75, 64], strides = [1, 1]} : vector<75x256xf32> to vector<75x64xf32>
    %dot_general3A_197 = arith.constant dense<0.000000e+00> : vector<75x75xf32>
    %dot_general3A_198 = tpu.matmul %slice3A_194, %slice3A_195, %dot_general3A_197 {dimension_numbers = #tpu.dot_dimension_numbers<[1], [1], [0], [0], [0, 0, 1, 0], [], []>, transpose_lhs_hint = false} : vector<75x64xf32>, vector<75x64xf32>, vector<75x75xf32> -> vector<75x75xf32>
    %mul3A_199 = arith.constant 1.250000e-01 : f32
    %mul3A_200 = vector.broadcast %mul3A_199 : f32 to vector<75x75xf32>
    %mul3A_201 = arith.mulf %dot_general3A_198, %mul3A_200 : vector<75x75xf32>
    %reduce_max3A_202 = arith.constant dense<0xFF800000> : vector<75xf32>
    %reduce_max3A_203 = vector.multi_reduction <maximumf>, %mul3A_201, %reduce_max3A_202 [1] : vector<75x75xf32> to vector<75xf32>
    %broadcast_in_dim3A_204 = vector.shape_cast %reduce_max3A_203 : vector<75xf32> to vector<75x1xf32>
    %sub3A_205 = vector.broadcast %broadcast_in_dim3A_204 : vector<75x1xf32> to vector<75x75xf32>
    %sub3A_206 = arith.subf %mul3A_201, %sub3A_205 : vector<75x75xf32>
    %exp3A_207 = math.exp %sub3A_206 : vector<75x75xf32>
    %reduce_sum3A_208 = arith.constant dense<0.000000e+00> : vector<75xf32>
    %reduce_sum3A_209 = vector.multi_reduction <add>, %exp3A_207, %reduce_sum3A_208 [1] : vector<75x75xf32> to vector<75xf32>
    %broadcast_in_dim3A_210 = vector.shape_cast %reduce_sum3A_209 : vector<75xf32> to vector<75x1xf32>
    %div3A_211 = vector.broadcast %broadcast_in_dim3A_210 : vector<75x1xf32> to vector<75x75xf32>
    %div3A_212 = arith.divf %exp3A_207, %div3A_211 : vector<75x75xf32>
    %dot_general3A_213 = arith.constant dense<0.000000e+00> : vector<75x64xf32>
    %dot_general3A_214 = tpu.matmul %div3A_212, %slice3A_196, %dot_general3A_213 {dimension_numbers = #tpu.dot_dimension_numbers<[1], [0], [0], [1], [0, 0, 1, 1], [], []>, transpose_lhs_hint = false} : vector<75x75xf32>, vector<75x64xf32>, vector<75x64xf32> -> vector<75x64xf32>
    %slice3A_215 = vector.extract_strided_slice %dot_general3A_147 {offsets = [0, 192], sizes = [75, 64], strides = [1, 1]} : vector<75x256xf32> to vector<75x64xf32>
    %slice3A_216 = vector.extract_strided_slice %dot_general3A_149 {offsets = [0, 192], sizes = [75, 64], strides = [1, 1]} : vector<75x256xf32> to vector<75x64xf32>
    %slice3A_217 = vector.extract_strided_slice %dot_general3A_151 {offsets = [0, 192], sizes = [75, 64], strides = [1, 1]} : vector<75x256xf32> to vector<75x64xf32>
    %dot_general3A_218 = arith.constant dense<0.000000e+00> : vector<75x75xf32>
    %dot_general3A_219 = tpu.matmul %slice3A_215, %slice3A_216, %dot_general3A_218 {dimension_numbers = #tpu.dot_dimension_numbers<[1], [1], [0], [0], [0, 0, 1, 0], [], []>, transpose_lhs_hint = false} : vector<75x64xf32>, vector<75x64xf32>, vector<75x75xf32> -> vector<75x75xf32>
    %mul3A_220 = arith.constant 1.250000e-01 : f32
    %mul3A_221 = vector.broadcast %mul3A_220 : f32 to vector<75x75xf32>
    %mul3A_222 = arith.mulf %dot_general3A_219, %mul3A_221 : vector<75x75xf32>
    %reduce_max3A_223 = arith.constant dense<0xFF800000> : vector<75xf32>
    %reduce_max3A_224 = vector.multi_reduction <maximumf>, %mul3A_222, %reduce_max3A_223 [1] : vector<75x75xf32> to vector<75xf32>
    %broadcast_in_dim3A_225 = vector.shape_cast %reduce_max3A_224 : vector<75xf32> to vector<75x1xf32>
    %sub3A_226 = vector.broadcast %broadcast_in_dim3A_225 : vector<75x1xf32> to vector<75x75xf32>
    %sub3A_227 = arith.subf %mul3A_222, %sub3A_226 : vector<75x75xf32>
    %exp3A_228 = math.exp %sub3A_227 : vector<75x75xf32>
    %reduce_sum3A_229 = arith.constant dense<0.000000e+00> : vector<75xf32>
    %reduce_sum3A_230 = vector.multi_reduction <add>, %exp3A_228, %reduce_sum3A_229 [1] : vector<75x75xf32> to vector<75xf32>
    %broadcast_in_dim3A_231 = vector.shape_cast %reduce_sum3A_230 : vector<75xf32> to vector<75x1xf32>
    %div3A_232 = vector.broadcast %broadcast_in_dim3A_231 : vector<75x1xf32> to vector<75x75xf32>
    %div3A_233 = arith.divf %exp3A_228, %div3A_232 : vector<75x75xf32>
    %dot_general3A_234 = arith.constant dense<0.000000e+00> : vector<75x64xf32>
    %dot_general3A_235 = tpu.matmul %div3A_233, %slice3A_217, %dot_general3A_234 {dimension_numbers = #tpu.dot_dimension_numbers<[1], [0], [0], [1], [0, 0, 1, 1], [], []>, transpose_lhs_hint = false} : vector<75x75xf32>, vector<75x64xf32>, vector<75x64xf32> -> vector<75x64xf32>
    %concatenate3A_236 = tpu.concatenate %dot_general3A_172, %dot_general3A_193, %dot_general3A_214, %dot_general3A_235 in 1 : vector<75x64xf32>, vector<75x64xf32>, vector<75x64xf32>, vector<75x64xf32> -> vector<75x256xf32>
    %dot_general3A_237 = arith.constant dense<0.000000e+00> : vector<75x256xf32>
    %dot_general3A_238 = tpu.matmul %concatenate3A_236, %get3A_145, %dot_general3A_237 {dimension_numbers = #tpu.dot_dimension_numbers<[1], [0], [0], [1], [0, 0, 1, 1], [], []>, transpose_lhs_hint = false} : vector<75x256xf32>, vector<256x256xf32>, vector<75x256xf32> -> vector<75x256xf32>
    %max3A_239 = arith.constant 0.000000e+00 : f32
    %max3A_240 = vector.broadcast %max3A_239 : f32 to vector<75x256xf32>
    %max3A_241 = arith.maximumf %dot_general3A_238, %max3A_240 : vector<75x256xf32>
    %get3A_242 = arith.constant 0 : index
    %get3A_243 = arith.constant 0 : index
    %get3A_244 = vector.load %arg4[%get3A_242, %get3A_243] : memref<1x256xf32, #tpu.memory_space<vmem>>, vector<1x256xf32>
    %get3A_245 = arith.constant 0 : index
    %get3A_246 = arith.constant 0 : index
    %get3A_247 = vector.load %arg13[%get3A_245, %get3A_246] : memref<256x256xf32, #tpu.memory_space<vmem>>, vector<256x256xf32>
    %get3A_248 = arith.constant 0 : index
    %get3A_249 = arith.constant 0 : index
    %get3A_250 = vector.load %arg14[%get3A_248, %get3A_249] : memref<256x256xf32, #tpu.memory_space<vmem>>, vector<256x256xf32>
    %get3A_251 = arith.constant 0 : index
    %get3A_252 = arith.constant 0 : index
    %get3A_253 = vector.load %arg15[%get3A_251, %get3A_252] : memref<256x256xf32, #tpu.memory_space<vmem>>, vector<256x256xf32>
    %get3A_254 = arith.constant 0 : index
    %get3A_255 = arith.constant 0 : index
    %get3A_256 = vector.load %arg16[%get3A_254, %get3A_255] : memref<256x256xf32, #tpu.memory_space<vmem>>, vector<256x256xf32>
    %dot_general3A_257 = arith.constant dense<0.000000e+00> : vector<1x256xf32>
    %dot_general3A_258 = tpu.matmul %get3A_244, %get3A_247, %dot_general3A_257 {dimension_numbers = #tpu.dot_dimension_numbers<[1], [0], [0], [1], [0, 0, 1, 1], [], []>, transpose_lhs_hint = false} : vector<1x256xf32>, vector<256x256xf32>, vector<1x256xf32> -> vector<1x256xf32>
    %dot_general3A_259 = arith.constant dense<0.000000e+00> : vector<75x256xf32>
    %dot_general3A_260 = tpu.matmul %max3A_241, %get3A_250, %dot_general3A_259 {dimension_numbers = #tpu.dot_dimension_numbers<[1], [0], [0], [1], [0, 0, 1, 1], [], []>, transpose_lhs_hint = false} : vector<75x256xf32>, vector<256x256xf32>, vector<75x256xf32> -> vector<75x256xf32>
    %dot_general3A_261 = arith.constant dense<0.000000e+00> : vector<75x256xf32>
    %dot_general3A_262 = tpu.matmul %max3A_241, %get3A_253, %dot_general3A_261 {dimension_numbers = #tpu.dot_dimension_numbers<[1], [0], [0], [1], [0, 0, 1, 1], [], []>, transpose_lhs_hint = false} : vector<75x256xf32>, vector<256x256xf32>, vector<75x256xf32> -> vector<75x256xf32>
    %slice3A_263 = vector.extract_strided_slice %dot_general3A_258 {offsets = [0, 0], sizes = [1, 64], strides = [1, 1]} : vector<1x256xf32> to vector<1x64xf32>
    %slice3A_264 = vector.extract_strided_slice %dot_general3A_260 {offsets = [0, 0], sizes = [75, 64], strides = [1, 1]} : vector<75x256xf32> to vector<75x64xf32>
    %slice3A_265 = vector.extract_strided_slice %dot_general3A_262 {offsets = [0, 0], sizes = [75, 64], strides = [1, 1]} : vector<75x256xf32> to vector<75x64xf32>
    %dot_general3A_266 = arith.constant dense<0.000000e+00> : vector<1x75xf32>
    %dot_general3A_267 = tpu.matmul %slice3A_263, %slice3A_264, %dot_general3A_266 {dimension_numbers = #tpu.dot_dimension_numbers<[1], [1], [0], [0], [0, 0, 1, 0], [], []>, transpose_lhs_hint = false} : vector<1x64xf32>, vector<75x64xf32>, vector<1x75xf32> -> vector<1x75xf32>
    %mul3A_268 = arith.constant 1.250000e-01 : f32
    %mul3A_269 = vector.broadcast %mul3A_268 : f32 to vector<1x75xf32>
    %mul3A_270 = arith.mulf %dot_general3A_267, %mul3A_269 : vector<1x75xf32>
    %reduce_max3A_271 = arith.constant dense<0xFF800000> : vector<1xf32>
    %reduce_max3A_272 = vector.multi_reduction <maximumf>, %mul3A_270, %reduce_max3A_271 [1] : vector<1x75xf32> to vector<1xf32>
    %broadcast_in_dim3A_273 = vector.shape_cast %reduce_max3A_272 : vector<1xf32> to vector<1x1xf32>
    %sub3A_274 = vector.broadcast %broadcast_in_dim3A_273 : vector<1x1xf32> to vector<1x75xf32>
    %sub3A_275 = arith.subf %mul3A_270, %sub3A_274 : vector<1x75xf32>
    %exp3A_276 = math.exp %sub3A_275 : vector<1x75xf32>
    %reduce_sum3A_277 = arith.constant dense<0.000000e+00> : vector<1xf32>
    %reduce_sum3A_278 = vector.multi_reduction <add>, %exp3A_276, %reduce_sum3A_277 [1] : vector<1x75xf32> to vector<1xf32>
    %broadcast_in_dim3A_279 = vector.shape_cast %reduce_sum3A_278 : vector<1xf32> to vector<1x1xf32>
    %div3A_280 = vector.broadcast %broadcast_in_dim3A_279 : vector<1x1xf32> to vector<1x75xf32>
    %div3A_281 = arith.divf %exp3A_276, %div3A_280 : vector<1x75xf32>
    %dot_general3A_282 = arith.constant dense<0.000000e+00> : vector<1x64xf32>
    %dot_general3A_283 = tpu.matmul %div3A_281, %slice3A_265, %dot_general3A_282 {dimension_numbers = #tpu.dot_dimension_numbers<[1], [0], [0], [1], [0, 0, 1, 1], [], []>, transpose_lhs_hint = false} : vector<1x75xf32>, vector<75x64xf32>, vector<1x64xf32> -> vector<1x64xf32>
    %slice3A_284 = vector.extract_strided_slice %dot_general3A_258 {offsets = [0, 64], sizes = [1, 64], strides = [1, 1]} : vector<1x256xf32> to vector<1x64xf32>
    %slice3A_285 = vector.extract_strided_slice %dot_general3A_260 {offsets = [0, 64], sizes = [75, 64], strides = [1, 1]} : vector<75x256xf32> to vector<75x64xf32>
    %slice3A_286 = vector.extract_strided_slice %dot_general3A_262 {offsets = [0, 64], sizes = [75, 64], strides = [1, 1]} : vector<75x256xf32> to vector<75x64xf32>
    %dot_general3A_287 = arith.constant dense<0.000000e+00> : vector<1x75xf32>
    %dot_general3A_288 = tpu.matmul %slice3A_284, %slice3A_285, %dot_general3A_287 {dimension_numbers = #tpu.dot_dimension_numbers<[1], [1], [0], [0], [0, 0, 1, 0], [], []>, transpose_lhs_hint = false} : vector<1x64xf32>, vector<75x64xf32>, vector<1x75xf32> -> vector<1x75xf32>
    %mul3A_289 = arith.constant 1.250000e-01 : f32
    %mul3A_290 = vector.broadcast %mul3A_289 : f32 to vector<1x75xf32>
    %mul3A_291 = arith.mulf %dot_general3A_288, %mul3A_290 : vector<1x75xf32>
    %reduce_max3A_292 = arith.constant dense<0xFF800000> : vector<1xf32>
    %reduce_max3A_293 = vector.multi_reduction <maximumf>, %mul3A_291, %reduce_max3A_292 [1] : vector<1x75xf32> to vector<1xf32>
    %broadcast_in_dim3A_294 = vector.shape_cast %reduce_max3A_293 : vector<1xf32> to vector<1x1xf32>
    %sub3A_295 = vector.broadcast %broadcast_in_dim3A_294 : vector<1x1xf32> to vector<1x75xf32>
    %sub3A_296 = arith.subf %mul3A_291, %sub3A_295 : vector<1x75xf32>
    %exp3A_297 = math.exp %sub3A_296 : vector<1x75xf32>
    %reduce_sum3A_298 = arith.constant dense<0.000000e+00> : vector<1xf32>
    %reduce_sum3A_299 = vector.multi_reduction <add>, %exp3A_297, %reduce_sum3A_298 [1] : vector<1x75xf32> to vector<1xf32>
    %broadcast_in_dim3A_300 = vector.shape_cast %reduce_sum3A_299 : vector<1xf32> to vector<1x1xf32>
    %div3A_301 = vector.broadcast %broadcast_in_dim3A_300 : vector<1x1xf32> to vector<1x75xf32>
    %div3A_302 = arith.divf %exp3A_297, %div3A_301 : vector<1x75xf32>
    %dot_general3A_303 = arith.constant dense<0.000000e+00> : vector<1x64xf32>
    %dot_general3A_304 = tpu.matmul %div3A_302, %slice3A_286, %dot_general3A_303 {dimension_numbers = #tpu.dot_dimension_numbers<[1], [0], [0], [1], [0, 0, 1, 1], [], []>, transpose_lhs_hint = false} : vector<1x75xf32>, vector<75x64xf32>, vector<1x64xf32> -> vector<1x64xf32>
    %slice3A_305 = vector.extract_strided_slice %dot_general3A_258 {offsets = [0, 128], sizes = [1, 64], strides = [1, 1]} : vector<1x256xf32> to vector<1x64xf32>
    %slice3A_306 = vector.extract_strided_slice %dot_general3A_260 {offsets = [0, 128], sizes = [75, 64], strides = [1, 1]} : vector<75x256xf32> to vector<75x64xf32>
    %slice3A_307 = vector.extract_strided_slice %dot_general3A_262 {offsets = [0, 128], sizes = [75, 64], strides = [1, 1]} : vector<75x256xf32> to vector<75x64xf32>
    %dot_general3A_308 = arith.constant dense<0.000000e+00> : vector<1x75xf32>
    %dot_general3A_309 = tpu.matmul %slice3A_305, %slice3A_306, %dot_general3A_308 {dimension_numbers = #tpu.dot_dimension_numbers<[1], [1], [0], [0], [0, 0, 1, 0], [], []>, transpose_lhs_hint = false} : vector<1x64xf32>, vector<75x64xf32>, vector<1x75xf32> -> vector<1x75xf32>
    %mul3A_310 = arith.constant 1.250000e-01 : f32
    %mul3A_311 = vector.broadcast %mul3A_310 : f32 to vector<1x75xf32>
    %mul3A_312 = arith.mulf %dot_general3A_309, %mul3A_311 : vector<1x75xf32>
    %reduce_max3A_313 = arith.constant dense<0xFF800000> : vector<1xf32>
    %reduce_max3A_314 = vector.multi_reduction <maximumf>, %mul3A_312, %reduce_max3A_313 [1] : vector<1x75xf32> to vector<1xf32>
    %broadcast_in_dim3A_315 = vector.shape_cast %reduce_max3A_314 : vector<1xf32> to vector<1x1xf32>
    %sub3A_316 = vector.broadcast %broadcast_in_dim3A_315 : vector<1x1xf32> to vector<1x75xf32>
    %sub3A_317 = arith.subf %mul3A_312, %sub3A_316 : vector<1x75xf32>
    %exp3A_318 = math.exp %sub3A_317 : vector<1x75xf32>
    %reduce_sum3A_319 = arith.constant dense<0.000000e+00> : vector<1xf32>
    %reduce_sum3A_320 = vector.multi_reduction <add>, %exp3A_318, %reduce_sum3A_319 [1] : vector<1x75xf32> to vector<1xf32>
    %broadcast_in_dim3A_321 = vector.shape_cast %reduce_sum3A_320 : vector<1xf32> to vector<1x1xf32>
    %div3A_322 = vector.broadcast %broadcast_in_dim3A_321 : vector<1x1xf32> to vector<1x75xf32>
    %div3A_323 = arith.divf %exp3A_318, %div3A_322 : vector<1x75xf32>
    %dot_general3A_324 = arith.constant dense<0.000000e+00> : vector<1x64xf32>
    %dot_general3A_325 = tpu.matmul %div3A_323, %slice3A_307, %dot_general3A_324 {dimension_numbers = #tpu.dot_dimension_numbers<[1], [0], [0], [1], [0, 0, 1, 1], [], []>, transpose_lhs_hint = false} : vector<1x75xf32>, vector<75x64xf32>, vector<1x64xf32> -> vector<1x64xf32>
    %slice3A_326 = vector.extract_strided_slice %dot_general3A_258 {offsets = [0, 192], sizes = [1, 64], strides = [1, 1]} : vector<1x256xf32> to vector<1x64xf32>
    %slice3A_327 = vector.extract_strided_slice %dot_general3A_260 {offsets = [0, 192], sizes = [75, 64], strides = [1, 1]} : vector<75x256xf32> to vector<75x64xf32>
    %slice3A_328 = vector.extract_strided_slice %dot_general3A_262 {offsets = [0, 192], sizes = [75, 64], strides = [1, 1]} : vector<75x256xf32> to vector<75x64xf32>
    %dot_general3A_329 = arith.constant dense<0.000000e+00> : vector<1x75xf32>
    %dot_general3A_330 = tpu.matmul %slice3A_326, %slice3A_327, %dot_general3A_329 {dimension_numbers = #tpu.dot_dimension_numbers<[1], [1], [0], [0], [0, 0, 1, 0], [], []>, transpose_lhs_hint = false} : vector<1x64xf32>, vector<75x64xf32>, vector<1x75xf32> -> vector<1x75xf32>
    %mul3A_331 = arith.constant 1.250000e-01 : f32
    %mul3A_332 = vector.broadcast %mul3A_331 : f32 to vector<1x75xf32>
    %mul3A_333 = arith.mulf %dot_general3A_330, %mul3A_332 : vector<1x75xf32>
    %reduce_max3A_334 = arith.constant dense<0xFF800000> : vector<1xf32>
    %reduce_max3A_335 = vector.multi_reduction <maximumf>, %mul3A_333, %reduce_max3A_334 [1] : vector<1x75xf32> to vector<1xf32>
    %broadcast_in_dim3A_336 = vector.shape_cast %reduce_max3A_335 : vector<1xf32> to vector<1x1xf32>
    %sub3A_337 = vector.broadcast %broadcast_in_dim3A_336 : vector<1x1xf32> to vector<1x75xf32>
    %sub3A_338 = arith.subf %mul3A_333, %sub3A_337 : vector<1x75xf32>
    %exp3A_339 = math.exp %sub3A_338 : vector<1x75xf32>
    %reduce_sum3A_340 = arith.constant dense<0.000000e+00> : vector<1xf32>
    %reduce_sum3A_341 = vector.multi_reduction <add>, %exp3A_339, %reduce_sum3A_340 [1] : vector<1x75xf32> to vector<1xf32>
    %broadcast_in_dim3A_342 = vector.shape_cast %reduce_sum3A_341 : vector<1xf32> to vector<1x1xf32>
    %div3A_343 = vector.broadcast %broadcast_in_dim3A_342 : vector<1x1xf32> to vector<1x75xf32>
    %div3A_344 = arith.divf %exp3A_339, %div3A_343 : vector<1x75xf32>
    %dot_general3A_345 = arith.constant dense<0.000000e+00> : vector<1x64xf32>
    %dot_general3A_346 = tpu.matmul %div3A_344, %slice3A_328, %dot_general3A_345 {dimension_numbers = #tpu.dot_dimension_numbers<[1], [0], [0], [1], [0, 0, 1, 1], [], []>, transpose_lhs_hint = false} : vector<1x75xf32>, vector<75x64xf32>, vector<1x64xf32> -> vector<1x64xf32>
    %concatenate3A_347 = tpu.concatenate %dot_general3A_283, %dot_general3A_304, %dot_general3A_325, %dot_general3A_346 in 1 : vector<1x64xf32>, vector<1x64xf32>, vector<1x64xf32>, vector<1x64xf32> -> vector<1x256xf32>
    %dot_general3A_348 = arith.constant dense<0.000000e+00> : vector<1x256xf32>
    %dot_general3A_349 = tpu.matmul %concatenate3A_347, %get3A_256, %dot_general3A_348 {dimension_numbers = #tpu.dot_dimension_numbers<[1], [0], [0], [1], [0, 0, 1, 1], [], []>, transpose_lhs_hint = false} : vector<1x256xf32>, vector<256x256xf32>, vector<1x256xf32> -> vector<1x256xf32>
    %get3A_350 = arith.constant 0 : index
    %get3A_351 = arith.constant 0 : index
    %get3A_352 = vector.load %arg17[%get3A_350, %get3A_351] : memref<256x1xf32, #tpu.memory_space<vmem>>, vector<256x1xf32>
    %dot_general3A_353 = arith.constant dense<0.000000e+00> : vector<1x1xf32>
    %dot_general3A_354 = tpu.matmul %dot_general3A_349, %get3A_352, %dot_general3A_353 {dimension_numbers = #tpu.dot_dimension_numbers<[1], [0], [0], [1], [0, 0, 1, 1], [], []>, transpose_lhs_hint = false} : vector<1x256xf32>, vector<256x1xf32>, vector<1x1xf32> -> vector<1x1xf32>
    %get3A_355 = arith.constant 0 : index
    %get3A_356 = arith.constant 0 : index
    %get3A_357 = vector.load %arg18[%get3A_355, %get3A_356] : memref<1x1xf32, #tpu.memory_space<vmem>>, vector<1x1xf32>
    %add3A = arith.addf %dot_general3A_354, %get3A_357 : vector<1x1xf32>
    %reshape3A = vector.shape_cast %add3A : vector<1x1xf32> to vector<1x1x1xf32>
    %broadcast_in_dim3A_358 = vector.shape_cast %reshape3A : vector<1x1x1xf32> to vector<1x1x1xf32>
    %broadcast_in_dim3A_359 = vector.broadcast %broadcast_in_dim3A_358 : vector<1x1x1xf32> to vector<1x8x128xf32>
    %swap3A = arith.constant 0 : index
    %swap3A_360 = arith.constant 0 : index
    %swap3A_361 = arith.constant 0 : index
    %swap3A_362 = vector.load %arg19[%swap3A, %swap3A_360, %swap3A_361] : memref<1x8x128xf32, #tpu.memory_space<vmem>>, vector<1x8x128xf32>
    tpu.vector_store %arg19[%swap3A, %swap3A_360, %swap3A_361], %broadcast_in_dim3A_359 {strides = array<i32>} : memref<1x8x128xf32, #tpu.memory_space<vmem>>, vector<1x8x128xf32>,
    return
  }
  func.func @transform_0(%arg0: i32) -> (i32, i32) {
    %c0_i32 = arith.constant 0 : i32
    %c0_i32_0 = arith.constant 0 : i32
    %c0_i32_1 = arith.constant 0 : i32
    return %c0_i32, %c0_i32_0 : i32, i32
  }
  func.func @transform_1(%arg0: i32) -> (i32, i32) {
    %c0_i32 = arith.constant 0 : i32
    %c0_i32_0 = arith.constant 0 : i32
    return %arg0, %c0_i32 : i32, i32
  }
  func.func @transform_2(%arg0: i32) -> (i32, i32) {
    %c0_i32 = arith.constant 0 : i32
    %c0_i32_0 = arith.constant 0 : i32
    %c0_i32_1 = arith.constant 0 : i32
    return %c0_i32, %c0_i32_0 : i32, i32
  }
  func.func @transform_3(%arg0: i32) -> (i32, i32) {
    %c0_i32 = arith.constant 0 : i32
    %c0_i32_0 = arith.constant 0 : i32
    %c0_i32_1 = arith.constant 0 : i32
    return %c0_i32, %c0_i32_0 : i32, i32
  }
  func.func @transform_4(%arg0: i32) -> (i32, i32) {
    %c0_i32 = arith.constant 0 : i32
    %c0_i32_0 = arith.constant 0 : i32
    %c0_i32_1 = arith.constant 0 : i32
    return %c0_i32, %c0_i32_0 : i32, i32
  }
  func.func @transform_5(%arg0: i32) -> (i32, i32) {
    %c0_i32 = arith.constant 0 : i32
    %c0_i32_0 = arith.constant 0 : i32
    %c0_i32_1 = arith.constant 0 : i32
    return %c0_i32, %c0_i32_0 : i32, i32
  }
  func.func @transform_6(%arg0: i32) -> (i32, i32) {
    %c0_i32 = arith.constant 0 : i32
    %c0_i32_0 = arith.constant 0 : i32
    %c0_i32_1 = arith.constant 0 : i32
    return %c0_i32, %c0_i32_0 : i32, i32
  }
  func.func @transform_7(%arg0: i32) -> (i32, i32) {
    %c0_i32 = arith.constant 0 : i32
    %c0_i32_0 = arith.constant 0 : i32
    %c0_i32_1 = arith.constant 0 : i32
    return %c0_i32, %c0_i32_0 : i32, i32
  }
  func.func @transform_8(%arg0: i32) -> (i32, i32) {
    %c0_i32 = arith.constant 0 : i32
    %c0_i32_0 = arith.constant 0 : i32
    %c0_i32_1 = arith.constant 0 : i32
    return %c0_i32, %c0_i32_0 : i32, i32
  }
  func.func @transform_9(%arg0: i32) -> (i32, i32) {
    %c0_i32 = arith.constant 0 : i32
    %c0_i32_0 = arith.constant 0 : i32
    %c0_i32_1 = arith.constant 0 : i32
    return %c0_i32, %c0_i32_0 : i32, i32
  }
  func.func @transform_10(%arg0: i32) -> (i32, i32) {
    %c0_i32 = arith.constant 0 : i32
    %c0_i32_0 = arith.constant 0 : i32
    %c0_i32_1 = arith.constant 0 : i32
    return %c0_i32, %c0_i32_0 : i32, i32
  }
  func.func @transform_11(%arg0: i32) -> (i32, i32) {
    %c0_i32 = arith.constant 0 : i32
    %c0_i32_0 = arith.constant 0 : i32
    %c0_i32_1 = arith.constant 0 : i32
    return %c0_i32, %c0_i32_0 : i32, i32
  }
  func.func @transform_12(%arg0: i32) -> (i32, i32) {
    %c0_i32 = arith.constant 0 : i32
    %c0_i32_0 = arith.constant 0 : i32
    %c0_i32_1 = arith.constant 0 : i32
    return %c0_i32, %c0_i32_0 : i32, i32
  }
  func.func @transform_13(%arg0: i32) -> (i32, i32) {
    %c0_i32 = arith.constant 0 : i32
    %c0_i32_0 = arith.constant 0 : i32
    %c0_i32_1 = arith.constant 0 : i32
    return %c0_i32, %c0_i32_0 : i32, i32
  }
  func.func @transform_14(%arg0: i32) -> (i32, i32) {
    %c0_i32 = arith.constant 0 : i32
    %c0_i32_0 = arith.constant 0 : i32
    %c0_i32_1 = arith.constant 0 : i32
    return %c0_i32, %c0_i32_0 : i32, i32
  }
  func.func @transform_15(%arg0: i32) -> (i32, i32) {
    %c0_i32 = arith.constant 0 : i32
    %c0_i32_0 = arith.constant 0 : i32
    %c0_i32_1 = arith.constant 0 : i32
    return %c0_i32, %c0_i32_0 : i32, i32
  }
  func.func @transform_16(%arg0: i32) -> (i32, i32) {
    %c0_i32 = arith.constant 0 : i32
    %c0_i32_0 = arith.constant 0 : i32
    %c0_i32_1 = arith.constant 0 : i32
    return %c0_i32, %c0_i32_0 : i32, i32
  }
  func.func @transform_17(%arg0: i32) -> (i32, i32) {
    %c0_i32 = arith.constant 0 : i32
    %c0_i32_0 = arith.constant 0 : i32
    %c0_i32_1 = arith.constant 0 : i32
    return %c0_i32, %c0_i32_0 : i32, i32
  }
  func.func @transform_18(%arg0: i32) -> (i32, i32, i32) {
    %c0_i32 = arith.constant 0 : i32
    %c0_i32_0 = arith.constant 0 : i32
    %c0_i32_1 = arith.constant 0 : i32
    return %arg0, %c0_i32, %c0_i32_0 : i32, i32, i32
  }
}

</mosaic_0001>

<sc_bundles>
// kernel: kernel.19.cloned.1.call-start
scs
__scs_entry_jumppad:
0x0: {  	(pc) =	sbr.rel $0x88, $3  }
0x1: {  	(tag) =	ssettag $0x0;
	lr =	simm.s32 $0x1  }
0x2: {  	[smem:$0x3F73] =	sst lr;
	_ =	strace $0xD0000000  }
0x3: {  	_ = 	snop  }
0x4: {  	_ = 	snop  }
0x5: {  	_ = 	snop  }
0x6: {  	_ = 	snop  }
0x7: {  	_ = 	snop  }
__scs_overlays_trampoline_lowered:
0x8: {  	[smem:$0x3F82] =	sst s0  }
0x9: {  	[smem:$0x3F83] =	sst s1  }
0xa: {  	[smem:$0x3F84] =	sst s2  }
0xb: {  	[smem:$0x3F85] =	sst s3  }
0xc: {  	[smem:$0x3F86] =	sst s4  }
0xd: {  	[smem:$0x3F87] =	sst s5  }
0xe: {  	[smem:$0x3F88] =	sst s6  }
0xf: {  	[smem:$0x3F89] =	sst s7  }
0x10: {  	[smem:$0x3F8A] =	sst s8  }
0x11: {  	[smem:$0x3F8B] =	sst s9;
	s0 =	simm.s32 @!p0 $0x0  }
0x12: {  	s1 =	sld [smem:$0x3F71];
	s0 =	simm.s32 @p0 $0x1  }
0x13: {  	[smem:$0x3F8C] =	sst s0;
	s0 =	simm.s32 @!p1 $0x0  }
0x14: {  	s2 =	sld [smem:$0x3F70];
	s0 =	simm.s32 @p1 $0x1  }
0x15: {  	[smem:$0x3F8D] =	sst s0;
	s0 =	simm.s32 @!p2 $0x0  }
0x16: {  	s3 =	sld [smem:$0x3FDB];
	s0 =	simm.s32 @p2 $0x1  }
0x17: {  	s4 =	simm.s32 $0x1BF5;
	[smem:$0x3F8F] =	sst s0  }
0x18: {  	s0 =	sld [smem:$0x3F72];
	_ =	swait.ge [sflag:s4], $0x0  }
0x19: {  	s7 =	sld [smem:$0x3F73]  }
0x1a: {  	s8 =	sadd.s32 $0xFFFFE003, lr  }
0x1b: {  	s9 =	sadd.s32 $0xFFFFFEF7, lr;
	s5 =	simm.s32 $0xFFFFFFFF;
	p2 =	slt.u32 s8, $0xFFFFF086  }
0x1c: {  	p1 =	slt.u32 s9, $0xF7A;
	s5 =	simm.s32 @!p2 $0x0  }
0x1d: {  	s5 =	simm.s32 @p1 $0x1;
	p0 =	seq.s32 s7, s2  }
0x1e: {  	s7 =	smul.u32 @!p0 $0xF7A, s2;
	p2 =	seq.s32 @!p0 s5, $0x0  }
0x1f: {  	s9 =	smul.u32 $0xF7A, s1;
	s8 =	simm.s32 @!p0 $0x1BF5;
	p2 =	por !p2, p0  }
0x20: {  	[sflag:s8] =	ssyncset.s32 @!p0 $0xFFFFF086;
	s6 =	sadd.s32 @!p0 s3, s7;
	s7 =	simm.s32 @!p0 $0x108  }
0x21: {  	s3 =	sadd.s32 s3, s9;
	s6 =	sadd.s32 @!p0 $0x88, s6;
	s7 =	simm.s32 @p2 $0x1082  }
0x22: {  	[simem:s7], [sflag:s8] =	dma.local @!p0 [hbm:s6], $0xF7A  }
0x23: {  	s9 =	sor.u32 $0xD0000000, s2;
	s6 =	simm.s32 $0x108;
	_ =	swait.ge @!p0 [sflag:s8], $0x0  }
0x24: {  	s3 =	sadd.s32 $0x88, s3;
	s6 =	simm.s32 @!p1 $0x1082;
	[sflag:s4] =	ssyncset.s32 $0xFFFFF086  }
0x25: {  	[simem:s6], [sflag:s4] =	dma.local [hbm:s3], $0xF7A  }
0x26: {  	[smem:$0x3F73] =	sst s1;
	(tag) =	ssettag s2;
	_ =	strace s9  }
0x27: {  	s1 =	sld [smem:$0x3F83]  }
0x28: {  	s2 =	sld [smem:$0x3F84]  }
0x29: {  	s4 =	sld [smem:$0x3F86]  }
0x2a: {  	p0 =	seq.s32 s5, $0x0;
	s5 =	sld [smem:$0x3F87]  }
0x2b: {  	s6 =	sld [smem:$0x3F88]  }
0x2c: {  	s7 =	sld [smem:$0x3F89]  }
0x2d: {  	s3 =	simm.s32 $0x108;
	s8 =	sld [smem:$0x3F8A]  }
0x2e: {  	s3 =	simm.s32 @!p0 $0x1082;
	s9 =	sld [smem:$0x3F8B]  }
0x2f: {  	lr =	sadd.s32 s0, s3;
	s0 =	sld [smem:$0x3F82]  }
0x30: {  	s3 =	sld [smem:$0x3F85]  }
0x31: {  	[smem:$0x3F8E] =	sst s10  }
0x32: {  	s10 =	sld [smem:$0x3F8C];
	_ =	sdelay $0x3  }
0x33: {  	p0 =	seq.s32 s10, $0x1;
	s10 =	sld [smem:$0x3F8E];
	_ =	sdelay $0x3  }
0x34: {  	[smem:$0x3F8E] =	sst s10  }
0x35: {  	s10 =	sld [smem:$0x3F8D];
	_ =	sdelay $0x3  }
0x36: {  	p1 =	seq.s32 s10, $0x1;
	s10 =	sld [smem:$0x3F8E];
	_ =	sdelay $0x3  }
0x37: {  	[smem:$0x3F8E] =	sst s10  }
0x38: {  	s10 =	sld [smem:$0x3F8F]  }
0x39: {  	_ = 	snop;
	(pc) =	sbr.ind lr, $3  }
0x3a: {  	_ = 	snop  }
0x3b: {  	_ = 	snop  }
0x3c: {  	p2 =	seq.s32 s10, $0x1;
	s10 =	sld [smem:$0x3F8E]  }
0x3d: {  	_ =	shalt  }
0x3e: {  	_ =	shalt  }
0x3f: {  	_ =	shalt  }
0x40: {  	_ =	shalt  }
0x41: {  	_ =	shalt  }
0x42: {  	_ =	shalt  }
0x43: {  	_ =	shalt  }
0x44: {  	_ =	shalt  }
0x45: {  	_ =	shalt  }
0x46: {  	_ =	shalt  }
0x47: {  	_ =	shalt  }
0x48: {  	_ =	shalt  }
0x49: {  	_ =	shalt  }
0x4a: {  	_ =	shalt  }
0x4b: {  	_ =	shalt  }
0x4c: {  	_ =	shalt  }
0x4d: {  	_ =	shalt  }
0x4e: {  	_ =	shalt  }
0x4f: {  	_ =	shalt  }
0x50: {  	_ =	shalt  }
0x51: {  	_ =	shalt  }
0x52: {  	_ =	shalt  }
0x53: {  	_ =	shalt  }
0x54: {  	_ =	shalt  }
0x55: {  	_ =	shalt  }
0x56: {  	_ =	shalt  }
0x57: {  	_ =	shalt  }
0x58: {  	_ =	shalt  }
0x59: {  	_ =	shalt  }
0x5a: {  	_ =	shalt  }
0x5b: {  	_ =	shalt  }
0x5c: {  	_ =	shalt  }
0x5d: {  	_ =	shalt  }
0x5e: {  	_ =	shalt  }
0x5f: {  	_ =	shalt  }
0x60: {  	_ =	shalt  }
0x61: {  	_ =	shalt  }
0x62: {  	_ =	shalt  }
0x63: {  	_ =	shalt  }
0x64: {  	_ =	shalt  }
0x65: {  	_ =	shalt  }
0x66: {  	_ =	shalt  }
0x67: {  	_ =	shalt  }
0x68: {  	_ =	shalt  }
0x69: {  	_ =	shalt  }
0x6a: {  	_ =	shalt  }
0x6b: {  	_ =	shalt  }
0x6c: {  	_ =	shalt  }
0x6d: {  	_ =	shalt  }
0x6e: {  	_ =	shalt  }
0x6f: {  	_ =	shalt  }
0x70: {  	_ =	shalt  }
0x71: {  	_ =	shalt  }
0x72: {  	_ =	shalt  }
0x73: {  	_ =	shalt  }
0x74: {  	_ =	shalt  }
0x75: {  	_ =	shalt  }
0x76: {  	_ =	shalt  }
0x77: {  	_ =	shalt  }
0x78: {  	_ =	shalt  }
0x79: {  	_ =	shalt  }
0x7a: {  	_ =	shalt  }
0x7b: {  	_ =	shalt  }
0x7c: {  	_ =	shalt  }
0x7d: {  	_ =	shalt  }
0x7e: {  	_ =	shalt  }
0x7f: {  	_ =	shalt  }
0x80: {  	_ =	shalt  }
0x81: {  	_ =	shalt  }
0x82: {  	_ =	shalt  }
0x83: {  	_ =	shalt  }
0x84: {  	_ =	shalt  }
0x85: {  	_ =	shalt  }
0x86: {  	_ =	shalt  }
0x87: {  	_ =	shalt  }
.Lfunc_end0:
.L_simem_size_0:
called_computation_lowered:
.L_overlay_start_0:
0x88: {  	s2 =	sld [smem:$0x3FD9]  }
0x89: {  	s3 =	sld [smem:$0x3FFE];
	_ =	sdelay $0x1  }
0x8a: {  	s1 =	srdreg.scid  }
0x8b: {  	s0 =	sand.u32 $0x1, s1  }
0x8c: {  	s17 =	sshll.u32 s0, $0xA;
	s2 =	sadd.s32 s3, s2  }
0x8d: {  	s2 =	sadd.s32 s2, s17  }
0x8e: {  	[smem:$0x3F9A] =	sst s2  }
0x8f: {  	_ = 	snop  }
0x90: {  	s2 =	sld [smem:$0x3FC5]  }
0x91: {  	s18 =	sld [smem:$0x3FC4];
	(tm) =	ssettm $0x1  }
0x92: {  	s4 =	sld [smem:$0x3FFB];
	_ =	sdelay $0x3  }
0x93: {  	_ =	strace s4  }
0x94: {  	s4 =	sld [smem:$0x3FFC];
	_ =	sdelay $0x3  }
0x95: {  	_ =	strace s4  }
0x96: {  	s4 =	sld [smem:$0x3FFD];
	_ =	sdelay $0x3  }
0x97: {  	_ =	strace s4  }
0x98: {  	_ =	strace $0x8FFFFFFF  }
0x99: {  	s19 =	sld [smem:$0x3FDB];
	_ =	sdelay $0x1  }
0x9a: {  	s5 =	simm.s32 $_scs_section_size  }
0x9b: {  	s6 =	simm.s32 $_size__tile_overlayer_lowered;
	s7 =	simm.s32 $_tile_overlayer_lowered  }
0x9c: {  	s22 =	simm.s32 $0x1BFF;
	s21 =	sshll.u32 s7, $0x1;
	s4 =	sadd.s32 s5, s19  }
0x9d: {  	s8 =	simm.s32 $0x0;
	s20 =	sshll.u32 s6, $0x1;
	s6 =	sadd.s32 s21, s4  }
0x9e: {  	[timem:s8], [sflag:s22] =	dma.local [hbm:s6], s20  }
0x9f: {  	_ =	swait.ge [sflag:s22], s20  }
0xa0: {  	s5 =	ssub.s32 $0x0, s20;
	[sflag:s22] =	ssyncset.done $0x0  }
0xa1: {  	[sflag:s22] =	ssyncadd.s32 s5;
	_ =	sdelay $0x1  }
0xa2: {  	s23 =	simm.s32 $0x1B8B  }
0xa3: {  	_ =	swait.ge [sflag:s23], $0x1  }
0xa4: {  	[sflag:s23] =	ssyncset.done $0x0  }
0xa5: {  	s25 =	simm.s32 $0x1B8E;
	s24 =	sld [smem:$0x3FFE];
	[sflag:s23] =	ssyncadd.s32 $0xFFFFFFFF  }
0xa6: {  	s26 =	simm.s32 $execute0_lowered;
	[smem:$0x3FD2] =	sst s25  }
0xa7: {  	s6 =	sshll.u32 s26, $0x1;
	_ =	strace $0x80000046;
	[dreg:$0x1] =	wrdreg $0xFFFFFFFF  }
0xa8: {  	s28 =	simm.s32 $_size_execute0_lowered;
	s4 =	sadd.s32 s4, s6;
	[dreg:$0x0] =	wrdreg $0x0  }
0xa9: {  	s6 =	sshll.u32 s28, $0x1;
	[dreg:$0x2] =	wrdreg s4  }
0xaa: {  	[dreg:$0x3] =	wrdreg s6  }
0xab: {  	[dreg:$0x4] =	wrdreg $0xC0  }
0xac: {  	_ =	task [dreg:s8], $0x5FFFF  }
0xad: {  	[dreg:$0x1] =	wrdreg $0xFFFFFFFF  }
0xae: {  	[dreg:$0x0] =	wrdreg $0x60  }
0xaf: {  	[dreg:$0x2] =	wrdreg s24  }
0xb0: {  	[dreg:$0x3] =	wrdreg s2  }
0xb1: {  	[dreg:$0x4] =	wrdreg s18  }
0xb2: {  	[dreg:$0x5] =	wrdreg $0x41000  }
0xb3: {  	[dreg:$0x6] =	wrdreg $0x9  }
0xb4: {  	_ =	task.clear_ibuf [dreg:s8], $0x7FFFF;
	_ =	strace $0x90000046  }
0xb5: {  	s29 =	simm.s32 $0x9;
	_ =	strace $0x80000048  }
0xb6: {  	_ =	swait.ge [sflag:s29], $0x1  }
0xb7: {  	[sflag:s29] =	ssyncadd.s32 $0xFFFFFFFF  }
0xb8: {  	_ =	strace $0x90000048  }
0xb9: {  	_ =	sfence  }
0xba: {  	s30 =	sld [smem:$0x0];
	_ =	sdelay $0x2  }
0xbb: {  	s31 =	sshll.u32 s1, $0xD;
	s1 =	sshrl.u32 s1, $0x2  }
0xbc: {  	s3 =	sand.u32 $0x4000, s31;
	s1 =	sadd.s32 s1, s30  }
0xbd: {  	s0 =	sor.u32 s3, s0;
	s1 =	sshll.u32 s1, $0x11  }
0xbe: {  	s0 =	sor.u32 s1, s0  }
0xbf: {  	s0 =	sadd.s32 $0x8F2B, s0  }
0xc0: {  	[sflag:s0] =	ssyncadd.remote.s32 $0x1  }
0xc1: {  	_ =	sfence.sel $0xFFFF  }
0xc2: {  	[dreg:$0x0] =	wrdreg $0xFFFFFFFF;
	(pc) =	sbr.abs _section_cstart, $3  }
0xc3: {  	[dreg:$0x1] =	wrdreg $0xFFFFFFFF  }
0xc4: {  	_ =	task.clear_ibuf [dreg:s8], $0x2FFFF;
	_ =	strace $0x9FFFFFFF  }
0xc5: {  	(tm) =	ssettm $0x7FFFFFFF  }
tec
execute0_lowered:
.L_overlay_start_1:
0x0: {  	(tag) =	ssettag $0x1  }
0x1: {  	s5 =	rddreg [dreg:$0x0]  }
0x2: {  	s8 =	rddreg [dreg:$0x1]  }
0x3: {  	s9 =	rddreg [dreg:$0x2]  }
0x4: {  	s2 =	rddreg [dreg:$0x3]  }
0x5: {  	s0 =	rddreg [dreg:$0x4]  }
0x6: {  	s1 =	stileid.u32;
	s4 =	srdreg.scid  }
0x7: {  	s3 =	simm.s32 $0x0;
	s6 =	smul.u32 $0x14000, s1;
	s10 =	sand.u32 $0x1, s4  }
0x8: {  	[smem:$0x7FF] =	sst s3;
	s4 =	sadd.s32 $0xA200, s5;
	s12 =	smul.u32 $0x50000, s1  }
0x9: {  	s30 =	sshll.u32 s1, $0x6;
	s31 =	sshll.u32 s1, $0x4;
	s7 =	smul.u32 $0x140000, s10  }
0xa: {  	_ =	strace $0x80000047;
	s26 =	ssub.s32 $0x2, s10;
	s15 =	sshll.u32 s10, $0x4  }
0xb: {  	s10 =	sshll.u32 s10, $0x8;
	s11 =	sshrl.u32 s6, $0x3;
	s28 =	sshrl.u32 s26, $0x1  }
0xc: {  	s29 =	sshrl.u32 s12, $0x2;
	s9 =	sadd.s32 s10, s9;
	s10 =	sadd.s32 s10, s8  }
0xd: {  	s6 =	sadd.s32 s6, s7;
	s11 =	sadd.s32 s11, s5;
	s14 =	ssub.s32 s26, s28  }
0xe: {  	s12 =	sadd.s32 s29, s2;
	s9 =	sadd.s32 s31, s9;
	s10 =	sadd.s32 s31, s10  }
0xf: {  	s6 =	sshrl.u32 s6, $0x3;
	s8 =	smax.u32 s14, $0x1;
	s12 =	sshrl.u32 s12, $0x3  }
0x10: {  	s13 =	sadd.s32 s6, s5;
	s5 =	sadd.s32 $0x1DC00, s11;
	s6 =	sor.u32 $0x1C02, s30  }
0x11: {  	s11 =	sor.u32 s15, s1;
	s7 =	sadd.s32 $0x45C00, s13;
	s13 =	simm.s32 $0x2  }
.LBB2_1:
0x12: {  	[spmem:s12], [sflag:s6] =	dma.local [hbm:s5], $0x2800  }
0x13: {  	_ =	swait.ge [sflag:s13], $0x2800  }
0x14: {  	p0 =	sgt.u32 s11, $0x9C3;
	[sflag:s13] =	ssyncset.done $0x0  }
0x15: {  	s14 =	sadd.s32 @!p0 $0x0, s10;
	[sflag:s13] =	ssyncadd.s32 $0xFFFFD800  }
0x16: {  	s15 =	simm.s32 @!p0 $0x0;
	s16 =	simm.s32 @!p0 $0x3;
	[bflag:$0x0] =	sbarrier.arrive $0xFFFF  }
0x17: {  	[tilespmem:s15], [sflag:$0x3] =	stream.linear.gather @!p0 [hbm4b:s14+s15], $0x80, $0x38;
	[tilespmem:$0x18100] =	vst v63  }
0x18: {  	_ =	swait.ge @!p0 [sflag:s16], $0x80;
	p0 =	por p0, p0  }
0x19: {  	[sflag:s16] =	ssyncset.done @!p0 $0x0  }
0x1a: {  	s14 =	sadd.s32 @!p0 $0x0, s9;
	s17 =	simm.s32 @!p0 $0x80;
	[sflag:s16] =	ssyncadd.s32 @!p0 $0xFFFFFF80  }
0x1b: {  	[tilespmem:s17], [sflag:$0x3] =	stream.linear.gather @!p0 [hbm4b:s14+s15], $0x80, $0x38;
	[tilespmem:$0x18100] =	vst v63  }
0x1c: {  	_ =	swait.ge @!p0 [sflag:s16], $0x80  }
0x1d: {  	[sflag:s16] =	ssyncset.done @!p0 $0x0  }
0x1e: {  	s14 =	simm.s32 @!p0 $0x100;
	[sflag:s16] =	ssyncadd.s32 @!p0 $0xFFFFFF80;
	s16 =	simm.s32 @!p0 $0x1  }
0x1f: {  	[tilespmem:s14], [sflag:$0x1] =	stream.indirect.gather @!p0 [hbm4b:s4+s17], $0x80, s15, s17, $0xb8;
	[tilespmem:$0x18100] =	vst v63  }
0x20: {  	_ =	swait.ge @!p0 [sflag:s16], $0x4000  }
0x21: {  	[sflag:s16] =	ssyncset.done @!p0 $0x0  }
0x22: {  	s15 =	sadd.s32 $0x20, s11;
	[sflag:s16] =	ssyncadd.s32 @!p0 $0xFFFFC000  }
0x23: {  	[spmem:s2] =	stream.indirect.scatter.add.f32 @!p0 [tilespmem:s14], [sflag:$0x2], $0x80, s17, s17, $0xb8;
	[tilespmem:$0x18100] =	vst v63  }
0x24: {  	p2 =	sgt.u32 s15, $0x9C3;
	s17 =	simm.s32 @!p0 $0x2  }
0x25: {  	s16 =	simm.s32 $0x400;
	s14 =	simm.s32 $0x200;
	_ =	swait.ge @!p0 [sflag:s17], $0x4000  }
.LBB2_2:
0x26: {  	s18 =	sadd.s32 @!p2 s14, s10  }
0x27: {  	s19 =	simm.s32 @!p2 $0x0;
	[sflag:s17] =	ssyncset.done @!p0 $0x0;
	s20 =	smov.u32 s16  }
0x28: {  	s16 =	sadd.s32 $0x200, s16;
	s21 =	simm.s32 @!p2 $0x3;
	[sflag:s17] =	ssyncadd.s32 @!p0 $0xFFFFC000  }
0x29: {  	[tilespmem:s19], [sflag:$0x3] =	stream.linear.gather @!p2 [hbm4b:s18+s19], $0x80, $0x38;
	[tilespmem:$0x18100] =	vst v63  }
0x2a: {  	p1 =	sne.s32 s16, $0x9E00;
	p0 =	por p2, p2;
	_ =	swait.ge @!p2 [sflag:s21], $0x80  }
0x2b: {  	[sflag:s21] =	ssyncset.done @!p0 $0x0  }
0x2c: {  	s14 =	sadd.s32 @!p0 s14, s9;
	s18 =	simm.s32 @!p0 $0x80;
	[sflag:s21] =	ssyncadd.s32 @!p0 $0xFFFFFF80  }
0x2d: {  	[tilespmem:s18], [sflag:$0x3] =	stream.linear.gather @!p0 [hbm4b:s14+s19], $0x80, $0x38;
	[tilespmem:$0x18100] =	vst v63  }
0x2e: {  	s14 =	smov.u32 s20;
	_ =	swait.ge @!p0 [sflag:s21], $0x80  }
0x2f: {  	[sflag:s21] =	ssyncset.done @!p0 $0x0  }
0x30: {  	s17 =	simm.s32 @!p0 $0x1;
	s20 =	simm.s32 @!p0 $0x100;
	[sflag:s21] =	ssyncadd.s32 @!p0 $0xFFFFFF80  }
0x31: {  	[tilespmem:s20], [sflag:$0x1] =	stream.indirect.gather @!p0 [hbm4b:s4+s18], $0x80, s19, s18, $0xb8;
	[tilespmem:$0x18100] =	vst v63  }
.Ltmp0:
0x32: {  	_ =	swait.ge @!p0 [sflag:s17], $0x4000;
	(pc) =	sbr.rel @p1 .LBB2_2-.Ltmp0, $4  }
0x33: {  	[sflag:s17] =	ssyncset.done @!p0 $0x0  }
0x34: {  	s15 =	sadd.s32 $0x20, s15;
	[sflag:s17] =	ssyncadd.s32 @!p0 $0xFFFFC000;
	s17 =	simm.s32 @!p0 $0x2  }
0x35: {  	[spmem:s2] =	stream.indirect.scatter.add.f32 @!p0 [tilespmem:s20], [sflag:$0x2], $0x80, s18, s18, $0xb8;
	[tilespmem:$0x18100] =	vst v63  }
0x36: {  	p2 =	sgt.u32 s15, $0x9C3;
	_ =	swait.ge @!p0 [sflag:s17], $0x4000  }
0x37: {  	s15 =	sadd.s32 @!p2 s14, s10;
	[sflag:s17] =	ssyncset.done @!p0 $0x0  }
0x38: {  	s16 =	simm.s32 @!p2 $0x0;
	s18 =	simm.s32 @!p2 $0x3;
	[sflag:s17] =	ssyncadd.s32 @!p0 $0xFFFFC000  }
0x39: {  	[tilespmem:s16], [sflag:$0x3] =	stream.linear.gather @!p2 [hbm4b:s15+s16], $0x80, $0x38;
	[tilespmem:$0x18100] =	vst v63  }
0x3a: {  	p0 =	por p2, p2;
	_ =	swait.ge @!p2 [sflag:s18], $0x80  }
0x3b: {  	[sflag:s18] =	ssyncset.done @!p0 $0x0  }
0x3c: {  	s14 =	sadd.s32 @!p0 s14, s9;
	s15 =	simm.s32 @!p0 $0x80;
	[sflag:s18] =	ssyncadd.s32 @!p0 $0xFFFFFF80  }
0x3d: {  	[tilespmem:s15], [sflag:$0x3] =	stream.linear.gather @!p0 [hbm4b:s14+s16], $0x80, $0x38;
	[tilespmem:$0x18100] =	vst v63  }
0x3e: {  	_ =	swait.ge @!p0 [sflag:s18], $0x80  }
0x3f: {  	[sflag:s18] =	ssyncset.done @!p0 $0x0  }
0x40: {  	s17 =	simm.s32 @!p0 $0x1;
	s14 =	simm.s32 @!p0 $0x100;
	[sflag:s18] =	ssyncadd.s32 @!p0 $0xFFFFFF80  }
0x41: {  	[tilespmem:s14], [sflag:$0x1] =	stream.indirect.gather @!p0 [hbm4b:s4+s15], $0x80, s16, s15, $0xb8;
	[tilespmem:$0x18100] =	vst v63  }
0x42: {  	_ =	swait.ge @!p0 [sflag:s17], $0x4000  }
0x43: {  	[sflag:s17] =	ssyncset.done @!p0 $0x0  }
0x44: {  	s16 =	simm.s32 @!p0 $0x2;
	[sflag:s17] =	ssyncadd.s32 @!p0 $0xFFFFC000  }
0x45: {  	[spmem:s2] =	stream.indirect.scatter.add.f32 @!p0 [tilespmem:s14], [sflag:$0x2], $0x80, s15, s15, $0xb8;
	[tilespmem:$0x18100] =	vst v63  }
0x46: {  	_ =	swait.ge @!p0 [sflag:s16], $0x4000  }
0x47: {  	s3 =	sadd.s32 $0x1, s3;
	[sflag:s16] =	ssyncset.done @!p0 $0x0  }
0x48: {  	[sflag:s16] =	ssyncadd.s32 @!p0 $0xFFFFC000;
	p0 =	sne.s32 s3, s8  }
.Ltmp1:
0x49: {  	[bflag:$0x0] =	sbarrier.arrive $0xFFFF;
	(pc) =	sbr.rel @p0 .LBB2_1-.Ltmp1, $4  }
0x4a: {  	[hbm:s7], [sflag:s6] =	dma.local [spmem:s12], $0x2800  }
0x4b: {  	_ =	swait.ge [sflag:s13], $0x2800  }
0x4c: {  	[sflag:s13] =	ssyncset.done $0x0  }
0x4d: {  	[sflag:s13] =	ssyncadd.s32 $0xFFFFD800  }
0x4e: {  	_ =	sfence.sel $0x180000  }
0x4f: {  	[bflag:$0x0] =	sbarrier.arrive $0xFFFF  }
0x50: {  	p0 =	sne.s32 s1, $0x0;
	_ =	strace $0x90000047  }
0x51: {  	s0 =	sadd.s32 @!p0 $0x100000, s0;
	[bflag:$0x2] =	sbarrier.arrive $0xFFFF  }
0x52: {  	[sflag:s0] =	ssyncadd.tile.s32 @!p0 $0x1;
	_ =	shalt  }
.Lfunc_end2:
_tile_overlayer_lowered:
.L_overlay_start_2:
0x53: {  	(tag) =	ssettag $0x2  }
0x54: {  	s0 =	rddreg [dreg:$0x0];
	s2 =	stileid.u32  }
0x55: {  	s1 =	rddreg [dreg:$0x1];
	p0 =	sne.s32 s2, $0x0  }
0x56: {  	s3 =	rddreg [dreg:$0x2];
	[bflag:$0x3] =	sbarrier.arrive $0xFFFF;
	s2 =	simm.s32 @!p0 $0x1C02  }
0x57: {  	[timem:s3], [sflag:s2] =	dma.local @!p0 [hbm:s0], s1  }
0x58: {  	s0 =	simm.s32 @!p0 $0x2  }
0x59: {  	_ =	swait.ge @!p0 [sflag:s0], s1  }
0x5a: {  	s1 =	ssub.s32 @!p0 $0x0, s1;
	[sflag:s0] =	ssyncset.done @!p0 $0x0  }
0x5b: {  	[sflag:s0] =	ssyncadd.s32 @!p0 s1  }
0x5c: {  	[bflag:$0x3] =	sbarrier.arrive $0xFFFF  }
0x5d: {  	_ =	shalt  }

// kernel: kernel.22.cloned.1.call-start
scs
__scs_entry_jumppad:
0x0: {  	(pc) =	sbr.rel $0x88, $3  }
0x1: {  	(tag) =	ssettag $0x0;
	lr =	simm.s32 $0x1  }
0x2: {  	[smem:$0x3F73] =	sst lr;
	_ =	strace $0xD0000000  }
0x3: {  	_ = 	snop  }
0x4: {  	_ = 	snop  }
0x5: {  	_ = 	snop  }
0x6: {  	_ = 	snop  }
0x7: {  	_ = 	snop  }
__scs_overlays_trampoline_lowered:
0x8: {  	[smem:$0x3F82] =	sst s0  }
0x9: {  	[smem:$0x3F83] =	sst s1  }
0xa: {  	[smem:$0x3F84] =	sst s2  }
0xb: {  	[smem:$0x3F85] =	sst s3  }
0xc: {  	[smem:$0x3F86] =	sst s4  }
0xd: {  	[smem:$0x3F87] =	sst s5  }
0xe: {  	[smem:$0x3F88] =	sst s6  }
0xf: {  	[smem:$0x3F89] =	sst s7  }
0x10: {  	[smem:$0x3F8A] =	sst s8  }
0x11: {  	[smem:$0x3F8B] =	sst s9;
	s0 =	simm.s32 @!p0 $0x0  }
0x12: {  	s1 =	sld [smem:$0x3F71];
	s0 =	simm.s32 @p0 $0x1  }
0x13: {  	[smem:$0x3F8C] =	sst s0;
	s0 =	simm.s32 @!p1 $0x0  }
0x14: {  	s2 =	sld [smem:$0x3F70];
	s0 =	simm.s32 @p1 $0x1  }
0x15: {  	[smem:$0x3F8D] =	sst s0;
	s0 =	simm.s32 @!p2 $0x0  }
0x16: {  	s3 =	sld [smem:$0x3FDB];
	s0 =	simm.s32 @p2 $0x1  }
0x17: {  	s4 =	simm.s32 $0x1BF5;
	[smem:$0x3F8F] =	sst s0  }
0x18: {  	s0 =	sld [smem:$0x3F72];
	_ =	swait.ge [sflag:s4], $0x0  }
0x19: {  	s7 =	sld [smem:$0x3F73]  }
0x1a: {  	s8 =	sadd.s32 $0xFFFFE003, lr  }
0x1b: {  	s9 =	sadd.s32 $0xFFFFFEF7, lr;
	s5 =	simm.s32 $0xFFFFFFFF;
	p2 =	slt.u32 s8, $0xFFFFF086  }
0x1c: {  	p1 =	slt.u32 s9, $0xF7A;
	s5 =	simm.s32 @!p2 $0x0  }
0x1d: {  	s5 =	simm.s32 @p1 $0x1;
	p0 =	seq.s32 s7, s2  }
0x1e: {  	s7 =	smul.u32 @!p0 $0xF7A, s2;
	p2 =	seq.s32 @!p0 s5, $0x0  }
0x1f: {  	s9 =	smul.u32 $0xF7A, s1;
	s8 =	simm.s32 @!p0 $0x1BF5;
	p2 =	por !p2, p0  }
0x20: {  	[sflag:s8] =	ssyncset.s32 @!p0 $0xFFFFF086;
	s6 =	sadd.s32 @!p0 s3, s7;
	s7 =	simm.s32 @!p0 $0x108  }
0x21: {  	s3 =	sadd.s32 s3, s9;
	s6 =	sadd.s32 @!p0 $0x88, s6;
	s7 =	simm.s32 @p2 $0x1082  }
0x22: {  	[simem:s7], [sflag:s8] =	dma.local @!p0 [hbm:s6], $0xF7A  }
0x23: {  	s9 =	sor.u32 $0xD0000000, s2;
	s6 =	simm.s32 $0x108;
	_ =	swait.ge @!p0 [sflag:s8], $0x0  }
0x24: {  	s3 =	sadd.s32 $0x88, s3;
	s6 =	simm.s32 @!p1 $0x1082;
	[sflag:s4] =	ssyncset.s32 $0xFFFFF086  }
0x25: {  	[simem:s6], [sflag:s4] =	dma.local [hbm:s3], $0xF7A  }
0x26: {  	[smem:$0x3F73] =	sst s1;
	(tag) =	ssettag s2;
	_ =	strace s9  }
0x27: {  	s1 =	sld [smem:$0x3F83]  }
0x28: {  	s2 =	sld [smem:$0x3F84]  }
0x29: {  	s4 =	sld [smem:$0x3F86]  }
0x2a: {  	p0 =	seq.s32 s5, $0x0;
	s5 =	sld [smem:$0x3F87]  }
0x2b: {  	s6 =	sld [smem:$0x3F88]  }
0x2c: {  	s7 =	sld [smem:$0x3F89]  }
0x2d: {  	s3 =	simm.s32 $0x108;
	s8 =	sld [smem:$0x3F8A]  }
0x2e: {  	s3 =	simm.s32 @!p0 $0x1082;
	s9 =	sld [smem:$0x3F8B]  }
0x2f: {  	lr =	sadd.s32 s0, s3;
	s0 =	sld [smem:$0x3F82]  }
0x30: {  	s3 =	sld [smem:$0x3F85]  }
0x31: {  	[smem:$0x3F8E] =	sst s10  }
0x32: {  	s10 =	sld [smem:$0x3F8C];
	_ =	sdelay $0x3  }
0x33: {  	p0 =	seq.s32 s10, $0x1;
	s10 =	sld [smem:$0x3F8E];
	_ =	sdelay $0x3  }
0x34: {  	[smem:$0x3F8E] =	sst s10  }
0x35: {  	s10 =	sld [smem:$0x3F8D];
	_ =	sdelay $0x3  }
0x36: {  	p1 =	seq.s32 s10, $0x1;
	s10 =	sld [smem:$0x3F8E];
	_ =	sdelay $0x3  }
0x37: {  	[smem:$0x3F8E] =	sst s10  }
0x38: {  	s10 =	sld [smem:$0x3F8F]  }
0x39: {  	_ = 	snop;
	(pc) =	sbr.ind lr, $3  }
0x3a: {  	_ = 	snop  }
0x3b: {  	_ = 	snop  }
0x3c: {  	p2 =	seq.s32 s10, $0x1;
	s10 =	sld [smem:$0x3F8E]  }
0x3d: {  	_ =	shalt  }
0x3e: {  	_ =	shalt  }
0x3f: {  	_ =	shalt  }
0x40: {  	_ =	shalt  }
0x41: {  	_ =	shalt  }
0x42: {  	_ =	shalt  }
0x43: {  	_ =	shalt  }
0x44: {  	_ =	shalt  }
0x45: {  	_ =	shalt  }
0x46: {  	_ =	shalt  }
0x47: {  	_ =	shalt  }
0x48: {  	_ =	shalt  }
0x49: {  	_ =	shalt  }
0x4a: {  	_ =	shalt  }
0x4b: {  	_ =	shalt  }
0x4c: {  	_ =	shalt  }
0x4d: {  	_ =	shalt  }
0x4e: {  	_ =	shalt  }
0x4f: {  	_ =	shalt  }
0x50: {  	_ =	shalt  }
0x51: {  	_ =	shalt  }
0x52: {  	_ =	shalt  }
0x53: {  	_ =	shalt  }
0x54: {  	_ =	shalt  }
0x55: {  	_ =	shalt  }
0x56: {  	_ =	shalt  }
0x57: {  	_ =	shalt  }
0x58: {  	_ =	shalt  }
0x59: {  	_ =	shalt  }
0x5a: {  	_ =	shalt  }
0x5b: {  	_ =	shalt  }
0x5c: {  	_ =	shalt  }
0x5d: {  	_ =	shalt  }
0x5e: {  	_ =	shalt  }
0x5f: {  	_ =	shalt  }
0x60: {  	_ =	shalt  }
0x61: {  	_ =	shalt  }
0x62: {  	_ =	shalt  }
0x63: {  	_ =	shalt  }
0x64: {  	_ =	shalt  }
0x65: {  	_ =	shalt  }
0x66: {  	_ =	shalt  }
0x67: {  	_ =	shalt  }
0x68: {  	_ =	shalt  }
0x69: {  	_ =	shalt  }
0x6a: {  	_ =	shalt  }
0x6b: {  	_ =	shalt  }
0x6c: {  	_ =	shalt  }
0x6d: {  	_ =	shalt  }
0x6e: {  	_ =	shalt  }
0x6f: {  	_ =	shalt  }
0x70: {  	_ =	shalt  }
0x71: {  	_ =	shalt  }
0x72: {  	_ =	shalt  }
0x73: {  	_ =	shalt  }
0x74: {  	_ =	shalt  }
0x75: {  	_ =	shalt  }
0x76: {  	_ =	shalt  }
0x77: {  	_ =	shalt  }
0x78: {  	_ =	shalt  }
0x79: {  	_ =	shalt  }
0x7a: {  	_ =	shalt  }
0x7b: {  	_ =	shalt  }
0x7c: {  	_ =	shalt  }
0x7d: {  	_ =	shalt  }
0x7e: {  	_ =	shalt  }
0x7f: {  	_ =	shalt  }
0x80: {  	_ =	shalt  }
0x81: {  	_ =	shalt  }
0x82: {  	_ =	shalt  }
0x83: {  	_ =	shalt  }
0x84: {  	_ =	shalt  }
0x85: {  	_ =	shalt  }
0x86: {  	_ =	shalt  }
0x87: {  	_ =	shalt  }
.Lfunc_end0:
.L_simem_size_0:
called_computation.1_lowered:
.L_overlay_start_0:
0x88: {  	s2 =	sld [smem:$0x3FD9]  }
0x89: {  	s3 =	sld [smem:$0x3FFE];
	_ =	sdelay $0x1  }
0x8a: {  	s1 =	srdreg.scid  }
0x8b: {  	s0 =	sand.u32 $0x1, s1  }
0x8c: {  	s17 =	sshll.u32 s0, $0xA;
	s2 =	sadd.s32 s3, s2  }
0x8d: {  	s2 =	sadd.s32 s2, s17  }
0x8e: {  	[smem:$0x3F9A] =	sst s2  }
0x8f: {  	_ = 	snop  }
0x90: {  	s2 =	sld [smem:$0x3FC7]  }
0x91: {  	s18 =	sld [smem:$0x3FC6];
	(tm) =	ssettm $0x1  }
0x92: {  	s4 =	sld [smem:$0x3FFB];
	_ =	sdelay $0x3  }
0x93: {  	_ =	strace s4  }
0x94: {  	s4 =	sld [smem:$0x3FFC];
	_ =	sdelay $0x3  }
0x95: {  	_ =	strace s4  }
0x96: {  	s4 =	sld [smem:$0x3FFD];
	_ =	sdelay $0x3  }
0x97: {  	_ =	strace s4  }
0x98: {  	_ =	strace $0x8FFFFFFF  }
0x99: {  	s19 =	sld [smem:$0x3FDB];
	_ =	sdelay $0x1  }
0x9a: {  	s5 =	simm.s32 $_scs_section_size  }
0x9b: {  	s6 =	simm.s32 $_size__tile_overlayer_lowered;
	s7 =	simm.s32 $_tile_overlayer_lowered  }
0x9c: {  	s22 =	simm.s32 $0x1BFF;
	s21 =	sshll.u32 s7, $0x1;
	s4 =	sadd.s32 s5, s19  }
0x9d: {  	s8 =	simm.s32 $0x0;
	s20 =	sshll.u32 s6, $0x1;
	s6 =	sadd.s32 s21, s4  }
0x9e: {  	[timem:s8], [sflag:s22] =	dma.local [hbm:s6], s20  }
0x9f: {  	_ =	swait.ge [sflag:s22], s20  }
0xa0: {  	s5 =	ssub.s32 $0x0, s20;
	[sflag:s22] =	ssyncset.done $0x0  }
0xa1: {  	[sflag:s22] =	ssyncadd.s32 s5;
	_ =	sdelay $0x1  }
0xa2: {  	s23 =	simm.s32 $0x1B8B  }
0xa3: {  	_ =	swait.ge [sflag:s23], $0x1  }
0xa4: {  	[sflag:s23] =	ssyncset.done $0x0  }
0xa5: {  	s25 =	simm.s32 $0x1B8E;
	s24 =	sld [smem:$0x3FFE];
	[sflag:s23] =	ssyncadd.s32 $0xFFFFFFFF  }
0xa6: {  	s26 =	simm.s32 $execute0_lowered;
	[smem:$0x3FD2] =	sst s25  }
0xa7: {  	s6 =	sshll.u32 s26, $0x1;
	_ =	strace $0x80000049;
	[dreg:$0x1] =	wrdreg $0xFFFFFFFF  }
0xa8: {  	s28 =	simm.s32 $_size_execute0_lowered;
	s4 =	sadd.s32 s4, s6;
	[dreg:$0x0] =	wrdreg $0x0  }
0xa9: {  	s6 =	sshll.u32 s28, $0x1;
	[dreg:$0x2] =	wrdreg s4  }
0xaa: {  	[dreg:$0x3] =	wrdreg s6  }
0xab: {  	[dreg:$0x4] =	wrdreg $0xC0  }
0xac: {  	_ =	task [dreg:s8], $0x5FFFF  }
0xad: {  	[dreg:$0x1] =	wrdreg $0xFFFFFFFF  }
0xae: {  	[dreg:$0x0] =	wrdreg $0x60  }
0xaf: {  	[dreg:$0x2] =	wrdreg s24  }
0xb0: {  	[dreg:$0x3] =	wrdreg s2  }
0xb1: {  	[dreg:$0x4] =	wrdreg s18  }
0xb2: {  	[dreg:$0x5] =	wrdreg $0x41000  }
0xb3: {  	[dreg:$0x6] =	wrdreg $0x9  }
0xb4: {  	_ =	task.clear_ibuf [dreg:s8], $0x7FFFF;
	_ =	strace $0x90000049  }
0xb5: {  	s29 =	simm.s32 $0x9;
	_ =	strace $0x8000004B  }
0xb6: {  	_ =	swait.ge [sflag:s29], $0x1  }
0xb7: {  	[sflag:s29] =	ssyncadd.s32 $0xFFFFFFFF  }
0xb8: {  	_ =	strace $0x9000004B  }
0xb9: {  	_ =	sfence  }
0xba: {  	s30 =	sld [smem:$0x0];
	_ =	sdelay $0x2  }
0xbb: {  	s31 =	sshll.u32 s1, $0xD;
	s1 =	sshrl.u32 s1, $0x2  }
0xbc: {  	s3 =	sand.u32 $0x4000, s31;
	s1 =	sadd.s32 s1, s30  }
0xbd: {  	s0 =	sor.u32 s3, s0;
	s1 =	sshll.u32 s1, $0x11  }
0xbe: {  	s0 =	sor.u32 s1, s0  }
0xbf: {  	s0 =	sadd.s32 $0x8F2B, s0  }
0xc0: {  	[sflag:s0] =	ssyncadd.remote.s32 $0x1  }
0xc1: {  	_ =	sfence.sel $0xFFFF  }
0xc2: {  	[dreg:$0x0] =	wrdreg $0xFFFFFFFF;
	(pc) =	sbr.abs _section_cstart, $3  }
0xc3: {  	[dreg:$0x1] =	wrdreg $0xFFFFFFFF  }
0xc4: {  	_ =	task.clear_ibuf [dreg:s8], $0x2FFFF;
	_ =	strace $0x9FFFFFFF  }
0xc5: {  	(tm) =	ssettm $0x7FFFFFFF  }
tec
execute0_lowered:
.L_overlay_start_1:
0x0: {  	(tag) =	ssettag $0x1  }
0x1: {  	s5 =	rddreg [dreg:$0x0]  }
0x2: {  	s8 =	rddreg [dreg:$0x1]  }
0x3: {  	s9 =	rddreg [dreg:$0x2]  }
0x4: {  	s2 =	rddreg [dreg:$0x3]  }
0x5: {  	s0 =	rddreg [dreg:$0x4]  }
0x6: {  	s1 =	stileid.u32;
	s4 =	srdreg.scid  }
0x7: {  	s3 =	simm.s32 $0x0;
	s6 =	smul.u32 $0xA000, s1;
	s10 =	sand.u32 $0x1, s4  }
0x8: {  	[smem:$0x7FF] =	sst s3;
	s4 =	sadd.s32 $0x95C00, s5;
	s12 =	smul.u32 $0x28000, s1  }
0x9: {  	s30 =	sshll.u32 s1, $0x6;
	s31 =	sshll.u32 s1, $0x4;
	s7 =	smul.u32 $0xA0000, s10  }
0xa: {  	_ =	strace $0x8000004A;
	s26 =	ssub.s32 $0x2, s10;
	s15 =	sshll.u32 s10, $0x4  }
0xb: {  	s10 =	sshll.u32 s10, $0x8;
	s11 =	sshrl.u32 s6, $0x3;
	s28 =	sshrl.u32 s26, $0x1  }
0xc: {  	s29 =	sshrl.u32 s12, $0x2;
	s9 =	sadd.s32 s10, s9;
	s10 =	sadd.s32 s10, s8  }
0xd: {  	s6 =	sadd.s32 s6, s7;
	s11 =	sadd.s32 s11, s5;
	s14 =	ssub.s32 s26, s28  }
0xe: {  	s12 =	sadd.s32 s29, s2;
	s9 =	sadd.s32 s31, s9;
	s10 =	sadd.s32 s31, s10  }
0xf: {  	s6 =	sshrl.u32 s6, $0x3;
	s8 =	smax.u32 s14, $0x1;
	s12 =	sshrl.u32 s12, $0x3  }
0x10: {  	s13 =	sadd.s32 s6, s5;
	s5 =	sadd.s32 $0xBCE00, s11;
	s6 =	sor.u32 $0x1C02, s30  }
0x11: {  	s11 =	sor.u32 s15, s1;
	s7 =	sadd.s32 $0xD0E00, s13;
	s13 =	simm.s32 $0x2  }
.LBB2_1:
0x12: {  	[spmem:s12], [sflag:s6] =	dma.local [hbm:s5], $0x1400  }
0x13: {  	_ =	swait.ge [sflag:s13], $0x1400  }
0x14: {  	p0 =	sgt.u32 s11, $0x9C3;
	[sflag:s13] =	ssyncset.done $0x0  }
0x15: {  	s14 =	sadd.s32 @!p0 $0x0, s10;
	[sflag:s13] =	ssyncadd.s32 $0xFFFFEC00  }
0x16: {  	s15 =	simm.s32 @!p0 $0x0;
	s16 =	simm.s32 @!p0 $0x3;
	[bflag:$0x0] =	sbarrier.arrive $0xFFFF  }
0x17: {  	[tilespmem:s15], [sflag:$0x3] =	stream.linear.gather @!p0 [hbm4b:s14+s15], $0x80, $0x38;
	[tilespmem:$0xE100] =	vst v63  }
0x18: {  	_ =	swait.ge @!p0 [sflag:s16], $0x80;
	p0 =	por p0, p0  }
0x19: {  	[sflag:s16] =	ssyncset.done @!p0 $0x0  }
0x1a: {  	s14 =	sadd.s32 @!p0 $0x0, s9;
	s17 =	simm.s32 @!p0 $0x80;
	[sflag:s16] =	ssyncadd.s32 @!p0 $0xFFFFFF80  }
0x1b: {  	[tilespmem:s17], [sflag:$0x3] =	stream.linear.gather @!p0 [hbm4b:s14+s15], $0x80, $0x38;
	[tilespmem:$0xE100] =	vst v63  }
0x1c: {  	_ =	swait.ge @!p0 [sflag:s16], $0x80  }
0x1d: {  	[sflag:s16] =	ssyncset.done @!p0 $0x0  }
0x1e: {  	s14 =	simm.s32 @!p0 $0x100;
	[sflag:s16] =	ssyncadd.s32 @!p0 $0xFFFFFF80;
	s16 =	simm.s32 @!p0 $0x1  }
0x1f: {  	[tilespmem:s14], [sflag:$0x1] =	stream.indirect.gather @!p0 [hbm4b:s4+s17], $0x80, s15, s17, $0xb8;
	[tilespmem:$0xE100] =	vst v63  }
0x20: {  	_ =	swait.ge @!p0 [sflag:s16], $0x4000  }
0x21: {  	[sflag:s16] =	ssyncset.done @!p0 $0x0  }
0x22: {  	s15 =	sadd.s32 $0x20, s11;
	[sflag:s16] =	ssyncadd.s32 @!p0 $0xFFFFC000  }
0x23: {  	[spmem:s2] =	stream.indirect.scatter.add.f32 @!p0 [tilespmem:s14], [sflag:$0x2], $0x80, s17, s17, $0xb8;
	[tilespmem:$0xE100] =	vst v63  }
0x24: {  	p2 =	sgt.u32 s15, $0x9C3;
	s17 =	simm.s32 @!p0 $0x2  }
0x25: {  	s16 =	simm.s32 $0x400;
	s14 =	simm.s32 $0x200;
	_ =	swait.ge @!p0 [sflag:s17], $0x4000  }
.LBB2_2:
0x26: {  	s18 =	sadd.s32 @!p2 s14, s10  }
0x27: {  	s19 =	simm.s32 @!p2 $0x0;
	[sflag:s17] =	ssyncset.done @!p0 $0x0;
	s20 =	smov.u32 s16  }
0x28: {  	s16 =	sadd.s32 $0x200, s16;
	s21 =	simm.s32 @!p2 $0x3;
	[sflag:s17] =	ssyncadd.s32 @!p0 $0xFFFFC000  }
0x29: {  	[tilespmem:s19], [sflag:$0x3] =	stream.linear.gather @!p2 [hbm4b:s18+s19], $0x80, $0x38;
	[tilespmem:$0xE100] =	vst v63  }
0x2a: {  	p1 =	sne.s32 s16, $0x9E00;
	p0 =	por p2, p2;
	_ =	swait.ge @!p2 [sflag:s21], $0x80  }
0x2b: {  	[sflag:s21] =	ssyncset.done @!p0 $0x0  }
0x2c: {  	s14 =	sadd.s32 @!p0 s14, s9;
	s18 =	simm.s32 @!p0 $0x80;
	[sflag:s21] =	ssyncadd.s32 @!p0 $0xFFFFFF80  }
0x2d: {  	[tilespmem:s18], [sflag:$0x3] =	stream.linear.gather @!p0 [hbm4b:s14+s19], $0x80, $0x38;
	[tilespmem:$0xE100] =	vst v63  }
0x2e: {  	s14 =	smov.u32 s20;
	_ =	swait.ge @!p0 [sflag:s21], $0x80  }
0x2f: {  	[sflag:s21] =	ssyncset.done @!p0 $0x0  }
0x30: {  	s17 =	simm.s32 @!p0 $0x1;
	s20 =	simm.s32 @!p0 $0x100;
	[sflag:s21] =	ssyncadd.s32 @!p0 $0xFFFFFF80  }
0x31: {  	[tilespmem:s20], [sflag:$0x1] =	stream.indirect.gather @!p0 [hbm4b:s4+s18], $0x80, s19, s18, $0xb8;
	[tilespmem:$0xE100] =	vst v63  }
.Ltmp0:
0x32: {  	_ =	swait.ge @!p0 [sflag:s17], $0x4000;
	(pc) =	sbr.rel @p1 .LBB2_2-.Ltmp0, $4  }
0x33: {  	[sflag:s17] =	ssyncset.done @!p0 $0x0  }
0x34: {  	s15 =	sadd.s32 $0x20, s15;
	[sflag:s17] =	ssyncadd.s32 @!p0 $0xFFFFC000;
	s17 =	simm.s32 @!p0 $0x2  }
0x35: {  	[spmem:s2] =	stream.indirect.scatter.add.f32 @!p0 [tilespmem:s20], [sflag:$0x2], $0x80, s18, s18, $0xb8;
	[tilespmem:$0xE100] =	vst v63  }
0x36: {  	p2 =	sgt.u32 s15, $0x9C3;
	_ =	swait.ge @!p0 [sflag:s17], $0x4000  }
0x37: {  	s15 =	sadd.s32 @!p2 s14, s10;
	[sflag:s17] =	ssyncset.done @!p0 $0x0  }
0x38: {  	s16 =	simm.s32 @!p2 $0x0;
	s18 =	simm.s32 @!p2 $0x3;
	[sflag:s17] =	ssyncadd.s32 @!p0 $0xFFFFC000  }
0x39: {  	[tilespmem:s16], [sflag:$0x3] =	stream.linear.gather @!p2 [hbm4b:s15+s16], $0x80, $0x38;
	[tilespmem:$0xE100] =	vst v63  }
0x3a: {  	p0 =	por p2, p2;
	_ =	swait.ge @!p2 [sflag:s18], $0x80  }
0x3b: {  	[sflag:s18] =	ssyncset.done @!p0 $0x0  }
0x3c: {  	s14 =	sadd.s32 @!p0 s14, s9;
	s15 =	simm.s32 @!p0 $0x80;
	[sflag:s18] =	ssyncadd.s32 @!p0 $0xFFFFFF80  }
0x3d: {  	[tilespmem:s15], [sflag:$0x3] =	stream.linear.gather @!p0 [hbm4b:s14+s16], $0x80, $0x38;
	[tilespmem:$0xE100] =	vst v63  }
0x3e: {  	_ =	swait.ge @!p0 [sflag:s18], $0x80  }
0x3f: {  	[sflag:s18] =	ssyncset.done @!p0 $0x0  }
0x40: {  	s17 =	simm.s32 @!p0 $0x1;
	s14 =	simm.s32 @!p0 $0x100;
	[sflag:s18] =	ssyncadd.s32 @!p0 $0xFFFFFF80  }
0x41: {  	[tilespmem:s14], [sflag:$0x1] =	stream.indirect.gather @!p0 [hbm4b:s4+s15], $0x80, s16, s15, $0xb8;
	[tilespmem:$0xE100] =	vst v63  }
0x42: {  	_ =	swait.ge @!p0 [sflag:s17], $0x4000  }
0x43: {  	[sflag:s17] =	ssyncset.done @!p0 $0x0  }
0x44: {  	s16 =	simm.s32 @!p0 $0x2;
	[sflag:s17] =	ssyncadd.s32 @!p0 $0xFFFFC000  }
0x45: {  	[spmem:s2] =	stream.indirect.scatter.add.f32 @!p0 [tilespmem:s14], [sflag:$0x2], $0x80, s15, s15, $0xb8;
	[tilespmem:$0xE100] =	vst v63  }
0x46: {  	_ =	swait.ge @!p0 [sflag:s16], $0x4000  }
0x47: {  	s3 =	sadd.s32 $0x1, s3;
	[sflag:s16] =	ssyncset.done @!p0 $0x0  }
0x48: {  	[sflag:s16] =	ssyncadd.s32 @!p0 $0xFFFFC000;
	p0 =	sne.s32 s3, s8  }
.Ltmp1:
0x49: {  	[bflag:$0x0] =	sbarrier.arrive $0xFFFF;
	(pc) =	sbr.rel @p0 .LBB2_1-.Ltmp1, $4  }
0x4a: {  	[hbm:s7], [sflag:s6] =	dma.local [spmem:s12], $0x1400  }
0x4b: {  	_ =	swait.ge [sflag:s13], $0x1400  }
0x4c: {  	[sflag:s13] =	ssyncset.done $0x0  }
0x4d: {  	[sflag:s13] =	ssyncadd.s32 $0xFFFFEC00  }
0x4e: {  	_ =	sfence.sel $0x180000  }
0x4f: {  	[bflag:$0x0] =	sbarrier.arrive $0xFFFF  }
0x50: {  	p0 =	sne.s32 s1, $0x0;
	_ =	strace $0x9000004A  }
0x51: {  	s0 =	sadd.s32 @!p0 $0x100000, s0;
	[bflag:$0x2] =	sbarrier.arrive $0xFFFF  }
0x52: {  	[sflag:s0] =	ssyncadd.tile.s32 @!p0 $0x1;
	_ =	shalt  }
.Lfunc_end2:
_tile_overlayer_lowered:
.L_overlay_start_2:
0x53: {  	(tag) =	ssettag $0x2  }
0x54: {  	s0 =	rddreg [dreg:$0x0];
	s2 =	stileid.u32  }
0x55: {  	s1 =	rddreg [dreg:$0x1];
	p0 =	sne.s32 s2, $0x0  }
0x56: {  	s3 =	rddreg [dreg:$0x2];
	[bflag:$0x3] =	sbarrier.arrive $0xFFFF;
	s2 =	simm.s32 @!p0 $0x1C02  }
0x57: {  	[timem:s3], [sflag:s2] =	dma.local @!p0 [hbm:s0], s1  }
0x58: {  	s0 =	simm.s32 @!p0 $0x2  }
0x59: {  	_ =	swait.ge @!p0 [sflag:s0], s1  }
0x5a: {  	s1 =	ssub.s32 @!p0 $0x0, s1;
	[sflag:s0] =	ssyncset.done @!p0 $0x0  }
0x5b: {  	[sflag:s0] =	ssyncadd.s32 @!p0 s1  }
0x5c: {  	[bflag:$0x3] =	sbarrier.arrive $0xFFFF  }
0x5d: {  	_ =	shalt  }

// kernel: kernel.25.cloned.1.call-start
scs
__scs_entry_jumppad:
0x0: {  	(pc) =	sbr.rel $0x88, $3  }
0x1: {  	(tag) =	ssettag $0x0;
	lr =	simm.s32 $0x1  }
0x2: {  	[smem:$0x3F73] =	sst lr;
	_ =	strace $0xD0000000  }
0x3: {  	_ = 	snop  }
0x4: {  	_ = 	snop  }
0x5: {  	_ = 	snop  }
0x6: {  	_ = 	snop  }
0x7: {  	_ = 	snop  }
__scs_overlays_trampoline_lowered:
0x8: {  	[smem:$0x3F82] =	sst s0  }
0x9: {  	[smem:$0x3F83] =	sst s1  }
0xa: {  	[smem:$0x3F84] =	sst s2  }
0xb: {  	[smem:$0x3F85] =	sst s3  }
0xc: {  	[smem:$0x3F86] =	sst s4  }
0xd: {  	[smem:$0x3F87] =	sst s5  }
0xe: {  	[smem:$0x3F88] =	sst s6  }
0xf: {  	[smem:$0x3F89] =	sst s7  }
0x10: {  	[smem:$0x3F8A] =	sst s8  }
0x11: {  	[smem:$0x3F8B] =	sst s9;
	s0 =	simm.s32 @!p0 $0x0  }
0x12: {  	s1 =	sld [smem:$0x3F71];
	s0 =	simm.s32 @p0 $0x1  }
0x13: {  	[smem:$0x3F8C] =	sst s0;
	s0 =	simm.s32 @!p1 $0x0  }
0x14: {  	s2 =	sld [smem:$0x3F70];
	s0 =	simm.s32 @p1 $0x1  }
0x15: {  	[smem:$0x3F8D] =	sst s0;
	s0 =	simm.s32 @!p2 $0x0  }
0x16: {  	s3 =	sld [smem:$0x3FDB];
	s0 =	simm.s32 @p2 $0x1  }
0x17: {  	s4 =	simm.s32 $0x1BF5;
	[smem:$0x3F8F] =	sst s0  }
0x18: {  	s0 =	sld [smem:$0x3F72];
	_ =	swait.ge [sflag:s4], $0x0  }
0x19: {  	s7 =	sld [smem:$0x3F73]  }
0x1a: {  	s8 =	sadd.s32 $0xFFFFE003, lr  }
0x1b: {  	s9 =	sadd.s32 $0xFFFFFEF7, lr;
	s5 =	simm.s32 $0xFFFFFFFF;
	p2 =	slt.u32 s8, $0xFFFFF086  }
0x1c: {  	p1 =	slt.u32 s9, $0xF7A;
	s5 =	simm.s32 @!p2 $0x0  }
0x1d: {  	s5 =	simm.s32 @p1 $0x1;
	p0 =	seq.s32 s7, s2  }
0x1e: {  	s7 =	smul.u32 @!p0 $0xF7A, s2;
	p2 =	seq.s32 @!p0 s5, $0x0  }
0x1f: {  	s9 =	smul.u32 $0xF7A, s1;
	s8 =	simm.s32 @!p0 $0x1BF5;
	p2 =	por !p2, p0  }
0x20: {  	[sflag:s8] =	ssyncset.s32 @!p0 $0xFFFFF086;
	s6 =	sadd.s32 @!p0 s3, s7;
	s7 =	simm.s32 @!p0 $0x108  }
0x21: {  	s3 =	sadd.s32 s3, s9;
	s6 =	sadd.s32 @!p0 $0x88, s6;
	s7 =	simm.s32 @p2 $0x1082  }
0x22: {  	[simem:s7], [sflag:s8] =	dma.local @!p0 [hbm:s6], $0xF7A  }
0x23: {  	s9 =	sor.u32 $0xD0000000, s2;
	s6 =	simm.s32 $0x108;
	_ =	swait.ge @!p0 [sflag:s8], $0x0  }
0x24: {  	s3 =	sadd.s32 $0x88, s3;
	s6 =	simm.s32 @!p1 $0x1082;
	[sflag:s4] =	ssyncset.s32 $0xFFFFF086  }
0x25: {  	[simem:s6], [sflag:s4] =	dma.local [hbm:s3], $0xF7A  }
0x26: {  	[smem:$0x3F73] =	sst s1;
	(tag) =	ssettag s2;
	_ =	strace s9  }
0x27: {  	s1 =	sld [smem:$0x3F83]  }
0x28: {  	s2 =	sld [smem:$0x3F84]  }
0x29: {  	s4 =	sld [smem:$0x3F86]  }
0x2a: {  	p0 =	seq.s32 s5, $0x0;
	s5 =	sld [smem:$0x3F87]  }
0x2b: {  	s6 =	sld [smem:$0x3F88]  }
0x2c: {  	s7 =	sld [smem:$0x3F89]  }
0x2d: {  	s3 =	simm.s32 $0x108;
	s8 =	sld [smem:$0x3F8A]  }
0x2e: {  	s3 =	simm.s32 @!p0 $0x1082;
	s9 =	sld [smem:$0x3F8B]  }
0x2f: {  	lr =	sadd.s32 s0, s3;
	s0 =	sld [smem:$0x3F82]  }
0x30: {  	s3 =	sld [smem:$0x3F85]  }
0x31: {  	[smem:$0x3F8E] =	sst s10  }
0x32: {  	s10 =	sld [smem:$0x3F8C];
	_ =	sdelay $0x3  }
0x33: {  	p0 =	seq.s32 s10, $0x1;
	s10 =	sld [smem:$0x3F8E];
	_ =	sdelay $0x3  }
0x34: {  	[smem:$0x3F8E] =	sst s10  }
0x35: {  	s10 =	sld [smem:$0x3F8D];
	_ =	sdelay $0x3  }
0x36: {  	p1 =	seq.s32 s10, $0x1;
	s10 =	sld [smem:$0x3F8E];
	_ =	sdelay $0x3  }
0x37: {  	[smem:$0x3F8E] =	sst s10  }
0x38: {  	s10 =	sld [smem:$0x3F8F]  }
0x39: {  	_ = 	snop;
	(pc) =	sbr.ind lr, $3  }
0x3a: {  	_ = 	snop  }
0x3b: {  	_ = 	snop  }
0x3c: {  	p2 =	seq.s32 s10, $0x1;
	s10 =	sld [smem:$0x3F8E]  }
0x3d: {  	_ =	shalt  }
0x3e: {  	_ =	shalt  }
0x3f: {  	_ =	shalt  }
0x40: {  	_ =	shalt  }
0x41: {  	_ =	shalt  }
0x42: {  	_ =	shalt  }
0x43: {  	_ =	shalt  }
0x44: {  	_ =	shalt  }
0x45: {  	_ =	shalt  }
0x46: {  	_ =	shalt  }
0x47: {  	_ =	shalt  }
0x48: {  	_ =	shalt  }
0x49: {  	_ =	shalt  }
0x4a: {  	_ =	shalt  }
0x4b: {  	_ =	shalt  }
0x4c: {  	_ =	shalt  }
0x4d: {  	_ =	shalt  }
0x4e: {  	_ =	shalt  }
0x4f: {  	_ =	shalt  }
0x50: {  	_ =	shalt  }
0x51: {  	_ =	shalt  }
0x52: {  	_ =	shalt  }
0x53: {  	_ =	shalt  }
0x54: {  	_ =	shalt  }
0x55: {  	_ =	shalt  }
0x56: {  	_ =	shalt  }
0x57: {  	_ =	shalt  }
0x58: {  	_ =	shalt  }
0x59: {  	_ =	shalt  }
0x5a: {  	_ =	shalt  }
0x5b: {  	_ =	shalt  }
0x5c: {  	_ =	shalt  }
0x5d: {  	_ =	shalt  }
0x5e: {  	_ =	shalt  }
0x5f: {  	_ =	shalt  }
0x60: {  	_ =	shalt  }
0x61: {  	_ =	shalt  }
0x62: {  	_ =	shalt  }
0x63: {  	_ =	shalt  }
0x64: {  	_ =	shalt  }
0x65: {  	_ =	shalt  }
0x66: {  	_ =	shalt  }
0x67: {  	_ =	shalt  }
0x68: {  	_ =	shalt  }
0x69: {  	_ =	shalt  }
0x6a: {  	_ =	shalt  }
0x6b: {  	_ =	shalt  }
0x6c: {  	_ =	shalt  }
0x6d: {  	_ =	shalt  }
0x6e: {  	_ =	shalt  }
0x6f: {  	_ =	shalt  }
0x70: {  	_ =	shalt  }
0x71: {  	_ =	shalt  }
0x72: {  	_ =	shalt  }
0x73: {  	_ =	shalt  }
0x74: {  	_ =	shalt  }
0x75: {  	_ =	shalt  }
0x76: {  	_ =	shalt  }
0x77: {  	_ =	shalt  }
0x78: {  	_ =	shalt  }
0x79: {  	_ =	shalt  }
0x7a: {  	_ =	shalt  }
0x7b: {  	_ =	shalt  }
0x7c: {  	_ =	shalt  }
0x7d: {  	_ =	shalt  }
0x7e: {  	_ =	shalt  }
0x7f: {  	_ =	shalt  }
0x80: {  	_ =	shalt  }
0x81: {  	_ =	shalt  }
0x82: {  	_ =	shalt  }
0x83: {  	_ =	shalt  }
0x84: {  	_ =	shalt  }
0x85: {  	_ =	shalt  }
0x86: {  	_ =	shalt  }
0x87: {  	_ =	shalt  }
.Lfunc_end0:
.L_simem_size_0:
called_computation.2_lowered:
.L_overlay_start_0:
0x88: {  	s2 =	sld [smem:$0x3FD9]  }
0x89: {  	s3 =	sld [smem:$0x3FFE];
	_ =	sdelay $0x1  }
0x8a: {  	s1 =	srdreg.scid  }
0x8b: {  	s0 =	sand.u32 $0x1, s1  }
0x8c: {  	s17 =	sshll.u32 s0, $0xA;
	s2 =	sadd.s32 s3, s2  }
0x8d: {  	s2 =	sadd.s32 s2, s17  }
0x8e: {  	[smem:$0x3F9A] =	sst s2  }
0x8f: {  	_ = 	snop  }
0x90: {  	s2 =	sld [smem:$0x3FC5]  }
0x91: {  	s18 =	sld [smem:$0x3FC4];
	(tm) =	ssettm $0x1  }
0x92: {  	s4 =	sld [smem:$0x3FFB];
	_ =	sdelay $0x3  }
0x93: {  	_ =	strace s4  }
0x94: {  	s4 =	sld [smem:$0x3FFC];
	_ =	sdelay $0x3  }
0x95: {  	_ =	strace s4  }
0x96: {  	s4 =	sld [smem:$0x3FFD];
	_ =	sdelay $0x3  }
0x97: {  	_ =	strace s4  }
0x98: {  	_ =	strace $0x8FFFFFFF  }
0x99: {  	s19 =	sld [smem:$0x3FDB];
	_ =	sdelay $0x1  }
0x9a: {  	s5 =	simm.s32 $_scs_section_size  }
0x9b: {  	s6 =	simm.s32 $_size__tile_overlayer_lowered;
	s7 =	simm.s32 $_tile_overlayer_lowered  }
0x9c: {  	s22 =	simm.s32 $0x1BFF;
	s21 =	sshll.u32 s7, $0x1;
	s4 =	sadd.s32 s5, s19  }
0x9d: {  	s8 =	simm.s32 $0x0;
	s20 =	sshll.u32 s6, $0x1;
	s6 =	sadd.s32 s21, s4  }
0x9e: {  	[timem:s8], [sflag:s22] =	dma.local [hbm:s6], s20  }
0x9f: {  	_ =	swait.ge [sflag:s22], s20  }
0xa0: {  	s5 =	ssub.s32 $0x0, s20;
	[sflag:s22] =	ssyncset.done $0x0  }
0xa1: {  	[sflag:s22] =	ssyncadd.s32 s5;
	_ =	sdelay $0x1  }
0xa2: {  	s23 =	simm.s32 $0x1B8B  }
0xa3: {  	_ =	swait.ge [sflag:s23], $0x1  }
0xa4: {  	[sflag:s23] =	ssyncset.done $0x0  }
0xa5: {  	s25 =	simm.s32 $0x1B8E;
	s24 =	sld [smem:$0x3FFE];
	[sflag:s23] =	ssyncadd.s32 $0xFFFFFFFF  }
0xa6: {  	s26 =	simm.s32 $execute0_lowered;
	[smem:$0x3FD2] =	sst s25  }
0xa7: {  	s6 =	sshll.u32 s26, $0x1;
	_ =	strace $0x8000004C;
	[dreg:$0x1] =	wrdreg $0xFFFFFFFF  }
0xa8: {  	s28 =	simm.s32 $_size_execute0_lowered;
	s4 =	sadd.s32 s4, s6;
	[dreg:$0x0] =	wrdreg $0x0  }
0xa9: {  	s6 =	sshll.u32 s28, $0x1;
	[dreg:$0x2] =	wrdreg s4  }
0xaa: {  	[dreg:$0x3] =	wrdreg s6  }
0xab: {  	[dreg:$0x4] =	wrdreg $0xC0  }
0xac: {  	_ =	task [dreg:s8], $0x5FFFF  }
0xad: {  	[dreg:$0x1] =	wrdreg $0xFFFFFFFF  }
0xae: {  	[dreg:$0x0] =	wrdreg $0x60  }
0xaf: {  	[dreg:$0x2] =	wrdreg s24  }
0xb0: {  	[dreg:$0x3] =	wrdreg s2  }
0xb1: {  	[dreg:$0x4] =	wrdreg s18  }
0xb2: {  	[dreg:$0x5] =	wrdreg $0x41000  }
0xb3: {  	[dreg:$0x6] =	wrdreg $0x9  }
0xb4: {  	_ =	task.clear_ibuf [dreg:s8], $0x7FFFF;
	_ =	strace $0x9000004C  }
0xb5: {  	s29 =	simm.s32 $0x9;
	_ =	strace $0x8000004E  }
0xb6: {  	_ =	swait.ge [sflag:s29], $0x1  }
0xb7: {  	[sflag:s29] =	ssyncadd.s32 $0xFFFFFFFF  }
0xb8: {  	_ =	strace $0x9000004E  }
0xb9: {  	_ =	sfence  }
0xba: {  	s30 =	sld [smem:$0x0];
	_ =	sdelay $0x2  }
0xbb: {  	s31 =	sshll.u32 s1, $0xD;
	s1 =	sshrl.u32 s1, $0x2  }
0xbc: {  	s3 =	sand.u32 $0x4000, s31;
	s1 =	sadd.s32 s1, s30  }
0xbd: {  	s0 =	sor.u32 s3, s0;
	s1 =	sshll.u32 s1, $0x11  }
0xbe: {  	s0 =	sor.u32 s1, s0  }
0xbf: {  	s0 =	sadd.s32 $0x8F2B, s0  }
0xc0: {  	[sflag:s0] =	ssyncadd.remote.s32 $0x1  }
0xc1: {  	_ =	sfence.sel $0xFFFF  }
0xc2: {  	[dreg:$0x0] =	wrdreg $0xFFFFFFFF;
	(pc) =	sbr.abs _section_cstart, $3  }
0xc3: {  	[dreg:$0x1] =	wrdreg $0xFFFFFFFF  }
0xc4: {  	_ =	task.clear_ibuf [dreg:s8], $0x2FFFF;
	_ =	strace $0x9FFFFFFF  }
0xc5: {  	(tm) =	ssettm $0x7FFFFFFF  }
tec
execute0_lowered:
.L_overlay_start_1:
0x0: {  	(tag) =	ssettag $0x1  }
0x1: {  	s5 =	rddreg [dreg:$0x0]  }
0x2: {  	s8 =	rddreg [dreg:$0x1]  }
0x3: {  	s9 =	rddreg [dreg:$0x2]  }
0x4: {  	s2 =	rddreg [dreg:$0x3]  }
0x5: {  	s0 =	rddreg [dreg:$0x4]  }
0x6: {  	s1 =	stileid.u32;
	s4 =	srdreg.scid  }
0x7: {  	s3 =	simm.s32 $0x0;
	s6 =	smul.u32 $0x14000, s1;
	s10 =	sand.u32 $0x1, s4  }
0x8: {  	[smem:$0x7FF] =	sst s3;
	s4 =	sadd.s32 $0xA200, s5;
	s12 =	smul.u32 $0x50000, s1  }
0x9: {  	s30 =	sshll.u32 s1, $0x6;
	s31 =	sshll.u32 s1, $0x4;
	s7 =	smul.u32 $0x140000, s10  }
0xa: {  	_ =	strace $0x8000004D;
	s26 =	ssub.s32 $0x2, s10;
	s15 =	sshll.u32 s10, $0x4  }
0xb: {  	s10 =	sshll.u32 s10, $0x8;
	s11 =	sshrl.u32 s6, $0x3;
	s28 =	sshrl.u32 s26, $0x1  }
0xc: {  	s29 =	sshrl.u32 s12, $0x2;
	s9 =	sadd.s32 s10, s9;
	s10 =	sadd.s32 s10, s8  }
0xd: {  	s6 =	sadd.s32 s6, s7;
	s11 =	sadd.s32 s11, s5;
	s14 =	ssub.s32 s26, s28  }
0xe: {  	s12 =	sadd.s32 s29, s2;
	s9 =	sadd.s32 s31, s9;
	s10 =	sadd.s32 s31, s10  }
0xf: {  	s6 =	sshrl.u32 s6, $0x3;
	s8 =	smax.u32 s14, $0x1;
	s12 =	sshrl.u32 s12, $0x3  }
0x10: {  	s13 =	sadd.s32 s6, s5;
	s5 =	sadd.s32 $0x1DC00, s11;
	s6 =	sor.u32 $0x1C02, s30  }
0x11: {  	s11 =	sor.u32 s15, s1;
	s7 =	sadd.s32 $0x120000, s13;
	s13 =	simm.s32 $0x2  }
.LBB2_1:
0x12: {  	[spmem:s12], [sflag:s6] =	dma.local [hbm:s5], $0x2800  }
0x13: {  	_ =	swait.ge [sflag:s13], $0x2800  }
0x14: {  	p0 =	sgt.u32 s11, $0x9C3;
	[sflag:s13] =	ssyncset.done $0x0  }
0x15: {  	s14 =	sadd.s32 @!p0 $0x0, s10;
	[sflag:s13] =	ssyncadd.s32 $0xFFFFD800  }
0x16: {  	s15 =	simm.s32 @!p0 $0x0;
	s16 =	simm.s32 @!p0 $0x3;
	[bflag:$0x0] =	sbarrier.arrive $0xFFFF  }
0x17: {  	[tilespmem:s15], [sflag:$0x3] =	stream.linear.gather @!p0 [hbm4b:s14+s15], $0x80, $0x38;
	[tilespmem:$0x18100] =	vst v63  }
0x18: {  	_ =	swait.ge @!p0 [sflag:s16], $0x80;
	p0 =	por p0, p0  }
0x19: {  	[sflag:s16] =	ssyncset.done @!p0 $0x0  }
0x1a: {  	s14 =	sadd.s32 @!p0 $0x0, s9;
	s17 =	simm.s32 @!p0 $0x80;
	[sflag:s16] =	ssyncadd.s32 @!p0 $0xFFFFFF80  }
0x1b: {  	[tilespmem:s17], [sflag:$0x3] =	stream.linear.gather @!p0 [hbm4b:s14+s15], $0x80, $0x38;
	[tilespmem:$0x18100] =	vst v63  }
0x1c: {  	_ =	swait.ge @!p0 [sflag:s16], $0x80  }
0x1d: {  	[sflag:s16] =	ssyncset.done @!p0 $0x0  }
0x1e: {  	s14 =	simm.s32 @!p0 $0x100;
	[sflag:s16] =	ssyncadd.s32 @!p0 $0xFFFFFF80;
	s16 =	simm.s32 @!p0 $0x1  }
0x1f: {  	[tilespmem:s14], [sflag:$0x1] =	stream.indirect.gather @!p0 [hbm4b:s4+s17], $0x80, s15, s17, $0xb8;
	[tilespmem:$0x18100] =	vst v63  }
0x20: {  	_ =	swait.ge @!p0 [sflag:s16], $0x4000  }
0x21: {  	[sflag:s16] =	ssyncset.done @!p0 $0x0  }
0x22: {  	s15 =	sadd.s32 $0x20, s11;
	[sflag:s16] =	ssyncadd.s32 @!p0 $0xFFFFC000  }
0x23: {  	[spmem:s2] =	stream.indirect.scatter.add.f32 @!p0 [tilespmem:s14], [sflag:$0x2], $0x80, s17, s17, $0xb8;
	[tilespmem:$0x18100] =	vst v63  }
0x24: {  	p2 =	sgt.u32 s15, $0x9C3;
	s17 =	simm.s32 @!p0 $0x2  }
0x25: {  	s16 =	simm.s32 $0x400;
	s14 =	simm.s32 $0x200;
	_ =	swait.ge @!p0 [sflag:s17], $0x4000  }
.LBB2_2:
0x26: {  	s18 =	sadd.s32 @!p2 s14, s10  }
0x27: {  	s19 =	simm.s32 @!p2 $0x0;
	[sflag:s17] =	ssyncset.done @!p0 $0x0;
	s20 =	smov.u32 s16  }
0x28: {  	s16 =	sadd.s32 $0x200, s16;
	s21 =	simm.s32 @!p2 $0x3;
	[sflag:s17] =	ssyncadd.s32 @!p0 $0xFFFFC000  }
0x29: {  	[tilespmem:s19], [sflag:$0x3] =	stream.linear.gather @!p2 [hbm4b:s18+s19], $0x80, $0x38;
	[tilespmem:$0x18100] =	vst v63  }
0x2a: {  	p1 =	sne.s32 s16, $0x9E00;
	p0 =	por p2, p2;
	_ =	swait.ge @!p2 [sflag:s21], $0x80  }
0x2b: {  	[sflag:s21] =	ssyncset.done @!p0 $0x0  }
0x2c: {  	s14 =	sadd.s32 @!p0 s14, s9;
	s18 =	simm.s32 @!p0 $0x80;
	[sflag:s21] =	ssyncadd.s32 @!p0 $0xFFFFFF80  }
0x2d: {  	[tilespmem:s18], [sflag:$0x3] =	stream.linear.gather @!p0 [hbm4b:s14+s19], $0x80, $0x38;
	[tilespmem:$0x18100] =	vst v63  }
0x2e: {  	s14 =	smov.u32 s20;
	_ =	swait.ge @!p0 [sflag:s21], $0x80  }
0x2f: {  	[sflag:s21] =	ssyncset.done @!p0 $0x0  }
0x30: {  	s17 =	simm.s32 @!p0 $0x1;
	s20 =	simm.s32 @!p0 $0x100;
	[sflag:s21] =	ssyncadd.s32 @!p0 $0xFFFFFF80  }
0x31: {  	[tilespmem:s20], [sflag:$0x1] =	stream.indirect.gather @!p0 [hbm4b:s4+s18], $0x80, s19, s18, $0xb8;
	[tilespmem:$0x18100] =	vst v63  }
.Ltmp0:
0x32: {  	_ =	swait.ge @!p0 [sflag:s17], $0x4000;
	(pc) =	sbr.rel @p1 .LBB2_2-.Ltmp0, $4  }
0x33: {  	[sflag:s17] =	ssyncset.done @!p0 $0x0  }
0x34: {  	s15 =	sadd.s32 $0x20, s15;
	[sflag:s17] =	ssyncadd.s32 @!p0 $0xFFFFC000;
	s17 =	simm.s32 @!p0 $0x2  }
0x35: {  	[spmem:s2] =	stream.indirect.scatter.add.f32 @!p0 [tilespmem:s20], [sflag:$0x2], $0x80, s18, s18, $0xb8;
	[tilespmem:$0x18100] =	vst v63  }
0x36: {  	p2 =	sgt.u32 s15, $0x9C3;
	_ =	swait.ge @!p0 [sflag:s17], $0x4000  }
0x37: {  	s15 =	sadd.s32 @!p2 s14, s10;
	[sflag:s17] =	ssyncset.done @!p0 $0x0  }
0x38: {  	s16 =	simm.s32 @!p2 $0x0;
	s18 =	simm.s32 @!p2 $0x3;
	[sflag:s17] =	ssyncadd.s32 @!p0 $0xFFFFC000  }
0x39: {  	[tilespmem:s16], [sflag:$0x3] =	stream.linear.gather @!p2 [hbm4b:s15+s16], $0x80, $0x38;
	[tilespmem:$0x18100] =	vst v63  }
0x3a: {  	p0 =	por p2, p2;
	_ =	swait.ge @!p2 [sflag:s18], $0x80  }
0x3b: {  	[sflag:s18] =	ssyncset.done @!p0 $0x0  }
0x3c: {  	s14 =	sadd.s32 @!p0 s14, s9;
	s15 =	simm.s32 @!p0 $0x80;
	[sflag:s18] =	ssyncadd.s32 @!p0 $0xFFFFFF80  }
0x3d: {  	[tilespmem:s15], [sflag:$0x3] =	stream.linear.gather @!p0 [hbm4b:s14+s16], $0x80, $0x38;
	[tilespmem:$0x18100] =	vst v63  }
0x3e: {  	_ =	swait.ge @!p0 [sflag:s18], $0x80  }
0x3f: {  	[sflag:s18] =	ssyncset.done @!p0 $0x0  }
0x40: {  	s17 =	simm.s32 @!p0 $0x1;
	s14 =	simm.s32 @!p0 $0x100;
	[sflag:s18] =	ssyncadd.s32 @!p0 $0xFFFFFF80  }
0x41: {  	[tilespmem:s14], [sflag:$0x1] =	stream.indirect.gather @!p0 [hbm4b:s4+s15], $0x80, s16, s15, $0xb8;
	[tilespmem:$0x18100] =	vst v63  }
0x42: {  	_ =	swait.ge @!p0 [sflag:s17], $0x4000  }
0x43: {  	[sflag:s17] =	ssyncset.done @!p0 $0x0  }
0x44: {  	s16 =	simm.s32 @!p0 $0x2;
	[sflag:s17] =	ssyncadd.s32 @!p0 $0xFFFFC000  }
0x45: {  	[spmem:s2] =	stream.indirect.scatter.add.f32 @!p0 [tilespmem:s14], [sflag:$0x2], $0x80, s15, s15, $0xb8;
	[tilespmem:$0x18100] =	vst v63  }
0x46: {  	_ =	swait.ge @!p0 [sflag:s16], $0x4000  }
0x47: {  	s3 =	sadd.s32 $0x1, s3;
	[sflag:s16] =	ssyncset.done @!p0 $0x0  }
0x48: {  	[sflag:s16] =	ssyncadd.s32 @!p0 $0xFFFFC000;
	p0 =	sne.s32 s3, s8  }
.Ltmp1:
0x49: {  	[bflag:$0x0] =	sbarrier.arrive $0xFFFF;
	(pc) =	sbr.rel @p0 .LBB2_1-.Ltmp1, $4  }
0x4a: {  	[hbm:s7], [sflag:s6] =	dma.local [spmem:s12], $0x2800  }
0x4b: {  	_ =	swait.ge [sflag:s13], $0x2800  }
0x4c: {  	[sflag:s13] =	ssyncset.done $0x0  }
0x4d: {  	[sflag:s13] =	ssyncadd.s32 $0xFFFFD800  }
0x4e: {  	_ =	sfence.sel $0x180000  }
0x4f: {  	[bflag:$0x0] =	sbarrier.arrive $0xFFFF  }
0x50: {  	p0 =	sne.s32 s1, $0x0;
	_ =	strace $0x9000004D  }
0x51: {  	s0 =	sadd.s32 @!p0 $0x100000, s0;
	[bflag:$0x2] =	sbarrier.arrive $0xFFFF  }
0x52: {  	[sflag:s0] =	ssyncadd.tile.s32 @!p0 $0x1;
	_ =	shalt  }
.Lfunc_end2:
_tile_overlayer_lowered:
.L_overlay_start_2:
0x53: {  	(tag) =	ssettag $0x2  }
0x54: {  	s0 =	rddreg [dreg:$0x0];
	s2 =	stileid.u32  }
0x55: {  	s1 =	rddreg [dreg:$0x1];
	p0 =	sne.s32 s2, $0x0  }
0x56: {  	s3 =	rddreg [dreg:$0x2];
	[bflag:$0x3] =	sbarrier.arrive $0xFFFF;
	s2 =	simm.s32 @!p0 $0x1C02  }
0x57: {  	[timem:s3], [sflag:s2] =	dma.local @!p0 [hbm:s0], s1  }
0x58: {  	s0 =	simm.s32 @!p0 $0x2  }
0x59: {  	_ =	swait.ge @!p0 [sflag:s0], s1  }
0x5a: {  	s1 =	ssub.s32 @!p0 $0x0, s1;
	[sflag:s0] =	ssyncset.done @!p0 $0x0  }
0x5b: {  	[sflag:s0] =	ssyncadd.s32 @!p0 s1  }
0x5c: {  	[bflag:$0x3] =	sbarrier.arrive $0xFFFF  }
0x5d: {  	_ =	shalt  }

// kernel: kernel.28.cloned.1.call-start
scs
__scs_entry_jumppad:
0x0: {  	(pc) =	sbr.rel $0x88, $3  }
0x1: {  	(tag) =	ssettag $0x0;
	lr =	simm.s32 $0x1  }
0x2: {  	[smem:$0x3F73] =	sst lr;
	_ =	strace $0xD0000000  }
0x3: {  	_ = 	snop  }
0x4: {  	_ = 	snop  }
0x5: {  	_ = 	snop  }
0x6: {  	_ = 	snop  }
0x7: {  	_ = 	snop  }
__scs_overlays_trampoline_lowered:
0x8: {  	[smem:$0x3F82] =	sst s0  }
0x9: {  	[smem:$0x3F83] =	sst s1  }
0xa: {  	[smem:$0x3F84] =	sst s2  }
0xb: {  	[smem:$0x3F85] =	sst s3  }
0xc: {  	[smem:$0x3F86] =	sst s4  }
0xd: {  	[smem:$0x3F87] =	sst s5  }
0xe: {  	[smem:$0x3F88] =	sst s6  }
0xf: {  	[smem:$0x3F89] =	sst s7  }
0x10: {  	[smem:$0x3F8A] =	sst s8  }
0x11: {  	[smem:$0x3F8B] =	sst s9;
	s0 =	simm.s32 @!p0 $0x0  }
0x12: {  	s1 =	sld [smem:$0x3F71];
	s0 =	simm.s32 @p0 $0x1  }
0x13: {  	[smem:$0x3F8C] =	sst s0;
	s0 =	simm.s32 @!p1 $0x0  }
0x14: {  	s2 =	sld [smem:$0x3F70];
	s0 =	simm.s32 @p1 $0x1  }
0x15: {  	[smem:$0x3F8D] =	sst s0;
	s0 =	simm.s32 @!p2 $0x0  }
0x16: {  	s3 =	sld [smem:$0x3FDB];
	s0 =	simm.s32 @p2 $0x1  }
0x17: {  	s4 =	simm.s32 $0x1BF5;
	[smem:$0x3F8F] =	sst s0  }
0x18: {  	s0 =	sld [smem:$0x3F72];
	_ =	swait.ge [sflag:s4], $0x0  }
0x19: {  	s7 =	sld [smem:$0x3F73]  }
0x1a: {  	s8 =	sadd.s32 $0xFFFFE003, lr  }
0x1b: {  	s9 =	sadd.s32 $0xFFFFFEF7, lr;
	s5 =	simm.s32 $0xFFFFFFFF;
	p2 =	slt.u32 s8, $0xFFFFF086  }
0x1c: {  	p1 =	slt.u32 s9, $0xF7A;
	s5 =	simm.s32 @!p2 $0x0  }
0x1d: {  	s5 =	simm.s32 @p1 $0x1;
	p0 =	seq.s32 s7, s2  }
0x1e: {  	s7 =	smul.u32 @!p0 $0xF7A, s2;
	p2 =	seq.s32 @!p0 s5, $0x0  }
0x1f: {  	s9 =	smul.u32 $0xF7A, s1;
	s8 =	simm.s32 @!p0 $0x1BF5;
	p2 =	por !p2, p0  }
0x20: {  	[sflag:s8] =	ssyncset.s32 @!p0 $0xFFFFF086;
	s6 =	sadd.s32 @!p0 s3, s7;
	s7 =	simm.s32 @!p0 $0x108  }
0x21: {  	s3 =	sadd.s32 s3, s9;
	s6 =	sadd.s32 @!p0 $0x88, s6;
	s7 =	simm.s32 @p2 $0x1082  }
0x22: {  	[simem:s7], [sflag:s8] =	dma.local @!p0 [hbm:s6], $0xF7A  }
0x23: {  	s9 =	sor.u32 $0xD0000000, s2;
	s6 =	simm.s32 $0x108;
	_ =	swait.ge @!p0 [sflag:s8], $0x0  }
0x24: {  	s3 =	sadd.s32 $0x88, s3;
	s6 =	simm.s32 @!p1 $0x1082;
	[sflag:s4] =	ssyncset.s32 $0xFFFFF086  }
0x25: {  	[simem:s6], [sflag:s4] =	dma.local [hbm:s3], $0xF7A  }
0x26: {  	[smem:$0x3F73] =	sst s1;
	(tag) =	ssettag s2;
	_ =	strace s9  }
0x27: {  	s1 =	sld [smem:$0x3F83]  }
0x28: {  	s2 =	sld [smem:$0x3F84]  }
0x29: {  	s4 =	sld [smem:$0x3F86]  }
0x2a: {  	p0 =	seq.s32 s5, $0x0;
	s5 =	sld [smem:$0x3F87]  }
0x2b: {  	s6 =	sld [smem:$0x3F88]  }
0x2c: {  	s7 =	sld [smem:$0x3F89]  }
0x2d: {  	s3 =	simm.s32 $0x108;
	s8 =	sld [smem:$0x3F8A]  }
0x2e: {  	s3 =	simm.s32 @!p0 $0x1082;
	s9 =	sld [smem:$0x3F8B]  }
0x2f: {  	lr =	sadd.s32 s0, s3;
	s0 =	sld [smem:$0x3F82]  }
0x30: {  	s3 =	sld [smem:$0x3F85]  }
0x31: {  	[smem:$0x3F8E] =	sst s10  }
0x32: {  	s10 =	sld [smem:$0x3F8C];
	_ =	sdelay $0x3  }
0x33: {  	p0 =	seq.s32 s10, $0x1;
	s10 =	sld [smem:$0x3F8E];
	_ =	sdelay $0x3  }
0x34: {  	[smem:$0x3F8E] =	sst s10  }
0x35: {  	s10 =	sld [smem:$0x3F8D];
	_ =	sdelay $0x3  }
0x36: {  	p1 =	seq.s32 s10, $0x1;
	s10 =	sld [smem:$0x3F8E];
	_ =	sdelay $0x3  }
0x37: {  	[smem:$0x3F8E] =	sst s10  }
0x38: {  	s10 =	sld [smem:$0x3F8F]  }
0x39: {  	_ = 	snop;
	(pc) =	sbr.ind lr, $3  }
0x3a: {  	_ = 	snop  }
0x3b: {  	_ = 	snop  }
0x3c: {  	p2 =	seq.s32 s10, $0x1;
	s10 =	sld [smem:$0x3F8E]  }
0x3d: {  	_ =	shalt  }
0x3e: {  	_ =	shalt  }
0x3f: {  	_ =	shalt  }
0x40: {  	_ =	shalt  }
0x41: {  	_ =	shalt  }
0x42: {  	_ =	shalt  }
0x43: {  	_ =	shalt  }
0x44: {  	_ =	shalt  }
0x45: {  	_ =	shalt  }
0x46: {  	_ =	shalt  }
0x47: {  	_ =	shalt  }
0x48: {  	_ =	shalt  }
0x49: {  	_ =	shalt  }
0x4a: {  	_ =	shalt  }
0x4b: {  	_ =	shalt  }
0x4c: {  	_ =	shalt  }
0x4d: {  	_ =	shalt  }
0x4e: {  	_ =	shalt  }
0x4f: {  	_ =	shalt  }
0x50: {  	_ =	shalt  }
0x51: {  	_ =	shalt  }
0x52: {  	_ =	shalt  }
0x53: {  	_ =	shalt  }
0x54: {  	_ =	shalt  }
0x55: {  	_ =	shalt  }
0x56: {  	_ =	shalt  }
0x57: {  	_ =	shalt  }
0x58: {  	_ =	shalt  }
0x59: {  	_ =	shalt  }
0x5a: {  	_ =	shalt  }
0x5b: {  	_ =	shalt  }
0x5c: {  	_ =	shalt  }
0x5d: {  	_ =	shalt  }
0x5e: {  	_ =	shalt  }
0x5f: {  	_ =	shalt  }
0x60: {  	_ =	shalt  }
0x61: {  	_ =	shalt  }
0x62: {  	_ =	shalt  }
0x63: {  	_ =	shalt  }
0x64: {  	_ =	shalt  }
0x65: {  	_ =	shalt  }
0x66: {  	_ =	shalt  }
0x67: {  	_ =	shalt  }
0x68: {  	_ =	shalt  }
0x69: {  	_ =	shalt  }
0x6a: {  	_ =	shalt  }
0x6b: {  	_ =	shalt  }
0x6c: {  	_ =	shalt  }
0x6d: {  	_ =	shalt  }
0x6e: {  	_ =	shalt  }
0x6f: {  	_ =	shalt  }
0x70: {  	_ =	shalt  }
0x71: {  	_ =	shalt  }
0x72: {  	_ =	shalt  }
0x73: {  	_ =	shalt  }
0x74: {  	_ =	shalt  }
0x75: {  	_ =	shalt  }
0x76: {  	_ =	shalt  }
0x77: {  	_ =	shalt  }
0x78: {  	_ =	shalt  }
0x79: {  	_ =	shalt  }
0x7a: {  	_ =	shalt  }
0x7b: {  	_ =	shalt  }
0x7c: {  	_ =	shalt  }
0x7d: {  	_ =	shalt  }
0x7e: {  	_ =	shalt  }
0x7f: {  	_ =	shalt  }
0x80: {  	_ =	shalt  }
0x81: {  	_ =	shalt  }
0x82: {  	_ =	shalt  }
0x83: {  	_ =	shalt  }
0x84: {  	_ =	shalt  }
0x85: {  	_ =	shalt  }
0x86: {  	_ =	shalt  }
0x87: {  	_ =	shalt  }
.Lfunc_end0:
.L_simem_size_0:
called_computation.3_lowered:
.L_overlay_start_0:
0x88: {  	s2 =	sld [smem:$0x3FD9]  }
0x89: {  	s3 =	sld [smem:$0x3FFE];
	_ =	sdelay $0x1  }
0x8a: {  	s1 =	srdreg.scid  }
0x8b: {  	s0 =	sand.u32 $0x1, s1  }
0x8c: {  	s17 =	sshll.u32 s0, $0xA;
	s2 =	sadd.s32 s3, s2  }
0x8d: {  	s2 =	sadd.s32 s2, s17  }
0x8e: {  	[smem:$0x3F9A] =	sst s2  }
0x8f: {  	_ = 	snop  }
0x90: {  	s2 =	sld [smem:$0x3FC7]  }
0x91: {  	s18 =	sld [smem:$0x3FC6];
	(tm) =	ssettm $0x1  }
0x92: {  	s4 =	sld [smem:$0x3FFB];
	_ =	sdelay $0x3  }
0x93: {  	_ =	strace s4  }
0x94: {  	s4 =	sld [smem:$0x3FFC];
	_ =	sdelay $0x3  }
0x95: {  	_ =	strace s4  }
0x96: {  	s4 =	sld [smem:$0x3FFD];
	_ =	sdelay $0x3  }
0x97: {  	_ =	strace s4  }
0x98: {  	_ =	strace $0x8FFFFFFF  }
0x99: {  	s19 =	sld [smem:$0x3FDB];
	_ =	sdelay $0x1  }
0x9a: {  	s5 =	simm.s32 $_scs_section_size  }
0x9b: {  	s6 =	simm.s32 $_size__tile_overlayer_lowered;
	s7 =	simm.s32 $_tile_overlayer_lowered  }
0x9c: {  	s22 =	simm.s32 $0x1BFF;
	s21 =	sshll.u32 s7, $0x1;
	s4 =	sadd.s32 s5, s19  }
0x9d: {  	s8 =	simm.s32 $0x0;
	s20 =	sshll.u32 s6, $0x1;
	s6 =	sadd.s32 s21, s4  }
0x9e: {  	[timem:s8], [sflag:s22] =	dma.local [hbm:s6], s20  }
0x9f: {  	_ =	swait.ge [sflag:s22], s20  }
0xa0: {  	s5 =	ssub.s32 $0x0, s20;
	[sflag:s22] =	ssyncset.done $0x0  }
0xa1: {  	[sflag:s22] =	ssyncadd.s32 s5;
	_ =	sdelay $0x1  }
0xa2: {  	s23 =	simm.s32 $0x1B8B  }
0xa3: {  	_ =	swait.ge [sflag:s23], $0x1  }
0xa4: {  	[sflag:s23] =	ssyncset.done $0x0  }
0xa5: {  	s25 =	simm.s32 $0x1B8E;
	s24 =	sld [smem:$0x3FFE];
	[sflag:s23] =	ssyncadd.s32 $0xFFFFFFFF  }
0xa6: {  	s26 =	simm.s32 $execute0_lowered;
	[smem:$0x3FD2] =	sst s25  }
0xa7: {  	s6 =	sshll.u32 s26, $0x1;
	_ =	strace $0x8000004F;
	[dreg:$0x1] =	wrdreg $0xFFFFFFFF  }
0xa8: {  	s28 =	simm.s32 $_size_execute0_lowered;
	s4 =	sadd.s32 s4, s6;
	[dreg:$0x0] =	wrdreg $0x0  }
0xa9: {  	s6 =	sshll.u32 s28, $0x1;
	[dreg:$0x2] =	wrdreg s4  }
0xaa: {  	[dreg:$0x3] =	wrdreg s6  }
0xab: {  	[dreg:$0x4] =	wrdreg $0xC0  }
0xac: {  	_ =	task [dreg:s8], $0x5FFFF  }
0xad: {  	[dreg:$0x1] =	wrdreg $0xFFFFFFFF  }
0xae: {  	[dreg:$0x0] =	wrdreg $0x60  }
0xaf: {  	[dreg:$0x2] =	wrdreg s24  }
0xb0: {  	[dreg:$0x3] =	wrdreg s2  }
0xb1: {  	[dreg:$0x4] =	wrdreg s18  }
0xb2: {  	[dreg:$0x5] =	wrdreg $0x41000  }
0xb3: {  	[dreg:$0x6] =	wrdreg $0x9  }
0xb4: {  	_ =	task.clear_ibuf [dreg:s8], $0x7FFFF;
	_ =	strace $0x9000004F  }
0xb5: {  	s29 =	simm.s32 $0x9;
	_ =	strace $0x80000051  }
0xb6: {  	_ =	swait.ge [sflag:s29], $0x1  }
0xb7: {  	[sflag:s29] =	ssyncadd.s32 $0xFFFFFFFF  }
0xb8: {  	_ =	strace $0x90000051  }
0xb9: {  	_ =	sfence  }
0xba: {  	s30 =	sld [smem:$0x0];
	_ =	sdelay $0x2  }
0xbb: {  	s31 =	sshll.u32 s1, $0xD;
	s1 =	sshrl.u32 s1, $0x2  }
0xbc: {  	s3 =	sand.u32 $0x4000, s31;
	s1 =	sadd.s32 s1, s30  }
0xbd: {  	s0 =	sor.u32 s3, s0;
	s1 =	sshll.u32 s1, $0x11  }
0xbe: {  	s0 =	sor.u32 s1, s0  }
0xbf: {  	s0 =	sadd.s32 $0x8F2B, s0  }
0xc0: {  	[sflag:s0] =	ssyncadd.remote.s32 $0x1  }
0xc1: {  	_ =	sfence.sel $0xFFFF  }
0xc2: {  	[dreg:$0x0] =	wrdreg $0xFFFFFFFF;
	(pc) =	sbr.abs _section_cstart, $3  }
0xc3: {  	[dreg:$0x1] =	wrdreg $0xFFFFFFFF  }
0xc4: {  	_ =	task.clear_ibuf [dreg:s8], $0x2FFFF;
	_ =	strace $0x9FFFFFFF  }
0xc5: {  	(tm) =	ssettm $0x7FFFFFFF  }
tec
execute0_lowered:
.L_overlay_start_1:
0x0: {  	(tag) =	ssettag $0x1  }
0x1: {  	s5 =	rddreg [dreg:$0x0]  }
0x2: {  	s8 =	rddreg [dreg:$0x1]  }
0x3: {  	s9 =	rddreg [dreg:$0x2]  }
0x4: {  	s2 =	rddreg [dreg:$0x3]  }
0x5: {  	s0 =	rddreg [dreg:$0x4]  }
0x6: {  	s1 =	stileid.u32;
	s4 =	srdreg.scid  }
0x7: {  	s3 =	simm.s32 $0x0;
	s6 =	smul.u32 $0xA000, s1;
	s10 =	sand.u32 $0x1, s4  }
0x8: {  	[smem:$0x7FF] =	sst s3;
	s4 =	sadd.s32 $0x45C00, s5;
	s12 =	smul.u32 $0x28000, s1  }
0x9: {  	s30 =	sshll.u32 s1, $0x6;
	s31 =	sshll.u32 s1, $0x4;
	s7 =	smul.u32 $0xA0000, s10  }
0xa: {  	_ =	strace $0x80000050;
	s26 =	ssub.s32 $0x2, s10;
	s15 =	sshll.u32 s10, $0x4  }
0xb: {  	s10 =	sshll.u32 s10, $0x8;
	s11 =	sshrl.u32 s6, $0x3;
	s28 =	sshrl.u32 s26, $0x1  }
0xc: {  	s29 =	sshrl.u32 s12, $0x2;
	s9 =	sadd.s32 s10, s9;
	s10 =	sadd.s32 s10, s8  }
0xd: {  	s6 =	sadd.s32 s6, s7;
	s11 =	sadd.s32 s11, s5;
	s14 =	ssub.s32 s26, s28  }
0xe: {  	s12 =	sadd.s32 s29, s2;
	s9 =	sadd.s32 s31, s9;
	s10 =	sadd.s32 s31, s10  }
0xf: {  	s6 =	sshrl.u32 s6, $0x3;
	s8 =	smax.u32 s14, $0x1;
	s12 =	sshrl.u32 s12, $0x3  }
0x10: {  	s13 =	sadd.s32 s6, s5;
	s5 =	sadd.s32 $0xBCE00, s11;
	s6 =	sor.u32 $0x1C02, s30  }
0x11: {  	s11 =	sor.u32 s15, s1;
	s7 =	sadd.s32 $0xD0E00, s13;
	s13 =	simm.s32 $0x2  }
.LBB2_1:
0x12: {  	[spmem:s12], [sflag:s6] =	dma.local [hbm:s5], $0x1400  }
0x13: {  	_ =	swait.ge [sflag:s13], $0x1400  }
0x14: {  	p0 =	sgt.u32 s11, $0x9C3;
	[sflag:s13] =	ssyncset.done $0x0  }
0x15: {  	s14 =	sadd.s32 @!p0 $0x0, s10;
	[sflag:s13] =	ssyncadd.s32 $0xFFFFEC00  }
0x16: {  	s15 =	simm.s32 @!p0 $0x0;
	s16 =	simm.s32 @!p0 $0x3;
	[bflag:$0x0] =	sbarrier.arrive $0xFFFF  }
0x17: {  	[tilespmem:s15], [sflag:$0x3] =	stream.linear.gather @!p0 [hbm4b:s14+s15], $0x80, $0x38;
	[tilespmem:$0xE100] =	vst v63  }
0x18: {  	_ =	swait.ge @!p0 [sflag:s16], $0x80;
	p0 =	por p0, p0  }
0x19: {  	[sflag:s16] =	ssyncset.done @!p0 $0x0  }
0x1a: {  	s14 =	sadd.s32 @!p0 $0x0, s9;
	s17 =	simm.s32 @!p0 $0x80;
	[sflag:s16] =	ssyncadd.s32 @!p0 $0xFFFFFF80  }
0x1b: {  	[tilespmem:s17], [sflag:$0x3] =	stream.linear.gather @!p0 [hbm4b:s14+s15], $0x80, $0x38;
	[tilespmem:$0xE100] =	vst v63  }
0x1c: {  	_ =	swait.ge @!p0 [sflag:s16], $0x80  }
0x1d: {  	[sflag:s16] =	ssyncset.done @!p0 $0x0  }
0x1e: {  	s14 =	simm.s32 @!p0 $0x100;
	[sflag:s16] =	ssyncadd.s32 @!p0 $0xFFFFFF80;
	s16 =	simm.s32 @!p0 $0x1  }
0x1f: {  	[tilespmem:s14], [sflag:$0x1] =	stream.indirect.gather @!p0 [hbm4b:s4+s17], $0x80, s15, s17, $0xb8;
	[tilespmem:$0xE100] =	vst v63  }
0x20: {  	_ =	swait.ge @!p0 [sflag:s16], $0x4000  }
0x21: {  	[sflag:s16] =	ssyncset.done @!p0 $0x0  }
0x22: {  	s15 =	sadd.s32 $0x20, s11;
	[sflag:s16] =	ssyncadd.s32 @!p0 $0xFFFFC000  }
0x23: {  	[spmem:s2] =	stream.indirect.scatter.add.f32 @!p0 [tilespmem:s14], [sflag:$0x2], $0x80, s17, s17, $0xb8;
	[tilespmem:$0xE100] =	vst v63  }
0x24: {  	p2 =	sgt.u32 s15, $0x9C3;
	s17 =	simm.s32 @!p0 $0x2  }
0x25: {  	s16 =	simm.s32 $0x400;
	s14 =	simm.s32 $0x200;
	_ =	swait.ge @!p0 [sflag:s17], $0x4000  }
.LBB2_2:
0x26: {  	s18 =	sadd.s32 @!p2 s14, s10  }
0x27: {  	s19 =	simm.s32 @!p2 $0x0;
	[sflag:s17] =	ssyncset.done @!p0 $0x0;
	s20 =	smov.u32 s16  }
0x28: {  	s16 =	sadd.s32 $0x200, s16;
	s21 =	simm.s32 @!p2 $0x3;
	[sflag:s17] =	ssyncadd.s32 @!p0 $0xFFFFC000  }
0x29: {  	[tilespmem:s19], [sflag:$0x3] =	stream.linear.gather @!p2 [hbm4b:s18+s19], $0x80, $0x38;
	[tilespmem:$0xE100] =	vst v63  }
0x2a: {  	p1 =	sne.s32 s16, $0x9E00;
	p0 =	por p2, p2;
	_ =	swait.ge @!p2 [sflag:s21], $0x80  }
0x2b: {  	[sflag:s21] =	ssyncset.done @!p0 $0x0  }
0x2c: {  	s14 =	sadd.s32 @!p0 s14, s9;
	s18 =	simm.s32 @!p0 $0x80;
	[sflag:s21] =	ssyncadd.s32 @!p0 $0xFFFFFF80  }
0x2d: {  	[tilespmem:s18], [sflag:$0x3] =	stream.linear.gather @!p0 [hbm4b:s14+s19], $0x80, $0x38;
	[tilespmem:$0xE100] =	vst v63  }
0x2e: {  	s14 =	smov.u32 s20;
	_ =	swait.ge @!p0 [sflag:s21], $0x80  }
0x2f: {  	[sflag:s21] =	ssyncset.done @!p0 $0x0  }
0x30: {  	s17 =	simm.s32 @!p0 $0x1;
	s20 =	simm.s32 @!p0 $0x100;
	[sflag:s21] =	ssyncadd.s32 @!p0 $0xFFFFFF80  }
0x31: {  	[tilespmem:s20], [sflag:$0x1] =	stream.indirect.gather @!p0 [hbm4b:s4+s18], $0x80, s19, s18, $0xb8;
	[tilespmem:$0xE100] =	vst v63  }
.Ltmp0:
0x32: {  	_ =	swait.ge @!p0 [sflag:s17], $0x4000;
	(pc) =	sbr.rel @p1 .LBB2_2-.Ltmp0, $4  }
0x33: {  	[sflag:s17] =	ssyncset.done @!p0 $0x0  }
0x34: {  	s15 =	sadd.s32 $0x20, s15;
	[sflag:s17] =	ssyncadd.s32 @!p0 $0xFFFFC000;
	s17 =	simm.s32 @!p0 $0x2  }
0x35: {  	[spmem:s2] =	stream.indirect.scatter.add.f32 @!p0 [tilespmem:s20], [sflag:$0x2], $0x80, s18, s18, $0xb8;
	[tilespmem:$0xE100] =	vst v63  }
0x36: {  	p2 =	sgt.u32 s15, $0x9C3;
	_ =	swait.ge @!p0 [sflag:s17], $0x4000  }
0x37: {  	s15 =	sadd.s32 @!p2 s14, s10;
	[sflag:s17] =	ssyncset.done @!p0 $0x0  }
0x38: {  	s16 =	simm.s32 @!p2 $0x0;
	s18 =	simm.s32 @!p2 $0x3;
	[sflag:s17] =	ssyncadd.s32 @!p0 $0xFFFFC000  }
0x39: {  	[tilespmem:s16], [sflag:$0x3] =	stream.linear.gather @!p2 [hbm4b:s15+s16], $0x80, $0x38;
	[tilespmem:$0xE100] =	vst v63  }
0x3a: {  	p0 =	por p2, p2;
	_ =	swait.ge @!p2 [sflag:s18], $0x80  }
0x3b: {  	[sflag:s18] =	ssyncset.done @!p0 $0x0  }
0x3c: {  	s14 =	sadd.s32 @!p0 s14, s9;
	s15 =	simm.s32 @!p0 $0x80;
	[sflag:s18] =	ssyncadd.s32 @!p0 $0xFFFFFF80  }
0x3d: {  	[tilespmem:s15], [sflag:$0x3] =	stream.linear.gather @!p0 [hbm4b:s14+s16], $0x80, $0x38;
	[tilespmem:$0xE100] =	vst v63  }
0x3e: {  	_ =	swait.ge @!p0 [sflag:s18], $0x80  }
0x3f: {  	[sflag:s18] =	ssyncset.done @!p0 $0x0  }
0x40: {  	s17 =	simm.s32 @!p0 $0x1;
	s14 =	simm.s32 @!p0 $0x100;
	[sflag:s18] =	ssyncadd.s32 @!p0 $0xFFFFFF80  }
0x41: {  	[tilespmem:s14], [sflag:$0x1] =	stream.indirect.gather @!p0 [hbm4b:s4+s15], $0x80, s16, s15, $0xb8;
	[tilespmem:$0xE100] =	vst v63  }
0x42: {  	_ =	swait.ge @!p0 [sflag:s17], $0x4000  }
0x43: {  	[sflag:s17] =	ssyncset.done @!p0 $0x0  }
0x44: {  	s16 =	simm.s32 @!p0 $0x2;
	[sflag:s17] =	ssyncadd.s32 @!p0 $0xFFFFC000  }
0x45: {  	[spmem:s2] =	stream.indirect.scatter.add.f32 @!p0 [tilespmem:s14], [sflag:$0x2], $0x80, s15, s15, $0xb8;
	[tilespmem:$0xE100] =	vst v63  }
0x46: {  	_ =	swait.ge @!p0 [sflag:s16], $0x4000  }
0x47: {  	s3 =	sadd.s32 $0x1, s3;
	[sflag:s16] =	ssyncset.done @!p0 $0x0  }
0x48: {  	[sflag:s16] =	ssyncadd.s32 @!p0 $0xFFFFC000;
	p0 =	sne.s32 s3, s8  }
.Ltmp1:
0x49: {  	[bflag:$0x0] =	sbarrier.arrive $0xFFFF;
	(pc) =	sbr.rel @p0 .LBB2_1-.Ltmp1, $4  }
0x4a: {  	[hbm:s7], [sflag:s6] =	dma.local [spmem:s12], $0x1400  }
0x4b: {  	_ =	swait.ge [sflag:s13], $0x1400  }
0x4c: {  	[sflag:s13] =	ssyncset.done $0x0  }
0x4d: {  	[sflag:s13] =	ssyncadd.s32 $0xFFFFEC00  }
0x4e: {  	_ =	sfence.sel $0x180000  }
0x4f: {  	[bflag:$0x0] =	sbarrier.arrive $0xFFFF  }
0x50: {  	p0 =	sne.s32 s1, $0x0;
	_ =	strace $0x90000050  }
0x51: {  	s0 =	sadd.s32 @!p0 $0x100000, s0;
	[bflag:$0x2] =	sbarrier.arrive $0xFFFF  }
0x52: {  	[sflag:s0] =	ssyncadd.tile.s32 @!p0 $0x1;
	_ =	shalt  }
.Lfunc_end2:
_tile_overlayer_lowered:
.L_overlay_start_2:
0x53: {  	(tag) =	ssettag $0x2  }
0x54: {  	s0 =	rddreg [dreg:$0x0];
	s2 =	stileid.u32  }
0x55: {  	s1 =	rddreg [dreg:$0x1];
	p0 =	sne.s32 s2, $0x0  }
0x56: {  	s3 =	rddreg [dreg:$0x2];
	[bflag:$0x3] =	sbarrier.arrive $0xFFFF;
	s2 =	simm.s32 @!p0 $0x1C02  }
0x57: {  	[timem:s3], [sflag:s2] =	dma.local @!p0 [hbm:s0], s1  }
0x58: {  	s0 =	simm.s32 @!p0 $0x2  }
0x59: {  	_ =	swait.ge @!p0 [sflag:s0], s1  }
0x5a: {  	s1 =	ssub.s32 @!p0 $0x0, s1;
	[sflag:s0] =	ssyncset.done @!p0 $0x0  }
0x5b: {  	[sflag:s0] =	ssyncadd.s32 @!p0 s1  }
0x5c: {  	[bflag:$0x3] =	sbarrier.arrive $0xFFFF  }
0x5d: {  	_ =	shalt  }

// kernel: kernel.31.cloned.1.call-start
scs
__scs_entry_jumppad:
0x0: {  	(pc) =	sbr.rel $0x88, $3  }
0x1: {  	(tag) =	ssettag $0x0;
	lr =	simm.s32 $0x1  }
0x2: {  	[smem:$0x3F73] =	sst lr;
	_ =	strace $0xD0000000  }
0x3: {  	_ = 	snop  }
0x4: {  	_ = 	snop  }
0x5: {  	_ = 	snop  }
0x6: {  	_ = 	snop  }
0x7: {  	_ = 	snop  }
__scs_overlays_trampoline_lowered:
0x8: {  	[smem:$0x3F82] =	sst s0  }
0x9: {  	[smem:$0x3F83] =	sst s1  }
0xa: {  	[smem:$0x3F84] =	sst s2  }
0xb: {  	[smem:$0x3F85] =	sst s3  }
0xc: {  	[smem:$0x3F86] =	sst s4  }
0xd: {  	[smem:$0x3F87] =	sst s5  }
0xe: {  	[smem:$0x3F88] =	sst s6  }
0xf: {  	[smem:$0x3F89] =	sst s7  }
0x10: {  	[smem:$0x3F8A] =	sst s8  }
0x11: {  	[smem:$0x3F8B] =	sst s9;
	s0 =	simm.s32 @!p0 $0x0  }
0x12: {  	s1 =	sld [smem:$0x3F71];
	s0 =	simm.s32 @p0 $0x1  }
0x13: {  	[smem:$0x3F8C] =	sst s0;
	s0 =	simm.s32 @!p1 $0x0  }
0x14: {  	s2 =	sld [smem:$0x3F70];
	s0 =	simm.s32 @p1 $0x1  }
0x15: {  	[smem:$0x3F8D] =	sst s0;
	s0 =	simm.s32 @!p2 $0x0  }
0x16: {  	s3 =	sld [smem:$0x3FDB];
	s0 =	simm.s32 @p2 $0x1  }
0x17: {  	s4 =	simm.s32 $0x1BF5;
	[smem:$0x3F8F] =	sst s0  }
0x18: {  	s0 =	sld [smem:$0x3F72];
	_ =	swait.ge [sflag:s4], $0x0  }
0x19: {  	s7 =	sld [smem:$0x3F73]  }
0x1a: {  	s8 =	sadd.s32 $0xFFFFE003, lr  }
0x1b: {  	s9 =	sadd.s32 $0xFFFFFEF7, lr;
	s5 =	simm.s32 $0xFFFFFFFF;
	p2 =	slt.u32 s8, $0xFFFFF086  }
0x1c: {  	p1 =	slt.u32 s9, $0xF7A;
	s5 =	simm.s32 @!p2 $0x0  }
0x1d: {  	s5 =	simm.s32 @p1 $0x1;
	p0 =	seq.s32 s7, s2  }
0x1e: {  	s7 =	smul.u32 @!p0 $0xF7A, s2;
	p2 =	seq.s32 @!p0 s5, $0x0  }
0x1f: {  	s9 =	smul.u32 $0xF7A, s1;
	s8 =	simm.s32 @!p0 $0x1BF5;
	p2 =	por !p2, p0  }
0x20: {  	[sflag:s8] =	ssyncset.s32 @!p0 $0xFFFFF086;
	s6 =	sadd.s32 @!p0 s3, s7;
	s7 =	simm.s32 @!p0 $0x108  }
0x21: {  	s3 =	sadd.s32 s3, s9;
	s6 =	sadd.s32 @!p0 $0x88, s6;
	s7 =	simm.s32 @p2 $0x1082  }
0x22: {  	[simem:s7], [sflag:s8] =	dma.local @!p0 [hbm:s6], $0xF7A  }
0x23: {  	s9 =	sor.u32 $0xD0000000, s2;
	s6 =	simm.s32 $0x108;
	_ =	swait.ge @!p0 [sflag:s8], $0x0  }
0x24: {  	s3 =	sadd.s32 $0x88, s3;
	s6 =	simm.s32 @!p1 $0x1082;
	[sflag:s4] =	ssyncset.s32 $0xFFFFF086  }
0x25: {  	[simem:s6], [sflag:s4] =	dma.local [hbm:s3], $0xF7A  }
0x26: {  	[smem:$0x3F73] =	sst s1;
	(tag) =	ssettag s2;
	_ =	strace s9  }
0x27: {  	s1 =	sld [smem:$0x3F83]  }
0x28: {  	s2 =	sld [smem:$0x3F84]  }
0x29: {  	s4 =	sld [smem:$0x3F86]  }
0x2a: {  	p0 =	seq.s32 s5, $0x0;
	s5 =	sld [smem:$0x3F87]  }
0x2b: {  	s6 =	sld [smem:$0x3F88]  }
0x2c: {  	s7 =	sld [smem:$0x3F89]  }
0x2d: {  	s3 =	simm.s32 $0x108;
	s8 =	sld [smem:$0x3F8A]  }
0x2e: {  	s3 =	simm.s32 @!p0 $0x1082;
	s9 =	sld [smem:$0x3F8B]  }
0x2f: {  	lr =	sadd.s32 s0, s3;
	s0 =	sld [smem:$0x3F82]  }
0x30: {  	s3 =	sld [smem:$0x3F85]  }
0x31: {  	[smem:$0x3F8E] =	sst s10  }
0x32: {  	s10 =	sld [smem:$0x3F8C];
	_ =	sdelay $0x3  }
0x33: {  	p0 =	seq.s32 s10, $0x1;
	s10 =	sld [smem:$0x3F8E];
	_ =	sdelay $0x3  }
0x34: {  	[smem:$0x3F8E] =	sst s10  }
0x35: {  	s10 =	sld [smem:$0x3F8D];
	_ =	sdelay $0x3  }
0x36: {  	p1 =	seq.s32 s10, $0x1;
	s10 =	sld [smem:$0x3F8E];
	_ =	sdelay $0x3  }
0x37: {  	[smem:$0x3F8E] =	sst s10  }
0x38: {  	s10 =	sld [smem:$0x3F8F]  }
0x39: {  	_ = 	snop;
	(pc) =	sbr.ind lr, $3  }
0x3a: {  	_ = 	snop  }
0x3b: {  	_ = 	snop  }
0x3c: {  	p2 =	seq.s32 s10, $0x1;
	s10 =	sld [smem:$0x3F8E]  }
0x3d: {  	_ =	shalt  }
0x3e: {  	_ =	shalt  }
0x3f: {  	_ =	shalt  }
0x40: {  	_ =	shalt  }
0x41: {  	_ =	shalt  }
0x42: {  	_ =	shalt  }
0x43: {  	_ =	shalt  }
0x44: {  	_ =	shalt  }
0x45: {  	_ =	shalt  }
0x46: {  	_ =	shalt  }
0x47: {  	_ =	shalt  }
0x48: {  	_ =	shalt  }
0x49: {  	_ =	shalt  }
0x4a: {  	_ =	shalt  }
0x4b: {  	_ =	shalt  }
0x4c: {  	_ =	shalt  }
0x4d: {  	_ =	shalt  }
0x4e: {  	_ =	shalt  }
0x4f: {  	_ =	shalt  }
0x50: {  	_ =	shalt  }
0x51: {  	_ =	shalt  }
0x52: {  	_ =	shalt  }
0x53: {  	_ =	shalt  }
0x54: {  	_ =	shalt  }
0x55: {  	_ =	shalt  }
0x56: {  	_ =	shalt  }
0x57: {  	_ =	shalt  }
0x58: {  	_ =	shalt  }
0x59: {  	_ =	shalt  }
0x5a: {  	_ =	shalt  }
0x5b: {  	_ =	shalt  }
0x5c: {  	_ =	shalt  }
0x5d: {  	_ =	shalt  }
0x5e: {  	_ =	shalt  }
0x5f: {  	_ =	shalt  }
0x60: {  	_ =	shalt  }
0x61: {  	_ =	shalt  }
0x62: {  	_ =	shalt  }
0x63: {  	_ =	shalt  }
0x64: {  	_ =	shalt  }
0x65: {  	_ =	shalt  }
0x66: {  	_ =	shalt  }
0x67: {  	_ =	shalt  }
0x68: {  	_ =	shalt  }
0x69: {  	_ =	shalt  }
0x6a: {  	_ =	shalt  }
0x6b: {  	_ =	shalt  }
0x6c: {  	_ =	shalt  }
0x6d: {  	_ =	shalt  }
0x6e: {  	_ =	shalt  }
0x6f: {  	_ =	shalt  }
0x70: {  	_ =	shalt  }
0x71: {  	_ =	shalt  }
0x72: {  	_ =	shalt  }
0x73: {  	_ =	shalt  }
0x74: {  	_ =	shalt  }
0x75: {  	_ =	shalt  }
0x76: {  	_ =	shalt  }
0x77: {  	_ =	shalt  }
0x78: {  	_ =	shalt  }
0x79: {  	_ =	shalt  }
0x7a: {  	_ =	shalt  }
0x7b: {  	_ =	shalt  }
0x7c: {  	_ =	shalt  }
0x7d: {  	_ =	shalt  }
0x7e: {  	_ =	shalt  }
0x7f: {  	_ =	shalt  }
0x80: {  	_ =	shalt  }
0x81: {  	_ =	shalt  }
0x82: {  	_ =	shalt  }
0x83: {  	_ =	shalt  }
0x84: {  	_ =	shalt  }
0x85: {  	_ =	shalt  }
0x86: {  	_ =	shalt  }
0x87: {  	_ =	shalt  }
.Lfunc_end0:
.L_simem_size_0:
called_computation.4_lowered:
.L_overlay_start_0:
0x88: {  	s2 =	sld [smem:$0x3FD9]  }
0x89: {  	s3 =	sld [smem:$0x3FFE];
	_ =	sdelay $0x1  }
0x8a: {  	s1 =	srdreg.scid  }
0x8b: {  	s0 =	sand.u32 $0x1, s1  }
0x8c: {  	s17 =	sshll.u32 s0, $0xA;
	s2 =	sadd.s32 s3, s2  }
0x8d: {  	s2 =	sadd.s32 s2, s17  }
0x8e: {  	[smem:$0x3F9A] =	sst s2  }
0x8f: {  	_ = 	snop  }
0x90: {  	s2 =	sld [smem:$0x3FC5]  }
0x91: {  	s18 =	sld [smem:$0x3FC4];
	(tm) =	ssettm $0x1  }
0x92: {  	s4 =	sld [smem:$0x3FFB];
	_ =	sdelay $0x3  }
0x93: {  	_ =	strace s4  }
0x94: {  	s4 =	sld [smem:$0x3FFC];
	_ =	sdelay $0x3  }
0x95: {  	_ =	strace s4  }
0x96: {  	s4 =	sld [smem:$0x3FFD];
	_ =	sdelay $0x3  }
0x97: {  	_ =	strace s4  }
0x98: {  	_ =	strace $0x8FFFFFFF  }
0x99: {  	s19 =	sld [smem:$0x3FDB];
	_ =	sdelay $0x1  }
0x9a: {  	s5 =	simm.s32 $_scs_section_size  }
0x9b: {  	s6 =	simm.s32 $_size__tile_overlayer_lowered;
	s7 =	simm.s32 $_tile_overlayer_lowered  }
0x9c: {  	s22 =	simm.s32 $0x1BFF;
	s21 =	sshll.u32 s7, $0x1;
	s4 =	sadd.s32 s5, s19  }
0x9d: {  	s8 =	simm.s32 $0x0;
	s20 =	sshll.u32 s6, $0x1;
	s6 =	sadd.s32 s21, s4  }
0x9e: {  	[timem:s8], [sflag:s22] =	dma.local [hbm:s6], s20  }
0x9f: {  	_ =	swait.ge [sflag:s22], s20  }
0xa0: {  	s5 =	ssub.s32 $0x0, s20;
	[sflag:s22] =	ssyncset.done $0x0  }
0xa1: {  	[sflag:s22] =	ssyncadd.s32 s5;
	_ =	sdelay $0x1  }
0xa2: {  	s23 =	simm.s32 $0x1B8B  }
0xa3: {  	_ =	swait.ge [sflag:s23], $0x1  }
0xa4: {  	[sflag:s23] =	ssyncset.done $0x0  }
0xa5: {  	s25 =	simm.s32 $0x1B8E;
	s24 =	sld [smem:$0x3FFE];
	[sflag:s23] =	ssyncadd.s32 $0xFFFFFFFF  }
0xa6: {  	s26 =	simm.s32 $execute0_lowered;
	[smem:$0x3FD2] =	sst s25  }
0xa7: {  	s6 =	sshll.u32 s26, $0x1;
	_ =	strace $0x80000052;
	[dreg:$0x1] =	wrdreg $0xFFFFFFFF  }
0xa8: {  	s28 =	simm.s32 $_size_execute0_lowered;
	s4 =	sadd.s32 s4, s6;
	[dreg:$0x0] =	wrdreg $0x0  }
0xa9: {  	s6 =	sshll.u32 s28, $0x1;
	[dreg:$0x2] =	wrdreg s4  }
0xaa: {  	[dreg:$0x3] =	wrdreg s6  }
0xab: {  	[dreg:$0x4] =	wrdreg $0xC0  }
0xac: {  	_ =	task [dreg:s8], $0x5FFFF  }
0xad: {  	[dreg:$0x1] =	wrdreg $0xFFFFFFFF  }
0xae: {  	[dreg:$0x0] =	wrdreg $0x60  }
0xaf: {  	[dreg:$0x2] =	wrdreg s24  }
0xb0: {  	[dreg:$0x3] =	wrdreg s2  }
0xb1: {  	[dreg:$0x4] =	wrdreg s18  }
0xb2: {  	[dreg:$0x5] =	wrdreg $0x41000  }
0xb3: {  	[dreg:$0x6] =	wrdreg $0x9  }
0xb4: {  	_ =	task.clear_ibuf [dreg:s8], $0x7FFFF;
	_ =	strace $0x90000052  }
0xb5: {  	s29 =	simm.s32 $0x9;
	_ =	strace $0x80000054  }
0xb6: {  	_ =	swait.ge [sflag:s29], $0x1  }
0xb7: {  	[sflag:s29] =	ssyncadd.s32 $0xFFFFFFFF  }
0xb8: {  	_ =	strace $0x90000054  }
0xb9: {  	_ =	sfence  }
0xba: {  	s30 =	sld [smem:$0x0];
	_ =	sdelay $0x2  }
0xbb: {  	s31 =	sshll.u32 s1, $0xD;
	s1 =	sshrl.u32 s1, $0x2  }
0xbc: {  	s3 =	sand.u32 $0x4000, s31;
	s1 =	sadd.s32 s1, s30  }
0xbd: {  	s0 =	sor.u32 s3, s0;
	s1 =	sshll.u32 s1, $0x11  }
0xbe: {  	s0 =	sor.u32 s1, s0  }
0xbf: {  	s0 =	sadd.s32 $0x8F2B, s0  }
0xc0: {  	[sflag:s0] =	ssyncadd.remote.s32 $0x1  }
0xc1: {  	_ =	sfence.sel $0xFFFF  }
0xc2: {  	[dreg:$0x0] =	wrdreg $0xFFFFFFFF;
	(pc) =	sbr.abs _section_cstart, $3  }
0xc3: {  	[dreg:$0x1] =	wrdreg $0xFFFFFFFF  }
0xc4: {  	_ =	task.clear_ibuf [dreg:s8], $0x2FFFF;
	_ =	strace $0x9FFFFFFF  }
0xc5: {  	(tm) =	ssettm $0x7FFFFFFF  }
tec
execute0_lowered:
.L_overlay_start_1:
0x0: {  	(tag) =	ssettag $0x1  }
0x1: {  	s5 =	rddreg [dreg:$0x0]  }
0x2: {  	s8 =	rddreg [dreg:$0x1]  }
0x3: {  	s9 =	rddreg [dreg:$0x2]  }
0x4: {  	s2 =	rddreg [dreg:$0x3]  }
0x5: {  	s0 =	rddreg [dreg:$0x4]  }
0x6: {  	s1 =	stileid.u32;
	s4 =	srdreg.scid  }
0x7: {  	s3 =	simm.s32 $0x0;
	s6 =	smul.u32 $0x14000, s1;
	s10 =	sand.u32 $0x1, s4  }
0x8: {  	[smem:$0x7FF] =	sst s3;
	s4 =	sadd.s32 $0xA200, s5;
	s12 =	smul.u32 $0x50000, s1  }
0x9: {  	s30 =	sshll.u32 s1, $0x6;
	s31 =	sshll.u32 s1, $0x4;
	s7 =	smul.u32 $0x140000, s10  }
0xa: {  	_ =	strace $0x80000053;
	s26 =	ssub.s32 $0x2, s10;
	s15 =	sshll.u32 s10, $0x4  }
0xb: {  	s10 =	sshll.u32 s10, $0x8;
	s11 =	sshrl.u32 s6, $0x3;
	s28 =	sshrl.u32 s26, $0x1  }
0xc: {  	s29 =	sshrl.u32 s12, $0x2;
	s9 =	sadd.s32 s10, s9;
	s10 =	sadd.s32 s10, s8  }
0xd: {  	s6 =	sadd.s32 s6, s7;
	s11 =	sadd.s32 s11, s5;
	s14 =	ssub.s32 s26, s28  }
0xe: {  	s12 =	sadd.s32 s29, s2;
	s9 =	sadd.s32 s31, s9;
	s10 =	sadd.s32 s31, s10  }
0xf: {  	s6 =	sshrl.u32 s6, $0x3;
	s8 =	smax.u32 s14, $0x1;
	s12 =	sshrl.u32 s12, $0x3  }
0x10: {  	s13 =	sadd.s32 s6, s5;
	s5 =	sadd.s32 $0x1DC00, s11;
	s6 =	sor.u32 $0x1C02, s30  }
0x11: {  	s11 =	sor.u32 s15, s1;
	s7 =	sadd.s32 $0x1BE200, s13;
	s13 =	simm.s32 $0x2  }
.LBB2_1:
0x12: {  	[spmem:s12], [sflag:s6] =	dma.local [hbm:s5], $0x2800  }
0x13: {  	_ =	swait.ge [sflag:s13], $0x2800  }
0x14: {  	p0 =	sgt.u32 s11, $0x9C3;
	[sflag:s13] =	ssyncset.done $0x0  }
0x15: {  	s14 =	sadd.s32 @!p0 $0x0, s10;
	[sflag:s13] =	ssyncadd.s32 $0xFFFFD800  }
0x16: {  	s15 =	simm.s32 @!p0 $0x0;
	s16 =	simm.s32 @!p0 $0x3;
	[bflag:$0x0] =	sbarrier.arrive $0xFFFF  }
0x17: {  	[tilespmem:s15], [sflag:$0x3] =	stream.linear.gather @!p0 [hbm4b:s14+s15], $0x80, $0x38;
	[tilespmem:$0x18100] =	vst v63  }
0x18: {  	_ =	swait.ge @!p0 [sflag:s16], $0x80;
	p0 =	por p0, p0  }
0x19: {  	[sflag:s16] =	ssyncset.done @!p0 $0x0  }
0x1a: {  	s14 =	sadd.s32 @!p0 $0x0, s9;
	s17 =	simm.s32 @!p0 $0x80;
	[sflag:s16] =	ssyncadd.s32 @!p0 $0xFFFFFF80  }
0x1b: {  	[tilespmem:s17], [sflag:$0x3] =	stream.linear.gather @!p0 [hbm4b:s14+s15], $0x80, $0x38;
	[tilespmem:$0x18100] =	vst v63  }
0x1c: {  	_ =	swait.ge @!p0 [sflag:s16], $0x80  }
0x1d: {  	[sflag:s16] =	ssyncset.done @!p0 $0x0  }
0x1e: {  	s14 =	simm.s32 @!p0 $0x100;
	[sflag:s16] =	ssyncadd.s32 @!p0 $0xFFFFFF80;
	s16 =	simm.s32 @!p0 $0x1  }
0x1f: {  	[tilespmem:s14], [sflag:$0x1] =	stream.indirect.gather @!p0 [hbm4b:s4+s17], $0x80, s15, s17, $0xb8;
	[tilespmem:$0x18100] =	vst v63  }
0x20: {  	_ =	swait.ge @!p0 [sflag:s16], $0x4000  }
0x21: {  	[sflag:s16] =	ssyncset.done @!p0 $0x0  }
0x22: {  	s15 =	sadd.s32 $0x20, s11;
	[sflag:s16] =	ssyncadd.s32 @!p0 $0xFFFFC000  }
0x23: {  	[spmem:s2] =	stream.indirect.scatter.add.f32 @!p0 [tilespmem:s14], [sflag:$0x2], $0x80, s17, s17, $0xb8;
	[tilespmem:$0x18100] =	vst v63  }
0x24: {  	p2 =	sgt.u32 s15, $0x9C3;
	s17 =	simm.s32 @!p0 $0x2  }
0x25: {  	s16 =	simm.s32 $0x400;
	s14 =	simm.s32 $0x200;
	_ =	swait.ge @!p0 [sflag:s17], $0x4000  }
.LBB2_2:
0x26: {  	s18 =	sadd.s32 @!p2 s14, s10  }
0x27: {  	s19 =	simm.s32 @!p2 $0x0;
	[sflag:s17] =	ssyncset.done @!p0 $0x0;
	s20 =	smov.u32 s16  }
0x28: {  	s16 =	sadd.s32 $0x200, s16;
	s21 =	simm.s32 @!p2 $0x3;
	[sflag:s17] =	ssyncadd.s32 @!p0 $0xFFFFC000  }
0x29: {  	[tilespmem:s19], [sflag:$0x3] =	stream.linear.gather @!p2 [hbm4b:s18+s19], $0x80, $0x38;
	[tilespmem:$0x18100] =	vst v63  }
0x2a: {  	p1 =	sne.s32 s16, $0x9E00;
	p0 =	por p2, p2;
	_ =	swait.ge @!p2 [sflag:s21], $0x80  }
0x2b: {  	[sflag:s21] =	ssyncset.done @!p0 $0x0  }
0x2c: {  	s14 =	sadd.s32 @!p0 s14, s9;
	s18 =	simm.s32 @!p0 $0x80;
	[sflag:s21] =	ssyncadd.s32 @!p0 $0xFFFFFF80  }
0x2d: {  	[tilespmem:s18], [sflag:$0x3] =	stream.linear.gather @!p0 [hbm4b:s14+s19], $0x80, $0x38;
	[tilespmem:$0x18100] =	vst v63  }
0x2e: {  	s14 =	smov.u32 s20;
	_ =	swait.ge @!p0 [sflag:s21], $0x80  }
0x2f: {  	[sflag:s21] =	ssyncset.done @!p0 $0x0  }
0x30: {  	s17 =	simm.s32 @!p0 $0x1;
	s20 =	simm.s32 @!p0 $0x100;
	[sflag:s21] =	ssyncadd.s32 @!p0 $0xFFFFFF80  }
0x31: {  	[tilespmem:s20], [sflag:$0x1] =	stream.indirect.gather @!p0 [hbm4b:s4+s18], $0x80, s19, s18, $0xb8;
	[tilespmem:$0x18100] =	vst v63  }
.Ltmp0:
0x32: {  	_ =	swait.ge @!p0 [sflag:s17], $0x4000;
	(pc) =	sbr.rel @p1 .LBB2_2-.Ltmp0, $4  }
0x33: {  	[sflag:s17] =	ssyncset.done @!p0 $0x0  }
0x34: {  	s15 =	sadd.s32 $0x20, s15;
	[sflag:s17] =	ssyncadd.s32 @!p0 $0xFFFFC000;
	s17 =	simm.s32 @!p0 $0x2  }
0x35: {  	[spmem:s2] =	stream.indirect.scatter.add.f32 @!p0 [tilespmem:s20], [sflag:$0x2], $0x80, s18, s18, $0xb8;
	[tilespmem:$0x18100] =	vst v63  }
0x36: {  	p2 =	sgt.u32 s15, $0x9C3;
	_ =	swait.ge @!p0 [sflag:s17], $0x4000  }
0x37: {  	s15 =	sadd.s32 @!p2 s14, s10;
	[sflag:s17] =	ssyncset.done @!p0 $0x0  }
0x38: {  	s16 =	simm.s32 @!p2 $0x0;
	s18 =	simm.s32 @!p2 $0x3;
	[sflag:s17] =	ssyncadd.s32 @!p0 $0xFFFFC000  }
0x39: {  	[tilespmem:s16], [sflag:$0x3] =	stream.linear.gather @!p2 [hbm4b:s15+s16], $0x80, $0x38;
	[tilespmem:$0x18100] =	vst v63  }
0x3a: {  	p0 =	por p2, p2;
	_ =	swait.ge @!p2 [sflag:s18], $0x80  }
0x3b: {  	[sflag:s18] =	ssyncset.done @!p0 $0x0  }
0x3c: {  	s14 =	sadd.s32 @!p0 s14, s9;
	s15 =	simm.s32 @!p0 $0x80;
	[sflag:s18] =	ssyncadd.s32 @!p0 $0xFFFFFF80  }
0x3d: {  	[tilespmem:s15], [sflag:$0x3] =	stream.linear.gather @!p0 [hbm4b:s14+s16], $0x80, $0x38;
	[tilespmem:$0x18100] =	vst v63  }
0x3e: {  	_ =	swait.ge @!p0 [sflag:s18], $0x80  }
0x3f: {  	[sflag:s18] =	ssyncset.done @!p0 $0x0  }
0x40: {  	s17 =	simm.s32 @!p0 $0x1;
	s14 =	simm.s32 @!p0 $0x100;
	[sflag:s18] =	ssyncadd.s32 @!p0 $0xFFFFFF80  }
0x41: {  	[tilespmem:s14], [sflag:$0x1] =	stream.indirect.gather @!p0 [hbm4b:s4+s15], $0x80, s16, s15, $0xb8;
	[tilespmem:$0x18100] =	vst v63  }
0x42: {  	_ =	swait.ge @!p0 [sflag:s17], $0x4000  }
0x43: {  	[sflag:s17] =	ssyncset.done @!p0 $0x0  }
0x44: {  	s16 =	simm.s32 @!p0 $0x2;
	[sflag:s17] =	ssyncadd.s32 @!p0 $0xFFFFC000  }
0x45: {  	[spmem:s2] =	stream.indirect.scatter.add.f32 @!p0 [tilespmem:s14], [sflag:$0x2], $0x80, s15, s15, $0xb8;
	[tilespmem:$0x18100] =	vst v63  }
0x46: {  	_ =	swait.ge @!p0 [sflag:s16], $0x4000  }
0x47: {  	s3 =	sadd.s32 $0x1, s3;
	[sflag:s16] =	ssyncset.done @!p0 $0x0  }
0x48: {  	[sflag:s16] =	ssyncadd.s32 @!p0 $0xFFFFC000;
	p0 =	sne.s32 s3, s8  }
.Ltmp1:
0x49: {  	[bflag:$0x0] =	sbarrier.arrive $0xFFFF;
	(pc) =	sbr.rel @p0 .LBB2_1-.Ltmp1, $4  }
0x4a: {  	[hbm:s7], [sflag:s6] =	dma.local [spmem:s12], $0x2800  }
0x4b: {  	_ =	swait.ge [sflag:s13], $0x2800  }
0x4c: {  	[sflag:s13] =	ssyncset.done $0x0  }
0x4d: {  	[sflag:s13] =	ssyncadd.s32 $0xFFFFD800  }
0x4e: {  	_ =	sfence.sel $0x180000  }
0x4f: {  	[bflag:$0x0] =	sbarrier.arrive $0xFFFF  }
0x50: {  	p0 =	sne.s32 s1, $0x0;
	_ =	strace $0x90000053  }
0x51: {  	s0 =	sadd.s32 @!p0 $0x100000, s0;
	[bflag:$0x2] =	sbarrier.arrive $0xFFFF  }
0x52: {  	[sflag:s0] =	ssyncadd.tile.s32 @!p0 $0x1;
	_ =	shalt  }
.Lfunc_end2:
_tile_overlayer_lowered:
.L_overlay_start_2:
0x53: {  	(tag) =	ssettag $0x2  }
0x54: {  	s0 =	rddreg [dreg:$0x0];
	s2 =	stileid.u32  }
0x55: {  	s1 =	rddreg [dreg:$0x1];
	p0 =	sne.s32 s2, $0x0  }
0x56: {  	s3 =	rddreg [dreg:$0x2];
	[bflag:$0x3] =	sbarrier.arrive $0xFFFF;
	s2 =	simm.s32 @!p0 $0x1C02  }
0x57: {  	[timem:s3], [sflag:s2] =	dma.local @!p0 [hbm:s0], s1  }
0x58: {  	s0 =	simm.s32 @!p0 $0x2  }
0x59: {  	_ =	swait.ge @!p0 [sflag:s0], s1  }
0x5a: {  	s1 =	ssub.s32 @!p0 $0x0, s1;
	[sflag:s0] =	ssyncset.done @!p0 $0x0  }
0x5b: {  	[sflag:s0] =	ssyncadd.s32 @!p0 s1  }
0x5c: {  	[bflag:$0x3] =	sbarrier.arrive $0xFFFF  }
0x5d: {  	_ =	shalt  }

// kernel: kernel.34.cloned.1.call-start
scs
__scs_entry_jumppad:
0x0: {  	(pc) =	sbr.rel $0x88, $3  }
0x1: {  	(tag) =	ssettag $0x0;
	lr =	simm.s32 $0x1  }
0x2: {  	[smem:$0x3F73] =	sst lr;
	_ =	strace $0xD0000000  }
0x3: {  	_ = 	snop  }
0x4: {  	_ = 	snop  }
0x5: {  	_ = 	snop  }
0x6: {  	_ = 	snop  }
0x7: {  	_ = 	snop  }
__scs_overlays_trampoline_lowered:
0x8: {  	[smem:$0x3F82] =	sst s0  }
0x9: {  	[smem:$0x3F83] =	sst s1  }
0xa: {  	[smem:$0x3F84] =	sst s2  }
0xb: {  	[smem:$0x3F85] =	sst s3  }
0xc: {  	[smem:$0x3F86] =	sst s4  }
0xd: {  	[smem:$0x3F87] =	sst s5  }
0xe: {  	[smem:$0x3F88] =	sst s6  }
0xf: {  	[smem:$0x3F89] =	sst s7  }
0x10: {  	[smem:$0x3F8A] =	sst s8  }
0x11: {  	[smem:$0x3F8B] =	sst s9;
	s0 =	simm.s32 @!p0 $0x0  }
0x12: {  	s1 =	sld [smem:$0x3F71];
	s0 =	simm.s32 @p0 $0x1  }
0x13: {  	[smem:$0x3F8C] =	sst s0;
	s0 =	simm.s32 @!p1 $0x0  }
0x14: {  	s2 =	sld [smem:$0x3F70];
	s0 =	simm.s32 @p1 $0x1  }
0x15: {  	[smem:$0x3F8D] =	sst s0;
	s0 =	simm.s32 @!p2 $0x0  }
0x16: {  	s3 =	sld [smem:$0x3FDB];
	s0 =	simm.s32 @p2 $0x1  }
0x17: {  	s4 =	simm.s32 $0x1BF5;
	[smem:$0x3F8F] =	sst s0  }
0x18: {  	s0 =	sld [smem:$0x3F72];
	_ =	swait.ge [sflag:s4], $0x0  }
0x19: {  	s7 =	sld [smem:$0x3F73]  }
0x1a: {  	s8 =	sadd.s32 $0xFFFFE003, lr  }
0x1b: {  	s9 =	sadd.s32 $0xFFFFFEF7, lr;
	s5 =	simm.s32 $0xFFFFFFFF;
	p2 =	slt.u32 s8, $0xFFFFF086  }
0x1c: {  	p1 =	slt.u32 s9, $0xF7A;
	s5 =	simm.s32 @!p2 $0x0  }
0x1d: {  	s5 =	simm.s32 @p1 $0x1;
	p0 =	seq.s32 s7, s2  }
0x1e: {  	s7 =	smul.u32 @!p0 $0xF7A, s2;
	p2 =	seq.s32 @!p0 s5, $0x0  }
0x1f: {  	s9 =	smul.u32 $0xF7A, s1;
	s8 =	simm.s32 @!p0 $0x1BF5;
	p2 =	por !p2, p0  }
0x20: {  	[sflag:s8] =	ssyncset.s32 @!p0 $0xFFFFF086;
	s6 =	sadd.s32 @!p0 s3, s7;
	s7 =	simm.s32 @!p0 $0x108  }
0x21: {  	s3 =	sadd.s32 s3, s9;
	s6 =	sadd.s32 @!p0 $0x88, s6;
	s7 =	simm.s32 @p2 $0x1082  }
0x22: {  	[simem:s7], [sflag:s8] =	dma.local @!p0 [hbm:s6], $0xF7A  }
0x23: {  	s9 =	sor.u32 $0xD0000000, s2;
	s6 =	simm.s32 $0x108;
	_ =	swait.ge @!p0 [sflag:s8], $0x0  }
0x24: {  	s3 =	sadd.s32 $0x88, s3;
	s6 =	simm.s32 @!p1 $0x1082;
	[sflag:s4] =	ssyncset.s32 $0xFFFFF086  }
0x25: {  	[simem:s6], [sflag:s4] =	dma.local [hbm:s3], $0xF7A  }
0x26: {  	[smem:$0x3F73] =	sst s1;
	(tag) =	ssettag s2;
	_ =	strace s9  }
0x27: {  	s1 =	sld [smem:$0x3F83]  }
0x28: {  	s2 =	sld [smem:$0x3F84]  }
0x29: {  	s4 =	sld [smem:$0x3F86]  }
0x2a: {  	p0 =	seq.s32 s5, $0x0;
	s5 =	sld [smem:$0x3F87]  }
0x2b: {  	s6 =	sld [smem:$0x3F88]  }
0x2c: {  	s7 =	sld [smem:$0x3F89]  }
0x2d: {  	s3 =	simm.s32 $0x108;
	s8 =	sld [smem:$0x3F8A]  }
0x2e: {  	s3 =	simm.s32 @!p0 $0x1082;
	s9 =	sld [smem:$0x3F8B]  }
0x2f: {  	lr =	sadd.s32 s0, s3;
	s0 =	sld [smem:$0x3F82]  }
0x30: {  	s3 =	sld [smem:$0x3F85]  }
0x31: {  	[smem:$0x3F8E] =	sst s10  }
0x32: {  	s10 =	sld [smem:$0x3F8C];
	_ =	sdelay $0x3  }
0x33: {  	p0 =	seq.s32 s10, $0x1;
	s10 =	sld [smem:$0x3F8E];
	_ =	sdelay $0x3  }
0x34: {  	[smem:$0x3F8E] =	sst s10  }
0x35: {  	s10 =	sld [smem:$0x3F8D];
	_ =	sdelay $0x3  }
0x36: {  	p1 =	seq.s32 s10, $0x1;
	s10 =	sld [smem:$0x3F8E];
	_ =	sdelay $0x3  }
0x37: {  	[smem:$0x3F8E] =	sst s10  }
0x38: {  	s10 =	sld [smem:$0x3F8F]  }
0x39: {  	_ = 	snop;
	(pc) =	sbr.ind lr, $3  }
0x3a: {  	_ = 	snop  }
0x3b: {  	_ = 	snop  }
0x3c: {  	p2 =	seq.s32 s10, $0x1;
	s10 =	sld [smem:$0x3F8E]  }
0x3d: {  	_ =	shalt  }
0x3e: {  	_ =	shalt  }
0x3f: {  	_ =	shalt  }
0x40: {  	_ =	shalt  }
0x41: {  	_ =	shalt  }
0x42: {  	_ =	shalt  }
0x43: {  	_ =	shalt  }
0x44: {  	_ =	shalt  }
0x45: {  	_ =	shalt  }
0x46: {  	_ =	shalt  }
0x47: {  	_ =	shalt  }
0x48: {  	_ =	shalt  }
0x49: {  	_ =	shalt  }
0x4a: {  	_ =	shalt  }
0x4b: {  	_ =	shalt  }
0x4c: {  	_ =	shalt  }
0x4d: {  	_ =	shalt  }
0x4e: {  	_ =	shalt  }
0x4f: {  	_ =	shalt  }
0x50: {  	_ =	shalt  }
0x51: {  	_ =	shalt  }
0x52: {  	_ =	shalt  }
0x53: {  	_ =	shalt  }
0x54: {  	_ =	shalt  }
0x55: {  	_ =	shalt  }
0x56: {  	_ =	shalt  }
0x57: {  	_ =	shalt  }
0x58: {  	_ =	shalt  }
0x59: {  	_ =	shalt  }
0x5a: {  	_ =	shalt  }
0x5b: {  	_ =	shalt  }
0x5c: {  	_ =	shalt  }
0x5d: {  	_ =	shalt  }
0x5e: {  	_ =	shalt  }
0x5f: {  	_ =	shalt  }
0x60: {  	_ =	shalt  }
0x61: {  	_ =	shalt  }
0x62: {  	_ =	shalt  }
0x63: {  	_ =	shalt  }
0x64: {  	_ =	shalt  }
0x65: {  	_ =	shalt  }
0x66: {  	_ =	shalt  }
0x67: {  	_ =	shalt  }
0x68: {  	_ =	shalt  }
0x69: {  	_ =	shalt  }
0x6a: {  	_ =	shalt  }
0x6b: {  	_ =	shalt  }
0x6c: {  	_ =	shalt  }
0x6d: {  	_ =	shalt  }
0x6e: {  	_ =	shalt  }
0x6f: {  	_ =	shalt  }
0x70: {  	_ =	shalt  }
0x71: {  	_ =	shalt  }
0x72: {  	_ =	shalt  }
0x73: {  	_ =	shalt  }
0x74: {  	_ =	shalt  }
0x75: {  	_ =	shalt  }
0x76: {  	_ =	shalt  }
0x77: {  	_ =	shalt  }
0x78: {  	_ =	shalt  }
0x79: {  	_ =	shalt  }
0x7a: {  	_ =	shalt  }
0x7b: {  	_ =	shalt  }
0x7c: {  	_ =	shalt  }
0x7d: {  	_ =	shalt  }
0x7e: {  	_ =	shalt  }
0x7f: {  	_ =	shalt  }
0x80: {  	_ =	shalt  }
0x81: {  	_ =	shalt  }
0x82: {  	_ =	shalt  }
0x83: {  	_ =	shalt  }
0x84: {  	_ =	shalt  }
0x85: {  	_ =	shalt  }
0x86: {  	_ =	shalt  }
0x87: {  	_ =	shalt  }
.Lfunc_end0:
.L_simem_size_0:
called_computation.5_lowered:
.L_overlay_start_0:
0x88: {  	s2 =	sld [smem:$0x3FD9]  }
0x89: {  	s3 =	sld [smem:$0x3FFE];
	_ =	sdelay $0x1  }
0x8a: {  	s1 =	srdreg.scid  }
0x8b: {  	s0 =	sand.u32 $0x1, s1  }
0x8c: {  	s17 =	sshll.u32 s0, $0xA;
	s2 =	sadd.s32 s3, s2  }
0x8d: {  	s2 =	sadd.s32 s2, s17  }
0x8e: {  	[smem:$0x3F9A] =	sst s2  }
0x8f: {  	_ = 	snop  }
0x90: {  	s2 =	sld [smem:$0x3FC7]  }
0x91: {  	s18 =	sld [smem:$0x3FC6];
	(tm) =	ssettm $0x1  }
0x92: {  	s4 =	sld [smem:$0x3FFB];
	_ =	sdelay $0x3  }
0x93: {  	_ =	strace s4  }
0x94: {  	s4 =	sld [smem:$0x3FFC];
	_ =	sdelay $0x3  }
0x95: {  	_ =	strace s4  }
0x96: {  	s4 =	sld [smem:$0x3FFD];
	_ =	sdelay $0x3  }
0x97: {  	_ =	strace s4  }
0x98: {  	_ =	strace $0x8FFFFFFF  }
0x99: {  	s19 =	sld [smem:$0x3FDB];
	_ =	sdelay $0x1  }
0x9a: {  	s5 =	simm.s32 $_scs_section_size  }
0x9b: {  	s6 =	simm.s32 $_size__tile_overlayer_lowered;
	s7 =	simm.s32 $_tile_overlayer_lowered  }
0x9c: {  	s22 =	simm.s32 $0x1BFF;
	s21 =	sshll.u32 s7, $0x1;
	s4 =	sadd.s32 s5, s19  }
0x9d: {  	s8 =	simm.s32 $0x0;
	s20 =	sshll.u32 s6, $0x1;
	s6 =	sadd.s32 s21, s4  }
0x9e: {  	[timem:s8], [sflag:s22] =	dma.local [hbm:s6], s20  }
0x9f: {  	_ =	swait.ge [sflag:s22], s20  }
0xa0: {  	s5 =	ssub.s32 $0x0, s20;
	[sflag:s22] =	ssyncset.done $0x0  }
0xa1: {  	[sflag:s22] =	ssyncadd.s32 s5;
	_ =	sdelay $0x1  }
0xa2: {  	s23 =	simm.s32 $0x1B8B  }
0xa3: {  	_ =	swait.ge [sflag:s23], $0x1  }
0xa4: {  	[sflag:s23] =	ssyncset.done $0x0  }
0xa5: {  	s25 =	simm.s32 $0x1B8E;
	s24 =	sld [smem:$0x3FFE];
	[sflag:s23] =	ssyncadd.s32 $0xFFFFFFFF  }
0xa6: {  	s26 =	simm.s32 $execute0_lowered;
	[smem:$0x3FD2] =	sst s25  }
0xa7: {  	s6 =	sshll.u32 s26, $0x1;
	_ =	strace $0x80000055;
	[dreg:$0x1] =	wrdreg $0xFFFFFFFF  }
0xa8: {  	s28 =	simm.s32 $_size_execute0_lowered;
	s4 =	sadd.s32 s4, s6;
	[dreg:$0x0] =	wrdreg $0x0  }
0xa9: {  	s6 =	sshll.u32 s28, $0x1;
	[dreg:$0x2] =	wrdreg s4  }
0xaa: {  	[dreg:$0x3] =	wrdreg s6  }
0xab: {  	[dreg:$0x4] =	wrdreg $0xC0  }
0xac: {  	_ =	task [dreg:s8], $0x5FFFF  }
0xad: {  	[dreg:$0x1] =	wrdreg $0xFFFFFFFF  }
0xae: {  	[dreg:$0x0] =	wrdreg $0x60  }
0xaf: {  	[dreg:$0x2] =	wrdreg s24  }
0xb0: {  	[dreg:$0x3] =	wrdreg s2  }
0xb1: {  	[dreg:$0x4] =	wrdreg s18  }
0xb2: {  	[dreg:$0x5] =	wrdreg $0x41000  }
0xb3: {  	[dreg:$0x6] =	wrdreg $0x9  }
0xb4: {  	_ =	task.clear_ibuf [dreg:s8], $0x7FFFF;
	_ =	strace $0x90000055  }
0xb5: {  	s29 =	simm.s32 $0x9;
	_ =	strace $0x80000057  }
0xb6: {  	_ =	swait.ge [sflag:s29], $0x1  }
0xb7: {  	[sflag:s29] =	ssyncadd.s32 $0xFFFFFFFF  }
0xb8: {  	_ =	strace $0x90000057  }
0xb9: {  	_ =	sfence  }
0xba: {  	s30 =	sld [smem:$0x0];
	_ =	sdelay $0x2  }
0xbb: {  	s31 =	sshll.u32 s1, $0xD;
	s1 =	sshrl.u32 s1, $0x2  }
0xbc: {  	s3 =	sand.u32 $0x4000, s31;
	s1 =	sadd.s32 s1, s30  }
0xbd: {  	s0 =	sor.u32 s3, s0;
	s1 =	sshll.u32 s1, $0x11  }
0xbe: {  	s0 =	sor.u32 s1, s0  }
0xbf: {  	s0 =	sadd.s32 $0x8F2B, s0  }
0xc0: {  	[sflag:s0] =	ssyncadd.remote.s32 $0x1  }
0xc1: {  	_ =	sfence.sel $0xFFFF  }
0xc2: {  	[dreg:$0x0] =	wrdreg $0xFFFFFFFF;
	(pc) =	sbr.abs _section_cstart, $3  }
0xc3: {  	[dreg:$0x1] =	wrdreg $0xFFFFFFFF  }
0xc4: {  	_ =	task.clear_ibuf [dreg:s8], $0x2FFFF;
	_ =	strace $0x9FFFFFFF  }
0xc5: {  	(tm) =	ssettm $0x7FFFFFFF  }
tec
execute0_lowered:
.L_overlay_start_1:
0x0: {  	(tag) =	ssettag $0x1  }
0x1: {  	s5 =	rddreg [dreg:$0x0]  }
0x2: {  	s8 =	rddreg [dreg:$0x1]  }
0x3: {  	s9 =	rddreg [dreg:$0x2]  }
0x4: {  	s2 =	rddreg [dreg:$0x3]  }
0x5: {  	s0 =	rddreg [dreg:$0x4]  }
0x6: {  	s1 =	stileid.u32;
	s4 =	srdreg.scid  }
0x7: {  	s3 =	simm.s32 $0x0;
	s6 =	smul.u32 $0xA000, s1;
	s10 =	sand.u32 $0x1, s4  }
0x8: {  	[smem:$0x7FF] =	sst s3;
	s4 =	sadd.s32 $0x120000, s5;
	s12 =	smul.u32 $0x28000, s1  }
0x9: {  	s30 =	sshll.u32 s1, $0x6;
	s31 =	sshll.u32 s1, $0x4;
	s7 =	smul.u32 $0xA0000, s10  }
0xa: {  	_ =	strace $0x80000056;
	s26 =	ssub.s32 $0x2, s10;
	s15 =	sshll.u32 s10, $0x4  }
0xb: {  	s10 =	sshll.u32 s10, $0x8;
	s11 =	sshrl.u32 s6, $0x3;
	s28 =	sshrl.u32 s26, $0x1  }
0xc: {  	s29 =	sshrl.u32 s12, $0x2;
	s9 =	sadd.s32 s10, s9;
	s10 =	sadd.s32 s10, s8  }
0xd: {  	s6 =	sadd.s32 s6, s7;
	s11 =	sadd.s32 s11, s5;
	s14 =	ssub.s32 s26, s28  }
0xe: {  	s12 =	sadd.s32 s29, s2;
	s9 =	sadd.s32 s31, s9;
	s10 =	sadd.s32 s31, s10  }
0xf: {  	s6 =	sshrl.u32 s6, $0x3;
	s8 =	smax.u32 s14, $0x1;
	s12 =	sshrl.u32 s12, $0x3  }
0x10: {  	s13 =	sadd.s32 s6, s5;
	s5 =	sadd.s32 $0xBCE00, s11;
	s6 =	sor.u32 $0x1C02, s30  }
0x11: {  	s11 =	sor.u32 s15, s1;
	s7 =	sadd.s32 $0xD0E00, s13;
	s13 =	simm.s32 $0x2  }
.LBB2_1:
0x12: {  	[spmem:s12], [sflag:s6] =	dma.local [hbm:s5], $0x1400  }
0x13: {  	_ =	swait.ge [sflag:s13], $0x1400  }
0x14: {  	p0 =	sgt.u32 s11, $0x9C3;
	[sflag:s13] =	ssyncset.done $0x0  }
0x15: {  	s14 =	sadd.s32 @!p0 $0x0, s10;
	[sflag:s13] =	ssyncadd.s32 $0xFFFFEC00  }
0x16: {  	s15 =	simm.s32 @!p0 $0x0;
	s16 =	simm.s32 @!p0 $0x3;
	[bflag:$0x0] =	sbarrier.arrive $0xFFFF  }
0x17: {  	[tilespmem:s15], [sflag:$0x3] =	stream.linear.gather @!p0 [hbm4b:s14+s15], $0x80, $0x38;
	[tilespmem:$0xE100] =	vst v63  }
0x18: {  	_ =	swait.ge @!p0 [sflag:s16], $0x80;
	p0 =	por p0, p0  }
0x19: {  	[sflag:s16] =	ssyncset.done @!p0 $0x0  }
0x1a: {  	s14 =	sadd.s32 @!p0 $0x0, s9;
	s17 =	simm.s32 @!p0 $0x80;
	[sflag:s16] =	ssyncadd.s32 @!p0 $0xFFFFFF80  }
0x1b: {  	[tilespmem:s17], [sflag:$0x3] =	stream.linear.gather @!p0 [hbm4b:s14+s15], $0x80, $0x38;
	[tilespmem:$0xE100] =	vst v63  }
0x1c: {  	_ =	swait.ge @!p0 [sflag:s16], $0x80  }
0x1d: {  	[sflag:s16] =	ssyncset.done @!p0 $0x0  }
0x1e: {  	s14 =	simm.s32 @!p0 $0x100;
	[sflag:s16] =	ssyncadd.s32 @!p0 $0xFFFFFF80;
	s16 =	simm.s32 @!p0 $0x1  }
0x1f: {  	[tilespmem:s14], [sflag:$0x1] =	stream.indirect.gather @!p0 [hbm4b:s4+s17], $0x80, s15, s17, $0xb8;
	[tilespmem:$0xE100] =	vst v63  }
0x20: {  	_ =	swait.ge @!p0 [sflag:s16], $0x4000  }
0x21: {  	[sflag:s16] =	ssyncset.done @!p0 $0x0  }
0x22: {  	s15 =	sadd.s32 $0x20, s11;
	[sflag:s16] =	ssyncadd.s32 @!p0 $0xFFFFC000  }
0x23: {  	[spmem:s2] =	stream.indirect.scatter.add.f32 @!p0 [tilespmem:s14], [sflag:$0x2], $0x80, s17, s17, $0xb8;
	[tilespmem:$0xE100] =	vst v63  }
0x24: {  	p2 =	sgt.u32 s15, $0x9C3;
	s17 =	simm.s32 @!p0 $0x2  }
0x25: {  	s16 =	simm.s32 $0x400;
	s14 =	simm.s32 $0x200;
	_ =	swait.ge @!p0 [sflag:s17], $0x4000  }
.LBB2_2:
0x26: {  	s18 =	sadd.s32 @!p2 s14, s10  }
0x27: {  	s19 =	simm.s32 @!p2 $0x0;
	[sflag:s17] =	ssyncset.done @!p0 $0x0;
	s20 =	smov.u32 s16  }
0x28: {  	s16 =	sadd.s32 $0x200, s16;
	s21 =	simm.s32 @!p2 $0x3;
	[sflag:s17] =	ssyncadd.s32 @!p0 $0xFFFFC000  }
0x29: {  	[tilespmem:s19], [sflag:$0x3] =	stream.linear.gather @!p2 [hbm4b:s18+s19], $0x80, $0x38;
	[tilespmem:$0xE100] =	vst v63  }
0x2a: {  	p1 =	sne.s32 s16, $0x9E00;
	p0 =	por p2, p2;
	_ =	swait.ge @!p2 [sflag:s21], $0x80  }
0x2b: {  	[sflag:s21] =	ssyncset.done @!p0 $0x0  }
0x2c: {  	s14 =	sadd.s32 @!p0 s14, s9;
	s18 =	simm.s32 @!p0 $0x80;
	[sflag:s21] =	ssyncadd.s32 @!p0 $0xFFFFFF80  }
0x2d: {  	[tilespmem:s18], [sflag:$0x3] =	stream.linear.gather @!p0 [hbm4b:s14+s19], $0x80, $0x38;
	[tilespmem:$0xE100] =	vst v63  }
0x2e: {  	s14 =	smov.u32 s20;
	_ =	swait.ge @!p0 [sflag:s21], $0x80  }
0x2f: {  	[sflag:s21] =	ssyncset.done @!p0 $0x0  }
0x30: {  	s17 =	simm.s32 @!p0 $0x1;
	s20 =	simm.s32 @!p0 $0x100;
	[sflag:s21] =	ssyncadd.s32 @!p0 $0xFFFFFF80  }
0x31: {  	[tilespmem:s20], [sflag:$0x1] =	stream.indirect.gather @!p0 [hbm4b:s4+s18], $0x80, s19, s18, $0xb8;
	[tilespmem:$0xE100] =	vst v63  }
.Ltmp0:
0x32: {  	_ =	swait.ge @!p0 [sflag:s17], $0x4000;
	(pc) =	sbr.rel @p1 .LBB2_2-.Ltmp0, $4  }
0x33: {  	[sflag:s17] =	ssyncset.done @!p0 $0x0  }
0x34: {  	s15 =	sadd.s32 $0x20, s15;
	[sflag:s17] =	ssyncadd.s32 @!p0 $0xFFFFC000;
	s17 =	simm.s32 @!p0 $0x2  }
0x35: {  	[spmem:s2] =	stream.indirect.scatter.add.f32 @!p0 [tilespmem:s20], [sflag:$0x2], $0x80, s18, s18, $0xb8;
	[tilespmem:$0xE100] =	vst v63  }
0x36: {  	p2 =	sgt.u32 s15, $0x9C3;
	_ =	swait.ge @!p0 [sflag:s17], $0x4000  }
0x37: {  	s15 =	sadd.s32 @!p2 s14, s10;
	[sflag:s17] =	ssyncset.done @!p0 $0x0  }
0x38: {  	s16 =	simm.s32 @!p2 $0x0;
	s18 =	simm.s32 @!p2 $0x3;
	[sflag:s17] =	ssyncadd.s32 @!p0 $0xFFFFC000  }
0x39: {  	[tilespmem:s16], [sflag:$0x3] =	stream.linear.gather @!p2 [hbm4b:s15+s16], $0x80, $0x38;
	[tilespmem:$0xE100] =	vst v63  }
0x3a: {  	p0 =	por p2, p2;
	_ =	swait.ge @!p2 [sflag:s18], $0x80  }
0x3b: {  	[sflag:s18] =	ssyncset.done @!p0 $0x0  }
0x3c: {  	s14 =	sadd.s32 @!p0 s14, s9;
	s15 =	simm.s32 @!p0 $0x80;
	[sflag:s18] =	ssyncadd.s32 @!p0 $0xFFFFFF80  }
0x3d: {  	[tilespmem:s15], [sflag:$0x3] =	stream.linear.gather @!p0 [hbm4b:s14+s16], $0x80, $0x38;
	[tilespmem:$0xE100] =	vst v63  }
0x3e: {  	_ =	swait.ge @!p0 [sflag:s18], $0x80  }
0x3f: {  	[sflag:s18] =	ssyncset.done @!p0 $0x0  }
0x40: {  	s17 =	simm.s32 @!p0 $0x1;
	s14 =	simm.s32 @!p0 $0x100;
	[sflag:s18] =	ssyncadd.s32 @!p0 $0xFFFFFF80  }
0x41: {  	[tilespmem:s14], [sflag:$0x1] =	stream.indirect.gather @!p0 [hbm4b:s4+s15], $0x80, s16, s15, $0xb8;
	[tilespmem:$0xE100] =	vst v63  }
0x42: {  	_ =	swait.ge @!p0 [sflag:s17], $0x4000  }
0x43: {  	[sflag:s17] =	ssyncset.done @!p0 $0x0  }
0x44: {  	s16 =	simm.s32 @!p0 $0x2;
	[sflag:s17] =	ssyncadd.s32 @!p0 $0xFFFFC000  }
0x45: {  	[spmem:s2] =	stream.indirect.scatter.add.f32 @!p0 [tilespmem:s14], [sflag:$0x2], $0x80, s15, s15, $0xb8;
	[tilespmem:$0xE100] =	vst v63  }
0x46: {  	_ =	swait.ge @!p0 [sflag:s16], $0x4000  }
0x47: {  	s3 =	sadd.s32 $0x1, s3;
	[sflag:s16] =	ssyncset.done @!p0 $0x0  }
0x48: {  	[sflag:s16] =	ssyncadd.s32 @!p0 $0xFFFFC000;
	p0 =	sne.s32 s3, s8  }
.Ltmp1:
0x49: {  	[bflag:$0x0] =	sbarrier.arrive $0xFFFF;
	(pc) =	sbr.rel @p0 .LBB2_1-.Ltmp1, $4  }
0x4a: {  	[hbm:s7], [sflag:s6] =	dma.local [spmem:s12], $0x1400  }
0x4b: {  	_ =	swait.ge [sflag:s13], $0x1400  }
0x4c: {  	[sflag:s13] =	ssyncset.done $0x0  }
0x4d: {  	[sflag:s13] =	ssyncadd.s32 $0xFFFFEC00  }
0x4e: {  	_ =	sfence.sel $0x180000  }
0x4f: {  	[bflag:$0x0] =	sbarrier.arrive $0xFFFF  }
0x50: {  	p0 =	sne.s32 s1, $0x0;
	_ =	strace $0x90000056  }
0x51: {  	s0 =	sadd.s32 @!p0 $0x100000, s0;
	[bflag:$0x2] =	sbarrier.arrive $0xFFFF  }
0x52: {  	[sflag:s0] =	ssyncadd.tile.s32 @!p0 $0x1;
	_ =	shalt  }
.Lfunc_end2:
_tile_overlayer_lowered:
.L_overlay_start_2:
0x53: {  	(tag) =	ssettag $0x2  }
0x54: {  	s0 =	rddreg [dreg:$0x0];
	s2 =	stileid.u32  }
0x55: {  	s1 =	rddreg [dreg:$0x1];
	p0 =	sne.s32 s2, $0x0  }
0x56: {  	s3 =	rddreg [dreg:$0x2];
	[bflag:$0x3] =	sbarrier.arrive $0xFFFF;
	s2 =	simm.s32 @!p0 $0x1C02  }
0x57: {  	[timem:s3], [sflag:s2] =	dma.local @!p0 [hbm:s0], s1  }
0x58: {  	s0 =	simm.s32 @!p0 $0x2  }
0x59: {  	_ =	swait.ge @!p0 [sflag:s0], s1  }
0x5a: {  	s1 =	ssub.s32 @!p0 $0x0, s1;
	[sflag:s0] =	ssyncset.done @!p0 $0x0  }
0x5b: {  	[sflag:s0] =	ssyncadd.s32 @!p0 s1  }
0x5c: {  	[bflag:$0x3] =	sbarrier.arrive $0xFFFF  }
0x5d: {  	_ =	shalt  }

// kernel: kernel.37.cloned.1.call-start
scs
__scs_entry_jumppad:
0x0: {  	(pc) =	sbr.rel $0x88, $3  }
0x1: {  	(tag) =	ssettag $0x0;
	lr =	simm.s32 $0x1  }
0x2: {  	[smem:$0x3F73] =	sst lr;
	_ =	strace $0xD0000000  }
0x3: {  	_ = 	snop  }
0x4: {  	_ = 	snop  }
0x5: {  	_ = 	snop  }
0x6: {  	_ = 	snop  }
0x7: {  	_ = 	snop  }
__scs_overlays_trampoline_lowered:
0x8: {  	[smem:$0x3F82] =	sst s0  }
0x9: {  	[smem:$0x3F83] =	sst s1  }
0xa: {  	[smem:$0x3F84] =	sst s2  }
0xb: {  	[smem:$0x3F85] =	sst s3  }
0xc: {  	[smem:$0x3F86] =	sst s4  }
0xd: {  	[smem:$0x3F87] =	sst s5  }
0xe: {  	[smem:$0x3F88] =	sst s6  }
0xf: {  	[smem:$0x3F89] =	sst s7  }
0x10: {  	[smem:$0x3F8A] =	sst s8  }
0x11: {  	[smem:$0x3F8B] =	sst s9;
	s0 =	simm.s32 @!p0 $0x0  }
0x12: {  	s1 =	sld [smem:$0x3F71];
	s0 =	simm.s32 @p0 $0x1  }
0x13: {  	[smem:$0x3F8C] =	sst s0;
	s0 =	simm.s32 @!p1 $0x0  }
0x14: {  	s2 =	sld [smem:$0x3F70];
	s0 =	simm.s32 @p1 $0x1  }
0x15: {  	[smem:$0x3F8D] =	sst s0;
	s0 =	simm.s32 @!p2 $0x0  }
0x16: {  	s3 =	sld [smem:$0x3FDB];
	s0 =	simm.s32 @p2 $0x1  }
0x17: {  	s4 =	simm.s32 $0x1BF5;
	[smem:$0x3F8F] =	sst s0  }
0x18: {  	s0 =	sld [smem:$0x3F72];
	_ =	swait.ge [sflag:s4], $0x0  }
0x19: {  	s7 =	sld [smem:$0x3F73]  }
0x1a: {  	s8 =	sadd.s32 $0xFFFFE003, lr  }
0x1b: {  	s9 =	sadd.s32 $0xFFFFFEF7, lr;
	s5 =	simm.s32 $0xFFFFFFFF;
	p2 =	slt.u32 s8, $0xFFFFF086  }
0x1c: {  	p1 =	slt.u32 s9, $0xF7A;
	s5 =	simm.s32 @!p2 $0x0  }
0x1d: {  	s5 =	simm.s32 @p1 $0x1;
	p0 =	seq.s32 s7, s2  }
0x1e: {  	s7 =	smul.u32 @!p0 $0xF7A, s2;
	p2 =	seq.s32 @!p0 s5, $0x0  }
0x1f: {  	s9 =	smul.u32 $0xF7A, s1;
	s8 =	simm.s32 @!p0 $0x1BF5;
	p2 =	por !p2, p0  }
0x20: {  	[sflag:s8] =	ssyncset.s32 @!p0 $0xFFFFF086;
	s6 =	sadd.s32 @!p0 s3, s7;
	s7 =	simm.s32 @!p0 $0x108  }
0x21: {  	s3 =	sadd.s32 s3, s9;
	s6 =	sadd.s32 @!p0 $0x88, s6;
	s7 =	simm.s32 @p2 $0x1082  }
0x22: {  	[simem:s7], [sflag:s8] =	dma.local @!p0 [hbm:s6], $0xF7A  }
0x23: {  	s9 =	sor.u32 $0xD0000000, s2;
	s6 =	simm.s32 $0x108;
	_ =	swait.ge @!p0 [sflag:s8], $0x0  }
0x24: {  	s3 =	sadd.s32 $0x88, s3;
	s6 =	simm.s32 @!p1 $0x1082;
	[sflag:s4] =	ssyncset.s32 $0xFFFFF086  }
0x25: {  	[simem:s6], [sflag:s4] =	dma.local [hbm:s3], $0xF7A  }
0x26: {  	[smem:$0x3F73] =	sst s1;
	(tag) =	ssettag s2;
	_ =	strace s9  }
0x27: {  	s1 =	sld [smem:$0x3F83]  }
0x28: {  	s2 =	sld [smem:$0x3F84]  }
0x29: {  	s4 =	sld [smem:$0x3F86]  }
0x2a: {  	p0 =	seq.s32 s5, $0x0;
	s5 =	sld [smem:$0x3F87]  }
0x2b: {  	s6 =	sld [smem:$0x3F88]  }
0x2c: {  	s7 =	sld [smem:$0x3F89]  }
0x2d: {  	s3 =	simm.s32 $0x108;
	s8 =	sld [smem:$0x3F8A]  }
0x2e: {  	s3 =	simm.s32 @!p0 $0x1082;
	s9 =	sld [smem:$0x3F8B]  }
0x2f: {  	lr =	sadd.s32 s0, s3;
	s0 =	sld [smem:$0x3F82]  }
0x30: {  	s3 =	sld [smem:$0x3F85]  }
0x31: {  	[smem:$0x3F8E] =	sst s10  }
0x32: {  	s10 =	sld [smem:$0x3F8C];
	_ =	sdelay $0x3  }
0x33: {  	p0 =	seq.s32 s10, $0x1;
	s10 =	sld [smem:$0x3F8E];
	_ =	sdelay $0x3  }
0x34: {  	[smem:$0x3F8E] =	sst s10  }
0x35: {  	s10 =	sld [smem:$0x3F8D];
	_ =	sdelay $0x3  }
0x36: {  	p1 =	seq.s32 s10, $0x1;
	s10 =	sld [smem:$0x3F8E];
	_ =	sdelay $0x3  }
0x37: {  	[smem:$0x3F8E] =	sst s10  }
0x38: {  	s10 =	sld [smem:$0x3F8F]  }
0x39: {  	_ = 	snop;
	(pc) =	sbr.ind lr, $3  }
0x3a: {  	_ = 	snop  }
0x3b: {  	_ = 	snop  }
0x3c: {  	p2 =	seq.s32 s10, $0x1;
	s10 =	sld [smem:$0x3F8E]  }
0x3d: {  	_ =	shalt  }
0x3e: {  	_ =	shalt  }
0x3f: {  	_ =	shalt  }
0x40: {  	_ =	shalt  }
0x41: {  	_ =	shalt  }
0x42: {  	_ =	shalt  }
0x43: {  	_ =	shalt  }
0x44: {  	_ =	shalt  }
0x45: {  	_ =	shalt  }
0x46: {  	_ =	shalt  }
0x47: {  	_ =	shalt  }
0x48: {  	_ =	shalt  }
0x49: {  	_ =	shalt  }
0x4a: {  	_ =	shalt  }
0x4b: {  	_ =	shalt  }
0x4c: {  	_ =	shalt  }
0x4d: {  	_ =	shalt  }
0x4e: {  	_ =	shalt  }
0x4f: {  	_ =	shalt  }
0x50: {  	_ =	shalt  }
0x51: {  	_ =	shalt  }
0x52: {  	_ =	shalt  }
0x53: {  	_ =	shalt  }
0x54: {  	_ =	shalt  }
0x55: {  	_ =	shalt  }
0x56: {  	_ =	shalt  }
0x57: {  	_ =	shalt  }
0x58: {  	_ =	shalt  }
0x59: {  	_ =	shalt  }
0x5a: {  	_ =	shalt  }
0x5b: {  	_ =	shalt  }
0x5c: {  	_ =	shalt  }
0x5d: {  	_ =	shalt  }
0x5e: {  	_ =	shalt  }
0x5f: {  	_ =	shalt  }
0x60: {  	_ =	shalt  }
0x61: {  	_ =	shalt  }
0x62: {  	_ =	shalt  }
0x63: {  	_ =	shalt  }
0x64: {  	_ =	shalt  }
0x65: {  	_ =	shalt  }
0x66: {  	_ =	shalt  }
0x67: {  	_ =	shalt  }
0x68: {  	_ =	shalt  }
0x69: {  	_ =	shalt  }
0x6a: {  	_ =	shalt  }
0x6b: {  	_ =	shalt  }
0x6c: {  	_ =	shalt  }
0x6d: {  	_ =	shalt  }
0x6e: {  	_ =	shalt  }
0x6f: {  	_ =	shalt  }
0x70: {  	_ =	shalt  }
0x71: {  	_ =	shalt  }
0x72: {  	_ =	shalt  }
0x73: {  	_ =	shalt  }
0x74: {  	_ =	shalt  }
0x75: {  	_ =	shalt  }
0x76: {  	_ =	shalt  }
0x77: {  	_ =	shalt  }
0x78: {  	_ =	shalt  }
0x79: {  	_ =	shalt  }
0x7a: {  	_ =	shalt  }
0x7b: {  	_ =	shalt  }
0x7c: {  	_ =	shalt  }
0x7d: {  	_ =	shalt  }
0x7e: {  	_ =	shalt  }
0x7f: {  	_ =	shalt  }
0x80: {  	_ =	shalt  }
0x81: {  	_ =	shalt  }
0x82: {  	_ =	shalt  }
0x83: {  	_ =	shalt  }
0x84: {  	_ =	shalt  }
0x85: {  	_ =	shalt  }
0x86: {  	_ =	shalt  }
0x87: {  	_ =	shalt  }
.Lfunc_end0:
.L_simem_size_0:
called_computation.6_lowered:
.L_overlay_start_0:
0x88: {  	s2 =	sld [smem:$0x3FD9]  }
0x89: {  	s3 =	sld [smem:$0x3FFE];
	_ =	sdelay $0x1  }
0x8a: {  	s1 =	srdreg.scid  }
0x8b: {  	s0 =	sand.u32 $0x1, s1  }
0x8c: {  	s16 =	sshll.u32 s0, $0xA;
	s2 =	sadd.s32 s3, s2  }
0x8d: {  	s2 =	sadd.s32 s2, s16  }
0x8e: {  	[smem:$0x3F9A] =	sst s2  }
0x8f: {  	_ = 	snop  }
0x90: {  	(tm) =	ssettm $0x1  }
0x91: {  	s17 =	sld [smem:$0x3FFB];
	_ =	sdelay $0x3  }
0x92: {  	_ =	strace s17  }
0x93: {  	s2 =	sld [smem:$0x3FFC];
	_ =	sdelay $0x3  }
0x94: {  	_ =	strace s2  }
0x95: {  	s2 =	sld [smem:$0x3FFD];
	_ =	sdelay $0x3  }
0x96: {  	_ =	strace s2  }
0x97: {  	_ =	strace $0x8FFFFFFF  }
0x98: {  	s18 =	sld [smem:$0x3FDB];
	_ =	sdelay $0x1  }
0x99: {  	s19 =	simm.s32 $_scs_section_size  }
0x9a: {  	s4 =	simm.s32 $_size__tile_overlayer_lowered;
	s5 =	simm.s32 $_tile_overlayer_lowered  }
0x9b: {  	s22 =	simm.s32 $0x1BFF;
	s21 =	sshll.u32 s5, $0x1;
	s2 =	sadd.s32 s19, s18  }
0x9c: {  	s6 =	simm.s32 $0x0;
	s20 =	sshll.u32 s4, $0x1;
	s4 =	sadd.s32 s21, s2  }
0x9d: {  	[timem:s6], [sflag:s22] =	dma.local [hbm:s4], s20  }
0x9e: {  	_ =	swait.ge [sflag:s22], s20  }
0x9f: {  	s3 =	ssub.s32 $0x0, s20;
	[sflag:s22] =	ssyncset.done $0x0  }
0xa0: {  	[sflag:s22] =	ssyncadd.s32 s3;
	_ =	sdelay $0x1  }
0xa1: {  	s23 =	simm.s32 $0x1B8B  }
0xa2: {  	_ =	swait.ge [sflag:s23], $0x1  }
0xa3: {  	[sflag:s23] =	ssyncset.done $0x0  }
0xa4: {  	s25 =	simm.s32 $0x1B8E;
	s24 =	sld [smem:$0x3FFE];
	[sflag:s23] =	ssyncadd.s32 $0xFFFFFFFF  }
0xa5: {  	s26 =	simm.s32 $execute0_lowered;
	[smem:$0x3FD2] =	sst s25  }
0xa6: {  	s4 =	sshll.u32 s26, $0x1;
	_ =	strace $0x80000058;
	[dreg:$0x1] =	wrdreg $0xFFFFFFFF  }
0xa7: {  	s28 =	simm.s32 $_size_execute0_lowered;
	s2 =	sadd.s32 s2, s4;
	[dreg:$0x0] =	wrdreg $0x0  }
0xa8: {  	s4 =	sshll.u32 s28, $0x1;
	[dreg:$0x2] =	wrdreg s2  }
0xa9: {  	[dreg:$0x3] =	wrdreg s4  }
0xaa: {  	[dreg:$0x4] =	wrdreg $0xC0  }
0xab: {  	_ =	task [dreg:s6], $0x5FFFF  }
0xac: {  	[dreg:$0x1] =	wrdreg $0xFFFFFFFF  }
0xad: {  	[dreg:$0x0] =	wrdreg $0x60  }
0xae: {  	[dreg:$0x2] =	wrdreg s24  }
0xaf: {  	[dreg:$0x3] =	wrdreg $0x9  }
0xb0: {  	_ =	task.clear_ibuf [dreg:s6], $0x4FFFF;
	_ =	strace $0x90000058  }
0xb1: {  	s29 =	simm.s32 $0x9;
	_ =	strace $0x8000005A  }
0xb2: {  	_ =	swait.ge [sflag:s29], $0x1  }
0xb3: {  	[sflag:s29] =	ssyncadd.s32 $0xFFFFFFFF  }
0xb4: {  	_ =	strace $0x9000005A  }
0xb5: {  	_ =	sfence  }
0xb6: {  	s30 =	sld [smem:$0x0];
	_ =	sdelay $0x2  }
0xb7: {  	s31 =	sshll.u32 s1, $0xD;
	s1 =	sshrl.u32 s1, $0x2  }
0xb8: {  	s3 =	sand.u32 $0x4000, s31;
	s1 =	sadd.s32 s1, s30  }
0xb9: {  	s0 =	sor.u32 s3, s0;
	s1 =	sshll.u32 s1, $0x11  }
0xba: {  	s0 =	sor.u32 s1, s0  }
0xbb: {  	s0 =	sadd.s32 $0x8F2B, s0  }
0xbc: {  	[sflag:s0] =	ssyncadd.remote.s32 $0x1  }
0xbd: {  	_ =	sfence.sel $0xFFFF  }
0xbe: {  	[dreg:$0x0] =	wrdreg $0xFFFFFFFF;
	(pc) =	sbr.abs _section_cstart, $3  }
0xbf: {  	[dreg:$0x1] =	wrdreg $0xFFFFFFFF  }
0xc0: {  	_ =	task.clear_ibuf [dreg:s6], $0x2FFFF;
	_ =	strace $0x9FFFFFFF  }
0xc1: {  	(tm) =	ssettm $0x7FFFFFFF  }
tec
execute0_lowered:
.L_overlay_start_1:
0x0: {  	(tag) =	ssettag $0x1  }
0x1: {  	s0 =	rddreg [dreg:$0x0];
	s1 =	simm.s32 $0x0;
	s2 =	srdreg.scid  }
0x2: {  	s10 =	stileid.u32;
	s14 =	simm.s32 $0x2;
	s15 =	simm.s32 $0x80  }
0x3: {  	s16 =	simm.s32 $0x880;
	s17 =	simm.s32 $0x1080;
	s18 =	simm.s32 $0x1880  }
0x4: {  	s19 =	simm.s32 $0x2080;
	s20 =	simm.s32 $0x2880;
	s21 =	simm.s32 $0x3080  }
0x5: {  	s28 =	simm.s32 $0x6080;
	s29 =	simm.s32 $0x6880;
	s30 =	simm.s32 $0x7080  }
0x6: {  	s31 =	simm.s32 $0x7880;
	[smem:$0x7FF] =	sst s1;
	s3 =	sand.u32 $0x1, s2  }
0x7: {  	s5 =	sadd.s32 $0x31400, s0;
	s22 =	sadd.s32 $0x147470, s0;
	s23 =	sadd.s32 $0x31200, s0  }
0x8: {  	s24 =	sadd.s32 $0x147AE0, s0;
	s25 =	sshll.u32 s10, $0x4;
	s26 =	sshll.u32 s10, $0xC  }
0x9: {  	_ =	strace $0x80000059;
	s2 =	sshll.u32 s3, $0x10;
	[dreg:$0x2] =	wrdreg s22  }
0xa: {  	s4 =	sshll.u32 s3, $0x8;
	s7 =	ssub.s32 $0x2, s3;
	[dreg:$0x3] =	wrdreg s23  }
0xb: {  	s3 =	sshll.u32 s3, $0x4;
	[dreg:$0x4] =	wrdreg s24;
	s22 =	simm.s32 $0x3880  }
0xc: {  	s23 =	simm.s32 $0x4080;
	s24 =	simm.s32 $0x4880;
	s6 =	sadd.s32 s2, s0  }
0xd: {  	s2 =	sadd.s32 $0xA200, s0;
	s8 =	sadd.s32 s4, s0;
	s9 =	sshrl.u32 s7, $0x1  }
0xe: {  	s4 =	sadd.s32 $0x147200, s0;
	s0 =	sadd.s32 $0x195C00, s0;
	s9 =	ssub.s32 s7, s9  }
.Ltmp0:
0xf: {  	s7 =	sor.u32 s10, s3;
	[dreg:$0x5] =	wrdreg s0;
	(pc) =	sbr.rel .LBB2_1-.Ltmp0, $4  }
0x10: {  	s0 =	sadd.s32 s25, s8;
	s3 =	sadd.s32 s26, s6;
	p0 =	seq.s32 s7, $0x1E  }
0x11: {  	v2 =	vlaneseq.u32;
	vm0 =	vmmov $0xffff;
	s25 =	simm.s32 $0x5080;
	s26 =	simm.s32 $0x5880;
	p1 =	sne.s32 @!p0 s7, $0x1F  }
0x12: {  	v1 =	vshrl.u32 v2, $0x3;
	v0 =	vand.u32 $0x7, v2;
	v2 =	vor.u32 $0x8, v2;
	s11 =	smax.u32 s9, $0x1;
	s8 =	sadd.s32 $0x147600, s0;
	p1 =	por p1, p0  }
0x13: {  	v1 =	vmul.u32 $0x8, v1;
	s6 =	sadd.s32 $0x147C00, s3;
	s0 =	simm.s32 $0x1;
	s3 =	simm.s32 $0x0;
	vm1 =	vmmov @p0 $0xffff;
	vm2 =	vmmov @!p1 $0xffff  }
.LBB2_9:
0x14: {  	s9 =	simm.s32 @p0 $0x0;
	s10 =	simm.s32 @p0 $0x9100;
	s12 =	rddreg [dreg:$0x2]  }
0x15: {  	[tilespmem:s10], [sflag:$0x1] =	stream.linear.gather @p0 [hbm4b:s12+s9], $0x8, $0x38;
	[tilespmem:$0x9980] =	vst v63  }
0x16: {  	s10 =	simm.s32 @p0 $0x1  }
0x17: {  	_ =	swait.ge @p0 [sflag:s10], $0x8  }
0x18: {  	[sflag:s10] =	ssyncset.done @p0 $0x0  }
0x19: {  	s12 =	simm.s32 @p0 $0x9180;
	s13 =	rddreg [dreg:$0x3];
	[sflag:s10] =	ssyncadd.s32 @p0 $0xFFFFFFF8  }
0x1a: {  	[tilespmem:s12], [sflag:$0x1] =	stream.linear.gather @p0 [hbm4b:s13+s9], $0x800, $0x38;
	[tilespmem:$0x9980] =	vst v63  }
0x1b: {  	_ =	swait.ge @p0 [sflag:s10], $0x800  }
0x1c: {  	[sflag:s10] =	ssyncset.done @p0 $0x0  }
0x1d: {  	[sflag:s10] =	ssyncadd.s32 @p0 $0xFFFFF800  }
0x1e: {  	v3 =	vld.msk @p0 [tilespmem:$0x9100], $0xff;
	_ =	sdelay $0x4  }
0x1f: {  	v4 =	vshll.u32 @p0 v3, $0x1  }
0x20: {  	v5 =	vlaneseq.u32 @p0;
	v3 =	vand.u32 @p0 $0x7, v3;
	v4 =	vand.u32 @p0 $0xFFFFFFF0, v4  }
0x21: {  	v3 =	vor.u32 @p0 v3, v4;
	v4 =	vand.u32 @p0 $0x7, v5;
	v5 =	vshrl.u32 @p0 v5, $0x3  }
0x22: {  	v3 =	vperm.xlane @p0 v3, v4;
	v4 =	vmul.u32 @p0 $0x8, v5;
	_ =	sdelay $0x1  }
0x23: {  	v3 =	vadd.s32 @p0 v4, v3;
	_ =	sdelay $0x4  }
0x24: {  	[hbm4b:s5+s9] =	stream.indirect_vreg.scatter @p0 [tilespmem:s12], [sflag:$0x1], $0x80, v3, vm1, $0xb8;
	[tilespmem:$0x9980] =	vst v63  }
0x25: {  	_ =	swait.ge @p0 [sflag:s10], $0x800  }
0x26: {  	s9 =	simm.s32 @!p1 $0x0;
	[sflag:s10] =	ssyncset.done @p0 $0x0  }
0x27: {  	s12 =	rddreg [dreg:$0x4];
	[sflag:s10] =	ssyncadd.s32 @p0 $0xFFFFF800;
	s10 =	simm.s32 @!p1 $0x8080  }
0x28: {  	[tilespmem:s10], [sflag:$0x1] =	stream.linear.gather @!p1 [hbm4b:s12+s9], $0x10, $0x38;
	[tilespmem:$0x9980] =	vst v63  }
0x29: {  	s10 =	simm.s32 @!p1 $0x1  }
0x2a: {  	_ =	swait.ge @!p1 [sflag:s10], $0x10  }
0x2b: {  	[sflag:s10] =	ssyncset.done @!p1 $0x0  }
0x2c: {  	s12 =	simm.s32 @!p1 $0x8100;
	s13 =	rddreg [dreg:$0x5];
	[sflag:s10] =	ssyncadd.s32 @!p1 $0xFFFFFFF0  }
0x2d: {  	[tilespmem:s12], [sflag:$0x1] =	stream.linear.gather @!p1 [hbm4b:s13+s9], $0x1000, $0x38;
	[tilespmem:$0x9980] =	vst v63  }
0x2e: {  	_ =	swait.ge @!p1 [sflag:s10], $0x1000  }
0x2f: {  	[sflag:s10] =	ssyncset.done @!p1 $0x0  }
0x30: {  	[sflag:s10] =	ssyncadd.s32 @!p1 $0xFFFFF000  }
0x31: {  	v3 =	vld @!p1 [tilespmem:$0x8080];
	_ =	sdelay $0x4  }
0x32: {  	v4 =	vshll.u32 @!p1 v3, $0x1  }
0x33: {  	v5 =	vlaneseq.u32 @!p1;
	v3 =	vand.u32 @!p1 $0x7, v3;
	v4 =	vand.u32 @!p1 $0xFFFFFFF0, v4  }
0x34: {  	v6 =	vshrl.u32 @!p1 v5, $0x3;
	v3 =	vor.u32 @!p1 v3, v4;
	v4 =	vand.u32 @!p1 $0x7, v5  }
0x35: {  	v6 =	vmul.u32 @!p1 $0x8, v6;
	v4 =	vperm.xlane @!p1 v3, v4  }
0x36: {  	v5 =	vor.u32 @!p1 $0x8, v5  }
0x37: {  	v3 =	vperm.xlane @!p1 v3, v5;
	v4 =	vadd.s32 @!p1 v6, v4;
	_ =	sdelay $0x1  }
0x38: {  	v3 =	vadd.s32 @!p1 v6, v3  }
0x39: {  	s3 =	sadd.s32 $0x1, s3  }
0x3a: {  	p2 =	sne.s32 s3, s11  }
0x3b: {  	[hbm4b:s5+s9] =	stream.indirect_vreg.scatter @!p1 [tilespmem:s12], [sflag:$0x1], $0x80, v4, vm2, $0xb8;
	[tilespmem:$0x9980] =	vst v63  }
.Ltmp1:
0x3c: {  	s12 =	simm.s32 @!p1 $0x8900;
	(pc) =	sbr.rel @!p2 .LBB2_10-.Ltmp1, $4  }
0x3d: {  	[hbm4b:s5+s9] =	stream.indirect_vreg.scatter @!p1 [tilespmem:s12], [sflag:$0x1], $0x80, v3, vm2, $0xb8;
	[tilespmem:$0x9980] =	vst v63  }
0x3e: {  	_ =	swait.ge @!p1 [sflag:s10], $0x1000  }
0x3f: {  	[sflag:s10] =	ssyncset.done @!p1 $0x0  }
0x40: {  	[sflag:s10] =	ssyncadd.s32 @!p1 $0xFFFFF000  }
.LBB2_1:
.Ltmp2:
0x41: {  	(pc) =	sbr.rel .LBB2_2-.Ltmp2, $2  }
0x42: {  	_ =	sdelay $0x2  }
0x43: {  	s13 =	smov.u32 s6;
	s12 =	smov.u32 s8;
	s9 =	simm.s32 $0x0  }
.LBB2_4:
0x44: {  	s9 =	sadd.s32 $0x20, s9  }
0x45: {  	p2 =	sne.s32 s9, $0x60  }
.Ltmp3:
0x46: {  	_ = 	snop;
	(pc) =	sbr.rel @!p2 .LBB2_5-.Ltmp3, $2  }
0x47: {  	_ =	sdelay $0x2  }
0x48: {  	s12 =	sadd.s32 $0x200, s12;
	s13 =	sadd.s32 $0x20000, s13  }
.LBB2_2:
0x49: {  	s10 =	sadd.s32 s9, s7  }
0x4a: {  	p2 =	sgt.u32 s10, $0x4D  }
.Ltmp4:
0x4b: {  	_ = 	snop;
	(pc) =	sbr.rel @p2 .LBB2_4-.Ltmp4, $1  }
0x4c: {  	_ =	sdelay $0x3  }
0x4d: {  	[tilespmem:s1], [sflag:$0x2] =	stream.linear.gather [hbm4b:s12+s1], $0x80, $0x38;
	[tilespmem:$0x9980] =	vst v63  }
0x4e: {  	_ =	swait.ge [sflag:s14], $0x80  }
0x4f: {  	[sflag:s14] =	ssyncset.done $0x0  }
0x50: {  	[sflag:s14] =	ssyncadd.s32 $0xFFFFFF80  }
0x51: {  	[tilespmem:s15], [sflag:$0x2] =	stream.linear.gather [hbm4b:s13+s1], $0x8000, $0x38;
	[tilespmem:$0x9980] =	vst v63  }
0x52: {  	_ =	swait.ge [sflag:s14], $0x8000  }
0x53: {  	[sflag:s14] =	ssyncset.done $0x0  }
0x54: {  	[sflag:s14] =	ssyncadd.s32 $0xFFFF8000  }
0x55: {  	v3 =	vld [tilespmem:$0x0];
	_ =	sdelay $0x4  }
0x56: {  	v4 =	vshll.u32 v3, $0x1  }
0x57: {  	v3 =	vand.u32 $0x7, v3;
	v4 =	vand.u32 $0xFFFFFFF0, v4  }
0x58: {  	v3 =	vor.u32 v3, v4  }
0x59: {  	v4 =	vperm.xlane v3, v0;
	_ =	sdelay $0x1  }
0x5a: {  	v3 =	vperm.xlane v3, v2;
	v4 =	vadd.s32 v1, v4;
	_ =	sdelay $0x1  }
0x5b: {  	v3 =	vadd.s32 v1, v3;
	_ =	sdelay $0x2  }
0x5c: {  	[hbm4b:s5+s1] =	stream.indirect_vreg.scatter [tilespmem:s15], [sflag:$0x1], $0x80, v4, vm0, $0xb8;
	[tilespmem:$0x9980] =	vst v63  }
0x5d: {  	_ = 	snop  }
0x5e: {  	[hbm4b:s5+s1] =	stream.indirect_vreg.scatter [tilespmem:s16], [sflag:$0x1], $0x80, v3, vm0, $0xb8;
	[tilespmem:$0x9980] =	vst v63  }
0x5f: {  	v3 =	vld [tilespmem:$0x10];
	_ =	sdelay $0x4  }
0x60: {  	v57 =	vshll.u32 v3, $0x1  }
0x61: {  	v3 =	vand.u32 $0x7, v3;
	v4 =	vand.u32 $0xFFFFFFF0, v57  }
0x62: {  	v3 =	vor.u32 v3, v4  }
0x63: {  	v4 =	vperm.xlane v3, v0;
	_ =	sdelay $0x1  }
0x64: {  	v3 =	vperm.xlane v3, v2;
	v4 =	vadd.s32 v1, v4;
	_ =	sdelay $0x1  }
0x65: {  	v3 =	vadd.s32 v1, v3;
	_ =	sdelay $0x2  }
0x66: {  	[hbm4b:s5+s1] =	stream.indirect_vreg.scatter [tilespmem:s17], [sflag:$0x1], $0x80, v4, vm0, $0xb8;
	[tilespmem:$0x9980] =	vst v63  }
0x67: {  	_ = 	snop  }
0x68: {  	[hbm4b:s5+s1] =	stream.indirect_vreg.scatter [tilespmem:s18], [sflag:$0x1], $0x80, v3, vm0, $0xb8;
	[tilespmem:$0x9980] =	vst v63  }
0x69: {  	v3 =	vld [tilespmem:$0x20];
	_ =	sdelay $0x4  }
0x6a: {  	v58 =	vshll.u32 v3, $0x1  }
0x6b: {  	v3 =	vand.u32 $0x7, v3;
	v4 =	vand.u32 $0xFFFFFFF0, v58  }
0x6c: {  	v3 =	vor.u32 v3, v4  }
0x6d: {  	v4 =	vperm.xlane v3, v0;
	_ =	sdelay $0x1  }
0x6e: {  	v3 =	vperm.xlane v3, v2;
	v4 =	vadd.s32 v1, v4;
	_ =	sdelay $0x1  }
0x6f: {  	v3 =	vadd.s32 v1, v3;
	_ =	sdelay $0x2  }
0x70: {  	[hbm4b:s5+s1] =	stream.indirect_vreg.scatter [tilespmem:s19], [sflag:$0x1], $0x80, v4, vm0, $0xb8;
	[tilespmem:$0x9980] =	vst v63  }
0x71: {  	_ = 	snop  }
0x72: {  	[hbm4b:s5+s1] =	stream.indirect_vreg.scatter [tilespmem:s20], [sflag:$0x1], $0x80, v3, vm0, $0xb8;
	[tilespmem:$0x9980] =	vst v63  }
0x73: {  	v3 =	vld [tilespmem:$0x30];
	_ =	sdelay $0x4  }
0x74: {  	v59 =	vshll.u32 v3, $0x1  }
0x75: {  	v3 =	vand.u32 $0x7, v3;
	v4 =	vand.u32 $0xFFFFFFF0, v59  }
0x76: {  	v3 =	vor.u32 v3, v4  }
0x77: {  	v4 =	vperm.xlane v3, v0;
	_ =	sdelay $0x1  }
0x78: {  	v3 =	vperm.xlane v3, v2;
	v4 =	vadd.s32 v1, v4;
	_ =	sdelay $0x1  }
0x79: {  	v3 =	vadd.s32 v1, v3;
	_ =	sdelay $0x2  }
0x7a: {  	[hbm4b:s5+s1] =	stream.indirect_vreg.scatter [tilespmem:s21], [sflag:$0x1], $0x80, v4, vm0, $0xb8;
	[tilespmem:$0x9980] =	vst v63  }
0x7b: {  	_ = 	snop  }
0x7c: {  	[hbm4b:s5+s1] =	stream.indirect_vreg.scatter [tilespmem:s22], [sflag:$0x1], $0x80, v3, vm0, $0xb8;
	[tilespmem:$0x9980] =	vst v63  }
0x7d: {  	v3 =	vld [tilespmem:$0x40];
	_ =	sdelay $0x4  }
0x7e: {  	v60 =	vshll.u32 v3, $0x1  }
0x7f: {  	v3 =	vand.u32 $0x7, v3;
	v4 =	vand.u32 $0xFFFFFFF0, v60  }
0x80: {  	v3 =	vor.u32 v3, v4  }
0x81: {  	v4 =	vperm.xlane v3, v0;
	_ =	sdelay $0x1  }
0x82: {  	v3 =	vperm.xlane v3, v2;
	v4 =	vadd.s32 v1, v4;
	_ =	sdelay $0x1  }
0x83: {  	v3 =	vadd.s32 v1, v3;
	_ =	sdelay $0x2  }
0x84: {  	[hbm4b:s5+s1] =	stream.indirect_vreg.scatter [tilespmem:s23], [sflag:$0x1], $0x80, v4, vm0, $0xb8;
	[tilespmem:$0x9980] =	vst v63  }
0x85: {  	_ = 	snop  }
0x86: {  	[hbm4b:s5+s1] =	stream.indirect_vreg.scatter [tilespmem:s24], [sflag:$0x1], $0x80, v3, vm0, $0xb8;
	[tilespmem:$0x9980] =	vst v63  }
0x87: {  	v3 =	vld [tilespmem:$0x50];
	_ =	sdelay $0x4  }
0x88: {  	v61 =	vshll.u32 v3, $0x1  }
0x89: {  	v3 =	vand.u32 $0x7, v3;
	v4 =	vand.u32 $0xFFFFFFF0, v61  }
0x8a: {  	v3 =	vor.u32 v3, v4  }
0x8b: {  	v4 =	vperm.xlane v3, v0;
	_ =	sdelay $0x1  }
0x8c: {  	v3 =	vperm.xlane v3, v2;
	v4 =	vadd.s32 v1, v4;
	_ =	sdelay $0x1  }
0x8d: {  	v3 =	vadd.s32 v1, v3;
	_ =	sdelay $0x2  }
0x8e: {  	[hbm4b:s5+s1] =	stream.indirect_vreg.scatter [tilespmem:s25], [sflag:$0x1], $0x80, v4, vm0, $0xb8;
	[tilespmem:$0x9980] =	vst v63  }
0x8f: {  	_ = 	snop  }
0x90: {  	[hbm4b:s5+s1] =	stream.indirect_vreg.scatter [tilespmem:s26], [sflag:$0x1], $0x80, v3, vm0, $0xb8;
	[tilespmem:$0x9980] =	vst v63  }
0x91: {  	v3 =	vld [tilespmem:$0x60];
	_ =	sdelay $0x4  }
0x92: {  	v62 =	vshll.u32 v3, $0x1  }
0x93: {  	v3 =	vand.u32 $0x7, v3;
	v4 =	vand.u32 $0xFFFFFFF0, v62  }
0x94: {  	v3 =	vor.u32 v3, v4  }
0x95: {  	v4 =	vperm.xlane v3, v0;
	_ =	sdelay $0x1  }
0x96: {  	v3 =	vperm.xlane v3, v2;
	v4 =	vadd.s32 v1, v4;
	_ =	sdelay $0x1  }
0x97: {  	v3 =	vadd.s32 v1, v3;
	_ =	sdelay $0x2  }
0x98: {  	[hbm4b:s5+s1] =	stream.indirect_vreg.scatter [tilespmem:s28], [sflag:$0x1], $0x80, v4, vm0, $0xb8;
	[tilespmem:$0x9980] =	vst v63  }
0x99: {  	_ = 	snop  }
0x9a: {  	[hbm4b:s5+s1] =	stream.indirect_vreg.scatter [tilespmem:s29], [sflag:$0x1], $0x80, v3, vm0, $0xb8;
	[tilespmem:$0x9980] =	vst v63  }
0x9b: {  	v3 =	vld [tilespmem:$0x70];
	_ =	sdelay $0x4  }
0x9c: {  	v63 =	vshll.u32 v3, $0x1  }
0x9d: {  	v3 =	vand.u32 $0x7, v3;
	v4 =	vand.u32 $0xFFFFFFF0, v63  }
0x9e: {  	v3 =	vor.u32 v3, v4  }
0x9f: {  	v4 =	vperm.xlane v3, v0;
	_ =	sdelay $0x1  }
0xa0: {  	v3 =	vperm.xlane v3, v2;
	v4 =	vadd.s32 v1, v4;
	_ =	sdelay $0x1  }
0xa1: {  	v3 =	vadd.s32 v1, v3;
	_ =	sdelay $0x2  }
0xa2: {  	[hbm4b:s5+s1] =	stream.indirect_vreg.scatter [tilespmem:s30], [sflag:$0x1], $0x80, v4, vm0, $0xb8;
	[tilespmem:$0x9980] =	vst v63  }
.Ltmp5:
0xa3: {  	_ = 	snop;
	(pc) =	sbr.rel .LBB2_4-.Ltmp5, $4  }
0xa4: {  	[hbm4b:s5+s1] =	stream.indirect_vreg.scatter [tilespmem:s31], [sflag:$0x1], $0x80, v3, vm0, $0xb8;
	[tilespmem:$0x9980] =	vst v63  }
0xa5: {  	_ =	swait.ge [sflag:s0], $0x8000  }
0xa6: {  	[sflag:s0] =	ssyncset.done $0x0  }
0xa7: {  	[sflag:s0] =	ssyncadd.s32 $0xFFFF8000  }
.LBB2_5:
.Ltmp6:
0xa8: {  	(pc) =	sbr.rel .LBB2_6-.Ltmp6, $2  }
0xa9: {  	_ =	sdelay $0x2  }
0xaa: {  	s9 =	simm.s32 $0x0;
	p3 =	por $0x1, $0x1  }
.LBB2_8:
.Ltmp7:
0xab: {  	(pc) =	sbr.rel @!p2 .LBB2_9-.Ltmp7, $2  }
0xac: {  	_ =	sdelay $0x2  }
0xad: {  	s9 =	simm.s32 $0x20;
	p3 =	por $0x0, $0x0  }
.LBB2_6:
0xae: {  	s9 =	sor.u32 s7, s9  }
0xaf: {  	p4 =	sgt.u32 s9, $0x26  }
.Ltmp8:
0xb0: {  	_ = 	snop;
	(pc) =	sbr.rel @p4 .LBB2_8-.Ltmp8, $2  }
0xb1: {  	_ =	sdelay $0x2  }
0xb2: {  	p2 =	por p3, p3  }
0xb3: {  	s10 =	sshll.u32 s9, $0x4  }
0xb4: {  	s10 =	sadd.s32 s4, s10  }
0xb5: {  	[tilespmem:s1], [sflag:$0x2] =	stream.linear.gather [hbm4b:s10+s1], $0x80, $0x38;
	[tilespmem:$0x9980] =	vst v63  }
0xb6: {  	_ =	swait.ge [sflag:s14], $0x80  }
0xb7: {  	s13 =	sshll.u32 s9, $0xC;
	[sflag:s14] =	ssyncset.done $0x0  }
0xb8: {  	s9 =	sadd.s32 s2, s13;
	[sflag:s14] =	ssyncadd.s32 $0xFFFFFF80  }
0xb9: {  	[tilespmem:s15], [sflag:$0x2] =	stream.linear.gather [hbm4b:s9+s1], $0x8000, $0x38;
	[tilespmem:$0x9980] =	vst v63  }
0xba: {  	_ =	swait.ge [sflag:s14], $0x8000  }
0xbb: {  	[sflag:s14] =	ssyncset.done $0x0  }
0xbc: {  	[sflag:s14] =	ssyncadd.s32 $0xFFFF8000  }
0xbd: {  	v3 =	vld [tilespmem:$0x0];
	_ =	sdelay $0x4  }
0xbe: {  	v4 =	vshll.u32 v3, $0x1  }
0xbf: {  	v3 =	vand.u32 $0x7, v3;
	v4 =	vand.u32 $0xFFFFFFF0, v4  }
0xc0: {  	v3 =	vor.u32 v3, v4  }
0xc1: {  	v4 =	vperm.xlane v3, v0;
	_ =	sdelay $0x1  }
0xc2: {  	v3 =	vperm.xlane v3, v2;
	v4 =	vadd.s32 v1, v4;
	_ =	sdelay $0x1  }
0xc3: {  	v3 =	vadd.s32 v1, v3;
	_ =	sdelay $0x2  }
0xc4: {  	[hbm4b:s5+s1] =	stream.indirect_vreg.scatter [tilespmem:s15], [sflag:$0x1], $0x80, v4, vm0, $0xb8;
	[tilespmem:$0x9980] =	vst v63  }
0xc5: {  	_ = 	snop  }
0xc6: {  	[hbm4b:s5+s1] =	stream.indirect_vreg.scatter [tilespmem:s16], [sflag:$0x1], $0x80, v3, vm0, $0xb8;
	[tilespmem:$0x9980] =	vst v63  }
0xc7: {  	v3 =	vld [tilespmem:$0x10];
	_ =	sdelay $0x4  }
0xc8: {  	v57 =	vshll.u32 v3, $0x1  }
0xc9: {  	v3 =	vand.u32 $0x7, v3;
	v4 =	vand.u32 $0xFFFFFFF0, v57  }
0xca: {  	v3 =	vor.u32 v3, v4  }
0xcb: {  	v4 =	vperm.xlane v3, v0;
	_ =	sdelay $0x1  }
0xcc: {  	v3 =	vperm.xlane v3, v2;
	v4 =	vadd.s32 v1, v4;
	_ =	sdelay $0x1  }
0xcd: {  	v3 =	vadd.s32 v1, v3;
	_ =	sdelay $0x2  }
0xce: {  	[hbm4b:s5+s1] =	stream.indirect_vreg.scatter [tilespmem:s17], [sflag:$0x1], $0x80, v4, vm0, $0xb8;
	[tilespmem:$0x9980] =	vst v63  }
0xcf: {  	_ = 	snop  }
0xd0: {  	[hbm4b:s5+s1] =	stream.indirect_vreg.scatter [tilespmem:s18], [sflag:$0x1], $0x80, v3, vm0, $0xb8;
	[tilespmem:$0x9980] =	vst v63  }
0xd1: {  	v3 =	vld [tilespmem:$0x20];
	_ =	sdelay $0x4  }
0xd2: {  	v58 =	vshll.u32 v3, $0x1  }
0xd3: {  	v3 =	vand.u32 $0x7, v3;
	v4 =	vand.u32 $0xFFFFFFF0, v58  }
0xd4: {  	v3 =	vor.u32 v3, v4  }
0xd5: {  	v4 =	vperm.xlane v3, v0;
	_ =	sdelay $0x1  }
0xd6: {  	v3 =	vperm.xlane v3, v2;
	v4 =	vadd.s32 v1, v4;
	_ =	sdelay $0x1  }
0xd7: {  	v3 =	vadd.s32 v1, v3;
	_ =	sdelay $0x2  }
0xd8: {  	[hbm4b:s5+s1] =	stream.indirect_vreg.scatter [tilespmem:s19], [sflag:$0x1], $0x80, v4, vm0, $0xb8;
	[tilespmem:$0x9980] =	vst v63  }
0xd9: {  	_ = 	snop  }
0xda: {  	[hbm4b:s5+s1] =	stream.indirect_vreg.scatter [tilespmem:s20], [sflag:$0x1], $0x80, v3, vm0, $0xb8;
	[tilespmem:$0x9980] =	vst v63  }
0xdb: {  	v3 =	vld [tilespmem:$0x30];
	_ =	sdelay $0x4  }
0xdc: {  	v59 =	vshll.u32 v3, $0x1  }
0xdd: {  	v3 =	vand.u32 $0x7, v3;
	v4 =	vand.u32 $0xFFFFFFF0, v59  }
0xde: {  	v3 =	vor.u32 v3, v4  }
0xdf: {  	v4 =	vperm.xlane v3, v0;
	_ =	sdelay $0x1  }
0xe0: {  	v3 =	vperm.xlane v3, v2;
	v4 =	vadd.s32 v1, v4;
	_ =	sdelay $0x1  }
0xe1: {  	v3 =	vadd.s32 v1, v3;
	_ =	sdelay $0x2  }
0xe2: {  	[hbm4b:s5+s1] =	stream.indirect_vreg.scatter [tilespmem:s21], [sflag:$0x1], $0x80, v4, vm0, $0xb8;
	[tilespmem:$0x9980] =	vst v63  }
0xe3: {  	_ = 	snop  }
0xe4: {  	[hbm4b:s5+s1] =	stream.indirect_vreg.scatter [tilespmem:s22], [sflag:$0x1], $0x80, v3, vm0, $0xb8;
	[tilespmem:$0x9980] =	vst v63  }
0xe5: {  	v3 =	vld [tilespmem:$0x40];
	_ =	sdelay $0x4  }
0xe6: {  	v60 =	vshll.u32 v3, $0x1  }
0xe7: {  	v3 =	vand.u32 $0x7, v3;
	v4 =	vand.u32 $0xFFFFFFF0, v60  }
0xe8: {  	v3 =	vor.u32 v3, v4  }
0xe9: {  	v4 =	vperm.xlane v3, v0;
	_ =	sdelay $0x1  }
0xea: {  	v3 =	vperm.xlane v3, v2;
	v4 =	vadd.s32 v1, v4;
	_ =	sdelay $0x1  }
0xeb: {  	v3 =	vadd.s32 v1, v3;
	_ =	sdelay $0x2  }
0xec: {  	[hbm4b:s5+s1] =	stream.indirect_vreg.scatter [tilespmem:s23], [sflag:$0x1], $0x80, v4, vm0, $0xb8;
	[tilespmem:$0x9980] =	vst v63  }
0xed: {  	_ = 	snop  }
0xee: {  	[hbm4b:s5+s1] =	stream.indirect_vreg.scatter [tilespmem:s24], [sflag:$0x1], $0x80, v3, vm0, $0xb8;
	[tilespmem:$0x9980] =	vst v63  }
0xef: {  	v3 =	vld [tilespmem:$0x50];
	_ =	sdelay $0x4  }
0xf0: {  	v61 =	vshll.u32 v3, $0x1  }
0xf1: {  	v3 =	vand.u32 $0x7, v3;
	v4 =	vand.u32 $0xFFFFFFF0, v61  }
0xf2: {  	v3 =	vor.u32 v3, v4  }
0xf3: {  	v4 =	vperm.xlane v3, v0;
	_ =	sdelay $0x1  }
0xf4: {  	v3 =	vperm.xlane v3, v2;
	v4 =	vadd.s32 v1, v4;
	_ =	sdelay $0x1  }
0xf5: {  	v3 =	vadd.s32 v1, v3;
	_ =	sdelay $0x2  }
0xf6: {  	[hbm4b:s5+s1] =	stream.indirect_vreg.scatter [tilespmem:s25], [sflag:$0x1], $0x80, v4, vm0, $0xb8;
	[tilespmem:$0x9980] =	vst v63  }
0xf7: {  	_ = 	snop  }
0xf8: {  	[hbm4b:s5+s1] =	stream.indirect_vreg.scatter [tilespmem:s26], [sflag:$0x1], $0x80, v3, vm0, $0xb8;
	[tilespmem:$0x9980] =	vst v63  }
0xf9: {  	v3 =	vld [tilespmem:$0x60];
	_ =	sdelay $0x4  }
0xfa: {  	v62 =	vshll.u32 v3, $0x1  }
0xfb: {  	v3 =	vand.u32 $0x7, v3;
	v4 =	vand.u32 $0xFFFFFFF0, v62  }
0xfc: {  	v3 =	vor.u32 v3, v4  }
0xfd: {  	v4 =	vperm.xlane v3, v0;
	_ =	sdelay $0x1  }
0xfe: {  	v3 =	vperm.xlane v3, v2;
	v4 =	vadd.s32 v1, v4;
	_ =	sdelay $0x1  }
0xff: {  	v3 =	vadd.s32 v1, v3;
	_ =	sdelay $0x2  }
0x100: {  	[hbm4b:s5+s1] =	stream.indirect_vreg.scatter [tilespmem:s28], [sflag:$0x1], $0x80, v4, vm0, $0xb8;
	[tilespmem:$0x9980] =	vst v63  }
0x101: {  	_ = 	snop  }
0x102: {  	[hbm4b:s5+s1] =	stream.indirect_vreg.scatter [tilespmem:s29], [sflag:$0x1], $0x80, v3, vm0, $0xb8;
	[tilespmem:$0x9980] =	vst v63  }
0x103: {  	v3 =	vld [tilespmem:$0x70];
	_ =	sdelay $0x4  }
0x104: {  	v63 =	vshll.u32 v3, $0x1  }
0x105: {  	v3 =	vand.u32 $0x7, v3;
	v4 =	vand.u32 $0xFFFFFFF0, v63  }
0x106: {  	v3 =	vor.u32 v3, v4  }
0x107: {  	v4 =	vperm.xlane v3, v0;
	_ =	sdelay $0x1  }
0x108: {  	v3 =	vperm.xlane v3, v2;
	v4 =	vadd.s32 v1, v4;
	_ =	sdelay $0x1  }
0x109: {  	v3 =	vadd.s32 v1, v3;
	_ =	sdelay $0x2  }
0x10a: {  	[hbm4b:s5+s1] =	stream.indirect_vreg.scatter [tilespmem:s30], [sflag:$0x1], $0x80, v4, vm0, $0xb8;
	[tilespmem:$0x9980] =	vst v63  }
.Ltmp9:
0x10b: {  	_ = 	snop;
	(pc) =	sbr.rel .LBB2_8-.Ltmp9, $4  }
0x10c: {  	[hbm4b:s5+s1] =	stream.indirect_vreg.scatter [tilespmem:s31], [sflag:$0x1], $0x80, v3, vm0, $0xb8;
	[tilespmem:$0x9980] =	vst v63  }
0x10d: {  	_ =	swait.ge [sflag:s0], $0x8000  }
0x10e: {  	[sflag:s0] =	ssyncset.done $0x0  }
0x10f: {  	[sflag:s0] =	ssyncadd.s32 $0xFFFF8000  }
.LBB2_10:
0x110: {  	_ =	sfence.sel $0x180000  }
0x111: {  	[bflag:$0x0] =	sbarrier.arrive $0xFFFF  }
0x112: {  	_ =	strace $0x90000059  }
0x113: {  	s0 =	stileid.u32;
	[bflag:$0x2] =	sbarrier.arrive $0xFFFF  }
0x114: {  	p0 =	sne.s32 s0, $0x0;
	s0 =	rddreg [dreg:$0x1]  }
0x115: {  	s0 =	sadd.s32 @!p0 $0x100000, s0  }
0x116: {  	[sflag:s0] =	ssyncadd.tile.s32 @!p0 $0x1;
	_ =	shalt  }
.Lfunc_end2:
_tile_overlayer_lowered:
.L_overlay_start_2:
0x117: {  	(tag) =	ssettag $0x2  }
0x118: {  	s0 =	rddreg [dreg:$0x0];
	s2 =	stileid.u32  }
0x119: {  	s1 =	rddreg [dreg:$0x1];
	p0 =	sne.s32 s2, $0x0  }
0x11a: {  	s3 =	rddreg [dreg:$0x2];
	[bflag:$0x3] =	sbarrier.arrive $0xFFFF;
	s2 =	simm.s32 @!p0 $0x1C01  }
0x11b: {  	[timem:s3], [sflag:s2] =	dma.local @!p0 [hbm:s0], s1  }
0x11c: {  	s0 =	simm.s32 @!p0 $0x1  }
0x11d: {  	_ =	swait.ge @!p0 [sflag:s0], s1  }
0x11e: {  	s1 =	ssub.s32 @!p0 $0x0, s1;
	[sflag:s0] =	ssyncset.done @!p0 $0x0  }
0x11f: {  	[sflag:s0] =	ssyncadd.s32 @!p0 s1  }
0x120: {  	[bflag:$0x3] =	sbarrier.arrive $0xFFFF  }
0x121: {  	_ =	shalt  }

</sc_bundles>
